<compile_context>
chip_gen: v7x
topology: tpu7x:2x2x1
jax: 0.10.2.dev20260603
libtpu: 0.0.44.dev20260713+nightly
codegen_flags: <defaults>
</compile_context>

<pallas_src>
import functools

import jax
import jax.numpy as jnp
from jax import lax
from jax.experimental import pallas as pl
from jax.experimental.pallas import tpu as pltpu
from jax.experimental.pallas import tpu_sc as plsc

N = 10000
E = 320000
D = 128

NC = 2
NS = 16
NW = NC * NS
EPW = E // NW
K = 128
CH = EPW // K
KT = EPW - CH * K
RPT = 624
TAIL = N - NS * RPT
ZR = 24


def _scatter_body(h_hbm, pk_hbm, out_hbm,
                  pkb, sbb, dbb, rows, pkT, sbT, dbT, rowsT, zbuf, acc,
                  semI, semG, semT):
    c = lax.axis_index("c")
    s = lax.axis_index("s")
    wid = c * NS + s
    base = wid * EPW

    def pkload(k, b):
        pltpu.async_copy(pk_hbm.at[pl.ds(base + k * K, K)], pkb[b], semI[b])

    def iwait(k, b):
        pltpu.make_async_copy(pk_hbm.at[pl.ds(base + k * K, K)], pkb[b],
                              semI[b]).wait()

    def unpack(b):
        for q in range(K // 16):
            v = pkb[b][pl.ds(q * 16, 16)]
            sbb[b][pl.ds(q * 16, 16)] = v >> 14
            dbb[b][pl.ds(q * 16, 16)] = v & 16383

    def gather(b):
        pltpu.async_copy(h_hbm.at[sbb[b]], rows[b], semG[b])

    def gwait(b):
        pltpu.make_async_copy(h_hbm.at[sbb[b]], rows[b], semG[b]).wait()

    def scat(b):
        pltpu.sync_copy(rows[b], acc.at[dbb[b]], add=True)

    pkload(0, 0)
    pkload(1, 1)
    pltpu.async_copy(pk_hbm.at[pl.ds(base + CH * K, KT)], pkT, semT)

    for r in range(ZR):
        for q in range(D // 16):
            zbuf[r, pl.ds(q * 16, 16)] = jnp.zeros((16,), jnp.float32)
    row0 = s * RPT
    for t in range(RPT // ZR):
        pltpu.async_copy(zbuf, acc.at[pl.ds(row0 + t * ZR, ZR)], semG[0])

    @pl.when(s == 0)
    def _zero_tail():
        pltpu.async_copy(zbuf.at[pl.ds(0, TAIL)], acc.at[pl.ds(NS * RPT, TAIL)],
                         semG[0])

    for t in range(RPT // ZR):
        pltpu.make_async_copy(zbuf, acc.at[pl.ds(row0 + t * ZR, ZR)],
                              semG[0]).wait()

    @pl.when(s == 0)
    def _zero_tail_wait():
        pltpu.make_async_copy(zbuf.at[pl.ds(0, TAIL)],
                              acc.at[pl.ds(NS * RPT, TAIL)], semG[0]).wait()

    iwait(0, 0)
    unpack(0)
    gather(0)
    pkload(2, 0)
    pltpu.make_async_copy(pk_hbm.at[pl.ds(base + CH * K, KT)], pkT,
                          semT).wait()
    vT = pkT[pl.ds(0, 16)]
    sbT[pl.ds(0, 16)] = vT >> 14
    dbT[pl.ds(0, 16)] = vT & 16383
    pltpu.async_copy(h_hbm.at[sbT], rowsT, semT)
    plsc.subcore_barrier()

    def pipe(j, carry):
        k0 = 2 * j
        iwait(k0 + 1, 1)
        unpack(1)
        gather(1)

        @pl.when(k0 + 3 < CH)
        def _pf1():
            pkload(k0 + 3, 1)

        gwait(0)
        scat(0)
        iwait(k0 + 2, 0)
        unpack(0)
        gather(0)

        @pl.when(k0 + 4 < CH)
        def _pf0():
            pkload(k0 + 4, 0)

        gwait(1)
        scat(1)
        return carry

    lax.fori_loop(0, CH // 2 - 1, pipe, 0)

    iwait(CH - 1, 1)
    unpack(1)
    gather(1)
    gwait(0)
    scat(0)
    gwait(1)
    scat(1)

    pltpu.make_async_copy(h_hbm.at[sbT], rowsT, semT).wait()
    pltpu.sync_copy(rowsT, acc.at[dbT], add=True)

    plsc.subcore_barrier()

    pltpu.sync_copy(acc.at[pl.ds(row0, RPT)],
                    out_hbm.at[c, pl.ds(row0, RPT)])

    @pl.when(s == 0)
    def _write_tail():
        pltpu.sync_copy(acc.at[pl.ds(NS * RPT, TAIL)],
                        out_hbm.at[c, pl.ds(NS * RPT, TAIL)])


@jax.jit
def _scatter_partials(h, packed):
    mesh = plsc.VectorSubcoreMesh(core_axis_name="c", subcore_axis_name="s")
    f = pl.kernel(
        _scatter_body,
        out_type=jax.ShapeDtypeStruct((NC, N, D), jnp.float32),
        mesh=mesh,
        scratch_types=[
            [pltpu.VMEM((K,), jnp.int32) for _ in range(2)],
            [pltpu.VMEM((K,), jnp.int32) for _ in range(2)],
            [pltpu.VMEM((K,), jnp.int32) for _ in range(2)],
            [pltpu.VMEM((K, D), jnp.float32) for _ in range(2)],
            pltpu.VMEM((KT,), jnp.int32),
            pltpu.VMEM((KT,), jnp.int32),
            pltpu.VMEM((KT,), jnp.int32),
            pltpu.VMEM((KT, D), jnp.float32),
            pltpu.VMEM((ZR, D), jnp.float32),
            pltpu.VMEM_SHARED((N, D), jnp.float32),
            [pltpu.SemaphoreType.DMA for _ in range(2)],
            [pltpu.SemaphoreType.DMA for _ in range(2)],
            pltpu.SemaphoreType.DMA,
        ],
    )
    return f(h, packed)


BN = 2000


def _mm_pre_body(x_ref, w_ref, b_ref, e_ref, o_ref, pk_ref):
    acc = lax.dot_general(x_ref[...], w_ref[...],
                          dimension_numbers=(((1,), (1,)), ((), ())),
                          preferred_element_type=jnp.float32,
                          precision=lax.Precision.DEFAULT)
    o_ref[...] = acc + b_ref[...]
    pk_ref[...] = (e_ref[0:1, :] << 14) | e_ref[1:2, :]


def _mm_agg_body(x_ref, p0_ref, p1_ref, w_ref, b_ref, o_ref, *, relu):
    hh = x_ref[...] + p0_ref[0] + p1_ref[0]
    acc = lax.dot_general(hh, w_ref[...],
                          dimension_numbers=(((1,), (1,)), ((), ())),
                          preferred_element_type=jnp.float32,
                          precision=lax.Precision.DEFAULT)
    acc = acc + b_ref[...]
    o_ref[...] = jnp.maximum(acc, 0.0) if relu else acc


_row_spec = pl.BlockSpec((BN, D), lambda i: (i, 0))
_p0_spec = pl.BlockSpec((1, BN, D), lambda i: (0, i, 0))
_p1_spec = pl.BlockSpec((1, BN, D), lambda i: (1, i, 0))
_full_spec = pl.BlockSpec((D, D), lambda i: (0, 0))
_b_spec = pl.BlockSpec((1, D), lambda i: (0, 0))


EB = E // (N // BN)


def _linear_pre(x, w, b, edge_index):
    return pl.pallas_call(
        _mm_pre_body,
        grid=(N // BN,),
        in_specs=[_row_spec, _full_spec, _b_spec,
                  pl.BlockSpec((2, EB), lambda i: (0, i))],
        out_specs=[_row_spec, pl.BlockSpec((1, EB), lambda i: (0, i))],
        out_shape=[jax.ShapeDtypeStruct((N, D), jnp.float32),
                   jax.ShapeDtypeStruct((1, E), jnp.int32)],
    )(x, w, b.reshape(1, D), edge_index)


def _linear_agg(x, p, w, b, relu=False):
    return pl.pallas_call(
        functools.partial(_mm_agg_body, relu=relu),
        grid=(N // BN,),
        in_specs=[_row_spec, _p0_spec, _p1_spec, _full_spec, _b_spec],
        out_specs=_row_spec,
        out_shape=jax.ShapeDtypeStruct((N, D), jnp.float32),
    )(x, p, p, w, b.reshape(1, D))


def kernel(x, edge_index, W_pre, b_pre, W1, b1, W2, b2):
    h0, packed = _linear_pre(x, W_pre, b_pre, edge_index)
    packed = packed.reshape(E)
    p = _scatter_partials(h0, packed)
    h1 = _linear_agg(h0, p, W1, b1, relu=True)
    q = _scatter_partials(h1, packed)
    return _linear_agg(h1, q, W2, b2, relu=False)

# --- scband reference (transcript-rebuilt; emitter-appended) ---
"""Pipeline reference for scband-tg-gin-7189775253562 (READ-ONLY COPY).

The authoritative reference and input builder live on the scoring server;
editing this copy changes nothing except your own understanding.
"""

import jax, jax.numpy as jnp
import numpy as np

N = 10000
E = 320000
D_IN = 128
D_FEAT = 128
D_HID = 128
D_OUT = 128


def _glorot(key, shape):
    fan_in, fan_out = shape[1], shape[0]
    limit = np.sqrt(6.0 / (fan_in + fan_out)).astype(np.float32)
    return jax.random.uniform(key, shape, dtype=jnp.float32, minval=-limit, maxval=limit)


def setup_inputs(seed: int = 0) -> dict:
    key = jax.random.key(seed)
    ks = jax.random.split(key, 8)
    x = jax.random.normal(ks[0], (N, D_IN), dtype=jnp.float32)
    edge_index = jax.random.randint(ks[1], (2, E), 0, N, dtype=jnp.int32)
    W_pre = _glorot(ks[2], (D_FEAT, D_IN))
    b_pre = jnp.zeros((D_FEAT,), dtype=jnp.float32)
    W1 = _glorot(ks[3], (D_HID, D_FEAT))
    b1 = jnp.zeros((D_HID,), dtype=jnp.float32)
    W2 = _glorot(ks[4], (D_OUT, D_HID))
    b2 = jnp.zeros((D_OUT,), dtype=jnp.float32)
    return {"x": x, "edge_index": edge_index, "W_pre": W_pre, "b_pre": b_pre,
            "W1": W1, "b1": b1, "W2": W2, "b2": b2}


def _gin_conv(h, edge_index, W, b, eps=0.0):
    # PyG GINConv: out = nn((1+eps)*x + sum_{j in N(i)} x_j)
    src = edge_index[0]
    dst = edge_index[1]
    agg = jnp.zeros_like(h).at[dst].add(h[src])
    hh = (1.0 + eps) * h + agg
    return hh @ W.T + b


def reference(x, edge_index, W_pre, b_pre, W1, b1, W2, b2):
    # feature_pre: linear_pre
    h = x @ W_pre.T + b_pre
    # conv_first (GINConv with Linear nn)
    h = _gin_conv(h, edge_index, W1, b1)
    h = jax.nn.relu(h)
    # dropout p=0.0 / eval mode -> identity
    # conv_out
    h = _gin_conv(h, edge_index, W2, b2)
    return h

if __name__ == "__main__":
    import jax
    _d = setup_inputs()
    print(jax.jit(kernel)(*tuple(_d.values())))

</pallas_src>

<mosaic_0001>
#map = affine_map<(d0, d1) -> (0, 0)>
#map1 = affine_map<(d0, d1) -> (0)>
#map2 = affine_map<(d0, d1) -> (0, 0, 0)>
module attributes {stable_mosaic.version = 14 : i64} {
  func.func @_scatter_body(%arg0: i32, %arg1: i32, %arg2: memref<10000x128xf32, #tpu.memory_space<hbm>>, %arg3: memref<320000xi32, #tpu.memory_space<hbm>>, %arg4: memref<2x10000x128xf32, #tpu.memory_space<hbm>>, %arg5: memref<128xi32, #tpu.memory_space<vmem>>, %arg6: memref<128xi32, #tpu.memory_space<vmem>>, %arg7: memref<128xi32, #tpu.memory_space<vmem>>, %arg8: memref<128xi32, #tpu.memory_space<vmem>>, %arg9: memref<128xi32, #tpu.memory_space<vmem>>, %arg10: memref<128xi32, #tpu.memory_space<vmem>>, %arg11: memref<128x128xf32, #tpu.memory_space<vmem>>, %arg12: memref<128x128xf32, #tpu.memory_space<vmem>>, %arg13: memref<16xi32, #tpu.memory_space<vmem>>, %arg14: memref<16xi32, #tpu.memory_space<vmem>>, %arg15: memref<16xi32, #tpu.memory_space<vmem>>, %arg16: memref<16x128xf32, #tpu.memory_space<vmem>>, %arg17: memref<24x128xf32, #tpu.memory_space<vmem>>, %arg18: memref<10000x128xf32, #tpu.memory_space<vmem_shared>>, %arg19: memref<!tpu.dma_semaphore, #tpu.memory_space<semaphore_mem>>, %arg20: memref<!tpu.dma_semaphore, #tpu.memory_space<semaphore_mem>>, %arg21: memref<!tpu.dma_semaphore, #tpu.memory_space<semaphore_mem>>, %arg22: memref<!tpu.dma_semaphore, #tpu.memory_space<semaphore_mem>>, %arg23: memref<!tpu.dma_semaphore, #tpu.memory_space<semaphore_mem>>) attributes {dimension_semantics = [#tpu.dimension_semantics<core_parallel>, #tpu.dimension_semantics<subcore_parallel>], iteration_bounds = array<i64: 2, 16>, scalar_prefetch = 0 : i64, scratch_operands = 19 : i64, tpu.core_type = #tpu.core_type<sc_vector_subcore>, window_params = [{transform_indices = #map}, {transform_indices = #map1}, {transform_indices = #map2}]} {
    %mul3A = arith.constant 16 : i32
    %mul3A_0 = arith.muli %arg0, %mul3A : i32
    %add3A = arith.addi %mul3A_0, %arg1 : i32
    %mul3A_1 = arith.constant 10000 : i32
    %mul3A_2 = arith.muli %add3A, %mul3A_1 : i32
    %add3A_3 = arith.constant 0 : i32
    %add3A_4 = arith.addi %mul3A_2, %add3A_3 : i32
    %dma_start3A = tpu.memref_slice %arg3[%add3A_4] : memref<320000xi32, #tpu.memory_space<hbm>> -> memref<128xi32, #tpu.memory_space<hbm>>
    %dma_start3A_5 = tpu.memref_slice %arg3[%add3A_4] : memref<320000xi32, #tpu.memory_space<hbm>> -> memref<128xi32, #tpu.memory_space<hbm>>
    tpu.enqueue_dma source(%dma_start3A_5 : memref<128xi32, #tpu.memory_space<hbm>>) target(%arg5 : memref<128xi32, #tpu.memory_space<vmem>>) target_semaphore(%arg19 : memref<!tpu.dma_semaphore, #tpu.memory_space<semaphore_mem>>)
    %add3A_6 = arith.constant 128 : i32
    %add3A_7 = arith.addi %mul3A_2, %add3A_6 : i32
    %dma_start3A_8 = tpu.memref_slice %arg3[%add3A_7] : memref<320000xi32, #tpu.memory_space<hbm>> -> memref<128xi32, #tpu.memory_space<hbm>>
    %dma_start3A_9 = tpu.memref_slice %arg3[%add3A_7] : memref<320000xi32, #tpu.memory_space<hbm>> -> memref<128xi32, #tpu.memory_space<hbm>>
    tpu.enqueue_dma source(%dma_start3A_9 : memref<128xi32, #tpu.memory_space<hbm>>) target(%arg6 : memref<128xi32, #tpu.memory_space<vmem>>) target_semaphore(%arg20 : memref<!tpu.dma_semaphore, #tpu.memory_space<semaphore_mem>>)
    %add3A_10 = arith.constant 9984 : i32
    %add3A_11 = arith.addi %mul3A_2, %add3A_10 : i32
    %dma_start3A_12 = tpu.memref_slice %arg3[%add3A_11] : memref<320000xi32, #tpu.memory_space<hbm>> -> memref<16xi32, #tpu.memory_space<hbm>>
    %dma_start3A_13 = tpu.memref_slice %arg3[%add3A_11] : memref<320000xi32, #tpu.memory_space<hbm>> -> memref<16xi32, #tpu.memory_space<hbm>>
    tpu.enqueue_dma source(%dma_start3A_13 : memref<16xi32, #tpu.memory_space<hbm>>) target(%arg13 : memref<16xi32, #tpu.memory_space<vmem>>) target_semaphore(%arg23 : memref<!tpu.dma_semaphore, #tpu.memory_space<semaphore_mem>>)
    %broadcast_in_dim3A = arith.constant 0.000000e+00 : f32
    %broadcast_in_dim3A_14 = vector.broadcast %broadcast_in_dim3A : f32 to vector<16xf32>
    %swap3A = arith.constant 0 : i32
    %swap3A_15 = arith.index_cast %swap3A : i32 to index
    %swap3A_16 = arith.constant 0 : index
    %swap3A_17 = tpu.vector_load %arg17[%swap3A_15, %swap3A_16] {strides = array<i32>} : memref<24x128xf32, #tpu.memory_space<vmem>>, vector<1x16xf32>,
    %swap3A_18 = vector.shape_cast %swap3A_17 : vector<1x16xf32> to vector<16xf32>
    %swap3A_19 = vector.shape_cast %broadcast_in_dim3A_14 : vector<16xf32> to vector<1x16xf32>
    tpu.vector_store %arg17[%swap3A_15, %swap3A_16], %swap3A_19 {strides = array<i32>} : memref<24x128xf32, #tpu.memory_space<vmem>>, vector<1x16xf32>,
    %broadcast_in_dim3A_20 = arith.constant 0.000000e+00 : f32
    %broadcast_in_dim3A_21 = vector.broadcast %broadcast_in_dim3A_20 : f32 to vector<16xf32>
    %swap3A_22 = arith.constant 0 : i32
    %swap3A_23 = arith.index_cast %swap3A_22 : i32 to index
    %swap3A_24 = arith.constant 16 : index
    %swap3A_25 = tpu.vector_load %arg17[%swap3A_23, %swap3A_24] {strides = array<i32>} : memref<24x128xf32, #tpu.memory_space<vmem>>, vector<1x16xf32>,
    %swap3A_26 = vector.shape_cast %swap3A_25 : vector<1x16xf32> to vector<16xf32>
    %swap3A_27 = vector.shape_cast %broadcast_in_dim3A_21 : vector<16xf32> to vector<1x16xf32>
    tpu.vector_store %arg17[%swap3A_23, %swap3A_24], %swap3A_27 {strides = array<i32>} : memref<24x128xf32, #tpu.memory_space<vmem>>, vector<1x16xf32>,
    %broadcast_in_dim3A_28 = arith.constant 0.000000e+00 : f32
    %broadcast_in_dim3A_29 = vector.broadcast %broadcast_in_dim3A_28 : f32 to vector<16xf32>
    %swap3A_30 = arith.constant 0 : i32
    %swap3A_31 = arith.index_cast %swap3A_30 : i32 to index
    %swap3A_32 = arith.constant 32 : index
    %swap3A_33 = tpu.vector_load %arg17[%swap3A_31, %swap3A_32] {strides = array<i32>} : memref<24x128xf32, #tpu.memory_space<vmem>>, vector<1x16xf32>,
    %swap3A_34 = vector.shape_cast %swap3A_33 : vector<1x16xf32> to vector<16xf32>
    %swap3A_35 = vector.shape_cast %broadcast_in_dim3A_29 : vector<16xf32> to vector<1x16xf32>
    tpu.vector_store %arg17[%swap3A_31, %swap3A_32], %swap3A_35 {strides = array<i32>} : memref<24x128xf32, #tpu.memory_space<vmem>>, vector<1x16xf32>,
    %broadcast_in_dim3A_36 = arith.constant 0.000000e+00 : f32
    %broadcast_in_dim3A_37 = vector.broadcast %broadcast_in_dim3A_36 : f32 to vector<16xf32>
    %swap3A_38 = arith.constant 0 : i32
    %swap3A_39 = arith.index_cast %swap3A_38 : i32 to index
    %swap3A_40 = arith.constant 48 : index
    %swap3A_41 = tpu.vector_load %arg17[%swap3A_39, %swap3A_40] {strides = array<i32>} : memref<24x128xf32, #tpu.memory_space<vmem>>, vector<1x16xf32>,
    %swap3A_42 = vector.shape_cast %swap3A_41 : vector<1x16xf32> to vector<16xf32>
    %swap3A_43 = vector.shape_cast %broadcast_in_dim3A_37 : vector<16xf32> to vector<1x16xf32>
    tpu.vector_store %arg17[%swap3A_39, %swap3A_40], %swap3A_43 {strides = array<i32>} : memref<24x128xf32, #tpu.memory_space<vmem>>, vector<1x16xf32>,
    %broadcast_in_dim3A_44 = arith.constant 0.000000e+00 : f32
    %broadcast_in_dim3A_45 = vector.broadcast %broadcast_in_dim3A_44 : f32 to vector<16xf32>
    %swap3A_46 = arith.constant 0 : i32
    %swap3A_47 = arith.index_cast %swap3A_46 : i32 to index
    %swap3A_48 = arith.constant 64 : index
    %swap3A_49 = tpu.vector_load %arg17[%swap3A_47, %swap3A_48] {strides = array<i32>} : memref<24x128xf32, #tpu.memory_space<vmem>>, vector<1x16xf32>,
    %swap3A_50 = vector.shape_cast %swap3A_49 : vector<1x16xf32> to vector<16xf32>
    %swap3A_51 = vector.shape_cast %broadcast_in_dim3A_45 : vector<16xf32> to vector<1x16xf32>
    tpu.vector_store %arg17[%swap3A_47, %swap3A_48], %swap3A_51 {strides = array<i32>} : memref<24x128xf32, #tpu.memory_space<vmem>>, vector<1x16xf32>,
    %broadcast_in_dim3A_52 = arith.constant 0.000000e+00 : f32
    %broadcast_in_dim3A_53 = vector.broadcast %broadcast_in_dim3A_52 : f32 to vector<16xf32>
    %swap3A_54 = arith.constant 0 : i32
    %swap3A_55 = arith.index_cast %swap3A_54 : i32 to index
    %swap3A_56 = arith.constant 80 : index
    %swap3A_57 = tpu.vector_load %arg17[%swap3A_55, %swap3A_56] {strides = array<i32>} : memref<24x128xf32, #tpu.memory_space<vmem>>, vector<1x16xf32>,
    %swap3A_58 = vector.shape_cast %swap3A_57 : vector<1x16xf32> to vector<16xf32>
    %swap3A_59 = vector.shape_cast %broadcast_in_dim3A_53 : vector<16xf32> to vector<1x16xf32>
    tpu.vector_store %arg17[%swap3A_55, %swap3A_56], %swap3A_59 {strides = array<i32>} : memref<24x128xf32, #tpu.memory_space<vmem>>, vector<1x16xf32>,
    %broadcast_in_dim3A_60 = arith.constant 0.000000e+00 : f32
    %broadcast_in_dim3A_61 = vector.broadcast %broadcast_in_dim3A_60 : f32 to vector<16xf32>
    %swap3A_62 = arith.constant 0 : i32
    %swap3A_63 = arith.index_cast %swap3A_62 : i32 to index
    %swap3A_64 = arith.constant 96 : index
    %swap3A_65 = tpu.vector_load %arg17[%swap3A_63, %swap3A_64] {strides = array<i32>} : memref<24x128xf32, #tpu.memory_space<vmem>>, vector<1x16xf32>,
    %swap3A_66 = vector.shape_cast %swap3A_65 : vector<1x16xf32> to vector<16xf32>
    %swap3A_67 = vector.shape_cast %broadcast_in_dim3A_61 : vector<16xf32> to vector<1x16xf32>
    tpu.vector_store %arg17[%swap3A_63, %swap3A_64], %swap3A_67 {strides = array<i32>} : memref<24x128xf32, #tpu.memory_space<vmem>>, vector<1x16xf32>,
    %broadcast_in_dim3A_68 = arith.constant 0.000000e+00 : f32
    %broadcast_in_dim3A_69 = vector.broadcast %broadcast_in_dim3A_68 : f32 to vector<16xf32>
    %swap3A_70 = arith.constant 0 : i32
    %swap3A_71 = arith.index_cast %swap3A_70 : i32 to index
    %swap3A_72 = arith.constant 112 : index
    %swap3A_73 = tpu.vector_load %arg17[%swap3A_71, %swap3A_72] {strides = array<i32>} : memref<24x128xf32, #tpu.memory_space<vmem>>, vector<1x16xf32>,
    %swap3A_74 = vector.shape_cast %swap3A_73 : vector<1x16xf32> to vector<16xf32>
    %swap3A_75 = vector.shape_cast %broadcast_in_dim3A_69 : vector<16xf32> to vector<1x16xf32>
    tpu.vector_store %arg17[%swap3A_71, %swap3A_72], %swap3A_75 {strides = array<i32>} : memref<24x128xf32, #tpu.memory_space<vmem>>, vector<1x16xf32>,
    %broadcast_in_dim3A_76 = arith.constant 0.000000e+00 : f32
    %broadcast_in_dim3A_77 = vector.broadcast %broadcast_in_dim3A_76 : f32 to vector<16xf32>
    %swap3A_78 = arith.constant 1 : i32
    %swap3A_79 = arith.index_cast %swap3A_78 : i32 to index
    %swap3A_80 = arith.constant 0 : index
    %swap3A_81 = tpu.vector_load %arg17[%swap3A_79, %swap3A_80] {strides = array<i32>} : memref<24x128xf32, #tpu.memory_space<vmem>>, vector<1x16xf32>,
    %swap3A_82 = vector.shape_cast %swap3A_81 : vector<1x16xf32> to vector<16xf32>
    %swap3A_83 = vector.shape_cast %broadcast_in_dim3A_77 : vector<16xf32> to vector<1x16xf32>
    tpu.vector_store %arg17[%swap3A_79, %swap3A_80], %swap3A_83 {strides = array<i32>} : memref<24x128xf32, #tpu.memory_space<vmem>>, vector<1x16xf32>,
    %broadcast_in_dim3A_84 = arith.constant 0.000000e+00 : f32
    %broadcast_in_dim3A_85 = vector.broadcast %broadcast_in_dim3A_84 : f32 to vector<16xf32>
    %swap3A_86 = arith.constant 1 : i32
    %swap3A_87 = arith.index_cast %swap3A_86 : i32 to index
    %swap3A_88 = arith.constant 16 : index
    %swap3A_89 = tpu.vector_load %arg17[%swap3A_87, %swap3A_88] {strides = array<i32>} : memref<24x128xf32, #tpu.memory_space<vmem>>, vector<1x16xf32>,
    %swap3A_90 = vector.shape_cast %swap3A_89 : vector<1x16xf32> to vector<16xf32>
    %swap3A_91 = vector.shape_cast %broadcast_in_dim3A_85 : vector<16xf32> to vector<1x16xf32>
    tpu.vector_store %arg17[%swap3A_87, %swap3A_88], %swap3A_91 {strides = array<i32>} : memref<24x128xf32, #tpu.memory_space<vmem>>, vector<1x16xf32>,
    %broadcast_in_dim3A_92 = arith.constant 0.000000e+00 : f32
    %broadcast_in_dim3A_93 = vector.broadcast %broadcast_in_dim3A_92 : f32 to vector<16xf32>
    %swap3A_94 = arith.constant 1 : i32
    %swap3A_95 = arith.index_cast %swap3A_94 : i32 to index
    %swap3A_96 = arith.constant 32 : index
    %swap3A_97 = tpu.vector_load %arg17[%swap3A_95, %swap3A_96] {strides = array<i32>} : memref<24x128xf32, #tpu.memory_space<vmem>>, vector<1x16xf32>,
    %swap3A_98 = vector.shape_cast %swap3A_97 : vector<1x16xf32> to vector<16xf32>
    %swap3A_99 = vector.shape_cast %broadcast_in_dim3A_93 : vector<16xf32> to vector<1x16xf32>
    tpu.vector_store %arg17[%swap3A_95, %swap3A_96], %swap3A_99 {strides = array<i32>} : memref<24x128xf32, #tpu.memory_space<vmem>>, vector<1x16xf32>,
    %broadcast_in_dim3A_100 = arith.constant 0.000000e+00 : f32
    %broadcast_in_dim3A_101 = vector.broadcast %broadcast_in_dim3A_100 : f32 to vector<16xf32>
    %swap3A_102 = arith.constant 1 : i32
    %swap3A_103 = arith.index_cast %swap3A_102 : i32 to index
    %swap3A_104 = arith.constant 48 : index
    %swap3A_105 = tpu.vector_load %arg17[%swap3A_103, %swap3A_104] {strides = array<i32>} : memref<24x128xf32, #tpu.memory_space<vmem>>, vector<1x16xf32>,
    %swap3A_106 = vector.shape_cast %swap3A_105 : vector<1x16xf32> to vector<16xf32>
    %swap3A_107 = vector.shape_cast %broadcast_in_dim3A_101 : vector<16xf32> to vector<1x16xf32>
    tpu.vector_store %arg17[%swap3A_103, %swap3A_104], %swap3A_107 {strides = array<i32>} : memref<24x128xf32, #tpu.memory_space<vmem>>, vector<1x16xf32>,
    %broadcast_in_dim3A_108 = arith.constant 0.000000e+00 : f32
    %broadcast_in_dim3A_109 = vector.broadcast %broadcast_in_dim3A_108 : f32 to vector<16xf32>
    %swap3A_110 = arith.constant 1 : i32
    %swap3A_111 = arith.index_cast %swap3A_110 : i32 to index
    %swap3A_112 = arith.constant 64 : index
    %swap3A_113 = tpu.vector_load %arg17[%swap3A_111, %swap3A_112] {strides = array<i32>} : memref<24x128xf32, #tpu.memory_space<vmem>>, vector<1x16xf32>,
    %swap3A_114 = vector.shape_cast %swap3A_113 : vector<1x16xf32> to vector<16xf32>
    %swap3A_115 = vector.shape_cast %broadcast_in_dim3A_109 : vector<16xf32> to vector<1x16xf32>
    tpu.vector_store %arg17[%swap3A_111, %swap3A_112], %swap3A_115 {strides = array<i32>} : memref<24x128xf32, #tpu.memory_space<vmem>>, vector<1x16xf32>,
    %broadcast_in_dim3A_116 = arith.constant 0.000000e+00 : f32
    %broadcast_in_dim3A_117 = vector.broadcast %broadcast_in_dim3A_116 : f32 to vector<16xf32>
    %swap3A_118 = arith.constant 1 : i32
    %swap3A_119 = arith.index_cast %swap3A_118 : i32 to index
    %swap3A_120 = arith.constant 80 : index
    %swap3A_121 = tpu.vector_load %arg17[%swap3A_119, %swap3A_120] {strides = array<i32>} : memref<24x128xf32, #tpu.memory_space<vmem>>, vector<1x16xf32>,
    %swap3A_122 = vector.shape_cast %swap3A_121 : vector<1x16xf32> to vector<16xf32>
    %swap3A_123 = vector.shape_cast %broadcast_in_dim3A_117 : vector<16xf32> to vector<1x16xf32>
    tpu.vector_store %arg17[%swap3A_119, %swap3A_120], %swap3A_123 {strides = array<i32>} : memref<24x128xf32, #tpu.memory_space<vmem>>, vector<1x16xf32>,
    %broadcast_in_dim3A_124 = arith.constant 0.000000e+00 : f32
    %broadcast_in_dim3A_125 = vector.broadcast %broadcast_in_dim3A_124 : f32 to vector<16xf32>
    %swap3A_126 = arith.constant 1 : i32
    %swap3A_127 = arith.index_cast %swap3A_126 : i32 to index
    %swap3A_128 = arith.constant 96 : index
    %swap3A_129 = tpu.vector_load %arg17[%swap3A_127, %swap3A_128] {strides = array<i32>} : memref<24x128xf32, #tpu.memory_space<vmem>>, vector<1x16xf32>,
    %swap3A_130 = vector.shape_cast %swap3A_129 : vector<1x16xf32> to vector<16xf32>
    %swap3A_131 = vector.shape_cast %broadcast_in_dim3A_125 : vector<16xf32> to vector<1x16xf32>
    tpu.vector_store %arg17[%swap3A_127, %swap3A_128], %swap3A_131 {strides = array<i32>} : memref<24x128xf32, #tpu.memory_space<vmem>>, vector<1x16xf32>,
    %broadcast_in_dim3A_132 = arith.constant 0.000000e+00 : f32
    %broadcast_in_dim3A_133 = vector.broadcast %broadcast_in_dim3A_132 : f32 to vector<16xf32>
    %swap3A_134 = arith.constant 1 : i32
    %swap3A_135 = arith.index_cast %swap3A_134 : i32 to index
    %swap3A_136 = arith.constant 112 : index
    %swap3A_137 = tpu.vector_load %arg17[%swap3A_135, %swap3A_136] {strides = array<i32>} : memref<24x128xf32, #tpu.memory_space<vmem>>, vector<1x16xf32>,
    %swap3A_138 = vector.shape_cast %swap3A_137 : vector<1x16xf32> to vector<16xf32>
    %swap3A_139 = vector.shape_cast %broadcast_in_dim3A_133 : vector<16xf32> to vector<1x16xf32>
    tpu.vector_store %arg17[%swap3A_135, %swap3A_136], %swap3A_139 {strides = array<i32>} : memref<24x128xf32, #tpu.memory_space<vmem>>, vector<1x16xf32>,
    %broadcast_in_dim3A_140 = arith.constant 0.000000e+00 : f32
    %broadcast_in_dim3A_141 = vector.broadcast %broadcast_in_dim3A_140 : f32 to vector<16xf32>
    %swap3A_142 = arith.constant 2 : i32
    %swap3A_143 = arith.index_cast %swap3A_142 : i32 to index
    %swap3A_144 = arith.constant 0 : index
    %swap3A_145 = tpu.vector_load %arg17[%swap3A_143, %swap3A_144] {strides = array<i32>} : memref<24x128xf32, #tpu.memory_space<vmem>>, vector<1x16xf32>,
    %swap3A_146 = vector.shape_cast %swap3A_145 : vector<1x16xf32> to vector<16xf32>
    %swap3A_147 = vector.shape_cast %broadcast_in_dim3A_141 : vector<16xf32> to vector<1x16xf32>
    tpu.vector_store %arg17[%swap3A_143, %swap3A_144], %swap3A_147 {strides = array<i32>} : memref<24x128xf32, #tpu.memory_space<vmem>>, vector<1x16xf32>,
    %broadcast_in_dim3A_148 = arith.constant 0.000000e+00 : f32
    %broadcast_in_dim3A_149 = vector.broadcast %broadcast_in_dim3A_148 : f32 to vector<16xf32>
    %swap3A_150 = arith.constant 2 : i32
    %swap3A_151 = arith.index_cast %swap3A_150 : i32 to index
    %swap3A_152 = arith.constant 16 : index
    %swap3A_153 = tpu.vector_load %arg17[%swap3A_151, %swap3A_152] {strides = array<i32>} : memref<24x128xf32, #tpu.memory_space<vmem>>, vector<1x16xf32>,
    %swap3A_154 = vector.shape_cast %swap3A_153 : vector<1x16xf32> to vector<16xf32>
    %swap3A_155 = vector.shape_cast %broadcast_in_dim3A_149 : vector<16xf32> to vector<1x16xf32>
    tpu.vector_store %arg17[%swap3A_151, %swap3A_152], %swap3A_155 {strides = array<i32>} : memref<24x128xf32, #tpu.memory_space<vmem>>, vector<1x16xf32>,
    %broadcast_in_dim3A_156 = arith.constant 0.000000e+00 : f32
    %broadcast_in_dim3A_157 = vector.broadcast %broadcast_in_dim3A_156 : f32 to vector<16xf32>
    %swap3A_158 = arith.constant 2 : i32
    %swap3A_159 = arith.index_cast %swap3A_158 : i32 to index
    %swap3A_160 = arith.constant 32 : index
    %swap3A_161 = tpu.vector_load %arg17[%swap3A_159, %swap3A_160] {strides = array<i32>} : memref<24x128xf32, #tpu.memory_space<vmem>>, vector<1x16xf32>,
    %swap3A_162 = vector.shape_cast %swap3A_161 : vector<1x16xf32> to vector<16xf32>
    %swap3A_163 = vector.shape_cast %broadcast_in_dim3A_157 : vector<16xf32> to vector<1x16xf32>
    tpu.vector_store %arg17[%swap3A_159, %swap3A_160], %swap3A_163 {strides = array<i32>} : memref<24x128xf32, #tpu.memory_space<vmem>>, vector<1x16xf32>,
    %broadcast_in_dim3A_164 = arith.constant 0.000000e+00 : f32
    %broadcast_in_dim3A_165 = vector.broadcast %broadcast_in_dim3A_164 : f32 to vector<16xf32>
    %swap3A_166 = arith.constant 2 : i32
    %swap3A_167 = arith.index_cast %swap3A_166 : i32 to index
    %swap3A_168 = arith.constant 48 : index
    %swap3A_169 = tpu.vector_load %arg17[%swap3A_167, %swap3A_168] {strides = array<i32>} : memref<24x128xf32, #tpu.memory_space<vmem>>, vector<1x16xf32>,
    %swap3A_170 = vector.shape_cast %swap3A_169 : vector<1x16xf32> to vector<16xf32>
    %swap3A_171 = vector.shape_cast %broadcast_in_dim3A_165 : vector<16xf32> to vector<1x16xf32>
    tpu.vector_store %arg17[%swap3A_167, %swap3A_168], %swap3A_171 {strides = array<i32>} : memref<24x128xf32, #tpu.memory_space<vmem>>, vector<1x16xf32>,
    %broadcast_in_dim3A_172 = arith.constant 0.000000e+00 : f32
    %broadcast_in_dim3A_173 = vector.broadcast %broadcast_in_dim3A_172 : f32 to vector<16xf32>
    %swap3A_174 = arith.constant 2 : i32
    %swap3A_175 = arith.index_cast %swap3A_174 : i32 to index
    %swap3A_176 = arith.constant 64 : index
    %swap3A_177 = tpu.vector_load %arg17[%swap3A_175, %swap3A_176] {strides = array<i32>} : memref<24x128xf32, #tpu.memory_space<vmem>>, vector<1x16xf32>,
    %swap3A_178 = vector.shape_cast %swap3A_177 : vector<1x16xf32> to vector<16xf32>
    %swap3A_179 = vector.shape_cast %broadcast_in_dim3A_173 : vector<16xf32> to vector<1x16xf32>
    tpu.vector_store %arg17[%swap3A_175, %swap3A_176], %swap3A_179 {strides = array<i32>} : memref<24x128xf32, #tpu.memory_space<vmem>>, vector<1x16xf32>,
    %broadcast_in_dim3A_180 = arith.constant 0.000000e+00 : f32
    %broadcast_in_dim3A_181 = vector.broadcast %broadcast_in_dim3A_180 : f32 to vector<16xf32>
    %swap3A_182 = arith.constant 2 : i32
    %swap3A_183 = arith.index_cast %swap3A_182 : i32 to index
    %swap3A_184 = arith.constant 80 : index
    %swap3A_185 = tpu.vector_load %arg17[%swap3A_183, %swap3A_184] {strides = array<i32>} : memref<24x128xf32, #tpu.memory_space<vmem>>, vector<1x16xf32>,
    %swap3A_186 = vector.shape_cast %swap3A_185 : vector<1x16xf32> to vector<16xf32>
    %swap3A_187 = vector.shape_cast %broadcast_in_dim3A_181 : vector<16xf32> to vector<1x16xf32>
    tpu.vector_store %arg17[%swap3A_183, %swap3A_184], %swap3A_187 {strides = array<i32>} : memref<24x128xf32, #tpu.memory_space<vmem>>, vector<1x16xf32>,
    %broadcast_in_dim3A_188 = arith.constant 0.000000e+00 : f32
    %broadcast_in_dim3A_189 = vector.broadcast %broadcast_in_dim3A_188 : f32 to vector<16xf32>
    %swap3A_190 = arith.constant 2 : i32
    %swap3A_191 = arith.index_cast %swap3A_190 : i32 to index
    %swap3A_192 = arith.constant 96 : index
    %swap3A_193 = tpu.vector_load %arg17[%swap3A_191, %swap3A_192] {strides = array<i32>} : memref<24x128xf32, #tpu.memory_space<vmem>>, vector<1x16xf32>,
    %swap3A_194 = vector.shape_cast %swap3A_193 : vector<1x16xf32> to vector<16xf32>
    %swap3A_195 = vector.shape_cast %broadcast_in_dim3A_189 : vector<16xf32> to vector<1x16xf32>
    tpu.vector_store %arg17[%swap3A_191, %swap3A_192], %swap3A_195 {strides = array<i32>} : memref<24x128xf32, #tpu.memory_space<vmem>>, vector<1x16xf32>,
    %broadcast_in_dim3A_196 = arith.constant 0.000000e+00 : f32
    %broadcast_in_dim3A_197 = vector.broadcast %broadcast_in_dim3A_196 : f32 to vector<16xf32>
    %swap3A_198 = arith.constant 2 : i32
    %swap3A_199 = arith.index_cast %swap3A_198 : i32 to index
    %swap3A_200 = arith.constant 112 : index
    %swap3A_201 = tpu.vector_load %arg17[%swap3A_199, %swap3A_200] {strides = array<i32>} : memref<24x128xf32, #tpu.memory_space<vmem>>, vector<1x16xf32>,
    %swap3A_202 = vector.shape_cast %swap3A_201 : vector<1x16xf32> to vector<16xf32>
    %swap3A_203 = vector.shape_cast %broadcast_in_dim3A_197 : vector<16xf32> to vector<1x16xf32>
    tpu.vector_store %arg17[%swap3A_199, %swap3A_200], %swap3A_203 {strides = array<i32>} : memref<24x128xf32, #tpu.memory_space<vmem>>, vector<1x16xf32>,
    %broadcast_in_dim3A_204 = arith.constant 0.000000e+00 : f32
    %broadcast_in_dim3A_205 = vector.broadcast %broadcast_in_dim3A_204 : f32 to vector<16xf32>
    %swap3A_206 = arith.constant 3 : i32
    %swap3A_207 = arith.index_cast %swap3A_206 : i32 to index
    %swap3A_208 = arith.constant 0 : index
    %swap3A_209 = tpu.vector_load %arg17[%swap3A_207, %swap3A_208] {strides = array<i32>} : memref<24x128xf32, #tpu.memory_space<vmem>>, vector<1x16xf32>,
    %swap3A_210 = vector.shape_cast %swap3A_209 : vector<1x16xf32> to vector<16xf32>
    %swap3A_211 = vector.shape_cast %broadcast_in_dim3A_205 : vector<16xf32> to vector<1x16xf32>
    tpu.vector_store %arg17[%swap3A_207, %swap3A_208], %swap3A_211 {strides = array<i32>} : memref<24x128xf32, #tpu.memory_space<vmem>>, vector<1x16xf32>,
    %broadcast_in_dim3A_212 = arith.constant 0.000000e+00 : f32
    %broadcast_in_dim3A_213 = vector.broadcast %broadcast_in_dim3A_212 : f32 to vector<16xf32>
    %swap3A_214 = arith.constant 3 : i32
    %swap3A_215 = arith.index_cast %swap3A_214 : i32 to index
    %swap3A_216 = arith.constant 16 : index
    %swap3A_217 = tpu.vector_load %arg17[%swap3A_215, %swap3A_216] {strides = array<i32>} : memref<24x128xf32, #tpu.memory_space<vmem>>, vector<1x16xf32>,
    %swap3A_218 = vector.shape_cast %swap3A_217 : vector<1x16xf32> to vector<16xf32>
    %swap3A_219 = vector.shape_cast %broadcast_in_dim3A_213 : vector<16xf32> to vector<1x16xf32>
    tpu.vector_store %arg17[%swap3A_215, %swap3A_216], %swap3A_219 {strides = array<i32>} : memref<24x128xf32, #tpu.memory_space<vmem>>, vector<1x16xf32>,
    %broadcast_in_dim3A_220 = arith.constant 0.000000e+00 : f32
    %broadcast_in_dim3A_221 = vector.broadcast %broadcast_in_dim3A_220 : f32 to vector<16xf32>
    %swap3A_222 = arith.constant 3 : i32
    %swap3A_223 = arith.index_cast %swap3A_222 : i32 to index
    %swap3A_224 = arith.constant 32 : index
    %swap3A_225 = tpu.vector_load %arg17[%swap3A_223, %swap3A_224] {strides = array<i32>} : memref<24x128xf32, #tpu.memory_space<vmem>>, vector<1x16xf32>,
    %swap3A_226 = vector.shape_cast %swap3A_225 : vector<1x16xf32> to vector<16xf32>
    %swap3A_227 = vector.shape_cast %broadcast_in_dim3A_221 : vector<16xf32> to vector<1x16xf32>
    tpu.vector_store %arg17[%swap3A_223, %swap3A_224], %swap3A_227 {strides = array<i32>} : memref<24x128xf32, #tpu.memory_space<vmem>>, vector<1x16xf32>,
    %broadcast_in_dim3A_228 = arith.constant 0.000000e+00 : f32
    %broadcast_in_dim3A_229 = vector.broadcast %broadcast_in_dim3A_228 : f32 to vector<16xf32>
    %swap3A_230 = arith.constant 3 : i32
    %swap3A_231 = arith.index_cast %swap3A_230 : i32 to index
    %swap3A_232 = arith.constant 48 : index
    %swap3A_233 = tpu.vector_load %arg17[%swap3A_231, %swap3A_232] {strides = array<i32>} : memref<24x128xf32, #tpu.memory_space<vmem>>, vector<1x16xf32>,
    %swap3A_234 = vector.shape_cast %swap3A_233 : vector<1x16xf32> to vector<16xf32>
    %swap3A_235 = vector.shape_cast %broadcast_in_dim3A_229 : vector<16xf32> to vector<1x16xf32>
    tpu.vector_store %arg17[%swap3A_231, %swap3A_232], %swap3A_235 {strides = array<i32>} : memref<24x128xf32, #tpu.memory_space<vmem>>, vector<1x16xf32>,
    %broadcast_in_dim3A_236 = arith.constant 0.000000e+00 : f32
    %broadcast_in_dim3A_237 = vector.broadcast %broadcast_in_dim3A_236 : f32 to vector<16xf32>
    %swap3A_238 = arith.constant 3 : i32
    %swap3A_239 = arith.index_cast %swap3A_238 : i32 to index
    %swap3A_240 = arith.constant 64 : index
    %swap3A_241 = tpu.vector_load %arg17[%swap3A_239, %swap3A_240] {strides = array<i32>} : memref<24x128xf32, #tpu.memory_space<vmem>>, vector<1x16xf32>,
    %swap3A_242 = vector.shape_cast %swap3A_241 : vector<1x16xf32> to vector<16xf32>
    %swap3A_243 = vector.shape_cast %broadcast_in_dim3A_237 : vector<16xf32> to vector<1x16xf32>
    tpu.vector_store %arg17[%swap3A_239, %swap3A_240], %swap3A_243 {strides = array<i32>} : memref<24x128xf32, #tpu.memory_space<vmem>>, vector<1x16xf32>,
    %broadcast_in_dim3A_244 = arith.constant 0.000000e+00 : f32
    %broadcast_in_dim3A_245 = vector.broadcast %broadcast_in_dim3A_244 : f32 to vector<16xf32>
    %swap3A_246 = arith.constant 3 : i32
    %swap3A_247 = arith.index_cast %swap3A_246 : i32 to index
    %swap3A_248 = arith.constant 80 : index
    %swap3A_249 = tpu.vector_load %arg17[%swap3A_247, %swap3A_248] {strides = array<i32>} : memref<24x128xf32, #tpu.memory_space<vmem>>, vector<1x16xf32>,
    %swap3A_250 = vector.shape_cast %swap3A_249 : vector<1x16xf32> to vector<16xf32>
    %swap3A_251 = vector.shape_cast %broadcast_in_dim3A_245 : vector<16xf32> to vector<1x16xf32>
    tpu.vector_store %arg17[%swap3A_247, %swap3A_248], %swap3A_251 {strides = array<i32>} : memref<24x128xf32, #tpu.memory_space<vmem>>, vector<1x16xf32>,
    %broadcast_in_dim3A_252 = arith.constant 0.000000e+00 : f32
    %broadcast_in_dim3A_253 = vector.broadcast %broadcast_in_dim3A_252 : f32 to vector<16xf32>
    %swap3A_254 = arith.constant 3 : i32
    %swap3A_255 = arith.index_cast %swap3A_254 : i32 to index
    %swap3A_256 = arith.constant 96 : index
    %swap3A_257 = tpu.vector_load %arg17[%swap3A_255, %swap3A_256] {strides = array<i32>} : memref<24x128xf32, #tpu.memory_space<vmem>>, vector<1x16xf32>,
    %swap3A_258 = vector.shape_cast %swap3A_257 : vector<1x16xf32> to vector<16xf32>
    %swap3A_259 = vector.shape_cast %broadcast_in_dim3A_253 : vector<16xf32> to vector<1x16xf32>
    tpu.vector_store %arg17[%swap3A_255, %swap3A_256], %swap3A_259 {strides = array<i32>} : memref<24x128xf32, #tpu.memory_space<vmem>>, vector<1x16xf32>,
    %broadcast_in_dim3A_260 = arith.constant 0.000000e+00 : f32
    %broadcast_in_dim3A_261 = vector.broadcast %broadcast_in_dim3A_260 : f32 to vector<16xf32>
    %swap3A_262 = arith.constant 3 : i32
    %swap3A_263 = arith.index_cast %swap3A_262 : i32 to index
    %swap3A_264 = arith.constant 112 : index
    %swap3A_265 = tpu.vector_load %arg17[%swap3A_263, %swap3A_264] {strides = array<i32>} : memref<24x128xf32, #tpu.memory_space<vmem>>, vector<1x16xf32>,
    %swap3A_266 = vector.shape_cast %swap3A_265 : vector<1x16xf32> to vector<16xf32>
    %swap3A_267 = vector.shape_cast %broadcast_in_dim3A_261 : vector<16xf32> to vector<1x16xf32>
    tpu.vector_store %arg17[%swap3A_263, %swap3A_264], %swap3A_267 {strides = array<i32>} : memref<24x128xf32, #tpu.memory_space<vmem>>, vector<1x16xf32>,
    %broadcast_in_dim3A_268 = arith.constant 0.000000e+00 : f32
    %broadcast_in_dim3A_269 = vector.broadcast %broadcast_in_dim3A_268 : f32 to vector<16xf32>
    %swap3A_270 = arith.constant 4 : i32
    %swap3A_271 = arith.index_cast %swap3A_270 : i32 to index
    %swap3A_272 = arith.constant 0 : index
    %swap3A_273 = tpu.vector_load %arg17[%swap3A_271, %swap3A_272] {strides = array<i32>} : memref<24x128xf32, #tpu.memory_space<vmem>>, vector<1x16xf32>,
    %swap3A_274 = vector.shape_cast %swap3A_273 : vector<1x16xf32> to vector<16xf32>
    %swap3A_275 = vector.shape_cast %broadcast_in_dim3A_269 : vector<16xf32> to vector<1x16xf32>
    tpu.vector_store %arg17[%swap3A_271, %swap3A_272], %swap3A_275 {strides = array<i32>} : memref<24x128xf32, #tpu.memory_space<vmem>>, vector<1x16xf32>,
    %broadcast_in_dim3A_276 = arith.constant 0.000000e+00 : f32
    %broadcast_in_dim3A_277 = vector.broadcast %broadcast_in_dim3A_276 : f32 to vector<16xf32>
    %swap3A_278 = arith.constant 4 : i32
    %swap3A_279 = arith.index_cast %swap3A_278 : i32 to index
    %swap3A_280 = arith.constant 16 : index
    %swap3A_281 = tpu.vector_load %arg17[%swap3A_279, %swap3A_280] {strides = array<i32>} : memref<24x128xf32, #tpu.memory_space<vmem>>, vector<1x16xf32>,
    %swap3A_282 = vector.shape_cast %swap3A_281 : vector<1x16xf32> to vector<16xf32>
    %swap3A_283 = vector.shape_cast %broadcast_in_dim3A_277 : vector<16xf32> to vector<1x16xf32>
    tpu.vector_store %arg17[%swap3A_279, %swap3A_280], %swap3A_283 {strides = array<i32>} : memref<24x128xf32, #tpu.memory_space<vmem>>, vector<1x16xf32>,
    %broadcast_in_dim3A_284 = arith.constant 0.000000e+00 : f32
    %broadcast_in_dim3A_285 = vector.broadcast %broadcast_in_dim3A_284 : f32 to vector<16xf32>
    %swap3A_286 = arith.constant 4 : i32
    %swap3A_287 = arith.index_cast %swap3A_286 : i32 to index
    %swap3A_288 = arith.constant 32 : index
    %swap3A_289 = tpu.vector_load %arg17[%swap3A_287, %swap3A_288] {strides = array<i32>} : memref<24x128xf32, #tpu.memory_space<vmem>>, vector<1x16xf32>,
    %swap3A_290 = vector.shape_cast %swap3A_289 : vector<1x16xf32> to vector<16xf32>
    %swap3A_291 = vector.shape_cast %broadcast_in_dim3A_285 : vector<16xf32> to vector<1x16xf32>
    tpu.vector_store %arg17[%swap3A_287, %swap3A_288], %swap3A_291 {strides = array<i32>} : memref<24x128xf32, #tpu.memory_space<vmem>>, vector<1x16xf32>,
    %broadcast_in_dim3A_292 = arith.constant 0.000000e+00 : f32
    %broadcast_in_dim3A_293 = vector.broadcast %broadcast_in_dim3A_292 : f32 to vector<16xf32>
    %swap3A_294 = arith.constant 4 : i32
    %swap3A_295 = arith.index_cast %swap3A_294 : i32 to index
    %swap3A_296 = arith.constant 48 : index
    %swap3A_297 = tpu.vector_load %arg17[%swap3A_295, %swap3A_296] {strides = array<i32>} : memref<24x128xf32, #tpu.memory_space<vmem>>, vector<1x16xf32>,
    %swap3A_298 = vector.shape_cast %swap3A_297 : vector<1x16xf32> to vector<16xf32>
    %swap3A_299 = vector.shape_cast %broadcast_in_dim3A_293 : vector<16xf32> to vector<1x16xf32>
    tpu.vector_store %arg17[%swap3A_295, %swap3A_296], %swap3A_299 {strides = array<i32>} : memref<24x128xf32, #tpu.memory_space<vmem>>, vector<1x16xf32>,
    %broadcast_in_dim3A_300 = arith.constant 0.000000e+00 : f32
    %broadcast_in_dim3A_301 = vector.broadcast %broadcast_in_dim3A_300 : f32 to vector<16xf32>
    %swap3A_302 = arith.constant 4 : i32
    %swap3A_303 = arith.index_cast %swap3A_302 : i32 to index
    %swap3A_304 = arith.constant 64 : index
    %swap3A_305 = tpu.vector_load %arg17[%swap3A_303, %swap3A_304] {strides = array<i32>} : memref<24x128xf32, #tpu.memory_space<vmem>>, vector<1x16xf32>,
    %swap3A_306 = vector.shape_cast %swap3A_305 : vector<1x16xf32> to vector<16xf32>
    %swap3A_307 = vector.shape_cast %broadcast_in_dim3A_301 : vector<16xf32> to vector<1x16xf32>
    tpu.vector_store %arg17[%swap3A_303, %swap3A_304], %swap3A_307 {strides = array<i32>} : memref<24x128xf32, #tpu.memory_space<vmem>>, vector<1x16xf32>,
    %broadcast_in_dim3A_308 = arith.constant 0.000000e+00 : f32
    %broadcast_in_dim3A_309 = vector.broadcast %broadcast_in_dim3A_308 : f32 to vector<16xf32>
    %swap3A_310 = arith.constant 4 : i32
    %swap3A_311 = arith.index_cast %swap3A_310 : i32 to index
    %swap3A_312 = arith.constant 80 : index
    %swap3A_313 = tpu.vector_load %arg17[%swap3A_311, %swap3A_312] {strides = array<i32>} : memref<24x128xf32, #tpu.memory_space<vmem>>, vector<1x16xf32>,
    %swap3A_314 = vector.shape_cast %swap3A_313 : vector<1x16xf32> to vector<16xf32>
    %swap3A_315 = vector.shape_cast %broadcast_in_dim3A_309 : vector<16xf32> to vector<1x16xf32>
    tpu.vector_store %arg17[%swap3A_311, %swap3A_312], %swap3A_315 {strides = array<i32>} : memref<24x128xf32, #tpu.memory_space<vmem>>, vector<1x16xf32>,
    %broadcast_in_dim3A_316 = arith.constant 0.000000e+00 : f32
    %broadcast_in_dim3A_317 = vector.broadcast %broadcast_in_dim3A_316 : f32 to vector<16xf32>
    %swap3A_318 = arith.constant 4 : i32
    %swap3A_319 = arith.index_cast %swap3A_318 : i32 to index
    %swap3A_320 = arith.constant 96 : index
    %swap3A_321 = tpu.vector_load %arg17[%swap3A_319, %swap3A_320] {strides = array<i32>} : memref<24x128xf32, #tpu.memory_space<vmem>>, vector<1x16xf32>,
    %swap3A_322 = vector.shape_cast %swap3A_321 : vector<1x16xf32> to vector<16xf32>
    %swap3A_323 = vector.shape_cast %broadcast_in_dim3A_317 : vector<16xf32> to vector<1x16xf32>
    tpu.vector_store %arg17[%swap3A_319, %swap3A_320], %swap3A_323 {strides = array<i32>} : memref<24x128xf32, #tpu.memory_space<vmem>>, vector<1x16xf32>,
    %broadcast_in_dim3A_324 = arith.constant 0.000000e+00 : f32
    %broadcast_in_dim3A_325 = vector.broadcast %broadcast_in_dim3A_324 : f32 to vector<16xf32>
    %swap3A_326 = arith.constant 4 : i32
    %swap3A_327 = arith.index_cast %swap3A_326 : i32 to index
    %swap3A_328 = arith.constant 112 : index
    %swap3A_329 = tpu.vector_load %arg17[%swap3A_327, %swap3A_328] {strides = array<i32>} : memref<24x128xf32, #tpu.memory_space<vmem>>, vector<1x16xf32>,
    %swap3A_330 = vector.shape_cast %swap3A_329 : vector<1x16xf32> to vector<16xf32>
    %swap3A_331 = vector.shape_cast %broadcast_in_dim3A_325 : vector<16xf32> to vector<1x16xf32>
    tpu.vector_store %arg17[%swap3A_327, %swap3A_328], %swap3A_331 {strides = array<i32>} : memref<24x128xf32, #tpu.memory_space<vmem>>, vector<1x16xf32>,
    %broadcast_in_dim3A_332 = arith.constant 0.000000e+00 : f32
    %broadcast_in_dim3A_333 = vector.broadcast %broadcast_in_dim3A_332 : f32 to vector<16xf32>
    %swap3A_334 = arith.constant 5 : i32
    %swap3A_335 = arith.index_cast %swap3A_334 : i32 to index
    %swap3A_336 = arith.constant 0 : index
    %swap3A_337 = tpu.vector_load %arg17[%swap3A_335, %swap3A_336] {strides = array<i32>} : memref<24x128xf32, #tpu.memory_space<vmem>>, vector<1x16xf32>,
    %swap3A_338 = vector.shape_cast %swap3A_337 : vector<1x16xf32> to vector<16xf32>
    %swap3A_339 = vector.shape_cast %broadcast_in_dim3A_333 : vector<16xf32> to vector<1x16xf32>
    tpu.vector_store %arg17[%swap3A_335, %swap3A_336], %swap3A_339 {strides = array<i32>} : memref<24x128xf32, #tpu.memory_space<vmem>>, vector<1x16xf32>,
    %broadcast_in_dim3A_340 = arith.constant 0.000000e+00 : f32
    %broadcast_in_dim3A_341 = vector.broadcast %broadcast_in_dim3A_340 : f32 to vector<16xf32>
    %swap3A_342 = arith.constant 5 : i32
    %swap3A_343 = arith.index_cast %swap3A_342 : i32 to index
    %swap3A_344 = arith.constant 16 : index
    %swap3A_345 = tpu.vector_load %arg17[%swap3A_343, %swap3A_344] {strides = array<i32>} : memref<24x128xf32, #tpu.memory_space<vmem>>, vector<1x16xf32>,
    %swap3A_346 = vector.shape_cast %swap3A_345 : vector<1x16xf32> to vector<16xf32>
    %swap3A_347 = vector.shape_cast %broadcast_in_dim3A_341 : vector<16xf32> to vector<1x16xf32>
    tpu.vector_store %arg17[%swap3A_343, %swap3A_344], %swap3A_347 {strides = array<i32>} : memref<24x128xf32, #tpu.memory_space<vmem>>, vector<1x16xf32>,
    %broadcast_in_dim3A_348 = arith.constant 0.000000e+00 : f32
    %broadcast_in_dim3A_349 = vector.broadcast %broadcast_in_dim3A_348 : f32 to vector<16xf32>
    %swap3A_350 = arith.constant 5 : i32
    %swap3A_351 = arith.index_cast %swap3A_350 : i32 to index
    %swap3A_352 = arith.constant 32 : index
    %swap3A_353 = tpu.vector_load %arg17[%swap3A_351, %swap3A_352] {strides = array<i32>} : memref<24x128xf32, #tpu.memory_space<vmem>>, vector<1x16xf32>,
    %swap3A_354 = vector.shape_cast %swap3A_353 : vector<1x16xf32> to vector<16xf32>
    %swap3A_355 = vector.shape_cast %broadcast_in_dim3A_349 : vector<16xf32> to vector<1x16xf32>
    tpu.vector_store %arg17[%swap3A_351, %swap3A_352], %swap3A_355 {strides = array<i32>} : memref<24x128xf32, #tpu.memory_space<vmem>>, vector<1x16xf32>,
    %broadcast_in_dim3A_356 = arith.constant 0.000000e+00 : f32
    %broadcast_in_dim3A_357 = vector.broadcast %broadcast_in_dim3A_356 : f32 to vector<16xf32>
    %swap3A_358 = arith.constant 5 : i32
    %swap3A_359 = arith.index_cast %swap3A_358 : i32 to index
    %swap3A_360 = arith.constant 48 : index
    %swap3A_361 = tpu.vector_load %arg17[%swap3A_359, %swap3A_360] {strides = array<i32>} : memref<24x128xf32, #tpu.memory_space<vmem>>, vector<1x16xf32>,
    %swap3A_362 = vector.shape_cast %swap3A_361 : vector<1x16xf32> to vector<16xf32>
    %swap3A_363 = vector.shape_cast %broadcast_in_dim3A_357 : vector<16xf32> to vector<1x16xf32>
    tpu.vector_store %arg17[%swap3A_359, %swap3A_360], %swap3A_363 {strides = array<i32>} : memref<24x128xf32, #tpu.memory_space<vmem>>, vector<1x16xf32>,
    %broadcast_in_dim3A_364 = arith.constant 0.000000e+00 : f32
    %broadcast_in_dim3A_365 = vector.broadcast %broadcast_in_dim3A_364 : f32 to vector<16xf32>
    %swap3A_366 = arith.constant 5 : i32
    %swap3A_367 = arith.index_cast %swap3A_366 : i32 to index
    %swap3A_368 = arith.constant 64 : index
    %swap3A_369 = tpu.vector_load %arg17[%swap3A_367, %swap3A_368] {strides = array<i32>} : memref<24x128xf32, #tpu.memory_space<vmem>>, vector<1x16xf32>,
    %swap3A_370 = vector.shape_cast %swap3A_369 : vector<1x16xf32> to vector<16xf32>
    %swap3A_371 = vector.shape_cast %broadcast_in_dim3A_365 : vector<16xf32> to vector<1x16xf32>
    tpu.vector_store %arg17[%swap3A_367, %swap3A_368], %swap3A_371 {strides = array<i32>} : memref<24x128xf32, #tpu.memory_space<vmem>>, vector<1x16xf32>,
    %broadcast_in_dim3A_372 = arith.constant 0.000000e+00 : f32
    %broadcast_in_dim3A_373 = vector.broadcast %broadcast_in_dim3A_372 : f32 to vector<16xf32>
    %swap3A_374 = arith.constant 5 : i32
    %swap3A_375 = arith.index_cast %swap3A_374 : i32 to index
    %swap3A_376 = arith.constant 80 : index
    %swap3A_377 = tpu.vector_load %arg17[%swap3A_375, %swap3A_376] {strides = array<i32>} : memref<24x128xf32, #tpu.memory_space<vmem>>, vector<1x16xf32>,
    %swap3A_378 = vector.shape_cast %swap3A_377 : vector<1x16xf32> to vector<16xf32>
    %swap3A_379 = vector.shape_cast %broadcast_in_dim3A_373 : vector<16xf32> to vector<1x16xf32>
    tpu.vector_store %arg17[%swap3A_375, %swap3A_376], %swap3A_379 {strides = array<i32>} : memref<24x128xf32, #tpu.memory_space<vmem>>, vector<1x16xf32>,
    %broadcast_in_dim3A_380 = arith.constant 0.000000e+00 : f32
    %broadcast_in_dim3A_381 = vector.broadcast %broadcast_in_dim3A_380 : f32 to vector<16xf32>
    %swap3A_382 = arith.constant 5 : i32
    %swap3A_383 = arith.index_cast %swap3A_382 : i32 to index
    %swap3A_384 = arith.constant 96 : index
    %swap3A_385 = tpu.vector_load %arg17[%swap3A_383, %swap3A_384] {strides = array<i32>} : memref<24x128xf32, #tpu.memory_space<vmem>>, vector<1x16xf32>,
    %swap3A_386 = vector.shape_cast %swap3A_385 : vector<1x16xf32> to vector<16xf32>
    %swap3A_387 = vector.shape_cast %broadcast_in_dim3A_381 : vector<16xf32> to vector<1x16xf32>
    tpu.vector_store %arg17[%swap3A_383, %swap3A_384], %swap3A_387 {strides = array<i32>} : memref<24x128xf32, #tpu.memory_space<vmem>>, vector<1x16xf32>,
    %broadcast_in_dim3A_388 = arith.constant 0.000000e+00 : f32
    %broadcast_in_dim3A_389 = vector.broadcast %broadcast_in_dim3A_388 : f32 to vector<16xf32>
    %swap3A_390 = arith.constant 5 : i32
    %swap3A_391 = arith.index_cast %swap3A_390 : i32 to index
    %swap3A_392 = arith.constant 112 : index
    %swap3A_393 = tpu.vector_load %arg17[%swap3A_391, %swap3A_392] {strides = array<i32>} : memref<24x128xf32, #tpu.memory_space<vmem>>, vector<1x16xf32>,
    %swap3A_394 = vector.shape_cast %swap3A_393 : vector<1x16xf32> to vector<16xf32>
    %swap3A_395 = vector.shape_cast %broadcast_in_dim3A_389 : vector<16xf32> to vector<1x16xf32>
    tpu.vector_store %arg17[%swap3A_391, %swap3A_392], %swap3A_395 {strides = array<i32>} : memref<24x128xf32, #tpu.memory_space<vmem>>, vector<1x16xf32>,
    %broadcast_in_dim3A_396 = arith.constant 0.000000e+00 : f32
    %broadcast_in_dim3A_397 = vector.broadcast %broadcast_in_dim3A_396 : f32 to vector<16xf32>
    %swap3A_398 = arith.constant 6 : i32
    %swap3A_399 = arith.index_cast %swap3A_398 : i32 to index
    %swap3A_400 = arith.constant 0 : index
    %swap3A_401 = tpu.vector_load %arg17[%swap3A_399, %swap3A_400] {strides = array<i32>} : memref<24x128xf32, #tpu.memory_space<vmem>>, vector<1x16xf32>,
    %swap3A_402 = vector.shape_cast %swap3A_401 : vector<1x16xf32> to vector<16xf32>
    %swap3A_403 = vector.shape_cast %broadcast_in_dim3A_397 : vector<16xf32> to vector<1x16xf32>
    tpu.vector_store %arg17[%swap3A_399, %swap3A_400], %swap3A_403 {strides = array<i32>} : memref<24x128xf32, #tpu.memory_space<vmem>>, vector<1x16xf32>,
    %broadcast_in_dim3A_404 = arith.constant 0.000000e+00 : f32
    %broadcast_in_dim3A_405 = vector.broadcast %broadcast_in_dim3A_404 : f32 to vector<16xf32>
    %swap3A_406 = arith.constant 6 : i32
    %swap3A_407 = arith.index_cast %swap3A_406 : i32 to index
    %swap3A_408 = arith.constant 16 : index
    %swap3A_409 = tpu.vector_load %arg17[%swap3A_407, %swap3A_408] {strides = array<i32>} : memref<24x128xf32, #tpu.memory_space<vmem>>, vector<1x16xf32>,
    %swap3A_410 = vector.shape_cast %swap3A_409 : vector<1x16xf32> to vector<16xf32>
    %swap3A_411 = vector.shape_cast %broadcast_in_dim3A_405 : vector<16xf32> to vector<1x16xf32>
    tpu.vector_store %arg17[%swap3A_407, %swap3A_408], %swap3A_411 {strides = array<i32>} : memref<24x128xf32, #tpu.memory_space<vmem>>, vector<1x16xf32>,
    %broadcast_in_dim3A_412 = arith.constant 0.000000e+00 : f32
    %broadcast_in_dim3A_413 = vector.broadcast %broadcast_in_dim3A_412 : f32 to vector<16xf32>
    %swap3A_414 = arith.constant 6 : i32
    %swap3A_415 = arith.index_cast %swap3A_414 : i32 to index
    %swap3A_416 = arith.constant 32 : index
    %swap3A_417 = tpu.vector_load %arg17[%swap3A_415, %swap3A_416] {strides = array<i32>} : memref<24x128xf32, #tpu.memory_space<vmem>>, vector<1x16xf32>,
    %swap3A_418 = vector.shape_cast %swap3A_417 : vector<1x16xf32> to vector<16xf32>
    %swap3A_419 = vector.shape_cast %broadcast_in_dim3A_413 : vector<16xf32> to vector<1x16xf32>
    tpu.vector_store %arg17[%swap3A_415, %swap3A_416], %swap3A_419 {strides = array<i32>} : memref<24x128xf32, #tpu.memory_space<vmem>>, vector<1x16xf32>,
    %broadcast_in_dim3A_420 = arith.constant 0.000000e+00 : f32
    %broadcast_in_dim3A_421 = vector.broadcast %broadcast_in_dim3A_420 : f32 to vector<16xf32>
    %swap3A_422 = arith.constant 6 : i32
    %swap3A_423 = arith.index_cast %swap3A_422 : i32 to index
    %swap3A_424 = arith.constant 48 : index
    %swap3A_425 = tpu.vector_load %arg17[%swap3A_423, %swap3A_424] {strides = array<i32>} : memref<24x128xf32, #tpu.memory_space<vmem>>, vector<1x16xf32>,
    %swap3A_426 = vector.shape_cast %swap3A_425 : vector<1x16xf32> to vector<16xf32>
    %swap3A_427 = vector.shape_cast %broadcast_in_dim3A_421 : vector<16xf32> to vector<1x16xf32>
    tpu.vector_store %arg17[%swap3A_423, %swap3A_424], %swap3A_427 {strides = array<i32>} : memref<24x128xf32, #tpu.memory_space<vmem>>, vector<1x16xf32>,
    %broadcast_in_dim3A_428 = arith.constant 0.000000e+00 : f32
    %broadcast_in_dim3A_429 = vector.broadcast %broadcast_in_dim3A_428 : f32 to vector<16xf32>
    %swap3A_430 = arith.constant 6 : i32
    %swap3A_431 = arith.index_cast %swap3A_430 : i32 to index
    %swap3A_432 = arith.constant 64 : index
    %swap3A_433 = tpu.vector_load %arg17[%swap3A_431, %swap3A_432] {strides = array<i32>} : memref<24x128xf32, #tpu.memory_space<vmem>>, vector<1x16xf32>,
    %swap3A_434 = vector.shape_cast %swap3A_433 : vector<1x16xf32> to vector<16xf32>
    %swap3A_435 = vector.shape_cast %broadcast_in_dim3A_429 : vector<16xf32> to vector<1x16xf32>
    tpu.vector_store %arg17[%swap3A_431, %swap3A_432], %swap3A_435 {strides = array<i32>} : memref<24x128xf32, #tpu.memory_space<vmem>>, vector<1x16xf32>,
    %broadcast_in_dim3A_436 = arith.constant 0.000000e+00 : f32
    %broadcast_in_dim3A_437 = vector.broadcast %broadcast_in_dim3A_436 : f32 to vector<16xf32>
    %swap3A_438 = arith.constant 6 : i32
    %swap3A_439 = arith.index_cast %swap3A_438 : i32 to index
    %swap3A_440 = arith.constant 80 : index
    %swap3A_441 = tpu.vector_load %arg17[%swap3A_439, %swap3A_440] {strides = array<i32>} : memref<24x128xf32, #tpu.memory_space<vmem>>, vector<1x16xf32>,
    %swap3A_442 = vector.shape_cast %swap3A_441 : vector<1x16xf32> to vector<16xf32>
    %swap3A_443 = vector.shape_cast %broadcast_in_dim3A_437 : vector<16xf32> to vector<1x16xf32>
    tpu.vector_store %arg17[%swap3A_439, %swap3A_440], %swap3A_443 {strides = array<i32>} : memref<24x128xf32, #tpu.memory_space<vmem>>, vector<1x16xf32>,
    %broadcast_in_dim3A_444 = arith.constant 0.000000e+00 : f32
    %broadcast_in_dim3A_445 = vector.broadcast %broadcast_in_dim3A_444 : f32 to vector<16xf32>
    %swap3A_446 = arith.constant 6 : i32
    %swap3A_447 = arith.index_cast %swap3A_446 : i32 to index
    %swap3A_448 = arith.constant 96 : index
    %swap3A_449 = tpu.vector_load %arg17[%swap3A_447, %swap3A_448] {strides = array<i32>} : memref<24x128xf32, #tpu.memory_space<vmem>>, vector<1x16xf32>,
    %swap3A_450 = vector.shape_cast %swap3A_449 : vector<1x16xf32> to vector<16xf32>
    %swap3A_451 = vector.shape_cast %broadcast_in_dim3A_445 : vector<16xf32> to vector<1x16xf32>
    tpu.vector_store %arg17[%swap3A_447, %swap3A_448], %swap3A_451 {strides = array<i32>} : memref<24x128xf32, #tpu.memory_space<vmem>>, vector<1x16xf32>,
    %broadcast_in_dim3A_452 = arith.constant 0.000000e+00 : f32
    %broadcast_in_dim3A_453 = vector.broadcast %broadcast_in_dim3A_452 : f32 to vector<16xf32>
    %swap3A_454 = arith.constant 6 : i32
    %swap3A_455 = arith.index_cast %swap3A_454 : i32 to index
    %swap3A_456 = arith.constant 112 : index
    %swap3A_457 = tpu.vector_load %arg17[%swap3A_455, %swap3A_456] {strides = array<i32>} : memref<24x128xf32, #tpu.memory_space<vmem>>, vector<1x16xf32>,
    %swap3A_458 = vector.shape_cast %swap3A_457 : vector<1x16xf32> to vector<16xf32>
    %swap3A_459 = vector.shape_cast %broadcast_in_dim3A_453 : vector<16xf32> to vector<1x16xf32>
    tpu.vector_store %arg17[%swap3A_455, %swap3A_456], %swap3A_459 {strides = array<i32>} : memref<24x128xf32, #tpu.memory_space<vmem>>, vector<1x16xf32>,
    %broadcast_in_dim3A_460 = arith.constant 0.000000e+00 : f32
    %broadcast_in_dim3A_461 = vector.broadcast %broadcast_in_dim3A_460 : f32 to vector<16xf32>
    %swap3A_462 = arith.constant 7 : i32
    %swap3A_463 = arith.index_cast %swap3A_462 : i32 to index
    %swap3A_464 = arith.constant 0 : index
    %swap3A_465 = tpu.vector_load %arg17[%swap3A_463, %swap3A_464] {strides = array<i32>} : memref<24x128xf32, #tpu.memory_space<vmem>>, vector<1x16xf32>,
    %swap3A_466 = vector.shape_cast %swap3A_465 : vector<1x16xf32> to vector<16xf32>
    %swap3A_467 = vector.shape_cast %broadcast_in_dim3A_461 : vector<16xf32> to vector<1x16xf32>
    tpu.vector_store %arg17[%swap3A_463, %swap3A_464], %swap3A_467 {strides = array<i32>} : memref<24x128xf32, #tpu.memory_space<vmem>>, vector<1x16xf32>,
    %broadcast_in_dim3A_468 = arith.constant 0.000000e+00 : f32
    %broadcast_in_dim3A_469 = vector.broadcast %broadcast_in_dim3A_468 : f32 to vector<16xf32>
    %swap3A_470 = arith.constant 7 : i32
    %swap3A_471 = arith.index_cast %swap3A_470 : i32 to index
    %swap3A_472 = arith.constant 16 : index
    %swap3A_473 = tpu.vector_load %arg17[%swap3A_471, %swap3A_472] {strides = array<i32>} : memref<24x128xf32, #tpu.memory_space<vmem>>, vector<1x16xf32>,
    %swap3A_474 = vector.shape_cast %swap3A_473 : vector<1x16xf32> to vector<16xf32>
    %swap3A_475 = vector.shape_cast %broadcast_in_dim3A_469 : vector<16xf32> to vector<1x16xf32>
    tpu.vector_store %arg17[%swap3A_471, %swap3A_472], %swap3A_475 {strides = array<i32>} : memref<24x128xf32, #tpu.memory_space<vmem>>, vector<1x16xf32>,
    %broadcast_in_dim3A_476 = arith.constant 0.000000e+00 : f32
    %broadcast_in_dim3A_477 = vector.broadcast %broadcast_in_dim3A_476 : f32 to vector<16xf32>
    %swap3A_478 = arith.constant 7 : i32
    %swap3A_479 = arith.index_cast %swap3A_478 : i32 to index
    %swap3A_480 = arith.constant 32 : index
    %swap3A_481 = tpu.vector_load %arg17[%swap3A_479, %swap3A_480] {strides = array<i32>} : memref<24x128xf32, #tpu.memory_space<vmem>>, vector<1x16xf32>,
    %swap3A_482 = vector.shape_cast %swap3A_481 : vector<1x16xf32> to vector<16xf32>
    %swap3A_483 = vector.shape_cast %broadcast_in_dim3A_477 : vector<16xf32> to vector<1x16xf32>
    tpu.vector_store %arg17[%swap3A_479, %swap3A_480], %swap3A_483 {strides = array<i32>} : memref<24x128xf32, #tpu.memory_space<vmem>>, vector<1x16xf32>,
    %broadcast_in_dim3A_484 = arith.constant 0.000000e+00 : f32
    %broadcast_in_dim3A_485 = vector.broadcast %broadcast_in_dim3A_484 : f32 to vector<16xf32>
    %swap3A_486 = arith.constant 7 : i32
    %swap3A_487 = arith.index_cast %swap3A_486 : i32 to index
    %swap3A_488 = arith.constant 48 : index
    %swap3A_489 = tpu.vector_load %arg17[%swap3A_487, %swap3A_488] {strides = array<i32>} : memref<24x128xf32, #tpu.memory_space<vmem>>, vector<1x16xf32>,
    %swap3A_490 = vector.shape_cast %swap3A_489 : vector<1x16xf32> to vector<16xf32>
    %swap3A_491 = vector.shape_cast %broadcast_in_dim3A_485 : vector<16xf32> to vector<1x16xf32>
    tpu.vector_store %arg17[%swap3A_487, %swap3A_488], %swap3A_491 {strides = array<i32>} : memref<24x128xf32, #tpu.memory_space<vmem>>, vector<1x16xf32>,
    %broadcast_in_dim3A_492 = arith.constant 0.000000e+00 : f32
    %broadcast_in_dim3A_493 = vector.broadcast %broadcast_in_dim3A_492 : f32 to vector<16xf32>
    %swap3A_494 = arith.constant 7 : i32
    %swap3A_495 = arith.index_cast %swap3A_494 : i32 to index
    %swap3A_496 = arith.constant 64 : index
    %swap3A_497 = tpu.vector_load %arg17[%swap3A_495, %swap3A_496] {strides = array<i32>} : memref<24x128xf32, #tpu.memory_space<vmem>>, vector<1x16xf32>,
    %swap3A_498 = vector.shape_cast %swap3A_497 : vector<1x16xf32> to vector<16xf32>
    %swap3A_499 = vector.shape_cast %broadcast_in_dim3A_493 : vector<16xf32> to vector<1x16xf32>
    tpu.vector_store %arg17[%swap3A_495, %swap3A_496], %swap3A_499 {strides = array<i32>} : memref<24x128xf32, #tpu.memory_space<vmem>>, vector<1x16xf32>,
    %broadcast_in_dim3A_500 = arith.constant 0.000000e+00 : f32
    %broadcast_in_dim3A_501 = vector.broadcast %broadcast_in_dim3A_500 : f32 to vector<16xf32>
    %swap3A_502 = arith.constant 7 : i32
    %swap3A_503 = arith.index_cast %swap3A_502 : i32 to index
    %swap3A_504 = arith.constant 80 : index
    %swap3A_505 = tpu.vector_load %arg17[%swap3A_503, %swap3A_504] {strides = array<i32>} : memref<24x128xf32, #tpu.memory_space<vmem>>, vector<1x16xf32>,
    %swap3A_506 = vector.shape_cast %swap3A_505 : vector<1x16xf32> to vector<16xf32>
    %swap3A_507 = vector.shape_cast %broadcast_in_dim3A_501 : vector<16xf32> to vector<1x16xf32>
    tpu.vector_store %arg17[%swap3A_503, %swap3A_504], %swap3A_507 {strides = array<i32>} : memref<24x128xf32, #tpu.memory_space<vmem>>, vector<1x16xf32>,
    %broadcast_in_dim3A_508 = arith.constant 0.000000e+00 : f32
    %broadcast_in_dim3A_509 = vector.broadcast %broadcast_in_dim3A_508 : f32 to vector<16xf32>
    %swap3A_510 = arith.constant 7 : i32
    %swap3A_511 = arith.index_cast %swap3A_510 : i32 to index
    %swap3A_512 = arith.constant 96 : index
    %swap3A_513 = tpu.vector_load %arg17[%swap3A_511, %swap3A_512] {strides = array<i32>} : memref<24x128xf32, #tpu.memory_space<vmem>>, vector<1x16xf32>,
    %swap3A_514 = vector.shape_cast %swap3A_513 : vector<1x16xf32> to vector<16xf32>
    %swap3A_515 = vector.shape_cast %broadcast_in_dim3A_509 : vector<16xf32> to vector<1x16xf32>
    tpu.vector_store %arg17[%swap3A_511, %swap3A_512], %swap3A_515 {strides = array<i32>} : memref<24x128xf32, #tpu.memory_space<vmem>>, vector<1x16xf32>,
    %broadcast_in_dim3A_516 = arith.constant 0.000000e+00 : f32
    %broadcast_in_dim3A_517 = vector.broadcast %broadcast_in_dim3A_516 : f32 to vector<16xf32>
    %swap3A_518 = arith.constant 7 : i32
    %swap3A_519 = arith.index_cast %swap3A_518 : i32 to index
    %swap3A_520 = arith.constant 112 : index
    %swap3A_521 = tpu.vector_load %arg17[%swap3A_519, %swap3A_520] {strides = array<i32>} : memref<24x128xf32, #tpu.memory_space<vmem>>, vector<1x16xf32>,
    %swap3A_522 = vector.shape_cast %swap3A_521 : vector<1x16xf32> to vector<16xf32>
    %swap3A_523 = vector.shape_cast %broadcast_in_dim3A_517 : vector<16xf32> to vector<1x16xf32>
    tpu.vector_store %arg17[%swap3A_519, %swap3A_520], %swap3A_523 {strides = array<i32>} : memref<24x128xf32, #tpu.memory_space<vmem>>, vector<1x16xf32>,
    %broadcast_in_dim3A_524 = arith.constant 0.000000e+00 : f32
    %broadcast_in_dim3A_525 = vector.broadcast %broadcast_in_dim3A_524 : f32 to vector<16xf32>
    %swap3A_526 = arith.constant 8 : i32
    %swap3A_527 = arith.index_cast %swap3A_526 : i32 to index
    %swap3A_528 = arith.constant 0 : index
    %swap3A_529 = tpu.vector_load %arg17[%swap3A_527, %swap3A_528] {strides = array<i32>} : memref<24x128xf32, #tpu.memory_space<vmem>>, vector<1x16xf32>,
    %swap3A_530 = vector.shape_cast %swap3A_529 : vector<1x16xf32> to vector<16xf32>
    %swap3A_531 = vector.shape_cast %broadcast_in_dim3A_525 : vector<16xf32> to vector<1x16xf32>
    tpu.vector_store %arg17[%swap3A_527, %swap3A_528], %swap3A_531 {strides = array<i32>} : memref<24x128xf32, #tpu.memory_space<vmem>>, vector<1x16xf32>,
    %broadcast_in_dim3A_532 = arith.constant 0.000000e+00 : f32
    %broadcast_in_dim3A_533 = vector.broadcast %broadcast_in_dim3A_532 : f32 to vector<16xf32>
    %swap3A_534 = arith.constant 8 : i32
    %swap3A_535 = arith.index_cast %swap3A_534 : i32 to index
    %swap3A_536 = arith.constant 16 : index
    %swap3A_537 = tpu.vector_load %arg17[%swap3A_535, %swap3A_536] {strides = array<i32>} : memref<24x128xf32, #tpu.memory_space<vmem>>, vector<1x16xf32>,
    %swap3A_538 = vector.shape_cast %swap3A_537 : vector<1x16xf32> to vector<16xf32>
    %swap3A_539 = vector.shape_cast %broadcast_in_dim3A_533 : vector<16xf32> to vector<1x16xf32>
    tpu.vector_store %arg17[%swap3A_535, %swap3A_536], %swap3A_539 {strides = array<i32>} : memref<24x128xf32, #tpu.memory_space<vmem>>, vector<1x16xf32>,
    %broadcast_in_dim3A_540 = arith.constant 0.000000e+00 : f32
    %broadcast_in_dim3A_541 = vector.broadcast %broadcast_in_dim3A_540 : f32 to vector<16xf32>
    %swap3A_542 = arith.constant 8 : i32
    %swap3A_543 = arith.index_cast %swap3A_542 : i32 to index
    %swap3A_544 = arith.constant 32 : index
    %swap3A_545 = tpu.vector_load %arg17[%swap3A_543, %swap3A_544] {strides = array<i32>} : memref<24x128xf32, #tpu.memory_space<vmem>>, vector<1x16xf32>,
    %swap3A_546 = vector.shape_cast %swap3A_545 : vector<1x16xf32> to vector<16xf32>
    %swap3A_547 = vector.shape_cast %broadcast_in_dim3A_541 : vector<16xf32> to vector<1x16xf32>
    tpu.vector_store %arg17[%swap3A_543, %swap3A_544], %swap3A_547 {strides = array<i32>} : memref<24x128xf32, #tpu.memory_space<vmem>>, vector<1x16xf32>,
    %broadcast_in_dim3A_548 = arith.constant 0.000000e+00 : f32
    %broadcast_in_dim3A_549 = vector.broadcast %broadcast_in_dim3A_548 : f32 to vector<16xf32>
    %swap3A_550 = arith.constant 8 : i32
    %swap3A_551 = arith.index_cast %swap3A_550 : i32 to index
    %swap3A_552 = arith.constant 48 : index
    %swap3A_553 = tpu.vector_load %arg17[%swap3A_551, %swap3A_552] {strides = array<i32>} : memref<24x128xf32, #tpu.memory_space<vmem>>, vector<1x16xf32>,
    %swap3A_554 = vector.shape_cast %swap3A_553 : vector<1x16xf32> to vector<16xf32>
    %swap3A_555 = vector.shape_cast %broadcast_in_dim3A_549 : vector<16xf32> to vector<1x16xf32>
    tpu.vector_store %arg17[%swap3A_551, %swap3A_552], %swap3A_555 {strides = array<i32>} : memref<24x128xf32, #tpu.memory_space<vmem>>, vector<1x16xf32>,
    %broadcast_in_dim3A_556 = arith.constant 0.000000e+00 : f32
    %broadcast_in_dim3A_557 = vector.broadcast %broadcast_in_dim3A_556 : f32 to vector<16xf32>
    %swap3A_558 = arith.constant 8 : i32
    %swap3A_559 = arith.index_cast %swap3A_558 : i32 to index
    %swap3A_560 = arith.constant 64 : index
    %swap3A_561 = tpu.vector_load %arg17[%swap3A_559, %swap3A_560] {strides = array<i32>} : memref<24x128xf32, #tpu.memory_space<vmem>>, vector<1x16xf32>,
    %swap3A_562 = vector.shape_cast %swap3A_561 : vector<1x16xf32> to vector<16xf32>
    %swap3A_563 = vector.shape_cast %broadcast_in_dim3A_557 : vector<16xf32> to vector<1x16xf32>
    tpu.vector_store %arg17[%swap3A_559, %swap3A_560], %swap3A_563 {strides = array<i32>} : memref<24x128xf32, #tpu.memory_space<vmem>>, vector<1x16xf32>,
    %broadcast_in_dim3A_564 = arith.constant 0.000000e+00 : f32
    %broadcast_in_dim3A_565 = vector.broadcast %broadcast_in_dim3A_564 : f32 to vector<16xf32>
    %swap3A_566 = arith.constant 8 : i32
    %swap3A_567 = arith.index_cast %swap3A_566 : i32 to index
    %swap3A_568 = arith.constant 80 : index
    %swap3A_569 = tpu.vector_load %arg17[%swap3A_567, %swap3A_568] {strides = array<i32>} : memref<24x128xf32, #tpu.memory_space<vmem>>, vector<1x16xf32>,
    %swap3A_570 = vector.shape_cast %swap3A_569 : vector<1x16xf32> to vector<16xf32>
    %swap3A_571 = vector.shape_cast %broadcast_in_dim3A_565 : vector<16xf32> to vector<1x16xf32>
    tpu.vector_store %arg17[%swap3A_567, %swap3A_568], %swap3A_571 {strides = array<i32>} : memref<24x128xf32, #tpu.memory_space<vmem>>, vector<1x16xf32>,
    %broadcast_in_dim3A_572 = arith.constant 0.000000e+00 : f32
    %broadcast_in_dim3A_573 = vector.broadcast %broadcast_in_dim3A_572 : f32 to vector<16xf32>
    %swap3A_574 = arith.constant 8 : i32
    %swap3A_575 = arith.index_cast %swap3A_574 : i32 to index
    %swap3A_576 = arith.constant 96 : index
    %swap3A_577 = tpu.vector_load %arg17[%swap3A_575, %swap3A_576] {strides = array<i32>} : memref<24x128xf32, #tpu.memory_space<vmem>>, vector<1x16xf32>,
    %swap3A_578 = vector.shape_cast %swap3A_577 : vector<1x16xf32> to vector<16xf32>
    %swap3A_579 = vector.shape_cast %broadcast_in_dim3A_573 : vector<16xf32> to vector<1x16xf32>
    tpu.vector_store %arg17[%swap3A_575, %swap3A_576], %swap3A_579 {strides = array<i32>} : memref<24x128xf32, #tpu.memory_space<vmem>>, vector<1x16xf32>,
    %broadcast_in_dim3A_580 = arith.constant 0.000000e+00 : f32
    %broadcast_in_dim3A_581 = vector.broadcast %broadcast_in_dim3A_580 : f32 to vector<16xf32>
    %swap3A_582 = arith.constant 8 : i32
    %swap3A_583 = arith.index_cast %swap3A_582 : i32 to index
    %swap3A_584 = arith.constant 112 : index
    %swap3A_585 = tpu.vector_load %arg17[%swap3A_583, %swap3A_584] {strides = array<i32>} : memref<24x128xf32, #tpu.memory_space<vmem>>, vector<1x16xf32>,
    %swap3A_586 = vector.shape_cast %swap3A_585 : vector<1x16xf32> to vector<16xf32>
    %swap3A_587 = vector.shape_cast %broadcast_in_dim3A_581 : vector<16xf32> to vector<1x16xf32>
    tpu.vector_store %arg17[%swap3A_583, %swap3A_584], %swap3A_587 {strides = array<i32>} : memref<24x128xf32, #tpu.memory_space<vmem>>, vector<1x16xf32>,
    %broadcast_in_dim3A_588 = arith.constant 0.000000e+00 : f32
    %broadcast_in_dim3A_589 = vector.broadcast %broadcast_in_dim3A_588 : f32 to vector<16xf32>
    %swap3A_590 = arith.constant 9 : i32
    %swap3A_591 = arith.index_cast %swap3A_590 : i32 to index
    %swap3A_592 = arith.constant 0 : index
    %swap3A_593 = tpu.vector_load %arg17[%swap3A_591, %swap3A_592] {strides = array<i32>} : memref<24x128xf32, #tpu.memory_space<vmem>>, vector<1x16xf32>,
    %swap3A_594 = vector.shape_cast %swap3A_593 : vector<1x16xf32> to vector<16xf32>
    %swap3A_595 = vector.shape_cast %broadcast_in_dim3A_589 : vector<16xf32> to vector<1x16xf32>
    tpu.vector_store %arg17[%swap3A_591, %swap3A_592], %swap3A_595 {strides = array<i32>} : memref<24x128xf32, #tpu.memory_space<vmem>>, vector<1x16xf32>,
    %broadcast_in_dim3A_596 = arith.constant 0.000000e+00 : f32
    %broadcast_in_dim3A_597 = vector.broadcast %broadcast_in_dim3A_596 : f32 to vector<16xf32>
    %swap3A_598 = arith.constant 9 : i32
    %swap3A_599 = arith.index_cast %swap3A_598 : i32 to index
    %swap3A_600 = arith.constant 16 : index
    %swap3A_601 = tpu.vector_load %arg17[%swap3A_599, %swap3A_600] {strides = array<i32>} : memref<24x128xf32, #tpu.memory_space<vmem>>, vector<1x16xf32>,
    %swap3A_602 = vector.shape_cast %swap3A_601 : vector<1x16xf32> to vector<16xf32>
    %swap3A_603 = vector.shape_cast %broadcast_in_dim3A_597 : vector<16xf32> to vector<1x16xf32>
    tpu.vector_store %arg17[%swap3A_599, %swap3A_600], %swap3A_603 {strides = array<i32>} : memref<24x128xf32, #tpu.memory_space<vmem>>, vector<1x16xf32>,
    %broadcast_in_dim3A_604 = arith.constant 0.000000e+00 : f32
    %broadcast_in_dim3A_605 = vector.broadcast %broadcast_in_dim3A_604 : f32 to vector<16xf32>
    %swap3A_606 = arith.constant 9 : i32
    %swap3A_607 = arith.index_cast %swap3A_606 : i32 to index
    %swap3A_608 = arith.constant 32 : index
    %swap3A_609 = tpu.vector_load %arg17[%swap3A_607, %swap3A_608] {strides = array<i32>} : memref<24x128xf32, #tpu.memory_space<vmem>>, vector<1x16xf32>,
    %swap3A_610 = vector.shape_cast %swap3A_609 : vector<1x16xf32> to vector<16xf32>
    %swap3A_611 = vector.shape_cast %broadcast_in_dim3A_605 : vector<16xf32> to vector<1x16xf32>
    tpu.vector_store %arg17[%swap3A_607, %swap3A_608], %swap3A_611 {strides = array<i32>} : memref<24x128xf32, #tpu.memory_space<vmem>>, vector<1x16xf32>,
    %broadcast_in_dim3A_612 = arith.constant 0.000000e+00 : f32
    %broadcast_in_dim3A_613 = vector.broadcast %broadcast_in_dim3A_612 : f32 to vector<16xf32>
    %swap3A_614 = arith.constant 9 : i32
    %swap3A_615 = arith.index_cast %swap3A_614 : i32 to index
    %swap3A_616 = arith.constant 48 : index
    %swap3A_617 = tpu.vector_load %arg17[%swap3A_615, %swap3A_616] {strides = array<i32>} : memref<24x128xf32, #tpu.memory_space<vmem>>, vector<1x16xf32>,
    %swap3A_618 = vector.shape_cast %swap3A_617 : vector<1x16xf32> to vector<16xf32>
    %swap3A_619 = vector.shape_cast %broadcast_in_dim3A_613 : vector<16xf32> to vector<1x16xf32>
    tpu.vector_store %arg17[%swap3A_615, %swap3A_616], %swap3A_619 {strides = array<i32>} : memref<24x128xf32, #tpu.memory_space<vmem>>, vector<1x16xf32>,
    %broadcast_in_dim3A_620 = arith.constant 0.000000e+00 : f32
    %broadcast_in_dim3A_621 = vector.broadcast %broadcast_in_dim3A_620 : f32 to vector<16xf32>
    %swap3A_622 = arith.constant 9 : i32
    %swap3A_623 = arith.index_cast %swap3A_622 : i32 to index
    %swap3A_624 = arith.constant 64 : index
    %swap3A_625 = tpu.vector_load %arg17[%swap3A_623, %swap3A_624] {strides = array<i32>} : memref<24x128xf32, #tpu.memory_space<vmem>>, vector<1x16xf32>,
    %swap3A_626 = vector.shape_cast %swap3A_625 : vector<1x16xf32> to vector<16xf32>
    %swap3A_627 = vector.shape_cast %broadcast_in_dim3A_621 : vector<16xf32> to vector<1x16xf32>
    tpu.vector_store %arg17[%swap3A_623, %swap3A_624], %swap3A_627 {strides = array<i32>} : memref<24x128xf32, #tpu.memory_space<vmem>>, vector<1x16xf32>,
    %broadcast_in_dim3A_628 = arith.constant 0.000000e+00 : f32
    %broadcast_in_dim3A_629 = vector.broadcast %broadcast_in_dim3A_628 : f32 to vector<16xf32>
    %swap3A_630 = arith.constant 9 : i32
    %swap3A_631 = arith.index_cast %swap3A_630 : i32 to index
    %swap3A_632 = arith.constant 80 : index
    %swap3A_633 = tpu.vector_load %arg17[%swap3A_631, %swap3A_632] {strides = array<i32>} : memref<24x128xf32, #tpu.memory_space<vmem>>, vector<1x16xf32>,
    %swap3A_634 = vector.shape_cast %swap3A_633 : vector<1x16xf32> to vector<16xf32>
    %swap3A_635 = vector.shape_cast %broadcast_in_dim3A_629 : vector<16xf32> to vector<1x16xf32>
    tpu.vector_store %arg17[%swap3A_631, %swap3A_632], %swap3A_635 {strides = array<i32>} : memref<24x128xf32, #tpu.memory_space<vmem>>, vector<1x16xf32>,
    %broadcast_in_dim3A_636 = arith.constant 0.000000e+00 : f32
    %broadcast_in_dim3A_637 = vector.broadcast %broadcast_in_dim3A_636 : f32 to vector<16xf32>
    %swap3A_638 = arith.constant 9 : i32
    %swap3A_639 = arith.index_cast %swap3A_638 : i32 to index
    %swap3A_640 = arith.constant 96 : index
    %swap3A_641 = tpu.vector_load %arg17[%swap3A_639, %swap3A_640] {strides = array<i32>} : memref<24x128xf32, #tpu.memory_space<vmem>>, vector<1x16xf32>,
    %swap3A_642 = vector.shape_cast %swap3A_641 : vector<1x16xf32> to vector<16xf32>
    %swap3A_643 = vector.shape_cast %broadcast_in_dim3A_637 : vector<16xf32> to vector<1x16xf32>
    tpu.vector_store %arg17[%swap3A_639, %swap3A_640], %swap3A_643 {strides = array<i32>} : memref<24x128xf32, #tpu.memory_space<vmem>>, vector<1x16xf32>,
    %broadcast_in_dim3A_644 = arith.constant 0.000000e+00 : f32
    %broadcast_in_dim3A_645 = vector.broadcast %broadcast_in_dim3A_644 : f32 to vector<16xf32>
    %swap3A_646 = arith.constant 9 : i32
    %swap3A_647 = arith.index_cast %swap3A_646 : i32 to index
    %swap3A_648 = arith.constant 112 : index
    %swap3A_649 = tpu.vector_load %arg17[%swap3A_647, %swap3A_648] {strides = array<i32>} : memref<24x128xf32, #tpu.memory_space<vmem>>, vector<1x16xf32>,
    %swap3A_650 = vector.shape_cast %swap3A_649 : vector<1x16xf32> to vector<16xf32>
    %swap3A_651 = vector.shape_cast %broadcast_in_dim3A_645 : vector<16xf32> to vector<1x16xf32>
    tpu.vector_store %arg17[%swap3A_647, %swap3A_648], %swap3A_651 {strides = array<i32>} : memref<24x128xf32, #tpu.memory_space<vmem>>, vector<1x16xf32>,
    %broadcast_in_dim3A_652 = arith.constant 0.000000e+00 : f32
    %broadcast_in_dim3A_653 = vector.broadcast %broadcast_in_dim3A_652 : f32 to vector<16xf32>
    %swap3A_654 = arith.constant 10 : i32
    %swap3A_655 = arith.index_cast %swap3A_654 : i32 to index
    %swap3A_656 = arith.constant 0 : index
    %swap3A_657 = tpu.vector_load %arg17[%swap3A_655, %swap3A_656] {strides = array<i32>} : memref<24x128xf32, #tpu.memory_space<vmem>>, vector<1x16xf32>,
    %swap3A_658 = vector.shape_cast %swap3A_657 : vector<1x16xf32> to vector<16xf32>
    %swap3A_659 = vector.shape_cast %broadcast_in_dim3A_653 : vector<16xf32> to vector<1x16xf32>
    tpu.vector_store %arg17[%swap3A_655, %swap3A_656], %swap3A_659 {strides = array<i32>} : memref<24x128xf32, #tpu.memory_space<vmem>>, vector<1x16xf32>,
    %broadcast_in_dim3A_660 = arith.constant 0.000000e+00 : f32
    %broadcast_in_dim3A_661 = vector.broadcast %broadcast_in_dim3A_660 : f32 to vector<16xf32>
    %swap3A_662 = arith.constant 10 : i32
    %swap3A_663 = arith.index_cast %swap3A_662 : i32 to index
    %swap3A_664 = arith.constant 16 : index
    %swap3A_665 = tpu.vector_load %arg17[%swap3A_663, %swap3A_664] {strides = array<i32>} : memref<24x128xf32, #tpu.memory_space<vmem>>, vector<1x16xf32>,
    %swap3A_666 = vector.shape_cast %swap3A_665 : vector<1x16xf32> to vector<16xf32>
    %swap3A_667 = vector.shape_cast %broadcast_in_dim3A_661 : vector<16xf32> to vector<1x16xf32>
    tpu.vector_store %arg17[%swap3A_663, %swap3A_664], %swap3A_667 {strides = array<i32>} : memref<24x128xf32, #tpu.memory_space<vmem>>, vector<1x16xf32>,
    %broadcast_in_dim3A_668 = arith.constant 0.000000e+00 : f32
    %broadcast_in_dim3A_669 = vector.broadcast %broadcast_in_dim3A_668 : f32 to vector<16xf32>
    %swap3A_670 = arith.constant 10 : i32
    %swap3A_671 = arith.index_cast %swap3A_670 : i32 to index
    %swap3A_672 = arith.constant 32 : index
    %swap3A_673 = tpu.vector_load %arg17[%swap3A_671, %swap3A_672] {strides = array<i32>} : memref<24x128xf32, #tpu.memory_space<vmem>>, vector<1x16xf32>,
    %swap3A_674 = vector.shape_cast %swap3A_673 : vector<1x16xf32> to vector<16xf32>
    %swap3A_675 = vector.shape_cast %broadcast_in_dim3A_669 : vector<16xf32> to vector<1x16xf32>
    tpu.vector_store %arg17[%swap3A_671, %swap3A_672], %swap3A_675 {strides = array<i32>} : memref<24x128xf32, #tpu.memory_space<vmem>>, vector<1x16xf32>,
    %broadcast_in_dim3A_676 = arith.constant 0.000000e+00 : f32
    %broadcast_in_dim3A_677 = vector.broadcast %broadcast_in_dim3A_676 : f32 to vector<16xf32>
    %swap3A_678 = arith.constant 10 : i32
    %swap3A_679 = arith.index_cast %swap3A_678 : i32 to index
    %swap3A_680 = arith.constant 48 : index
    %swap3A_681 = tpu.vector_load %arg17[%swap3A_679, %swap3A_680] {strides = array<i32>} : memref<24x128xf32, #tpu.memory_space<vmem>>, vector<1x16xf32>,
    %swap3A_682 = vector.shape_cast %swap3A_681 : vector<1x16xf32> to vector<16xf32>
    %swap3A_683 = vector.shape_cast %broadcast_in_dim3A_677 : vector<16xf32> to vector<1x16xf32>
    tpu.vector_store %arg17[%swap3A_679, %swap3A_680], %swap3A_683 {strides = array<i32>} : memref<24x128xf32, #tpu.memory_space<vmem>>, vector<1x16xf32>,
    %broadcast_in_dim3A_684 = arith.constant 0.000000e+00 : f32
    %broadcast_in_dim3A_685 = vector.broadcast %broadcast_in_dim3A_684 : f32 to vector<16xf32>
    %swap3A_686 = arith.constant 10 : i32
    %swap3A_687 = arith.index_cast %swap3A_686 : i32 to index
    %swap3A_688 = arith.constant 64 : index
    %swap3A_689 = tpu.vector_load %arg17[%swap3A_687, %swap3A_688] {strides = array<i32>} : memref<24x128xf32, #tpu.memory_space<vmem>>, vector<1x16xf32>,
    %swap3A_690 = vector.shape_cast %swap3A_689 : vector<1x16xf32> to vector<16xf32>
    %swap3A_691 = vector.shape_cast %broadcast_in_dim3A_685 : vector<16xf32> to vector<1x16xf32>
    tpu.vector_store %arg17[%swap3A_687, %swap3A_688], %swap3A_691 {strides = array<i32>} : memref<24x128xf32, #tpu.memory_space<vmem>>, vector<1x16xf32>,
    %broadcast_in_dim3A_692 = arith.constant 0.000000e+00 : f32
    %broadcast_in_dim3A_693 = vector.broadcast %broadcast_in_dim3A_692 : f32 to vector<16xf32>
    %swap3A_694 = arith.constant 10 : i32
    %swap3A_695 = arith.index_cast %swap3A_694 : i32 to index
    %swap3A_696 = arith.constant 80 : index
    %swap3A_697 = tpu.vector_load %arg17[%swap3A_695, %swap3A_696] {strides = array<i32>} : memref<24x128xf32, #tpu.memory_space<vmem>>, vector<1x16xf32>,
    %swap3A_698 = vector.shape_cast %swap3A_697 : vector<1x16xf32> to vector<16xf32>
    %swap3A_699 = vector.shape_cast %broadcast_in_dim3A_693 : vector<16xf32> to vector<1x16xf32>
    tpu.vector_store %arg17[%swap3A_695, %swap3A_696], %swap3A_699 {strides = array<i32>} : memref<24x128xf32, #tpu.memory_space<vmem>>, vector<1x16xf32>,
    %broadcast_in_dim3A_700 = arith.constant 0.000000e+00 : f32
    %broadcast_in_dim3A_701 = vector.broadcast %broadcast_in_dim3A_700 : f32 to vector<16xf32>
    %swap3A_702 = arith.constant 10 : i32
    %swap3A_703 = arith.index_cast %swap3A_702 : i32 to index
    %swap3A_704 = arith.constant 96 : index
    %swap3A_705 = tpu.vector_load %arg17[%swap3A_703, %swap3A_704] {strides = array<i32>} : memref<24x128xf32, #tpu.memory_space<vmem>>, vector<1x16xf32>,
    %swap3A_706 = vector.shape_cast %swap3A_705 : vector<1x16xf32> to vector<16xf32>
    %swap3A_707 = vector.shape_cast %broadcast_in_dim3A_701 : vector<16xf32> to vector<1x16xf32>
    tpu.vector_store %arg17[%swap3A_703, %swap3A_704], %swap3A_707 {strides = array<i32>} : memref<24x128xf32, #tpu.memory_space<vmem>>, vector<1x16xf32>,
    %broadcast_in_dim3A_708 = arith.constant 0.000000e+00 : f32
    %broadcast_in_dim3A_709 = vector.broadcast %broadcast_in_dim3A_708 : f32 to vector<16xf32>
    %swap3A_710 = arith.constant 10 : i32
    %swap3A_711 = arith.index_cast %swap3A_710 : i32 to index
    %swap3A_712 = arith.constant 112 : index
    %swap3A_713 = tpu.vector_load %arg17[%swap3A_711, %swap3A_712] {strides = array<i32>} : memref<24x128xf32, #tpu.memory_space<vmem>>, vector<1x16xf32>,
    %swap3A_714 = vector.shape_cast %swap3A_713 : vector<1x16xf32> to vector<16xf32>
    %swap3A_715 = vector.shape_cast %broadcast_in_dim3A_709 : vector<16xf32> to vector<1x16xf32>
    tpu.vector_store %arg17[%swap3A_711, %swap3A_712], %swap3A_715 {strides = array<i32>} : memref<24x128xf32, #tpu.memory_space<vmem>>, vector<1x16xf32>,
    %broadcast_in_dim3A_716 = arith.constant 0.000000e+00 : f32
    %broadcast_in_dim3A_717 = vector.broadcast %broadcast_in_dim3A_716 : f32 to vector<16xf32>
    %swap3A_718 = arith.constant 11 : i32
    %swap3A_719 = arith.index_cast %swap3A_718 : i32 to index
    %swap3A_720 = arith.constant 0 : index
    %swap3A_721 = tpu.vector_load %arg17[%swap3A_719, %swap3A_720] {strides = array<i32>} : memref<24x128xf32, #tpu.memory_space<vmem>>, vector<1x16xf32>,
    %swap3A_722 = vector.shape_cast %swap3A_721 : vector<1x16xf32> to vector<16xf32>
    %swap3A_723 = vector.shape_cast %broadcast_in_dim3A_717 : vector<16xf32> to vector<1x16xf32>
    tpu.vector_store %arg17[%swap3A_719, %swap3A_720], %swap3A_723 {strides = array<i32>} : memref<24x128xf32, #tpu.memory_space<vmem>>, vector<1x16xf32>,
    %broadcast_in_dim3A_724 = arith.constant 0.000000e+00 : f32
    %broadcast_in_dim3A_725 = vector.broadcast %broadcast_in_dim3A_724 : f32 to vector<16xf32>
    %swap3A_726 = arith.constant 11 : i32
    %swap3A_727 = arith.index_cast %swap3A_726 : i32 to index
    %swap3A_728 = arith.constant 16 : index
    %swap3A_729 = tpu.vector_load %arg17[%swap3A_727, %swap3A_728] {strides = array<i32>} : memref<24x128xf32, #tpu.memory_space<vmem>>, vector<1x16xf32>,
    %swap3A_730 = vector.shape_cast %swap3A_729 : vector<1x16xf32> to vector<16xf32>
    %swap3A_731 = vector.shape_cast %broadcast_in_dim3A_725 : vector<16xf32> to vector<1x16xf32>
    tpu.vector_store %arg17[%swap3A_727, %swap3A_728], %swap3A_731 {strides = array<i32>} : memref<24x128xf32, #tpu.memory_space<vmem>>, vector<1x16xf32>,
    %broadcast_in_dim3A_732 = arith.constant 0.000000e+00 : f32
    %broadcast_in_dim3A_733 = vector.broadcast %broadcast_in_dim3A_732 : f32 to vector<16xf32>
    %swap3A_734 = arith.constant 11 : i32
    %swap3A_735 = arith.index_cast %swap3A_734 : i32 to index
    %swap3A_736 = arith.constant 32 : index
    %swap3A_737 = tpu.vector_load %arg17[%swap3A_735, %swap3A_736] {strides = array<i32>} : memref<24x128xf32, #tpu.memory_space<vmem>>, vector<1x16xf32>,
    %swap3A_738 = vector.shape_cast %swap3A_737 : vector<1x16xf32> to vector<16xf32>
    %swap3A_739 = vector.shape_cast %broadcast_in_dim3A_733 : vector<16xf32> to vector<1x16xf32>
    tpu.vector_store %arg17[%swap3A_735, %swap3A_736], %swap3A_739 {strides = array<i32>} : memref<24x128xf32, #tpu.memory_space<vmem>>, vector<1x16xf32>,
    %broadcast_in_dim3A_740 = arith.constant 0.000000e+00 : f32
    %broadcast_in_dim3A_741 = vector.broadcast %broadcast_in_dim3A_740 : f32 to vector<16xf32>
    %swap3A_742 = arith.constant 11 : i32
    %swap3A_743 = arith.index_cast %swap3A_742 : i32 to index
    %swap3A_744 = arith.constant 48 : index
    %swap3A_745 = tpu.vector_load %arg17[%swap3A_743, %swap3A_744] {strides = array<i32>} : memref<24x128xf32, #tpu.memory_space<vmem>>, vector<1x16xf32>,
    %swap3A_746 = vector.shape_cast %swap3A_745 : vector<1x16xf32> to vector<16xf32>
    %swap3A_747 = vector.shape_cast %broadcast_in_dim3A_741 : vector<16xf32> to vector<1x16xf32>
    tpu.vector_store %arg17[%swap3A_743, %swap3A_744], %swap3A_747 {strides = array<i32>} : memref<24x128xf32, #tpu.memory_space<vmem>>, vector<1x16xf32>,
    %broadcast_in_dim3A_748 = arith.constant 0.000000e+00 : f32
    %broadcast_in_dim3A_749 = vector.broadcast %broadcast_in_dim3A_748 : f32 to vector<16xf32>
    %swap3A_750 = arith.constant 11 : i32
    %swap3A_751 = arith.index_cast %swap3A_750 : i32 to index
    %swap3A_752 = arith.constant 64 : index
    %swap3A_753 = tpu.vector_load %arg17[%swap3A_751, %swap3A_752] {strides = array<i32>} : memref<24x128xf32, #tpu.memory_space<vmem>>, vector<1x16xf32>,
    %swap3A_754 = vector.shape_cast %swap3A_753 : vector<1x16xf32> to vector<16xf32>
    %swap3A_755 = vector.shape_cast %broadcast_in_dim3A_749 : vector<16xf32> to vector<1x16xf32>
    tpu.vector_store %arg17[%swap3A_751, %swap3A_752], %swap3A_755 {strides = array<i32>} : memref<24x128xf32, #tpu.memory_space<vmem>>, vector<1x16xf32>,
    %broadcast_in_dim3A_756 = arith.constant 0.000000e+00 : f32
    %broadcast_in_dim3A_757 = vector.broadcast %broadcast_in_dim3A_756 : f32 to vector<16xf32>
    %swap3A_758 = arith.constant 11 : i32
    %swap3A_759 = arith.index_cast %swap3A_758 : i32 to index
    %swap3A_760 = arith.constant 80 : index
    %swap3A_761 = tpu.vector_load %arg17[%swap3A_759, %swap3A_760] {strides = array<i32>} : memref<24x128xf32, #tpu.memory_space<vmem>>, vector<1x16xf32>,
    %swap3A_762 = vector.shape_cast %swap3A_761 : vector<1x16xf32> to vector<16xf32>
    %swap3A_763 = vector.shape_cast %broadcast_in_dim3A_757 : vector<16xf32> to vector<1x16xf32>
    tpu.vector_store %arg17[%swap3A_759, %swap3A_760], %swap3A_763 {strides = array<i32>} : memref<24x128xf32, #tpu.memory_space<vmem>>, vector<1x16xf32>,
    %broadcast_in_dim3A_764 = arith.constant 0.000000e+00 : f32
    %broadcast_in_dim3A_765 = vector.broadcast %broadcast_in_dim3A_764 : f32 to vector<16xf32>
    %swap3A_766 = arith.constant 11 : i32
    %swap3A_767 = arith.index_cast %swap3A_766 : i32 to index
    %swap3A_768 = arith.constant 96 : index
    %swap3A_769 = tpu.vector_load %arg17[%swap3A_767, %swap3A_768] {strides = array<i32>} : memref<24x128xf32, #tpu.memory_space<vmem>>, vector<1x16xf32>,
    %swap3A_770 = vector.shape_cast %swap3A_769 : vector<1x16xf32> to vector<16xf32>
    %swap3A_771 = vector.shape_cast %broadcast_in_dim3A_765 : vector<16xf32> to vector<1x16xf32>
    tpu.vector_store %arg17[%swap3A_767, %swap3A_768], %swap3A_771 {strides = array<i32>} : memref<24x128xf32, #tpu.memory_space<vmem>>, vector<1x16xf32>,
    %broadcast_in_dim3A_772 = arith.constant 0.000000e+00 : f32
    %broadcast_in_dim3A_773 = vector.broadcast %broadcast_in_dim3A_772 : f32 to vector<16xf32>
    %swap3A_774 = arith.constant 11 : i32
    %swap3A_775 = arith.index_cast %swap3A_774 : i32 to index
    %swap3A_776 = arith.constant 112 : index
    %swap3A_777 = tpu.vector_load %arg17[%swap3A_775, %swap3A_776] {strides = array<i32>} : memref<24x128xf32, #tpu.memory_space<vmem>>, vector<1x16xf32>,
    %swap3A_778 = vector.shape_cast %swap3A_777 : vector<1x16xf32> to vector<16xf32>
    %swap3A_779 = vector.shape_cast %broadcast_in_dim3A_773 : vector<16xf32> to vector<1x16xf32>
    tpu.vector_store %arg17[%swap3A_775, %swap3A_776], %swap3A_779 {strides = array<i32>} : memref<24x128xf32, #tpu.memory_space<vmem>>, vector<1x16xf32>,
    %broadcast_in_dim3A_780 = arith.constant 0.000000e+00 : f32
    %broadcast_in_dim3A_781 = vector.broadcast %broadcast_in_dim3A_780 : f32 to vector<16xf32>
    %swap3A_782 = arith.constant 12 : i32
    %swap3A_783 = arith.index_cast %swap3A_782 : i32 to index
    %swap3A_784 = arith.constant 0 : index
    %swap3A_785 = tpu.vector_load %arg17[%swap3A_783, %swap3A_784] {strides = array<i32>} : memref<24x128xf32, #tpu.memory_space<vmem>>, vector<1x16xf32>,
    %swap3A_786 = vector.shape_cast %swap3A_785 : vector<1x16xf32> to vector<16xf32>
    %swap3A_787 = vector.shape_cast %broadcast_in_dim3A_781 : vector<16xf32> to vector<1x16xf32>
    tpu.vector_store %arg17[%swap3A_783, %swap3A_784], %swap3A_787 {strides = array<i32>} : memref<24x128xf32, #tpu.memory_space<vmem>>, vector<1x16xf32>,
    %broadcast_in_dim3A_788 = arith.constant 0.000000e+00 : f32
    %broadcast_in_dim3A_789 = vector.broadcast %broadcast_in_dim3A_788 : f32 to vector<16xf32>
    %swap3A_790 = arith.constant 12 : i32
    %swap3A_791 = arith.index_cast %swap3A_790 : i32 to index
    %swap3A_792 = arith.constant 16 : index
    %swap3A_793 = tpu.vector_load %arg17[%swap3A_791, %swap3A_792] {strides = array<i32>} : memref<24x128xf32, #tpu.memory_space<vmem>>, vector<1x16xf32>,
    %swap3A_794 = vector.shape_cast %swap3A_793 : vector<1x16xf32> to vector<16xf32>
    %swap3A_795 = vector.shape_cast %broadcast_in_dim3A_789 : vector<16xf32> to vector<1x16xf32>
    tpu.vector_store %arg17[%swap3A_791, %swap3A_792], %swap3A_795 {strides = array<i32>} : memref<24x128xf32, #tpu.memory_space<vmem>>, vector<1x16xf32>,
    %broadcast_in_dim3A_796 = arith.constant 0.000000e+00 : f32
    %broadcast_in_dim3A_797 = vector.broadcast %broadcast_in_dim3A_796 : f32 to vector<16xf32>
    %swap3A_798 = arith.constant 12 : i32
    %swap3A_799 = arith.index_cast %swap3A_798 : i32 to index
    %swap3A_800 = arith.constant 32 : index
    %swap3A_801 = tpu.vector_load %arg17[%swap3A_799, %swap3A_800] {strides = array<i32>} : memref<24x128xf32, #tpu.memory_space<vmem>>, vector<1x16xf32>,
    %swap3A_802 = vector.shape_cast %swap3A_801 : vector<1x16xf32> to vector<16xf32>
    %swap3A_803 = vector.shape_cast %broadcast_in_dim3A_797 : vector<16xf32> to vector<1x16xf32>
    tpu.vector_store %arg17[%swap3A_799, %swap3A_800], %swap3A_803 {strides = array<i32>} : memref<24x128xf32, #tpu.memory_space<vmem>>, vector<1x16xf32>,
    %broadcast_in_dim3A_804 = arith.constant 0.000000e+00 : f32
    %broadcast_in_dim3A_805 = vector.broadcast %broadcast_in_dim3A_804 : f32 to vector<16xf32>
    %swap3A_806 = arith.constant 12 : i32
    %swap3A_807 = arith.index_cast %swap3A_806 : i32 to index
    %swap3A_808 = arith.constant 48 : index
    %swap3A_809 = tpu.vector_load %arg17[%swap3A_807, %swap3A_808] {strides = array<i32>} : memref<24x128xf32, #tpu.memory_space<vmem>>, vector<1x16xf32>,
    %swap3A_810 = vector.shape_cast %swap3A_809 : vector<1x16xf32> to vector<16xf32>
    %swap3A_811 = vector.shape_cast %broadcast_in_dim3A_805 : vector<16xf32> to vector<1x16xf32>
    tpu.vector_store %arg17[%swap3A_807, %swap3A_808], %swap3A_811 {strides = array<i32>} : memref<24x128xf32, #tpu.memory_space<vmem>>, vector<1x16xf32>,
    %broadcast_in_dim3A_812 = arith.constant 0.000000e+00 : f32
    %broadcast_in_dim3A_813 = vector.broadcast %broadcast_in_dim3A_812 : f32 to vector<16xf32>
    %swap3A_814 = arith.constant 12 : i32
    %swap3A_815 = arith.index_cast %swap3A_814 : i32 to index
    %swap3A_816 = arith.constant 64 : index
    %swap3A_817 = tpu.vector_load %arg17[%swap3A_815, %swap3A_816] {strides = array<i32>} : memref<24x128xf32, #tpu.memory_space<vmem>>, vector<1x16xf32>,
    %swap3A_818 = vector.shape_cast %swap3A_817 : vector<1x16xf32> to vector<16xf32>
    %swap3A_819 = vector.shape_cast %broadcast_in_dim3A_813 : vector<16xf32> to vector<1x16xf32>
    tpu.vector_store %arg17[%swap3A_815, %swap3A_816], %swap3A_819 {strides = array<i32>} : memref<24x128xf32, #tpu.memory_space<vmem>>, vector<1x16xf32>,
    %broadcast_in_dim3A_820 = arith.constant 0.000000e+00 : f32
    %broadcast_in_dim3A_821 = vector.broadcast %broadcast_in_dim3A_820 : f32 to vector<16xf32>
    %swap3A_822 = arith.constant 12 : i32
    %swap3A_823 = arith.index_cast %swap3A_822 : i32 to index
    %swap3A_824 = arith.constant 80 : index
    %swap3A_825 = tpu.vector_load %arg17[%swap3A_823, %swap3A_824] {strides = array<i32>} : memref<24x128xf32, #tpu.memory_space<vmem>>, vector<1x16xf32>,
    %swap3A_826 = vector.shape_cast %swap3A_825 : vector<1x16xf32> to vector<16xf32>
    %swap3A_827 = vector.shape_cast %broadcast_in_dim3A_821 : vector<16xf32> to vector<1x16xf32>
    tpu.vector_store %arg17[%swap3A_823, %swap3A_824], %swap3A_827 {strides = array<i32>} : memref<24x128xf32, #tpu.memory_space<vmem>>, vector<1x16xf32>,
    %broadcast_in_dim3A_828 = arith.constant 0.000000e+00 : f32
    %broadcast_in_dim3A_829 = vector.broadcast %broadcast_in_dim3A_828 : f32 to vector<16xf32>
    %swap3A_830 = arith.constant 12 : i32
    %swap3A_831 = arith.index_cast %swap3A_830 : i32 to index
    %swap3A_832 = arith.constant 96 : index
    %swap3A_833 = tpu.vector_load %arg17[%swap3A_831, %swap3A_832] {strides = array<i32>} : memref<24x128xf32, #tpu.memory_space<vmem>>, vector<1x16xf32>,
    %swap3A_834 = vector.shape_cast %swap3A_833 : vector<1x16xf32> to vector<16xf32>
    %swap3A_835 = vector.shape_cast %broadcast_in_dim3A_829 : vector<16xf32> to vector<1x16xf32>
    tpu.vector_store %arg17[%swap3A_831, %swap3A_832], %swap3A_835 {strides = array<i32>} : memref<24x128xf32, #tpu.memory_space<vmem>>, vector<1x16xf32>,
    %broadcast_in_dim3A_836 = arith.constant 0.000000e+00 : f32
    %broadcast_in_dim3A_837 = vector.broadcast %broadcast_in_dim3A_836 : f32 to vector<16xf32>
    %swap3A_838 = arith.constant 12 : i32
    %swap3A_839 = arith.index_cast %swap3A_838 : i32 to index
    %swap3A_840 = arith.constant 112 : index
    %swap3A_841 = tpu.vector_load %arg17[%swap3A_839, %swap3A_840] {strides = array<i32>} : memref<24x128xf32, #tpu.memory_space<vmem>>, vector<1x16xf32>,
    %swap3A_842 = vector.shape_cast %swap3A_841 : vector<1x16xf32> to vector<16xf32>
    %swap3A_843 = vector.shape_cast %broadcast_in_dim3A_837 : vector<16xf32> to vector<1x16xf32>
    tpu.vector_store %arg17[%swap3A_839, %swap3A_840], %swap3A_843 {strides = array<i32>} : memref<24x128xf32, #tpu.memory_space<vmem>>, vector<1x16xf32>,
    %broadcast_in_dim3A_844 = arith.constant 0.000000e+00 : f32
    %broadcast_in_dim3A_845 = vector.broadcast %broadcast_in_dim3A_844 : f32 to vector<16xf32>
    %swap3A_846 = arith.constant 13 : i32
    %swap3A_847 = arith.index_cast %swap3A_846 : i32 to index
    %swap3A_848 = arith.constant 0 : index
    %swap3A_849 = tpu.vector_load %arg17[%swap3A_847, %swap3A_848] {strides = array<i32>} : memref<24x128xf32, #tpu.memory_space<vmem>>, vector<1x16xf32>,
    %swap3A_850 = vector.shape_cast %swap3A_849 : vector<1x16xf32> to vector<16xf32>
    %swap3A_851 = vector.shape_cast %broadcast_in_dim3A_845 : vector<16xf32> to vector<1x16xf32>
    tpu.vector_store %arg17[%swap3A_847, %swap3A_848], %swap3A_851 {strides = array<i32>} : memref<24x128xf32, #tpu.memory_space<vmem>>, vector<1x16xf32>,
    %broadcast_in_dim3A_852 = arith.constant 0.000000e+00 : f32
    %broadcast_in_dim3A_853 = vector.broadcast %broadcast_in_dim3A_852 : f32 to vector<16xf32>
    %swap3A_854 = arith.constant 13 : i32
    %swap3A_855 = arith.index_cast %swap3A_854 : i32 to index
    %swap3A_856 = arith.constant 16 : index
    %swap3A_857 = tpu.vector_load %arg17[%swap3A_855, %swap3A_856] {strides = array<i32>} : memref<24x128xf32, #tpu.memory_space<vmem>>, vector<1x16xf32>,
    %swap3A_858 = vector.shape_cast %swap3A_857 : vector<1x16xf32> to vector<16xf32>
    %swap3A_859 = vector.shape_cast %broadcast_in_dim3A_853 : vector<16xf32> to vector<1x16xf32>
    tpu.vector_store %arg17[%swap3A_855, %swap3A_856], %swap3A_859 {strides = array<i32>} : memref<24x128xf32, #tpu.memory_space<vmem>>, vector<1x16xf32>,
    %broadcast_in_dim3A_860 = arith.constant 0.000000e+00 : f32
    %broadcast_in_dim3A_861 = vector.broadcast %broadcast_in_dim3A_860 : f32 to vector<16xf32>
    %swap3A_862 = arith.constant 13 : i32
    %swap3A_863 = arith.index_cast %swap3A_862 : i32 to index
    %swap3A_864 = arith.constant 32 : index
    %swap3A_865 = tpu.vector_load %arg17[%swap3A_863, %swap3A_864] {strides = array<i32>} : memref<24x128xf32, #tpu.memory_space<vmem>>, vector<1x16xf32>,
    %swap3A_866 = vector.shape_cast %swap3A_865 : vector<1x16xf32> to vector<16xf32>
    %swap3A_867 = vector.shape_cast %broadcast_in_dim3A_861 : vector<16xf32> to vector<1x16xf32>
    tpu.vector_store %arg17[%swap3A_863, %swap3A_864], %swap3A_867 {strides = array<i32>} : memref<24x128xf32, #tpu.memory_space<vmem>>, vector<1x16xf32>,
    %broadcast_in_dim3A_868 = arith.constant 0.000000e+00 : f32
    %broadcast_in_dim3A_869 = vector.broadcast %broadcast_in_dim3A_868 : f32 to vector<16xf32>
    %swap3A_870 = arith.constant 13 : i32
    %swap3A_871 = arith.index_cast %swap3A_870 : i32 to index
    %swap3A_872 = arith.constant 48 : index
    %swap3A_873 = tpu.vector_load %arg17[%swap3A_871, %swap3A_872] {strides = array<i32>} : memref<24x128xf32, #tpu.memory_space<vmem>>, vector<1x16xf32>,
    %swap3A_874 = vector.shape_cast %swap3A_873 : vector<1x16xf32> to vector<16xf32>
    %swap3A_875 = vector.shape_cast %broadcast_in_dim3A_869 : vector<16xf32> to vector<1x16xf32>
    tpu.vector_store %arg17[%swap3A_871, %swap3A_872], %swap3A_875 {strides = array<i32>} : memref<24x128xf32, #tpu.memory_space<vmem>>, vector<1x16xf32>,
    %broadcast_in_dim3A_876 = arith.constant 0.000000e+00 : f32
    %broadcast_in_dim3A_877 = vector.broadcast %broadcast_in_dim3A_876 : f32 to vector<16xf32>
    %swap3A_878 = arith.constant 13 : i32
    %swap3A_879 = arith.index_cast %swap3A_878 : i32 to index
    %swap3A_880 = arith.constant 64 : index
    %swap3A_881 = tpu.vector_load %arg17[%swap3A_879, %swap3A_880] {strides = array<i32>} : memref<24x128xf32, #tpu.memory_space<vmem>>, vector<1x16xf32>,
    %swap3A_882 = vector.shape_cast %swap3A_881 : vector<1x16xf32> to vector<16xf32>
    %swap3A_883 = vector.shape_cast %broadcast_in_dim3A_877 : vector<16xf32> to vector<1x16xf32>
    tpu.vector_store %arg17[%swap3A_879, %swap3A_880], %swap3A_883 {strides = array<i32>} : memref<24x128xf32, #tpu.memory_space<vmem>>, vector<1x16xf32>,
    %broadcast_in_dim3A_884 = arith.constant 0.000000e+00 : f32
    %broadcast_in_dim3A_885 = vector.broadcast %broadcast_in_dim3A_884 : f32 to vector<16xf32>
    %swap3A_886 = arith.constant 13 : i32
    %swap3A_887 = arith.index_cast %swap3A_886 : i32 to index
    %swap3A_888 = arith.constant 80 : index
    %swap3A_889 = tpu.vector_load %arg17[%swap3A_887, %swap3A_888] {strides = array<i32>} : memref<24x128xf32, #tpu.memory_space<vmem>>, vector<1x16xf32>,
    %swap3A_890 = vector.shape_cast %swap3A_889 : vector<1x16xf32> to vector<16xf32>
    %swap3A_891 = vector.shape_cast %broadcast_in_dim3A_885 : vector<16xf32> to vector<1x16xf32>
    tpu.vector_store %arg17[%swap3A_887, %swap3A_888], %swap3A_891 {strides = array<i32>} : memref<24x128xf32, #tpu.memory_space<vmem>>, vector<1x16xf32>,
    %broadcast_in_dim3A_892 = arith.constant 0.000000e+00 : f32
    %broadcast_in_dim3A_893 = vector.broadcast %broadcast_in_dim3A_892 : f32 to vector<16xf32>
    %swap3A_894 = arith.constant 13 : i32
    %swap3A_895 = arith.index_cast %swap3A_894 : i32 to index
    %swap3A_896 = arith.constant 96 : index
    %swap3A_897 = tpu.vector_load %arg17[%swap3A_895, %swap3A_896] {strides = array<i32>} : memref<24x128xf32, #tpu.memory_space<vmem>>, vector<1x16xf32>,
    %swap3A_898 = vector.shape_cast %swap3A_897 : vector<1x16xf32> to vector<16xf32>
    %swap3A_899 = vector.shape_cast %broadcast_in_dim3A_893 : vector<16xf32> to vector<1x16xf32>
    tpu.vector_store %arg17[%swap3A_895, %swap3A_896], %swap3A_899 {strides = array<i32>} : memref<24x128xf32, #tpu.memory_space<vmem>>, vector<1x16xf32>,
    %broadcast_in_dim3A_900 = arith.constant 0.000000e+00 : f32
    %broadcast_in_dim3A_901 = vector.broadcast %broadcast_in_dim3A_900 : f32 to vector<16xf32>
    %swap3A_902 = arith.constant 13 : i32
    %swap3A_903 = arith.index_cast %swap3A_902 : i32 to index
    %swap3A_904 = arith.constant 112 : index
    %swap3A_905 = tpu.vector_load %arg17[%swap3A_903, %swap3A_904] {strides = array<i32>} : memref<24x128xf32, #tpu.memory_space<vmem>>, vector<1x16xf32>,
    %swap3A_906 = vector.shape_cast %swap3A_905 : vector<1x16xf32> to vector<16xf32>
    %swap3A_907 = vector.shape_cast %broadcast_in_dim3A_901 : vector<16xf32> to vector<1x16xf32>
    tpu.vector_store %arg17[%swap3A_903, %swap3A_904], %swap3A_907 {strides = array<i32>} : memref<24x128xf32, #tpu.memory_space<vmem>>, vector<1x16xf32>,
    %broadcast_in_dim3A_908 = arith.constant 0.000000e+00 : f32
    %broadcast_in_dim3A_909 = vector.broadcast %broadcast_in_dim3A_908 : f32 to vector<16xf32>
    %swap3A_910 = arith.constant 14 : i32
    %swap3A_911 = arith.index_cast %swap3A_910 : i32 to index
    %swap3A_912 = arith.constant 0 : index
    %swap3A_913 = tpu.vector_load %arg17[%swap3A_911, %swap3A_912] {strides = array<i32>} : memref<24x128xf32, #tpu.memory_space<vmem>>, vector<1x16xf32>,
    %swap3A_914 = vector.shape_cast %swap3A_913 : vector<1x16xf32> to vector<16xf32>
    %swap3A_915 = vector.shape_cast %broadcast_in_dim3A_909 : vector<16xf32> to vector<1x16xf32>
    tpu.vector_store %arg17[%swap3A_911, %swap3A_912], %swap3A_915 {strides = array<i32>} : memref<24x128xf32, #tpu.memory_space<vmem>>, vector<1x16xf32>,
    %broadcast_in_dim3A_916 = arith.constant 0.000000e+00 : f32
    %broadcast_in_dim3A_917 = vector.broadcast %broadcast_in_dim3A_916 : f32 to vector<16xf32>
    %swap3A_918 = arith.constant 14 : i32
    %swap3A_919 = arith.index_cast %swap3A_918 : i32 to index
    %swap3A_920 = arith.constant 16 : index
    %swap3A_921 = tpu.vector_load %arg17[%swap3A_919, %swap3A_920] {strides = array<i32>} : memref<24x128xf32, #tpu.memory_space<vmem>>, vector<1x16xf32>,
    %swap3A_922 = vector.shape_cast %swap3A_921 : vector<1x16xf32> to vector<16xf32>
    %swap3A_923 = vector.shape_cast %broadcast_in_dim3A_917 : vector<16xf32> to vector<1x16xf32>
    tpu.vector_store %arg17[%swap3A_919, %swap3A_920], %swap3A_923 {strides = array<i32>} : memref<24x128xf32, #tpu.memory_space<vmem>>, vector<1x16xf32>,
    %broadcast_in_dim3A_924 = arith.constant 0.000000e+00 : f32
    %broadcast_in_dim3A_925 = vector.broadcast %broadcast_in_dim3A_924 : f32 to vector<16xf32>
    %swap3A_926 = arith.constant 14 : i32
    %swap3A_927 = arith.index_cast %swap3A_926 : i32 to index
    %swap3A_928 = arith.constant 32 : index
    %swap3A_929 = tpu.vector_load %arg17[%swap3A_927, %swap3A_928] {strides = array<i32>} : memref<24x128xf32, #tpu.memory_space<vmem>>, vector<1x16xf32>,
    %swap3A_930 = vector.shape_cast %swap3A_929 : vector<1x16xf32> to vector<16xf32>
    %swap3A_931 = vector.shape_cast %broadcast_in_dim3A_925 : vector<16xf32> to vector<1x16xf32>
    tpu.vector_store %arg17[%swap3A_927, %swap3A_928], %swap3A_931 {strides = array<i32>} : memref<24x128xf32, #tpu.memory_space<vmem>>, vector<1x16xf32>,
    %broadcast_in_dim3A_932 = arith.constant 0.000000e+00 : f32
    %broadcast_in_dim3A_933 = vector.broadcast %broadcast_in_dim3A_932 : f32 to vector<16xf32>
    %swap3A_934 = arith.constant 14 : i32
    %swap3A_935 = arith.index_cast %swap3A_934 : i32 to index
    %swap3A_936 = arith.constant 48 : index
    %swap3A_937 = tpu.vector_load %arg17[%swap3A_935, %swap3A_936] {strides = array<i32>} : memref<24x128xf32, #tpu.memory_space<vmem>>, vector<1x16xf32>,
    %swap3A_938 = vector.shape_cast %swap3A_937 : vector<1x16xf32> to vector<16xf32>
    %swap3A_939 = vector.shape_cast %broadcast_in_dim3A_933 : vector<16xf32> to vector<1x16xf32>
    tpu.vector_store %arg17[%swap3A_935, %swap3A_936], %swap3A_939 {strides = array<i32>} : memref<24x128xf32, #tpu.memory_space<vmem>>, vector<1x16xf32>,
    %broadcast_in_dim3A_940 = arith.constant 0.000000e+00 : f32
    %broadcast_in_dim3A_941 = vector.broadcast %broadcast_in_dim3A_940 : f32 to vector<16xf32>
    %swap3A_942 = arith.constant 14 : i32
    %swap3A_943 = arith.index_cast %swap3A_942 : i32 to index
    %swap3A_944 = arith.constant 64 : index
    %swap3A_945 = tpu.vector_load %arg17[%swap3A_943, %swap3A_944] {strides = array<i32>} : memref<24x128xf32, #tpu.memory_space<vmem>>, vector<1x16xf32>,
    %swap3A_946 = vector.shape_cast %swap3A_945 : vector<1x16xf32> to vector<16xf32>
    %swap3A_947 = vector.shape_cast %broadcast_in_dim3A_941 : vector<16xf32> to vector<1x16xf32>
    tpu.vector_store %arg17[%swap3A_943, %swap3A_944], %swap3A_947 {strides = array<i32>} : memref<24x128xf32, #tpu.memory_space<vmem>>, vector<1x16xf32>,
    %broadcast_in_dim3A_948 = arith.constant 0.000000e+00 : f32
    %broadcast_in_dim3A_949 = vector.broadcast %broadcast_in_dim3A_948 : f32 to vector<16xf32>
    %swap3A_950 = arith.constant 14 : i32
    %swap3A_951 = arith.index_cast %swap3A_950 : i32 to index
    %swap3A_952 = arith.constant 80 : index
    %swap3A_953 = tpu.vector_load %arg17[%swap3A_951, %swap3A_952] {strides = array<i32>} : memref<24x128xf32, #tpu.memory_space<vmem>>, vector<1x16xf32>,
    %swap3A_954 = vector.shape_cast %swap3A_953 : vector<1x16xf32> to vector<16xf32>
    %swap3A_955 = vector.shape_cast %broadcast_in_dim3A_949 : vector<16xf32> to vector<1x16xf32>
    tpu.vector_store %arg17[%swap3A_951, %swap3A_952], %swap3A_955 {strides = array<i32>} : memref<24x128xf32, #tpu.memory_space<vmem>>, vector<1x16xf32>,
    %broadcast_in_dim3A_956 = arith.constant 0.000000e+00 : f32
    %broadcast_in_dim3A_957 = vector.broadcast %broadcast_in_dim3A_956 : f32 to vector<16xf32>
    %swap3A_958 = arith.constant 14 : i32
    %swap3A_959 = arith.index_cast %swap3A_958 : i32 to index
    %swap3A_960 = arith.constant 96 : index
    %swap3A_961 = tpu.vector_load %arg17[%swap3A_959, %swap3A_960] {strides = array<i32>} : memref<24x128xf32, #tpu.memory_space<vmem>>, vector<1x16xf32>,
    %swap3A_962 = vector.shape_cast %swap3A_961 : vector<1x16xf32> to vector<16xf32>
    %swap3A_963 = vector.shape_cast %broadcast_in_dim3A_957 : vector<16xf32> to vector<1x16xf32>
    tpu.vector_store %arg17[%swap3A_959, %swap3A_960], %swap3A_963 {strides = array<i32>} : memref<24x128xf32, #tpu.memory_space<vmem>>, vector<1x16xf32>,
    %broadcast_in_dim3A_964 = arith.constant 0.000000e+00 : f32
    %broadcast_in_dim3A_965 = vector.broadcast %broadcast_in_dim3A_964 : f32 to vector<16xf32>
    %swap3A_966 = arith.constant 14 : i32
    %swap3A_967 = arith.index_cast %swap3A_966 : i32 to index
    %swap3A_968 = arith.constant 112 : index
    %swap3A_969 = tpu.vector_load %arg17[%swap3A_967, %swap3A_968] {strides = array<i32>} : memref<24x128xf32, #tpu.memory_space<vmem>>, vector<1x16xf32>,
    %swap3A_970 = vector.shape_cast %swap3A_969 : vector<1x16xf32> to vector<16xf32>
    %swap3A_971 = vector.shape_cast %broadcast_in_dim3A_965 : vector<16xf32> to vector<1x16xf32>
    tpu.vector_store %arg17[%swap3A_967, %swap3A_968], %swap3A_971 {strides = array<i32>} : memref<24x128xf32, #tpu.memory_space<vmem>>, vector<1x16xf32>,
    %broadcast_in_dim3A_972 = arith.constant 0.000000e+00 : f32
    %broadcast_in_dim3A_973 = vector.broadcast %broadcast_in_dim3A_972 : f32 to vector<16xf32>
    %swap3A_974 = arith.constant 15 : i32
    %swap3A_975 = arith.index_cast %swap3A_974 : i32 to index
    %swap3A_976 = arith.constant 0 : index
    %swap3A_977 = tpu.vector_load %arg17[%swap3A_975, %swap3A_976] {strides = array<i32>} : memref<24x128xf32, #tpu.memory_space<vmem>>, vector<1x16xf32>,
    %swap3A_978 = vector.shape_cast %swap3A_977 : vector<1x16xf32> to vector<16xf32>
    %swap3A_979 = vector.shape_cast %broadcast_in_dim3A_973 : vector<16xf32> to vector<1x16xf32>
    tpu.vector_store %arg17[%swap3A_975, %swap3A_976], %swap3A_979 {strides = array<i32>} : memref<24x128xf32, #tpu.memory_space<vmem>>, vector<1x16xf32>,
    %broadcast_in_dim3A_980 = arith.constant 0.000000e+00 : f32
    %broadcast_in_dim3A_981 = vector.broadcast %broadcast_in_dim3A_980 : f32 to vector<16xf32>
    %swap3A_982 = arith.constant 15 : i32
    %swap3A_983 = arith.index_cast %swap3A_982 : i32 to index
    %swap3A_984 = arith.constant 16 : index
    %swap3A_985 = tpu.vector_load %arg17[%swap3A_983, %swap3A_984] {strides = array<i32>} : memref<24x128xf32, #tpu.memory_space<vmem>>, vector<1x16xf32>,
    %swap3A_986 = vector.shape_cast %swap3A_985 : vector<1x16xf32> to vector<16xf32>
    %swap3A_987 = vector.shape_cast %broadcast_in_dim3A_981 : vector<16xf32> to vector<1x16xf32>
    tpu.vector_store %arg17[%swap3A_983, %swap3A_984], %swap3A_987 {strides = array<i32>} : memref<24x128xf32, #tpu.memory_space<vmem>>, vector<1x16xf32>,
    %broadcast_in_dim3A_988 = arith.constant 0.000000e+00 : f32
    %broadcast_in_dim3A_989 = vector.broadcast %broadcast_in_dim3A_988 : f32 to vector<16xf32>
    %swap3A_990 = arith.constant 15 : i32
    %swap3A_991 = arith.index_cast %swap3A_990 : i32 to index
    %swap3A_992 = arith.constant 32 : index
    %swap3A_993 = tpu.vector_load %arg17[%swap3A_991, %swap3A_992] {strides = array<i32>} : memref<24x128xf32, #tpu.memory_space<vmem>>, vector<1x16xf32>,
    %swap3A_994 = vector.shape_cast %swap3A_993 : vector<1x16xf32> to vector<16xf32>
    %swap3A_995 = vector.shape_cast %broadcast_in_dim3A_989 : vector<16xf32> to vector<1x16xf32>
    tpu.vector_store %arg17[%swap3A_991, %swap3A_992], %swap3A_995 {strides = array<i32>} : memref<24x128xf32, #tpu.memory_space<vmem>>, vector<1x16xf32>,
    %broadcast_in_dim3A_996 = arith.constant 0.000000e+00 : f32
    %broadcast_in_dim3A_997 = vector.broadcast %broadcast_in_dim3A_996 : f32 to vector<16xf32>
    %swap3A_998 = arith.constant 15 : i32
    %swap3A_999 = arith.index_cast %swap3A_998 : i32 to index
    %swap3A_1000 = arith.constant 48 : index
    %swap3A_1001 = tpu.vector_load %arg17[%swap3A_999, %swap3A_1000] {strides = array<i32>} : memref<24x128xf32, #tpu.memory_space<vmem>>, vector<1x16xf32>,
    %swap3A_1002 = vector.shape_cast %swap3A_1001 : vector<1x16xf32> to vector<16xf32>
    %swap3A_1003 = vector.shape_cast %broadcast_in_dim3A_997 : vector<16xf32> to vector<1x16xf32>
    tpu.vector_store %arg17[%swap3A_999, %swap3A_1000], %swap3A_1003 {strides = array<i32>} : memref<24x128xf32, #tpu.memory_space<vmem>>, vector<1x16xf32>,
    %broadcast_in_dim3A_1004 = arith.constant 0.000000e+00 : f32
    %broadcast_in_dim3A_1005 = vector.broadcast %broadcast_in_dim3A_1004 : f32 to vector<16xf32>
    %swap3A_1006 = arith.constant 15 : i32
    %swap3A_1007 = arith.index_cast %swap3A_1006 : i32 to index
    %swap3A_1008 = arith.constant 64 : index
    %swap3A_1009 = tpu.vector_load %arg17[%swap3A_1007, %swap3A_1008] {strides = array<i32>} : memref<24x128xf32, #tpu.memory_space<vmem>>, vector<1x16xf32>,
    %swap3A_1010 = vector.shape_cast %swap3A_1009 : vector<1x16xf32> to vector<16xf32>
    %swap3A_1011 = vector.shape_cast %broadcast_in_dim3A_1005 : vector<16xf32> to vector<1x16xf32>
    tpu.vector_store %arg17[%swap3A_1007, %swap3A_1008], %swap3A_1011 {strides = array<i32>} : memref<24x128xf32, #tpu.memory_space<vmem>>, vector<1x16xf32>,
    %broadcast_in_dim3A_1012 = arith.constant 0.000000e+00 : f32
    %broadcast_in_dim3A_1013 = vector.broadcast %broadcast_in_dim3A_1012 : f32 to vector<16xf32>
    %swap3A_1014 = arith.constant 15 : i32
    %swap3A_1015 = arith.index_cast %swap3A_1014 : i32 to index
    %swap3A_1016 = arith.constant 80 : index
    %swap3A_1017 = tpu.vector_load %arg17[%swap3A_1015, %swap3A_1016] {strides = array<i32>} : memref<24x128xf32, #tpu.memory_space<vmem>>, vector<1x16xf32>,
    %swap3A_1018 = vector.shape_cast %swap3A_1017 : vector<1x16xf32> to vector<16xf32>
    %swap3A_1019 = vector.shape_cast %broadcast_in_dim3A_1013 : vector<16xf32> to vector<1x16xf32>
    tpu.vector_store %arg17[%swap3A_1015, %swap3A_1016], %swap3A_1019 {strides = array<i32>} : memref<24x128xf32, #tpu.memory_space<vmem>>, vector<1x16xf32>,
    %broadcast_in_dim3A_1020 = arith.constant 0.000000e+00 : f32
    %broadcast_in_dim3A_1021 = vector.broadcast %broadcast_in_dim3A_1020 : f32 to vector<16xf32>
    %swap3A_1022 = arith.constant 15 : i32
    %swap3A_1023 = arith.index_cast %swap3A_1022 : i32 to index
    %swap3A_1024 = arith.constant 96 : index
    %swap3A_1025 = tpu.vector_load %arg17[%swap3A_1023, %swap3A_1024] {strides = array<i32>} : memref<24x128xf32, #tpu.memory_space<vmem>>, vector<1x16xf32>,
    %swap3A_1026 = vector.shape_cast %swap3A_1025 : vector<1x16xf32> to vector<16xf32>
    %swap3A_1027 = vector.shape_cast %broadcast_in_dim3A_1021 : vector<16xf32> to vector<1x16xf32>
    tpu.vector_store %arg17[%swap3A_1023, %swap3A_1024], %swap3A_1027 {strides = array<i32>} : memref<24x128xf32, #tpu.memory_space<vmem>>, vector<1x16xf32>,
    %broadcast_in_dim3A_1028 = arith.constant 0.000000e+00 : f32
    %broadcast_in_dim3A_1029 = vector.broadcast %broadcast_in_dim3A_1028 : f32 to vector<16xf32>
    %swap3A_1030 = arith.constant 15 : i32
    %swap3A_1031 = arith.index_cast %swap3A_1030 : i32 to index
    %swap3A_1032 = arith.constant 112 : index
    %swap3A_1033 = tpu.vector_load %arg17[%swap3A_1031, %swap3A_1032] {strides = array<i32>} : memref<24x128xf32, #tpu.memory_space<vmem>>, vector<1x16xf32>,
    %swap3A_1034 = vector.shape_cast %swap3A_1033 : vector<1x16xf32> to vector<16xf32>
    %swap3A_1035 = vector.shape_cast %broadcast_in_dim3A_1029 : vector<16xf32> to vector<1x16xf32>
    tpu.vector_store %arg17[%swap3A_1031, %swap3A_1032], %swap3A_1035 {strides = array<i32>} : memref<24x128xf32, #tpu.memory_space<vmem>>, vector<1x16xf32>,
    %broadcast_in_dim3A_1036 = arith.constant 0.000000e+00 : f32
    %broadcast_in_dim3A_1037 = vector.broadcast %broadcast_in_dim3A_1036 : f32 to vector<16xf32>
    %swap3A_1038 = arith.constant 16 : i32
    %swap3A_1039 = arith.index_cast %swap3A_1038 : i32 to index
    %swap3A_1040 = arith.constant 0 : index
    %swap3A_1041 = tpu.vector_load %arg17[%swap3A_1039, %swap3A_1040] {strides = array<i32>} : memref<24x128xf32, #tpu.memory_space<vmem>>, vector<1x16xf32>,
    %swap3A_1042 = vector.shape_cast %swap3A_1041 : vector<1x16xf32> to vector<16xf32>
    %swap3A_1043 = vector.shape_cast %broadcast_in_dim3A_1037 : vector<16xf32> to vector<1x16xf32>
    tpu.vector_store %arg17[%swap3A_1039, %swap3A_1040], %swap3A_1043 {strides = array<i32>} : memref<24x128xf32, #tpu.memory_space<vmem>>, vector<1x16xf32>,
    %broadcast_in_dim3A_1044 = arith.constant 0.000000e+00 : f32
    %broadcast_in_dim3A_1045 = vector.broadcast %broadcast_in_dim3A_1044 : f32 to vector<16xf32>
    %swap3A_1046 = arith.constant 16 : i32
    %swap3A_1047 = arith.index_cast %swap3A_1046 : i32 to index
    %swap3A_1048 = arith.constant 16 : index
    %swap3A_1049 = tpu.vector_load %arg17[%swap3A_1047, %swap3A_1048] {strides = array<i32>} : memref<24x128xf32, #tpu.memory_space<vmem>>, vector<1x16xf32>,
    %swap3A_1050 = vector.shape_cast %swap3A_1049 : vector<1x16xf32> to vector<16xf32>
    %swap3A_1051 = vector.shape_cast %broadcast_in_dim3A_1045 : vector<16xf32> to vector<1x16xf32>
    tpu.vector_store %arg17[%swap3A_1047, %swap3A_1048], %swap3A_1051 {strides = array<i32>} : memref<24x128xf32, #tpu.memory_space<vmem>>, vector<1x16xf32>,
    %broadcast_in_dim3A_1052 = arith.constant 0.000000e+00 : f32
    %broadcast_in_dim3A_1053 = vector.broadcast %broadcast_in_dim3A_1052 : f32 to vector<16xf32>
    %swap3A_1054 = arith.constant 16 : i32
    %swap3A_1055 = arith.index_cast %swap3A_1054 : i32 to index
    %swap3A_1056 = arith.constant 32 : index
    %swap3A_1057 = tpu.vector_load %arg17[%swap3A_1055, %swap3A_1056] {strides = array<i32>} : memref<24x128xf32, #tpu.memory_space<vmem>>, vector<1x16xf32>,
    %swap3A_1058 = vector.shape_cast %swap3A_1057 : vector<1x16xf32> to vector<16xf32>
    %swap3A_1059 = vector.shape_cast %broadcast_in_dim3A_1053 : vector<16xf32> to vector<1x16xf32>
    tpu.vector_store %arg17[%swap3A_1055, %swap3A_1056], %swap3A_1059 {strides = array<i32>} : memref<24x128xf32, #tpu.memory_space<vmem>>, vector<1x16xf32>,
    %broadcast_in_dim3A_1060 = arith.constant 0.000000e+00 : f32
    %broadcast_in_dim3A_1061 = vector.broadcast %broadcast_in_dim3A_1060 : f32 to vector<16xf32>
    %swap3A_1062 = arith.constant 16 : i32
    %swap3A_1063 = arith.index_cast %swap3A_1062 : i32 to index
    %swap3A_1064 = arith.constant 48 : index
    %swap3A_1065 = tpu.vector_load %arg17[%swap3A_1063, %swap3A_1064] {strides = array<i32>} : memref<24x128xf32, #tpu.memory_space<vmem>>, vector<1x16xf32>,
    %swap3A_1066 = vector.shape_cast %swap3A_1065 : vector<1x16xf32> to vector<16xf32>
    %swap3A_1067 = vector.shape_cast %broadcast_in_dim3A_1061 : vector<16xf32> to vector<1x16xf32>
    tpu.vector_store %arg17[%swap3A_1063, %swap3A_1064], %swap3A_1067 {strides = array<i32>} : memref<24x128xf32, #tpu.memory_space<vmem>>, vector<1x16xf32>,
    %broadcast_in_dim3A_1068 = arith.constant 0.000000e+00 : f32
    %broadcast_in_dim3A_1069 = vector.broadcast %broadcast_in_dim3A_1068 : f32 to vector<16xf32>
    %swap3A_1070 = arith.constant 16 : i32
    %swap3A_1071 = arith.index_cast %swap3A_1070 : i32 to index
    %swap3A_1072 = arith.constant 64 : index
    %swap3A_1073 = tpu.vector_load %arg17[%swap3A_1071, %swap3A_1072] {strides = array<i32>} : memref<24x128xf32, #tpu.memory_space<vmem>>, vector<1x16xf32>,
    %swap3A_1074 = vector.shape_cast %swap3A_1073 : vector<1x16xf32> to vector<16xf32>
    %swap3A_1075 = vector.shape_cast %broadcast_in_dim3A_1069 : vector<16xf32> to vector<1x16xf32>
    tpu.vector_store %arg17[%swap3A_1071, %swap3A_1072], %swap3A_1075 {strides = array<i32>} : memref<24x128xf32, #tpu.memory_space<vmem>>, vector<1x16xf32>,
    %broadcast_in_dim3A_1076 = arith.constant 0.000000e+00 : f32
    %broadcast_in_dim3A_1077 = vector.broadcast %broadcast_in_dim3A_1076 : f32 to vector<16xf32>
    %swap3A_1078 = arith.constant 16 : i32
    %swap3A_1079 = arith.index_cast %swap3A_1078 : i32 to index
    %swap3A_1080 = arith.constant 80 : index
    %swap3A_1081 = tpu.vector_load %arg17[%swap3A_1079, %swap3A_1080] {strides = array<i32>} : memref<24x128xf32, #tpu.memory_space<vmem>>, vector<1x16xf32>,
    %swap3A_1082 = vector.shape_cast %swap3A_1081 : vector<1x16xf32> to vector<16xf32>
    %swap3A_1083 = vector.shape_cast %broadcast_in_dim3A_1077 : vector<16xf32> to vector<1x16xf32>
    tpu.vector_store %arg17[%swap3A_1079, %swap3A_1080], %swap3A_1083 {strides = array<i32>} : memref<24x128xf32, #tpu.memory_space<vmem>>, vector<1x16xf32>,
    %broadcast_in_dim3A_1084 = arith.constant 0.000000e+00 : f32
    %broadcast_in_dim3A_1085 = vector.broadcast %broadcast_in_dim3A_1084 : f32 to vector<16xf32>
    %swap3A_1086 = arith.constant 16 : i32
    %swap3A_1087 = arith.index_cast %swap3A_1086 : i32 to index
    %swap3A_1088 = arith.constant 96 : index
    %swap3A_1089 = tpu.vector_load %arg17[%swap3A_1087, %swap3A_1088] {strides = array<i32>} : memref<24x128xf32, #tpu.memory_space<vmem>>, vector<1x16xf32>,
    %swap3A_1090 = vector.shape_cast %swap3A_1089 : vector<1x16xf32> to vector<16xf32>
    %swap3A_1091 = vector.shape_cast %broadcast_in_dim3A_1085 : vector<16xf32> to vector<1x16xf32>
    tpu.vector_store %arg17[%swap3A_1087, %swap3A_1088], %swap3A_1091 {strides = array<i32>} : memref<24x128xf32, #tpu.memory_space<vmem>>, vector<1x16xf32>,
    %broadcast_in_dim3A_1092 = arith.constant 0.000000e+00 : f32
    %broadcast_in_dim3A_1093 = vector.broadcast %broadcast_in_dim3A_1092 : f32 to vector<16xf32>
    %swap3A_1094 = arith.constant 16 : i32
    %swap3A_1095 = arith.index_cast %swap3A_1094 : i32 to index
    %swap3A_1096 = arith.constant 112 : index
    %swap3A_1097 = tpu.vector_load %arg17[%swap3A_1095, %swap3A_1096] {strides = array<i32>} : memref<24x128xf32, #tpu.memory_space<vmem>>, vector<1x16xf32>,
    %swap3A_1098 = vector.shape_cast %swap3A_1097 : vector<1x16xf32> to vector<16xf32>
    %swap3A_1099 = vector.shape_cast %broadcast_in_dim3A_1093 : vector<16xf32> to vector<1x16xf32>
    tpu.vector_store %arg17[%swap3A_1095, %swap3A_1096], %swap3A_1099 {strides = array<i32>} : memref<24x128xf32, #tpu.memory_space<vmem>>, vector<1x16xf32>,
    %broadcast_in_dim3A_1100 = arith.constant 0.000000e+00 : f32
    %broadcast_in_dim3A_1101 = vector.broadcast %broadcast_in_dim3A_1100 : f32 to vector<16xf32>
    %swap3A_1102 = arith.constant 17 : i32
    %swap3A_1103 = arith.index_cast %swap3A_1102 : i32 to index
    %swap3A_1104 = arith.constant 0 : index
    %swap3A_1105 = tpu.vector_load %arg17[%swap3A_1103, %swap3A_1104] {strides = array<i32>} : memref<24x128xf32, #tpu.memory_space<vmem>>, vector<1x16xf32>,
    %swap3A_1106 = vector.shape_cast %swap3A_1105 : vector<1x16xf32> to vector<16xf32>
    %swap3A_1107 = vector.shape_cast %broadcast_in_dim3A_1101 : vector<16xf32> to vector<1x16xf32>
    tpu.vector_store %arg17[%swap3A_1103, %swap3A_1104], %swap3A_1107 {strides = array<i32>} : memref<24x128xf32, #tpu.memory_space<vmem>>, vector<1x16xf32>,
    %broadcast_in_dim3A_1108 = arith.constant 0.000000e+00 : f32
    %broadcast_in_dim3A_1109 = vector.broadcast %broadcast_in_dim3A_1108 : f32 to vector<16xf32>
    %swap3A_1110 = arith.constant 17 : i32
    %swap3A_1111 = arith.index_cast %swap3A_1110 : i32 to index
    %swap3A_1112 = arith.constant 16 : index
    %swap3A_1113 = tpu.vector_load %arg17[%swap3A_1111, %swap3A_1112] {strides = array<i32>} : memref<24x128xf32, #tpu.memory_space<vmem>>, vector<1x16xf32>,
    %swap3A_1114 = vector.shape_cast %swap3A_1113 : vector<1x16xf32> to vector<16xf32>
    %swap3A_1115 = vector.shape_cast %broadcast_in_dim3A_1109 : vector<16xf32> to vector<1x16xf32>
    tpu.vector_store %arg17[%swap3A_1111, %swap3A_1112], %swap3A_1115 {strides = array<i32>} : memref<24x128xf32, #tpu.memory_space<vmem>>, vector<1x16xf32>,
    %broadcast_in_dim3A_1116 = arith.constant 0.000000e+00 : f32
    %broadcast_in_dim3A_1117 = vector.broadcast %broadcast_in_dim3A_1116 : f32 to vector<16xf32>
    %swap3A_1118 = arith.constant 17 : i32
    %swap3A_1119 = arith.index_cast %swap3A_1118 : i32 to index
    %swap3A_1120 = arith.constant 32 : index
    %swap3A_1121 = tpu.vector_load %arg17[%swap3A_1119, %swap3A_1120] {strides = array<i32>} : memref<24x128xf32, #tpu.memory_space<vmem>>, vector<1x16xf32>,
    %swap3A_1122 = vector.shape_cast %swap3A_1121 : vector<1x16xf32> to vector<16xf32>
    %swap3A_1123 = vector.shape_cast %broadcast_in_dim3A_1117 : vector<16xf32> to vector<1x16xf32>
    tpu.vector_store %arg17[%swap3A_1119, %swap3A_1120], %swap3A_1123 {strides = array<i32>} : memref<24x128xf32, #tpu.memory_space<vmem>>, vector<1x16xf32>,
    %broadcast_in_dim3A_1124 = arith.constant 0.000000e+00 : f32
    %broadcast_in_dim3A_1125 = vector.broadcast %broadcast_in_dim3A_1124 : f32 to vector<16xf32>
    %swap3A_1126 = arith.constant 17 : i32
    %swap3A_1127 = arith.index_cast %swap3A_1126 : i32 to index
    %swap3A_1128 = arith.constant 48 : index
    %swap3A_1129 = tpu.vector_load %arg17[%swap3A_1127, %swap3A_1128] {strides = array<i32>} : memref<24x128xf32, #tpu.memory_space<vmem>>, vector<1x16xf32>,
    %swap3A_1130 = vector.shape_cast %swap3A_1129 : vector<1x16xf32> to vector<16xf32>
    %swap3A_1131 = vector.shape_cast %broadcast_in_dim3A_1125 : vector<16xf32> to vector<1x16xf32>
    tpu.vector_store %arg17[%swap3A_1127, %swap3A_1128], %swap3A_1131 {strides = array<i32>} : memref<24x128xf32, #tpu.memory_space<vmem>>, vector<1x16xf32>,
    %broadcast_in_dim3A_1132 = arith.constant 0.000000e+00 : f32
    %broadcast_in_dim3A_1133 = vector.broadcast %broadcast_in_dim3A_1132 : f32 to vector<16xf32>
    %swap3A_1134 = arith.constant 17 : i32
    %swap3A_1135 = arith.index_cast %swap3A_1134 : i32 to index
    %swap3A_1136 = arith.constant 64 : index
    %swap3A_1137 = tpu.vector_load %arg17[%swap3A_1135, %swap3A_1136] {strides = array<i32>} : memref<24x128xf32, #tpu.memory_space<vmem>>, vector<1x16xf32>,
    %swap3A_1138 = vector.shape_cast %swap3A_1137 : vector<1x16xf32> to vector<16xf32>
    %swap3A_1139 = vector.shape_cast %broadcast_in_dim3A_1133 : vector<16xf32> to vector<1x16xf32>
    tpu.vector_store %arg17[%swap3A_1135, %swap3A_1136], %swap3A_1139 {strides = array<i32>} : memref<24x128xf32, #tpu.memory_space<vmem>>, vector<1x16xf32>,
    %broadcast_in_dim3A_1140 = arith.constant 0.000000e+00 : f32
    %broadcast_in_dim3A_1141 = vector.broadcast %broadcast_in_dim3A_1140 : f32 to vector<16xf32>
    %swap3A_1142 = arith.constant 17 : i32
    %swap3A_1143 = arith.index_cast %swap3A_1142 : i32 to index
    %swap3A_1144 = arith.constant 80 : index
    %swap3A_1145 = tpu.vector_load %arg17[%swap3A_1143, %swap3A_1144] {strides = array<i32>} : memref<24x128xf32, #tpu.memory_space<vmem>>, vector<1x16xf32>,
    %swap3A_1146 = vector.shape_cast %swap3A_1145 : vector<1x16xf32> to vector<16xf32>
    %swap3A_1147 = vector.shape_cast %broadcast_in_dim3A_1141 : vector<16xf32> to vector<1x16xf32>
    tpu.vector_store %arg17[%swap3A_1143, %swap3A_1144], %swap3A_1147 {strides = array<i32>} : memref<24x128xf32, #tpu.memory_space<vmem>>, vector<1x16xf32>,
    %broadcast_in_dim3A_1148 = arith.constant 0.000000e+00 : f32
    %broadcast_in_dim3A_1149 = vector.broadcast %broadcast_in_dim3A_1148 : f32 to vector<16xf32>
    %swap3A_1150 = arith.constant 17 : i32
    %swap3A_1151 = arith.index_cast %swap3A_1150 : i32 to index
    %swap3A_1152 = arith.constant 96 : index
    %swap3A_1153 = tpu.vector_load %arg17[%swap3A_1151, %swap3A_1152] {strides = array<i32>} : memref<24x128xf32, #tpu.memory_space<vmem>>, vector<1x16xf32>,
    %swap3A_1154 = vector.shape_cast %swap3A_1153 : vector<1x16xf32> to vector<16xf32>
    %swap3A_1155 = vector.shape_cast %broadcast_in_dim3A_1149 : vector<16xf32> to vector<1x16xf32>
    tpu.vector_store %arg17[%swap3A_1151, %swap3A_1152], %swap3A_1155 {strides = array<i32>} : memref<24x128xf32, #tpu.memory_space<vmem>>, vector<1x16xf32>,
    %broadcast_in_dim3A_1156 = arith.constant 0.000000e+00 : f32
    %broadcast_in_dim3A_1157 = vector.broadcast %broadcast_in_dim3A_1156 : f32 to vector<16xf32>
    %swap3A_1158 = arith.constant 17 : i32
    %swap3A_1159 = arith.index_cast %swap3A_1158 : i32 to index
    %swap3A_1160 = arith.constant 112 : index
    %swap3A_1161 = tpu.vector_load %arg17[%swap3A_1159, %swap3A_1160] {strides = array<i32>} : memref<24x128xf32, #tpu.memory_space<vmem>>, vector<1x16xf32>,
    %swap3A_1162 = vector.shape_cast %swap3A_1161 : vector<1x16xf32> to vector<16xf32>
    %swap3A_1163 = vector.shape_cast %broadcast_in_dim3A_1157 : vector<16xf32> to vector<1x16xf32>
    tpu.vector_store %arg17[%swap3A_1159, %swap3A_1160], %swap3A_1163 {strides = array<i32>} : memref<24x128xf32, #tpu.memory_space<vmem>>, vector<1x16xf32>,
    %broadcast_in_dim3A_1164 = arith.constant 0.000000e+00 : f32
    %broadcast_in_dim3A_1165 = vector.broadcast %broadcast_in_dim3A_1164 : f32 to vector<16xf32>
    %swap3A_1166 = arith.constant 18 : i32
    %swap3A_1167 = arith.index_cast %swap3A_1166 : i32 to index
    %swap3A_1168 = arith.constant 0 : index
    %swap3A_1169 = tpu.vector_load %arg17[%swap3A_1167, %swap3A_1168] {strides = array<i32>} : memref<24x128xf32, #tpu.memory_space<vmem>>, vector<1x16xf32>,
    %swap3A_1170 = vector.shape_cast %swap3A_1169 : vector<1x16xf32> to vector<16xf32>
    %swap3A_1171 = vector.shape_cast %broadcast_in_dim3A_1165 : vector<16xf32> to vector<1x16xf32>
    tpu.vector_store %arg17[%swap3A_1167, %swap3A_1168], %swap3A_1171 {strides = array<i32>} : memref<24x128xf32, #tpu.memory_space<vmem>>, vector<1x16xf32>,
    %broadcast_in_dim3A_1172 = arith.constant 0.000000e+00 : f32
    %broadcast_in_dim3A_1173 = vector.broadcast %broadcast_in_dim3A_1172 : f32 to vector<16xf32>
    %swap3A_1174 = arith.constant 18 : i32
    %swap3A_1175 = arith.index_cast %swap3A_1174 : i32 to index
    %swap3A_1176 = arith.constant 16 : index
    %swap3A_1177 = tpu.vector_load %arg17[%swap3A_1175, %swap3A_1176] {strides = array<i32>} : memref<24x128xf32, #tpu.memory_space<vmem>>, vector<1x16xf32>,
    %swap3A_1178 = vector.shape_cast %swap3A_1177 : vector<1x16xf32> to vector<16xf32>
    %swap3A_1179 = vector.shape_cast %broadcast_in_dim3A_1173 : vector<16xf32> to vector<1x16xf32>
    tpu.vector_store %arg17[%swap3A_1175, %swap3A_1176], %swap3A_1179 {strides = array<i32>} : memref<24x128xf32, #tpu.memory_space<vmem>>, vector<1x16xf32>,
    %broadcast_in_dim3A_1180 = arith.constant 0.000000e+00 : f32
    %broadcast_in_dim3A_1181 = vector.broadcast %broadcast_in_dim3A_1180 : f32 to vector<16xf32>
    %swap3A_1182 = arith.constant 18 : i32
    %swap3A_1183 = arith.index_cast %swap3A_1182 : i32 to index
    %swap3A_1184 = arith.constant 32 : index
    %swap3A_1185 = tpu.vector_load %arg17[%swap3A_1183, %swap3A_1184] {strides = array<i32>} : memref<24x128xf32, #tpu.memory_space<vmem>>, vector<1x16xf32>,
    %swap3A_1186 = vector.shape_cast %swap3A_1185 : vector<1x16xf32> to vector<16xf32>
    %swap3A_1187 = vector.shape_cast %broadcast_in_dim3A_1181 : vector<16xf32> to vector<1x16xf32>
    tpu.vector_store %arg17[%swap3A_1183, %swap3A_1184], %swap3A_1187 {strides = array<i32>} : memref<24x128xf32, #tpu.memory_space<vmem>>, vector<1x16xf32>,
    %broadcast_in_dim3A_1188 = arith.constant 0.000000e+00 : f32
    %broadcast_in_dim3A_1189 = vector.broadcast %broadcast_in_dim3A_1188 : f32 to vector<16xf32>
    %swap3A_1190 = arith.constant 18 : i32
    %swap3A_1191 = arith.index_cast %swap3A_1190 : i32 to index
    %swap3A_1192 = arith.constant 48 : index
    %swap3A_1193 = tpu.vector_load %arg17[%swap3A_1191, %swap3A_1192] {strides = array<i32>} : memref<24x128xf32, #tpu.memory_space<vmem>>, vector<1x16xf32>,
    %swap3A_1194 = vector.shape_cast %swap3A_1193 : vector<1x16xf32> to vector<16xf32>
    %swap3A_1195 = vector.shape_cast %broadcast_in_dim3A_1189 : vector<16xf32> to vector<1x16xf32>
    tpu.vector_store %arg17[%swap3A_1191, %swap3A_1192], %swap3A_1195 {strides = array<i32>} : memref<24x128xf32, #tpu.memory_space<vmem>>, vector<1x16xf32>,
    %broadcast_in_dim3A_1196 = arith.constant 0.000000e+00 : f32
    %broadcast_in_dim3A_1197 = vector.broadcast %broadcast_in_dim3A_1196 : f32 to vector<16xf32>
    %swap3A_1198 = arith.constant 18 : i32
    %swap3A_1199 = arith.index_cast %swap3A_1198 : i32 to index
    %swap3A_1200 = arith.constant 64 : index
    %swap3A_1201 = tpu.vector_load %arg17[%swap3A_1199, %swap3A_1200] {strides = array<i32>} : memref<24x128xf32, #tpu.memory_space<vmem>>, vector<1x16xf32>,
    %swap3A_1202 = vector.shape_cast %swap3A_1201 : vector<1x16xf32> to vector<16xf32>
    %swap3A_1203 = vector.shape_cast %broadcast_in_dim3A_1197 : vector<16xf32> to vector<1x16xf32>
    tpu.vector_store %arg17[%swap3A_1199, %swap3A_1200], %swap3A_1203 {strides = array<i32>} : memref<24x128xf32, #tpu.memory_space<vmem>>, vector<1x16xf32>,
    %broadcast_in_dim3A_1204 = arith.constant 0.000000e+00 : f32
    %broadcast_in_dim3A_1205 = vector.broadcast %broadcast_in_dim3A_1204 : f32 to vector<16xf32>
    %swap3A_1206 = arith.constant 18 : i32
    %swap3A_1207 = arith.index_cast %swap3A_1206 : i32 to index
    %swap3A_1208 = arith.constant 80 : index
    %swap3A_1209 = tpu.vector_load %arg17[%swap3A_1207, %swap3A_1208] {strides = array<i32>} : memref<24x128xf32, #tpu.memory_space<vmem>>, vector<1x16xf32>,
    %swap3A_1210 = vector.shape_cast %swap3A_1209 : vector<1x16xf32> to vector<16xf32>
    %swap3A_1211 = vector.shape_cast %broadcast_in_dim3A_1205 : vector<16xf32> to vector<1x16xf32>
    tpu.vector_store %arg17[%swap3A_1207, %swap3A_1208], %swap3A_1211 {strides = array<i32>} : memref<24x128xf32, #tpu.memory_space<vmem>>, vector<1x16xf32>,
    %broadcast_in_dim3A_1212 = arith.constant 0.000000e+00 : f32
    %broadcast_in_dim3A_1213 = vector.broadcast %broadcast_in_dim3A_1212 : f32 to vector<16xf32>
    %swap3A_1214 = arith.constant 18 : i32
    %swap3A_1215 = arith.index_cast %swap3A_1214 : i32 to index
    %swap3A_1216 = arith.constant 96 : index
    %swap3A_1217 = tpu.vector_load %arg17[%swap3A_1215, %swap3A_1216] {strides = array<i32>} : memref<24x128xf32, #tpu.memory_space<vmem>>, vector<1x16xf32>,
    %swap3A_1218 = vector.shape_cast %swap3A_1217 : vector<1x16xf32> to vector<16xf32>
    %swap3A_1219 = vector.shape_cast %broadcast_in_dim3A_1213 : vector<16xf32> to vector<1x16xf32>
    tpu.vector_store %arg17[%swap3A_1215, %swap3A_1216], %swap3A_1219 {strides = array<i32>} : memref<24x128xf32, #tpu.memory_space<vmem>>, vector<1x16xf32>,
    %broadcast_in_dim3A_1220 = arith.constant 0.000000e+00 : f32
    %broadcast_in_dim3A_1221 = vector.broadcast %broadcast_in_dim3A_1220 : f32 to vector<16xf32>
    %swap3A_1222 = arith.constant 18 : i32
    %swap3A_1223 = arith.index_cast %swap3A_1222 : i32 to index
    %swap3A_1224 = arith.constant 112 : index
    %swap3A_1225 = tpu.vector_load %arg17[%swap3A_1223, %swap3A_1224] {strides = array<i32>} : memref<24x128xf32, #tpu.memory_space<vmem>>, vector<1x16xf32>,
    %swap3A_1226 = vector.shape_cast %swap3A_1225 : vector<1x16xf32> to vector<16xf32>
    %swap3A_1227 = vector.shape_cast %broadcast_in_dim3A_1221 : vector<16xf32> to vector<1x16xf32>
    tpu.vector_store %arg17[%swap3A_1223, %swap3A_1224], %swap3A_1227 {strides = array<i32>} : memref<24x128xf32, #tpu.memory_space<vmem>>, vector<1x16xf32>,
    %broadcast_in_dim3A_1228 = arith.constant 0.000000e+00 : f32
    %broadcast_in_dim3A_1229 = vector.broadcast %broadcast_in_dim3A_1228 : f32 to vector<16xf32>
    %swap3A_1230 = arith.constant 19 : i32
    %swap3A_1231 = arith.index_cast %swap3A_1230 : i32 to index
    %swap3A_1232 = arith.constant 0 : index
    %swap3A_1233 = tpu.vector_load %arg17[%swap3A_1231, %swap3A_1232] {strides = array<i32>} : memref<24x128xf32, #tpu.memory_space<vmem>>, vector<1x16xf32>,
    %swap3A_1234 = vector.shape_cast %swap3A_1233 : vector<1x16xf32> to vector<16xf32>
    %swap3A_1235 = vector.shape_cast %broadcast_in_dim3A_1229 : vector<16xf32> to vector<1x16xf32>
    tpu.vector_store %arg17[%swap3A_1231, %swap3A_1232], %swap3A_1235 {strides = array<i32>} : memref<24x128xf32, #tpu.memory_space<vmem>>, vector<1x16xf32>,
    %broadcast_in_dim3A_1236 = arith.constant 0.000000e+00 : f32
    %broadcast_in_dim3A_1237 = vector.broadcast %broadcast_in_dim3A_1236 : f32 to vector<16xf32>
    %swap3A_1238 = arith.constant 19 : i32
    %swap3A_1239 = arith.index_cast %swap3A_1238 : i32 to index
    %swap3A_1240 = arith.constant 16 : index
    %swap3A_1241 = tpu.vector_load %arg17[%swap3A_1239, %swap3A_1240] {strides = array<i32>} : memref<24x128xf32, #tpu.memory_space<vmem>>, vector<1x16xf32>,
    %swap3A_1242 = vector.shape_cast %swap3A_1241 : vector<1x16xf32> to vector<16xf32>
    %swap3A_1243 = vector.shape_cast %broadcast_in_dim3A_1237 : vector<16xf32> to vector<1x16xf32>
    tpu.vector_store %arg17[%swap3A_1239, %swap3A_1240], %swap3A_1243 {strides = array<i32>} : memref<24x128xf32, #tpu.memory_space<vmem>>, vector<1x16xf32>,
    %broadcast_in_dim3A_1244 = arith.constant 0.000000e+00 : f32
    %broadcast_in_dim3A_1245 = vector.broadcast %broadcast_in_dim3A_1244 : f32 to vector<16xf32>
    %swap3A_1246 = arith.constant 19 : i32
    %swap3A_1247 = arith.index_cast %swap3A_1246 : i32 to index
    %swap3A_1248 = arith.constant 32 : index
    %swap3A_1249 = tpu.vector_load %arg17[%swap3A_1247, %swap3A_1248] {strides = array<i32>} : memref<24x128xf32, #tpu.memory_space<vmem>>, vector<1x16xf32>,
    %swap3A_1250 = vector.shape_cast %swap3A_1249 : vector<1x16xf32> to vector<16xf32>
    %swap3A_1251 = vector.shape_cast %broadcast_in_dim3A_1245 : vector<16xf32> to vector<1x16xf32>
    tpu.vector_store %arg17[%swap3A_1247, %swap3A_1248], %swap3A_1251 {strides = array<i32>} : memref<24x128xf32, #tpu.memory_space<vmem>>, vector<1x16xf32>,
    %broadcast_in_dim3A_1252 = arith.constant 0.000000e+00 : f32
    %broadcast_in_dim3A_1253 = vector.broadcast %broadcast_in_dim3A_1252 : f32 to vector<16xf32>
    %swap3A_1254 = arith.constant 19 : i32
    %swap3A_1255 = arith.index_cast %swap3A_1254 : i32 to index
    %swap3A_1256 = arith.constant 48 : index
    %swap3A_1257 = tpu.vector_load %arg17[%swap3A_1255, %swap3A_1256] {strides = array<i32>} : memref<24x128xf32, #tpu.memory_space<vmem>>, vector<1x16xf32>,
    %swap3A_1258 = vector.shape_cast %swap3A_1257 : vector<1x16xf32> to vector<16xf32>
    %swap3A_1259 = vector.shape_cast %broadcast_in_dim3A_1253 : vector<16xf32> to vector<1x16xf32>
    tpu.vector_store %arg17[%swap3A_1255, %swap3A_1256], %swap3A_1259 {strides = array<i32>} : memref<24x128xf32, #tpu.memory_space<vmem>>, vector<1x16xf32>,
    %broadcast_in_dim3A_1260 = arith.constant 0.000000e+00 : f32
    %broadcast_in_dim3A_1261 = vector.broadcast %broadcast_in_dim3A_1260 : f32 to vector<16xf32>
    %swap3A_1262 = arith.constant 19 : i32
    %swap3A_1263 = arith.index_cast %swap3A_1262 : i32 to index
    %swap3A_1264 = arith.constant 64 : index
    %swap3A_1265 = tpu.vector_load %arg17[%swap3A_1263, %swap3A_1264] {strides = array<i32>} : memref<24x128xf32, #tpu.memory_space<vmem>>, vector<1x16xf32>,
    %swap3A_1266 = vector.shape_cast %swap3A_1265 : vector<1x16xf32> to vector<16xf32>
    %swap3A_1267 = vector.shape_cast %broadcast_in_dim3A_1261 : vector<16xf32> to vector<1x16xf32>
    tpu.vector_store %arg17[%swap3A_1263, %swap3A_1264], %swap3A_1267 {strides = array<i32>} : memref<24x128xf32, #tpu.memory_space<vmem>>, vector<1x16xf32>,
    %broadcast_in_dim3A_1268 = arith.constant 0.000000e+00 : f32
    %broadcast_in_dim3A_1269 = vector.broadcast %broadcast_in_dim3A_1268 : f32 to vector<16xf32>
    %swap3A_1270 = arith.constant 19 : i32
    %swap3A_1271 = arith.index_cast %swap3A_1270 : i32 to index
    %swap3A_1272 = arith.constant 80 : index
    %swap3A_1273 = tpu.vector_load %arg17[%swap3A_1271, %swap3A_1272] {strides = array<i32>} : memref<24x128xf32, #tpu.memory_space<vmem>>, vector<1x16xf32>,
    %swap3A_1274 = vector.shape_cast %swap3A_1273 : vector<1x16xf32> to vector<16xf32>
    %swap3A_1275 = vector.shape_cast %broadcast_in_dim3A_1269 : vector<16xf32> to vector<1x16xf32>
    tpu.vector_store %arg17[%swap3A_1271, %swap3A_1272], %swap3A_1275 {strides = array<i32>} : memref<24x128xf32, #tpu.memory_space<vmem>>, vector<1x16xf32>,
    %broadcast_in_dim3A_1276 = arith.constant 0.000000e+00 : f32
    %broadcast_in_dim3A_1277 = vector.broadcast %broadcast_in_dim3A_1276 : f32 to vector<16xf32>
    %swap3A_1278 = arith.constant 19 : i32
    %swap3A_1279 = arith.index_cast %swap3A_1278 : i32 to index
    %swap3A_1280 = arith.constant 96 : index
    %swap3A_1281 = tpu.vector_load %arg17[%swap3A_1279, %swap3A_1280] {strides = array<i32>} : memref<24x128xf32, #tpu.memory_space<vmem>>, vector<1x16xf32>,
    %swap3A_1282 = vector.shape_cast %swap3A_1281 : vector<1x16xf32> to vector<16xf32>
    %swap3A_1283 = vector.shape_cast %broadcast_in_dim3A_1277 : vector<16xf32> to vector<1x16xf32>
    tpu.vector_store %arg17[%swap3A_1279, %swap3A_1280], %swap3A_1283 {strides = array<i32>} : memref<24x128xf32, #tpu.memory_space<vmem>>, vector<1x16xf32>,
    %broadcast_in_dim3A_1284 = arith.constant 0.000000e+00 : f32
    %broadcast_in_dim3A_1285 = vector.broadcast %broadcast_in_dim3A_1284 : f32 to vector<16xf32>
    %swap3A_1286 = arith.constant 19 : i32
    %swap3A_1287 = arith.index_cast %swap3A_1286 : i32 to index
    %swap3A_1288 = arith.constant 112 : index
    %swap3A_1289 = tpu.vector_load %arg17[%swap3A_1287, %swap3A_1288] {strides = array<i32>} : memref<24x128xf32, #tpu.memory_space<vmem>>, vector<1x16xf32>,
    %swap3A_1290 = vector.shape_cast %swap3A_1289 : vector<1x16xf32> to vector<16xf32>
    %swap3A_1291 = vector.shape_cast %broadcast_in_dim3A_1285 : vector<16xf32> to vector<1x16xf32>
    tpu.vector_store %arg17[%swap3A_1287, %swap3A_1288], %swap3A_1291 {strides = array<i32>} : memref<24x128xf32, #tpu.memory_space<vmem>>, vector<1x16xf32>,
    %broadcast_in_dim3A_1292 = arith.constant 0.000000e+00 : f32
    %broadcast_in_dim3A_1293 = vector.broadcast %broadcast_in_dim3A_1292 : f32 to vector<16xf32>
    %swap3A_1294 = arith.constant 20 : i32
    %swap3A_1295 = arith.index_cast %swap3A_1294 : i32 to index
    %swap3A_1296 = arith.constant 0 : index
    %swap3A_1297 = tpu.vector_load %arg17[%swap3A_1295, %swap3A_1296] {strides = array<i32>} : memref<24x128xf32, #tpu.memory_space<vmem>>, vector<1x16xf32>,
    %swap3A_1298 = vector.shape_cast %swap3A_1297 : vector<1x16xf32> to vector<16xf32>
    %swap3A_1299 = vector.shape_cast %broadcast_in_dim3A_1293 : vector<16xf32> to vector<1x16xf32>
    tpu.vector_store %arg17[%swap3A_1295, %swap3A_1296], %swap3A_1299 {strides = array<i32>} : memref<24x128xf32, #tpu.memory_space<vmem>>, vector<1x16xf32>,
    %broadcast_in_dim3A_1300 = arith.constant 0.000000e+00 : f32
    %broadcast_in_dim3A_1301 = vector.broadcast %broadcast_in_dim3A_1300 : f32 to vector<16xf32>
    %swap3A_1302 = arith.constant 20 : i32
    %swap3A_1303 = arith.index_cast %swap3A_1302 : i32 to index
    %swap3A_1304 = arith.constant 16 : index
    %swap3A_1305 = tpu.vector_load %arg17[%swap3A_1303, %swap3A_1304] {strides = array<i32>} : memref<24x128xf32, #tpu.memory_space<vmem>>, vector<1x16xf32>,
    %swap3A_1306 = vector.shape_cast %swap3A_1305 : vector<1x16xf32> to vector<16xf32>
    %swap3A_1307 = vector.shape_cast %broadcast_in_dim3A_1301 : vector<16xf32> to vector<1x16xf32>
    tpu.vector_store %arg17[%swap3A_1303, %swap3A_1304], %swap3A_1307 {strides = array<i32>} : memref<24x128xf32, #tpu.memory_space<vmem>>, vector<1x16xf32>,
    %broadcast_in_dim3A_1308 = arith.constant 0.000000e+00 : f32
    %broadcast_in_dim3A_1309 = vector.broadcast %broadcast_in_dim3A_1308 : f32 to vector<16xf32>
    %swap3A_1310 = arith.constant 20 : i32
    %swap3A_1311 = arith.index_cast %swap3A_1310 : i32 to index
    %swap3A_1312 = arith.constant 32 : index
    %swap3A_1313 = tpu.vector_load %arg17[%swap3A_1311, %swap3A_1312] {strides = array<i32>} : memref<24x128xf32, #tpu.memory_space<vmem>>, vector<1x16xf32>,
    %swap3A_1314 = vector.shape_cast %swap3A_1313 : vector<1x16xf32> to vector<16xf32>
    %swap3A_1315 = vector.shape_cast %broadcast_in_dim3A_1309 : vector<16xf32> to vector<1x16xf32>
    tpu.vector_store %arg17[%swap3A_1311, %swap3A_1312], %swap3A_1315 {strides = array<i32>} : memref<24x128xf32, #tpu.memory_space<vmem>>, vector<1x16xf32>,
    %broadcast_in_dim3A_1316 = arith.constant 0.000000e+00 : f32
    %broadcast_in_dim3A_1317 = vector.broadcast %broadcast_in_dim3A_1316 : f32 to vector<16xf32>
    %swap3A_1318 = arith.constant 20 : i32
    %swap3A_1319 = arith.index_cast %swap3A_1318 : i32 to index
    %swap3A_1320 = arith.constant 48 : index
    %swap3A_1321 = tpu.vector_load %arg17[%swap3A_1319, %swap3A_1320] {strides = array<i32>} : memref<24x128xf32, #tpu.memory_space<vmem>>, vector<1x16xf32>,
    %swap3A_1322 = vector.shape_cast %swap3A_1321 : vector<1x16xf32> to vector<16xf32>
    %swap3A_1323 = vector.shape_cast %broadcast_in_dim3A_1317 : vector<16xf32> to vector<1x16xf32>
    tpu.vector_store %arg17[%swap3A_1319, %swap3A_1320], %swap3A_1323 {strides = array<i32>} : memref<24x128xf32, #tpu.memory_space<vmem>>, vector<1x16xf32>,
    %broadcast_in_dim3A_1324 = arith.constant 0.000000e+00 : f32
    %broadcast_in_dim3A_1325 = vector.broadcast %broadcast_in_dim3A_1324 : f32 to vector<16xf32>
    %swap3A_1326 = arith.constant 20 : i32
    %swap3A_1327 = arith.index_cast %swap3A_1326 : i32 to index
    %swap3A_1328 = arith.constant 64 : index
    %swap3A_1329 = tpu.vector_load %arg17[%swap3A_1327, %swap3A_1328] {strides = array<i32>} : memref<24x128xf32, #tpu.memory_space<vmem>>, vector<1x16xf32>,
    %swap3A_1330 = vector.shape_cast %swap3A_1329 : vector<1x16xf32> to vector<16xf32>
    %swap3A_1331 = vector.shape_cast %broadcast_in_dim3A_1325 : vector<16xf32> to vector<1x16xf32>
    tpu.vector_store %arg17[%swap3A_1327, %swap3A_1328], %swap3A_1331 {strides = array<i32>} : memref<24x128xf32, #tpu.memory_space<vmem>>, vector<1x16xf32>,
    %broadcast_in_dim3A_1332 = arith.constant 0.000000e+00 : f32
    %broadcast_in_dim3A_1333 = vector.broadcast %broadcast_in_dim3A_1332 : f32 to vector<16xf32>
    %swap3A_1334 = arith.constant 20 : i32
    %swap3A_1335 = arith.index_cast %swap3A_1334 : i32 to index
    %swap3A_1336 = arith.constant 80 : index
    %swap3A_1337 = tpu.vector_load %arg17[%swap3A_1335, %swap3A_1336] {strides = array<i32>} : memref<24x128xf32, #tpu.memory_space<vmem>>, vector<1x16xf32>,
    %swap3A_1338 = vector.shape_cast %swap3A_1337 : vector<1x16xf32> to vector<16xf32>
    %swap3A_1339 = vector.shape_cast %broadcast_in_dim3A_1333 : vector<16xf32> to vector<1x16xf32>
    tpu.vector_store %arg17[%swap3A_1335, %swap3A_1336], %swap3A_1339 {strides = array<i32>} : memref<24x128xf32, #tpu.memory_space<vmem>>, vector<1x16xf32>,
    %broadcast_in_dim3A_1340 = arith.constant 0.000000e+00 : f32
    %broadcast_in_dim3A_1341 = vector.broadcast %broadcast_in_dim3A_1340 : f32 to vector<16xf32>
    %swap3A_1342 = arith.constant 20 : i32
    %swap3A_1343 = arith.index_cast %swap3A_1342 : i32 to index
    %swap3A_1344 = arith.constant 96 : index
    %swap3A_1345 = tpu.vector_load %arg17[%swap3A_1343, %swap3A_1344] {strides = array<i32>} : memref<24x128xf32, #tpu.memory_space<vmem>>, vector<1x16xf32>,
    %swap3A_1346 = vector.shape_cast %swap3A_1345 : vector<1x16xf32> to vector<16xf32>
    %swap3A_1347 = vector.shape_cast %broadcast_in_dim3A_1341 : vector<16xf32> to vector<1x16xf32>
    tpu.vector_store %arg17[%swap3A_1343, %swap3A_1344], %swap3A_1347 {strides = array<i32>} : memref<24x128xf32, #tpu.memory_space<vmem>>, vector<1x16xf32>,
    %broadcast_in_dim3A_1348 = arith.constant 0.000000e+00 : f32
    %broadcast_in_dim3A_1349 = vector.broadcast %broadcast_in_dim3A_1348 : f32 to vector<16xf32>
    %swap3A_1350 = arith.constant 20 : i32
    %swap3A_1351 = arith.index_cast %swap3A_1350 : i32 to index
    %swap3A_1352 = arith.constant 112 : index
    %swap3A_1353 = tpu.vector_load %arg17[%swap3A_1351, %swap3A_1352] {strides = array<i32>} : memref<24x128xf32, #tpu.memory_space<vmem>>, vector<1x16xf32>,
    %swap3A_1354 = vector.shape_cast %swap3A_1353 : vector<1x16xf32> to vector<16xf32>
    %swap3A_1355 = vector.shape_cast %broadcast_in_dim3A_1349 : vector<16xf32> to vector<1x16xf32>
    tpu.vector_store %arg17[%swap3A_1351, %swap3A_1352], %swap3A_1355 {strides = array<i32>} : memref<24x128xf32, #tpu.memory_space<vmem>>, vector<1x16xf32>,
    %broadcast_in_dim3A_1356 = arith.constant 0.000000e+00 : f32
    %broadcast_in_dim3A_1357 = vector.broadcast %broadcast_in_dim3A_1356 : f32 to vector<16xf32>
    %swap3A_1358 = arith.constant 21 : i32
    %swap3A_1359 = arith.index_cast %swap3A_1358 : i32 to index
    %swap3A_1360 = arith.constant 0 : index
    %swap3A_1361 = tpu.vector_load %arg17[%swap3A_1359, %swap3A_1360] {strides = array<i32>} : memref<24x128xf32, #tpu.memory_space<vmem>>, vector<1x16xf32>,
    %swap3A_1362 = vector.shape_cast %swap3A_1361 : vector<1x16xf32> to vector<16xf32>
    %swap3A_1363 = vector.shape_cast %broadcast_in_dim3A_1357 : vector<16xf32> to vector<1x16xf32>
    tpu.vector_store %arg17[%swap3A_1359, %swap3A_1360], %swap3A_1363 {strides = array<i32>} : memref<24x128xf32, #tpu.memory_space<vmem>>, vector<1x16xf32>,
    %broadcast_in_dim3A_1364 = arith.constant 0.000000e+00 : f32
    %broadcast_in_dim3A_1365 = vector.broadcast %broadcast_in_dim3A_1364 : f32 to vector<16xf32>
    %swap3A_1366 = arith.constant 21 : i32
    %swap3A_1367 = arith.index_cast %swap3A_1366 : i32 to index
    %swap3A_1368 = arith.constant 16 : index
    %swap3A_1369 = tpu.vector_load %arg17[%swap3A_1367, %swap3A_1368] {strides = array<i32>} : memref<24x128xf32, #tpu.memory_space<vmem>>, vector<1x16xf32>,
    %swap3A_1370 = vector.shape_cast %swap3A_1369 : vector<1x16xf32> to vector<16xf32>
    %swap3A_1371 = vector.shape_cast %broadcast_in_dim3A_1365 : vector<16xf32> to vector<1x16xf32>
    tpu.vector_store %arg17[%swap3A_1367, %swap3A_1368], %swap3A_1371 {strides = array<i32>} : memref<24x128xf32, #tpu.memory_space<vmem>>, vector<1x16xf32>,
    %broadcast_in_dim3A_1372 = arith.constant 0.000000e+00 : f32
    %broadcast_in_dim3A_1373 = vector.broadcast %broadcast_in_dim3A_1372 : f32 to vector<16xf32>
    %swap3A_1374 = arith.constant 21 : i32
    %swap3A_1375 = arith.index_cast %swap3A_1374 : i32 to index
    %swap3A_1376 = arith.constant 32 : index
    %swap3A_1377 = tpu.vector_load %arg17[%swap3A_1375, %swap3A_1376] {strides = array<i32>} : memref<24x128xf32, #tpu.memory_space<vmem>>, vector<1x16xf32>,
    %swap3A_1378 = vector.shape_cast %swap3A_1377 : vector<1x16xf32> to vector<16xf32>
    %swap3A_1379 = vector.shape_cast %broadcast_in_dim3A_1373 : vector<16xf32> to vector<1x16xf32>
    tpu.vector_store %arg17[%swap3A_1375, %swap3A_1376], %swap3A_1379 {strides = array<i32>} : memref<24x128xf32, #tpu.memory_space<vmem>>, vector<1x16xf32>,
    %broadcast_in_dim3A_1380 = arith.constant 0.000000e+00 : f32
    %broadcast_in_dim3A_1381 = vector.broadcast %broadcast_in_dim3A_1380 : f32 to vector<16xf32>
    %swap3A_1382 = arith.constant 21 : i32
    %swap3A_1383 = arith.index_cast %swap3A_1382 : i32 to index
    %swap3A_1384 = arith.constant 48 : index
    %swap3A_1385 = tpu.vector_load %arg17[%swap3A_1383, %swap3A_1384] {strides = array<i32>} : memref<24x128xf32, #tpu.memory_space<vmem>>, vector<1x16xf32>,
    %swap3A_1386 = vector.shape_cast %swap3A_1385 : vector<1x16xf32> to vector<16xf32>
    %swap3A_1387 = vector.shape_cast %broadcast_in_dim3A_1381 : vector<16xf32> to vector<1x16xf32>
    tpu.vector_store %arg17[%swap3A_1383, %swap3A_1384], %swap3A_1387 {strides = array<i32>} : memref<24x128xf32, #tpu.memory_space<vmem>>, vector<1x16xf32>,
    %broadcast_in_dim3A_1388 = arith.constant 0.000000e+00 : f32
    %broadcast_in_dim3A_1389 = vector.broadcast %broadcast_in_dim3A_1388 : f32 to vector<16xf32>
    %swap3A_1390 = arith.constant 21 : i32
    %swap3A_1391 = arith.index_cast %swap3A_1390 : i32 to index
    %swap3A_1392 = arith.constant 64 : index
    %swap3A_1393 = tpu.vector_load %arg17[%swap3A_1391, %swap3A_1392] {strides = array<i32>} : memref<24x128xf32, #tpu.memory_space<vmem>>, vector<1x16xf32>,
    %swap3A_1394 = vector.shape_cast %swap3A_1393 : vector<1x16xf32> to vector<16xf32>
    %swap3A_1395 = vector.shape_cast %broadcast_in_dim3A_1389 : vector<16xf32> to vector<1x16xf32>
    tpu.vector_store %arg17[%swap3A_1391, %swap3A_1392], %swap3A_1395 {strides = array<i32>} : memref<24x128xf32, #tpu.memory_space<vmem>>, vector<1x16xf32>,
    %broadcast_in_dim3A_1396 = arith.constant 0.000000e+00 : f32
    %broadcast_in_dim3A_1397 = vector.broadcast %broadcast_in_dim3A_1396 : f32 to vector<16xf32>
    %swap3A_1398 = arith.constant 21 : i32
    %swap3A_1399 = arith.index_cast %swap3A_1398 : i32 to index
    %swap3A_1400 = arith.constant 80 : index
    %swap3A_1401 = tpu.vector_load %arg17[%swap3A_1399, %swap3A_1400] {strides = array<i32>} : memref<24x128xf32, #tpu.memory_space<vmem>>, vector<1x16xf32>,
    %swap3A_1402 = vector.shape_cast %swap3A_1401 : vector<1x16xf32> to vector<16xf32>
    %swap3A_1403 = vector.shape_cast %broadcast_in_dim3A_1397 : vector<16xf32> to vector<1x16xf32>
    tpu.vector_store %arg17[%swap3A_1399, %swap3A_1400], %swap3A_1403 {strides = array<i32>} : memref<24x128xf32, #tpu.memory_space<vmem>>, vector<1x16xf32>,
    %broadcast_in_dim3A_1404 = arith.constant 0.000000e+00 : f32
    %broadcast_in_dim3A_1405 = vector.broadcast %broadcast_in_dim3A_1404 : f32 to vector<16xf32>
    %swap3A_1406 = arith.constant 21 : i32
    %swap3A_1407 = arith.index_cast %swap3A_1406 : i32 to index
    %swap3A_1408 = arith.constant 96 : index
    %swap3A_1409 = tpu.vector_load %arg17[%swap3A_1407, %swap3A_1408] {strides = array<i32>} : memref<24x128xf32, #tpu.memory_space<vmem>>, vector<1x16xf32>,
    %swap3A_1410 = vector.shape_cast %swap3A_1409 : vector<1x16xf32> to vector<16xf32>
    %swap3A_1411 = vector.shape_cast %broadcast_in_dim3A_1405 : vector<16xf32> to vector<1x16xf32>
    tpu.vector_store %arg17[%swap3A_1407, %swap3A_1408], %swap3A_1411 {strides = array<i32>} : memref<24x128xf32, #tpu.memory_space<vmem>>, vector<1x16xf32>,
    %broadcast_in_dim3A_1412 = arith.constant 0.000000e+00 : f32
    %broadcast_in_dim3A_1413 = vector.broadcast %broadcast_in_dim3A_1412 : f32 to vector<16xf32>
    %swap3A_1414 = arith.constant 21 : i32
    %swap3A_1415 = arith.index_cast %swap3A_1414 : i32 to index
    %swap3A_1416 = arith.constant 112 : index
    %swap3A_1417 = tpu.vector_load %arg17[%swap3A_1415, %swap3A_1416] {strides = array<i32>} : memref<24x128xf32, #tpu.memory_space<vmem>>, vector<1x16xf32>,
    %swap3A_1418 = vector.shape_cast %swap3A_1417 : vector<1x16xf32> to vector<16xf32>
    %swap3A_1419 = vector.shape_cast %broadcast_in_dim3A_1413 : vector<16xf32> to vector<1x16xf32>
    tpu.vector_store %arg17[%swap3A_1415, %swap3A_1416], %swap3A_1419 {strides = array<i32>} : memref<24x128xf32, #tpu.memory_space<vmem>>, vector<1x16xf32>,
    %broadcast_in_dim3A_1420 = arith.constant 0.000000e+00 : f32
    %broadcast_in_dim3A_1421 = vector.broadcast %broadcast_in_dim3A_1420 : f32 to vector<16xf32>
    %swap3A_1422 = arith.constant 22 : i32
    %swap3A_1423 = arith.index_cast %swap3A_1422 : i32 to index
    %swap3A_1424 = arith.constant 0 : index
    %swap3A_1425 = tpu.vector_load %arg17[%swap3A_1423, %swap3A_1424] {strides = array<i32>} : memref<24x128xf32, #tpu.memory_space<vmem>>, vector<1x16xf32>,
    %swap3A_1426 = vector.shape_cast %swap3A_1425 : vector<1x16xf32> to vector<16xf32>
    %swap3A_1427 = vector.shape_cast %broadcast_in_dim3A_1421 : vector<16xf32> to vector<1x16xf32>
    tpu.vector_store %arg17[%swap3A_1423, %swap3A_1424], %swap3A_1427 {strides = array<i32>} : memref<24x128xf32, #tpu.memory_space<vmem>>, vector<1x16xf32>,
    %broadcast_in_dim3A_1428 = arith.constant 0.000000e+00 : f32
    %broadcast_in_dim3A_1429 = vector.broadcast %broadcast_in_dim3A_1428 : f32 to vector<16xf32>
    %swap3A_1430 = arith.constant 22 : i32
    %swap3A_1431 = arith.index_cast %swap3A_1430 : i32 to index
    %swap3A_1432 = arith.constant 16 : index
    %swap3A_1433 = tpu.vector_load %arg17[%swap3A_1431, %swap3A_1432] {strides = array<i32>} : memref<24x128xf32, #tpu.memory_space<vmem>>, vector<1x16xf32>,
    %swap3A_1434 = vector.shape_cast %swap3A_1433 : vector<1x16xf32> to vector<16xf32>
    %swap3A_1435 = vector.shape_cast %broadcast_in_dim3A_1429 : vector<16xf32> to vector<1x16xf32>
    tpu.vector_store %arg17[%swap3A_1431, %swap3A_1432], %swap3A_1435 {strides = array<i32>} : memref<24x128xf32, #tpu.memory_space<vmem>>, vector<1x16xf32>,
    %broadcast_in_dim3A_1436 = arith.constant 0.000000e+00 : f32
    %broadcast_in_dim3A_1437 = vector.broadcast %broadcast_in_dim3A_1436 : f32 to vector<16xf32>
    %swap3A_1438 = arith.constant 22 : i32
    %swap3A_1439 = arith.index_cast %swap3A_1438 : i32 to index
    %swap3A_1440 = arith.constant 32 : index
    %swap3A_1441 = tpu.vector_load %arg17[%swap3A_1439, %swap3A_1440] {strides = array<i32>} : memref<24x128xf32, #tpu.memory_space<vmem>>, vector<1x16xf32>,
    %swap3A_1442 = vector.shape_cast %swap3A_1441 : vector<1x16xf32> to vector<16xf32>
    %swap3A_1443 = vector.shape_cast %broadcast_in_dim3A_1437 : vector<16xf32> to vector<1x16xf32>
    tpu.vector_store %arg17[%swap3A_1439, %swap3A_1440], %swap3A_1443 {strides = array<i32>} : memref<24x128xf32, #tpu.memory_space<vmem>>, vector<1x16xf32>,
    %broadcast_in_dim3A_1444 = arith.constant 0.000000e+00 : f32
    %broadcast_in_dim3A_1445 = vector.broadcast %broadcast_in_dim3A_1444 : f32 to vector<16xf32>
    %swap3A_1446 = arith.constant 22 : i32
    %swap3A_1447 = arith.index_cast %swap3A_1446 : i32 to index
    %swap3A_1448 = arith.constant 48 : index
    %swap3A_1449 = tpu.vector_load %arg17[%swap3A_1447, %swap3A_1448] {strides = array<i32>} : memref<24x128xf32, #tpu.memory_space<vmem>>, vector<1x16xf32>,
    %swap3A_1450 = vector.shape_cast %swap3A_1449 : vector<1x16xf32> to vector<16xf32>
    %swap3A_1451 = vector.shape_cast %broadcast_in_dim3A_1445 : vector<16xf32> to vector<1x16xf32>
    tpu.vector_store %arg17[%swap3A_1447, %swap3A_1448], %swap3A_1451 {strides = array<i32>} : memref<24x128xf32, #tpu.memory_space<vmem>>, vector<1x16xf32>,
    %broadcast_in_dim3A_1452 = arith.constant 0.000000e+00 : f32
    %broadcast_in_dim3A_1453 = vector.broadcast %broadcast_in_dim3A_1452 : f32 to vector<16xf32>
    %swap3A_1454 = arith.constant 22 : i32
    %swap3A_1455 = arith.index_cast %swap3A_1454 : i32 to index
    %swap3A_1456 = arith.constant 64 : index
    %swap3A_1457 = tpu.vector_load %arg17[%swap3A_1455, %swap3A_1456] {strides = array<i32>} : memref<24x128xf32, #tpu.memory_space<vmem>>, vector<1x16xf32>,
    %swap3A_1458 = vector.shape_cast %swap3A_1457 : vector<1x16xf32> to vector<16xf32>
    %swap3A_1459 = vector.shape_cast %broadcast_in_dim3A_1453 : vector<16xf32> to vector<1x16xf32>
    tpu.vector_store %arg17[%swap3A_1455, %swap3A_1456], %swap3A_1459 {strides = array<i32>} : memref<24x128xf32, #tpu.memory_space<vmem>>, vector<1x16xf32>,
    %broadcast_in_dim3A_1460 = arith.constant 0.000000e+00 : f32
    %broadcast_in_dim3A_1461 = vector.broadcast %broadcast_in_dim3A_1460 : f32 to vector<16xf32>
    %swap3A_1462 = arith.constant 22 : i32
    %swap3A_1463 = arith.index_cast %swap3A_1462 : i32 to index
    %swap3A_1464 = arith.constant 80 : index
    %swap3A_1465 = tpu.vector_load %arg17[%swap3A_1463, %swap3A_1464] {strides = array<i32>} : memref<24x128xf32, #tpu.memory_space<vmem>>, vector<1x16xf32>,
    %swap3A_1466 = vector.shape_cast %swap3A_1465 : vector<1x16xf32> to vector<16xf32>
    %swap3A_1467 = vector.shape_cast %broadcast_in_dim3A_1461 : vector<16xf32> to vector<1x16xf32>
    tpu.vector_store %arg17[%swap3A_1463, %swap3A_1464], %swap3A_1467 {strides = array<i32>} : memref<24x128xf32, #tpu.memory_space<vmem>>, vector<1x16xf32>,
    %broadcast_in_dim3A_1468 = arith.constant 0.000000e+00 : f32
    %broadcast_in_dim3A_1469 = vector.broadcast %broadcast_in_dim3A_1468 : f32 to vector<16xf32>
    %swap3A_1470 = arith.constant 22 : i32
    %swap3A_1471 = arith.index_cast %swap3A_1470 : i32 to index
    %swap3A_1472 = arith.constant 96 : index
    %swap3A_1473 = tpu.vector_load %arg17[%swap3A_1471, %swap3A_1472] {strides = array<i32>} : memref<24x128xf32, #tpu.memory_space<vmem>>, vector<1x16xf32>,
    %swap3A_1474 = vector.shape_cast %swap3A_1473 : vector<1x16xf32> to vector<16xf32>
    %swap3A_1475 = vector.shape_cast %broadcast_in_dim3A_1469 : vector<16xf32> to vector<1x16xf32>
    tpu.vector_store %arg17[%swap3A_1471, %swap3A_1472], %swap3A_1475 {strides = array<i32>} : memref<24x128xf32, #tpu.memory_space<vmem>>, vector<1x16xf32>,
    %broadcast_in_dim3A_1476 = arith.constant 0.000000e+00 : f32
    %broadcast_in_dim3A_1477 = vector.broadcast %broadcast_in_dim3A_1476 : f32 to vector<16xf32>
    %swap3A_1478 = arith.constant 22 : i32
    %swap3A_1479 = arith.index_cast %swap3A_1478 : i32 to index
    %swap3A_1480 = arith.constant 112 : index
    %swap3A_1481 = tpu.vector_load %arg17[%swap3A_1479, %swap3A_1480] {strides = array<i32>} : memref<24x128xf32, #tpu.memory_space<vmem>>, vector<1x16xf32>,
    %swap3A_1482 = vector.shape_cast %swap3A_1481 : vector<1x16xf32> to vector<16xf32>
    %swap3A_1483 = vector.shape_cast %broadcast_in_dim3A_1477 : vector<16xf32> to vector<1x16xf32>
    tpu.vector_store %arg17[%swap3A_1479, %swap3A_1480], %swap3A_1483 {strides = array<i32>} : memref<24x128xf32, #tpu.memory_space<vmem>>, vector<1x16xf32>,
    %broadcast_in_dim3A_1484 = arith.constant 0.000000e+00 : f32
    %broadcast_in_dim3A_1485 = vector.broadcast %broadcast_in_dim3A_1484 : f32 to vector<16xf32>
    %swap3A_1486 = arith.constant 23 : i32
    %swap3A_1487 = arith.index_cast %swap3A_1486 : i32 to index
    %swap3A_1488 = arith.constant 0 : index
    %swap3A_1489 = tpu.vector_load %arg17[%swap3A_1487, %swap3A_1488] {strides = array<i32>} : memref<24x128xf32, #tpu.memory_space<vmem>>, vector<1x16xf32>,
    %swap3A_1490 = vector.shape_cast %swap3A_1489 : vector<1x16xf32> to vector<16xf32>
    %swap3A_1491 = vector.shape_cast %broadcast_in_dim3A_1485 : vector<16xf32> to vector<1x16xf32>
    tpu.vector_store %arg17[%swap3A_1487, %swap3A_1488], %swap3A_1491 {strides = array<i32>} : memref<24x128xf32, #tpu.memory_space<vmem>>, vector<1x16xf32>,
    %broadcast_in_dim3A_1492 = arith.constant 0.000000e+00 : f32
    %broadcast_in_dim3A_1493 = vector.broadcast %broadcast_in_dim3A_1492 : f32 to vector<16xf32>
    %swap3A_1494 = arith.constant 23 : i32
    %swap3A_1495 = arith.index_cast %swap3A_1494 : i32 to index
    %swap3A_1496 = arith.constant 16 : index
    %swap3A_1497 = tpu.vector_load %arg17[%swap3A_1495, %swap3A_1496] {strides = array<i32>} : memref<24x128xf32, #tpu.memory_space<vmem>>, vector<1x16xf32>,
    %swap3A_1498 = vector.shape_cast %swap3A_1497 : vector<1x16xf32> to vector<16xf32>
    %swap3A_1499 = vector.shape_cast %broadcast_in_dim3A_1493 : vector<16xf32> to vector<1x16xf32>
    tpu.vector_store %arg17[%swap3A_1495, %swap3A_1496], %swap3A_1499 {strides = array<i32>} : memref<24x128xf32, #tpu.memory_space<vmem>>, vector<1x16xf32>,
    %broadcast_in_dim3A_1500 = arith.constant 0.000000e+00 : f32
    %broadcast_in_dim3A_1501 = vector.broadcast %broadcast_in_dim3A_1500 : f32 to vector<16xf32>
    %swap3A_1502 = arith.constant 23 : i32
    %swap3A_1503 = arith.index_cast %swap3A_1502 : i32 to index
    %swap3A_1504 = arith.constant 32 : index
    %swap3A_1505 = tpu.vector_load %arg17[%swap3A_1503, %swap3A_1504] {strides = array<i32>} : memref<24x128xf32, #tpu.memory_space<vmem>>, vector<1x16xf32>,
    %swap3A_1506 = vector.shape_cast %swap3A_1505 : vector<1x16xf32> to vector<16xf32>
    %swap3A_1507 = vector.shape_cast %broadcast_in_dim3A_1501 : vector<16xf32> to vector<1x16xf32>
    tpu.vector_store %arg17[%swap3A_1503, %swap3A_1504], %swap3A_1507 {strides = array<i32>} : memref<24x128xf32, #tpu.memory_space<vmem>>, vector<1x16xf32>,
    %broadcast_in_dim3A_1508 = arith.constant 0.000000e+00 : f32
    %broadcast_in_dim3A_1509 = vector.broadcast %broadcast_in_dim3A_1508 : f32 to vector<16xf32>
    %swap3A_1510 = arith.constant 23 : i32
    %swap3A_1511 = arith.index_cast %swap3A_1510 : i32 to index
    %swap3A_1512 = arith.constant 48 : index
    %swap3A_1513 = tpu.vector_load %arg17[%swap3A_1511, %swap3A_1512] {strides = array<i32>} : memref<24x128xf32, #tpu.memory_space<vmem>>, vector<1x16xf32>,
    %swap3A_1514 = vector.shape_cast %swap3A_1513 : vector<1x16xf32> to vector<16xf32>
    %swap3A_1515 = vector.shape_cast %broadcast_in_dim3A_1509 : vector<16xf32> to vector<1x16xf32>
    tpu.vector_store %arg17[%swap3A_1511, %swap3A_1512], %swap3A_1515 {strides = array<i32>} : memref<24x128xf32, #tpu.memory_space<vmem>>, vector<1x16xf32>,
    %broadcast_in_dim3A_1516 = arith.constant 0.000000e+00 : f32
    %broadcast_in_dim3A_1517 = vector.broadcast %broadcast_in_dim3A_1516 : f32 to vector<16xf32>
    %swap3A_1518 = arith.constant 23 : i32
    %swap3A_1519 = arith.index_cast %swap3A_1518 : i32 to index
    %swap3A_1520 = arith.constant 64 : index
    %swap3A_1521 = tpu.vector_load %arg17[%swap3A_1519, %swap3A_1520] {strides = array<i32>} : memref<24x128xf32, #tpu.memory_space<vmem>>, vector<1x16xf32>,
    %swap3A_1522 = vector.shape_cast %swap3A_1521 : vector<1x16xf32> to vector<16xf32>
    %swap3A_1523 = vector.shape_cast %broadcast_in_dim3A_1517 : vector<16xf32> to vector<1x16xf32>
    tpu.vector_store %arg17[%swap3A_1519, %swap3A_1520], %swap3A_1523 {strides = array<i32>} : memref<24x128xf32, #tpu.memory_space<vmem>>, vector<1x16xf32>,
    %broadcast_in_dim3A_1524 = arith.constant 0.000000e+00 : f32
    %broadcast_in_dim3A_1525 = vector.broadcast %broadcast_in_dim3A_1524 : f32 to vector<16xf32>
    %swap3A_1526 = arith.constant 23 : i32
    %swap3A_1527 = arith.index_cast %swap3A_1526 : i32 to index
    %swap3A_1528 = arith.constant 80 : index
    %swap3A_1529 = tpu.vector_load %arg17[%swap3A_1527, %swap3A_1528] {strides = array<i32>} : memref<24x128xf32, #tpu.memory_space<vmem>>, vector<1x16xf32>,
    %swap3A_1530 = vector.shape_cast %swap3A_1529 : vector<1x16xf32> to vector<16xf32>
    %swap3A_1531 = vector.shape_cast %broadcast_in_dim3A_1525 : vector<16xf32> to vector<1x16xf32>
    tpu.vector_store %arg17[%swap3A_1527, %swap3A_1528], %swap3A_1531 {strides = array<i32>} : memref<24x128xf32, #tpu.memory_space<vmem>>, vector<1x16xf32>,
    %broadcast_in_dim3A_1532 = arith.constant 0.000000e+00 : f32
    %broadcast_in_dim3A_1533 = vector.broadcast %broadcast_in_dim3A_1532 : f32 to vector<16xf32>
    %swap3A_1534 = arith.constant 23 : i32
    %swap3A_1535 = arith.index_cast %swap3A_1534 : i32 to index
    %swap3A_1536 = arith.constant 96 : index
    %swap3A_1537 = tpu.vector_load %arg17[%swap3A_1535, %swap3A_1536] {strides = array<i32>} : memref<24x128xf32, #tpu.memory_space<vmem>>, vector<1x16xf32>,
    %swap3A_1538 = vector.shape_cast %swap3A_1537 : vector<1x16xf32> to vector<16xf32>
    %swap3A_1539 = vector.shape_cast %broadcast_in_dim3A_1533 : vector<16xf32> to vector<1x16xf32>
    tpu.vector_store %arg17[%swap3A_1535, %swap3A_1536], %swap3A_1539 {strides = array<i32>} : memref<24x128xf32, #tpu.memory_space<vmem>>, vector<1x16xf32>,
    %broadcast_in_dim3A_1540 = arith.constant 0.000000e+00 : f32
    %broadcast_in_dim3A_1541 = vector.broadcast %broadcast_in_dim3A_1540 : f32 to vector<16xf32>
    %swap3A_1542 = arith.constant 23 : i32
    %swap3A_1543 = arith.index_cast %swap3A_1542 : i32 to index
    %swap3A_1544 = arith.constant 112 : index
    %swap3A_1545 = tpu.vector_load %arg17[%swap3A_1543, %swap3A_1544] {strides = array<i32>} : memref<24x128xf32, #tpu.memory_space<vmem>>, vector<1x16xf32>,
    %swap3A_1546 = vector.shape_cast %swap3A_1545 : vector<1x16xf32> to vector<16xf32>
    %swap3A_1547 = vector.shape_cast %broadcast_in_dim3A_1541 : vector<16xf32> to vector<1x16xf32>
    tpu.vector_store %arg17[%swap3A_1543, %swap3A_1544], %swap3A_1547 {strides = array<i32>} : memref<24x128xf32, #tpu.memory_space<vmem>>, vector<1x16xf32>,
    %mul3A_1548 = arith.constant 624 : i32
    %mul3A_1549 = arith.muli %arg1, %mul3A_1548 : i32
    %add3A_1550 = arith.constant 0 : i32
    %add3A_1551 = arith.addi %mul3A_1549, %add3A_1550 : i32
    %dma_start3A_1552 = arith.constant 0 : i32
    %dma_start3A_1553 = tpu.memref_slice %arg18[%add3A_1551, %dma_start3A_1552] : memref<10000x128xf32, #tpu.memory_space<vmem_shared>> -> memref<24x128xf32, #tpu.memory_space<vmem_shared>>
    %dma_start3A_1554 = arith.constant 0 : i32
    %dma_start3A_1555 = tpu.memref_slice %arg18[%add3A_1551, %dma_start3A_1554] : memref<10000x128xf32, #tpu.memory_space<vmem_shared>> -> memref<24x128xf32, #tpu.memory_space<vmem_shared>>
    tpu.enqueue_dma source(%arg17 : memref<24x128xf32, #tpu.memory_space<vmem>>) target(%dma_start3A_1555 : memref<24x128xf32, #tpu.memory_space<vmem_shared>>) target_semaphore(%arg21 : memref<!tpu.dma_semaphore, #tpu.memory_space<semaphore_mem>>)
    %add3A_1556 = arith.constant 24 : i32
    %add3A_1557 = arith.addi %mul3A_1549, %add3A_1556 : i32
    %dma_start3A_1558 = arith.constant 0 : i32
    %dma_start3A_1559 = tpu.memref_slice %arg18[%add3A_1557, %dma_start3A_1558] : memref<10000x128xf32, #tpu.memory_space<vmem_shared>> -> memref<24x128xf32, #tpu.memory_space<vmem_shared>>
    %dma_start3A_1560 = arith.constant 0 : i32
    %dma_start3A_1561 = tpu.memref_slice %arg18[%add3A_1557, %dma_start3A_1560] : memref<10000x128xf32, #tpu.memory_space<vmem_shared>> -> memref<24x128xf32, #tpu.memory_space<vmem_shared>>
    tpu.enqueue_dma source(%arg17 : memref<24x128xf32, #tpu.memory_space<vmem>>) target(%dma_start3A_1561 : memref<24x128xf32, #tpu.memory_space<vmem_shared>>) target_semaphore(%arg21 : memref<!tpu.dma_semaphore, #tpu.memory_space<semaphore_mem>>)
    %add3A_1562 = arith.constant 48 : i32
    %add3A_1563 = arith.addi %mul3A_1549, %add3A_1562 : i32
    %dma_start3A_1564 = arith.constant 0 : i32
    %dma_start3A_1565 = tpu.memref_slice %arg18[%add3A_1563, %dma_start3A_1564] : memref<10000x128xf32, #tpu.memory_space<vmem_shared>> -> memref<24x128xf32, #tpu.memory_space<vmem_shared>>
    %dma_start3A_1566 = arith.constant 0 : i32
    %dma_start3A_1567 = tpu.memref_slice %arg18[%add3A_1563, %dma_start3A_1566] : memref<10000x128xf32, #tpu.memory_space<vmem_shared>> -> memref<24x128xf32, #tpu.memory_space<vmem_shared>>
    tpu.enqueue_dma source(%arg17 : memref<24x128xf32, #tpu.memory_space<vmem>>) target(%dma_start3A_1567 : memref<24x128xf32, #tpu.memory_space<vmem_shared>>) target_semaphore(%arg21 : memref<!tpu.dma_semaphore, #tpu.memory_space<semaphore_mem>>)
    %add3A_1568 = arith.constant 72 : i32
    %add3A_1569 = arith.addi %mul3A_1549, %add3A_1568 : i32
    %dma_start3A_1570 = arith.constant 0 : i32
    %dma_start3A_1571 = tpu.memref_slice %arg18[%add3A_1569, %dma_start3A_1570] : memref<10000x128xf32, #tpu.memory_space<vmem_shared>> -> memref<24x128xf32, #tpu.memory_space<vmem_shared>>
    %dma_start3A_1572 = arith.constant 0 : i32
    %dma_start3A_1573 = tpu.memref_slice %arg18[%add3A_1569, %dma_start3A_1572] : memref<10000x128xf32, #tpu.memory_space<vmem_shared>> -> memref<24x128xf32, #tpu.memory_space<vmem_shared>>
    tpu.enqueue_dma source(%arg17 : memref<24x128xf32, #tpu.memory_space<vmem>>) target(%dma_start3A_1573 : memref<24x128xf32, #tpu.memory_space<vmem_shared>>) target_semaphore(%arg21 : memref<!tpu.dma_semaphore, #tpu.memory_space<semaphore_mem>>)
    %add3A_1574 = arith.constant 96 : i32
    %add3A_1575 = arith.addi %mul3A_1549, %add3A_1574 : i32
    %dma_start3A_1576 = arith.constant 0 : i32
    %dma_start3A_1577 = tpu.memref_slice %arg18[%add3A_1575, %dma_start3A_1576] : memref<10000x128xf32, #tpu.memory_space<vmem_shared>> -> memref<24x128xf32, #tpu.memory_space<vmem_shared>>
    %dma_start3A_1578 = arith.constant 0 : i32
    %dma_start3A_1579 = tpu.memref_slice %arg18[%add3A_1575, %dma_start3A_1578] : memref<10000x128xf32, #tpu.memory_space<vmem_shared>> -> memref<24x128xf32, #tpu.memory_space<vmem_shared>>
    tpu.enqueue_dma source(%arg17 : memref<24x128xf32, #tpu.memory_space<vmem>>) target(%dma_start3A_1579 : memref<24x128xf32, #tpu.memory_space<vmem_shared>>) target_semaphore(%arg21 : memref<!tpu.dma_semaphore, #tpu.memory_space<semaphore_mem>>)
    %add3A_1580 = arith.constant 120 : i32
    %add3A_1581 = arith.addi %mul3A_1549, %add3A_1580 : i32
    %dma_start3A_1582 = arith.constant 0 : i32
    %dma_start3A_1583 = tpu.memref_slice %arg18[%add3A_1581, %dma_start3A_1582] : memref<10000x128xf32, #tpu.memory_space<vmem_shared>> -> memref<24x128xf32, #tpu.memory_space<vmem_shared>>
    %dma_start3A_1584 = arith.constant 0 : i32
    %dma_start3A_1585 = tpu.memref_slice %arg18[%add3A_1581, %dma_start3A_1584] : memref<10000x128xf32, #tpu.memory_space<vmem_shared>> -> memref<24x128xf32, #tpu.memory_space<vmem_shared>>
    tpu.enqueue_dma source(%arg17 : memref<24x128xf32, #tpu.memory_space<vmem>>) target(%dma_start3A_1585 : memref<24x128xf32, #tpu.memory_space<vmem_shared>>) target_semaphore(%arg21 : memref<!tpu.dma_semaphore, #tpu.memory_space<semaphore_mem>>)
    %add3A_1586 = arith.constant 144 : i32
    %add3A_1587 = arith.addi %mul3A_1549, %add3A_1586 : i32
    %dma_start3A_1588 = arith.constant 0 : i32
    %dma_start3A_1589 = tpu.memref_slice %arg18[%add3A_1587, %dma_start3A_1588] : memref<10000x128xf32, #tpu.memory_space<vmem_shared>> -> memref<24x128xf32, #tpu.memory_space<vmem_shared>>
    %dma_start3A_1590 = arith.constant 0 : i32
    %dma_start3A_1591 = tpu.memref_slice %arg18[%add3A_1587, %dma_start3A_1590] : memref<10000x128xf32, #tpu.memory_space<vmem_shared>> -> memref<24x128xf32, #tpu.memory_space<vmem_shared>>
    tpu.enqueue_dma source(%arg17 : memref<24x128xf32, #tpu.memory_space<vmem>>) target(%dma_start3A_1591 : memref<24x128xf32, #tpu.memory_space<vmem_shared>>) target_semaphore(%arg21 : memref<!tpu.dma_semaphore, #tpu.memory_space<semaphore_mem>>)
    %add3A_1592 = arith.constant 168 : i32
    %add3A_1593 = arith.addi %mul3A_1549, %add3A_1592 : i32
    %dma_start3A_1594 = arith.constant 0 : i32
    %dma_start3A_1595 = tpu.memref_slice %arg18[%add3A_1593, %dma_start3A_1594] : memref<10000x128xf32, #tpu.memory_space<vmem_shared>> -> memref<24x128xf32, #tpu.memory_space<vmem_shared>>
    %dma_start3A_1596 = arith.constant 0 : i32
    %dma_start3A_1597 = tpu.memref_slice %arg18[%add3A_1593, %dma_start3A_1596] : memref<10000x128xf32, #tpu.memory_space<vmem_shared>> -> memref<24x128xf32, #tpu.memory_space<vmem_shared>>
    tpu.enqueue_dma source(%arg17 : memref<24x128xf32, #tpu.memory_space<vmem>>) target(%dma_start3A_1597 : memref<24x128xf32, #tpu.memory_space<vmem_shared>>) target_semaphore(%arg21 : memref<!tpu.dma_semaphore, #tpu.memory_space<semaphore_mem>>)
    %add3A_1598 = arith.constant 192 : i32
    %add3A_1599 = arith.addi %mul3A_1549, %add3A_1598 : i32
    %dma_start3A_1600 = arith.constant 0 : i32
    %dma_start3A_1601 = tpu.memref_slice %arg18[%add3A_1599, %dma_start3A_1600] : memref<10000x128xf32, #tpu.memory_space<vmem_shared>> -> memref<24x128xf32, #tpu.memory_space<vmem_shared>>
    %dma_start3A_1602 = arith.constant 0 : i32
    %dma_start3A_1603 = tpu.memref_slice %arg18[%add3A_1599, %dma_start3A_1602] : memref<10000x128xf32, #tpu.memory_space<vmem_shared>> -> memref<24x128xf32, #tpu.memory_space<vmem_shared>>
    tpu.enqueue_dma source(%arg17 : memref<24x128xf32, #tpu.memory_space<vmem>>) target(%dma_start3A_1603 : memref<24x128xf32, #tpu.memory_space<vmem_shared>>) target_semaphore(%arg21 : memref<!tpu.dma_semaphore, #tpu.memory_space<semaphore_mem>>)
    %add3A_1604 = arith.constant 216 : i32
    %add3A_1605 = arith.addi %mul3A_1549, %add3A_1604 : i32
    %dma_start3A_1606 = arith.constant 0 : i32
    %dma_start3A_1607 = tpu.memref_slice %arg18[%add3A_1605, %dma_start3A_1606] : memref<10000x128xf32, #tpu.memory_space<vmem_shared>> -> memref<24x128xf32, #tpu.memory_space<vmem_shared>>
    %dma_start3A_1608 = arith.constant 0 : i32
    %dma_start3A_1609 = tpu.memref_slice %arg18[%add3A_1605, %dma_start3A_1608] : memref<10000x128xf32, #tpu.memory_space<vmem_shared>> -> memref<24x128xf32, #tpu.memory_space<vmem_shared>>
    tpu.enqueue_dma source(%arg17 : memref<24x128xf32, #tpu.memory_space<vmem>>) target(%dma_start3A_1609 : memref<24x128xf32, #tpu.memory_space<vmem_shared>>) target_semaphore(%arg21 : memref<!tpu.dma_semaphore, #tpu.memory_space<semaphore_mem>>)
    %add3A_1610 = arith.constant 240 : i32
    %add3A_1611 = arith.addi %mul3A_1549, %add3A_1610 : i32
    %dma_start3A_1612 = arith.constant 0 : i32
    %dma_start3A_1613 = tpu.memref_slice %arg18[%add3A_1611, %dma_start3A_1612] : memref<10000x128xf32, #tpu.memory_space<vmem_shared>> -> memref<24x128xf32, #tpu.memory_space<vmem_shared>>
    %dma_start3A_1614 = arith.constant 0 : i32
    %dma_start3A_1615 = tpu.memref_slice %arg18[%add3A_1611, %dma_start3A_1614] : memref<10000x128xf32, #tpu.memory_space<vmem_shared>> -> memref<24x128xf32, #tpu.memory_space<vmem_shared>>
    tpu.enqueue_dma source(%arg17 : memref<24x128xf32, #tpu.memory_space<vmem>>) target(%dma_start3A_1615 : memref<24x128xf32, #tpu.memory_space<vmem_shared>>) target_semaphore(%arg21 : memref<!tpu.dma_semaphore, #tpu.memory_space<semaphore_mem>>)
    %add3A_1616 = arith.constant 264 : i32
    %add3A_1617 = arith.addi %mul3A_1549, %add3A_1616 : i32
    %dma_start3A_1618 = arith.constant 0 : i32
    %dma_start3A_1619 = tpu.memref_slice %arg18[%add3A_1617, %dma_start3A_1618] : memref<10000x128xf32, #tpu.memory_space<vmem_shared>> -> memref<24x128xf32, #tpu.memory_space<vmem_shared>>
    %dma_start3A_1620 = arith.constant 0 : i32
    %dma_start3A_1621 = tpu.memref_slice %arg18[%add3A_1617, %dma_start3A_1620] : memref<10000x128xf32, #tpu.memory_space<vmem_shared>> -> memref<24x128xf32, #tpu.memory_space<vmem_shared>>
    tpu.enqueue_dma source(%arg17 : memref<24x128xf32, #tpu.memory_space<vmem>>) target(%dma_start3A_1621 : memref<24x128xf32, #tpu.memory_space<vmem_shared>>) target_semaphore(%arg21 : memref<!tpu.dma_semaphore, #tpu.memory_space<semaphore_mem>>)
    %add3A_1622 = arith.constant 288 : i32
    %add3A_1623 = arith.addi %mul3A_1549, %add3A_1622 : i32
    %dma_start3A_1624 = arith.constant 0 : i32
    %dma_start3A_1625 = tpu.memref_slice %arg18[%add3A_1623, %dma_start3A_1624] : memref<10000x128xf32, #tpu.memory_space<vmem_shared>> -> memref<24x128xf32, #tpu.memory_space<vmem_shared>>
    %dma_start3A_1626 = arith.constant 0 : i32
    %dma_start3A_1627 = tpu.memref_slice %arg18[%add3A_1623, %dma_start3A_1626] : memref<10000x128xf32, #tpu.memory_space<vmem_shared>> -> memref<24x128xf32, #tpu.memory_space<vmem_shared>>
    tpu.enqueue_dma source(%arg17 : memref<24x128xf32, #tpu.memory_space<vmem>>) target(%dma_start3A_1627 : memref<24x128xf32, #tpu.memory_space<vmem_shared>>) target_semaphore(%arg21 : memref<!tpu.dma_semaphore, #tpu.memory_space<semaphore_mem>>)
    %add3A_1628 = arith.constant 312 : i32
    %add3A_1629 = arith.addi %mul3A_1549, %add3A_1628 : i32
    %dma_start3A_1630 = arith.constant 0 : i32
    %dma_start3A_1631 = tpu.memref_slice %arg18[%add3A_1629, %dma_start3A_1630] : memref<10000x128xf32, #tpu.memory_space<vmem_shared>> -> memref<24x128xf32, #tpu.memory_space<vmem_shared>>
    %dma_start3A_1632 = arith.constant 0 : i32
    %dma_start3A_1633 = tpu.memref_slice %arg18[%add3A_1629, %dma_start3A_1632] : memref<10000x128xf32, #tpu.memory_space<vmem_shared>> -> memref<24x128xf32, #tpu.memory_space<vmem_shared>>
    tpu.enqueue_dma source(%arg17 : memref<24x128xf32, #tpu.memory_space<vmem>>) target(%dma_start3A_1633 : memref<24x128xf32, #tpu.memory_space<vmem_shared>>) target_semaphore(%arg21 : memref<!tpu.dma_semaphore, #tpu.memory_space<semaphore_mem>>)
    %add3A_1634 = arith.constant 336 : i32
    %add3A_1635 = arith.addi %mul3A_1549, %add3A_1634 : i32
    %dma_start3A_1636 = arith.constant 0 : i32
    %dma_start3A_1637 = tpu.memref_slice %arg18[%add3A_1635, %dma_start3A_1636] : memref<10000x128xf32, #tpu.memory_space<vmem_shared>> -> memref<24x128xf32, #tpu.memory_space<vmem_shared>>
    %dma_start3A_1638 = arith.constant 0 : i32
    %dma_start3A_1639 = tpu.memref_slice %arg18[%add3A_1635, %dma_start3A_1638] : memref<10000x128xf32, #tpu.memory_space<vmem_shared>> -> memref<24x128xf32, #tpu.memory_space<vmem_shared>>
    tpu.enqueue_dma source(%arg17 : memref<24x128xf32, #tpu.memory_space<vmem>>) target(%dma_start3A_1639 : memref<24x128xf32, #tpu.memory_space<vmem_shared>>) target_semaphore(%arg21 : memref<!tpu.dma_semaphore, #tpu.memory_space<semaphore_mem>>)
    %add3A_1640 = arith.constant 360 : i32
    %add3A_1641 = arith.addi %mul3A_1549, %add3A_1640 : i32
    %dma_start3A_1642 = arith.constant 0 : i32
    %dma_start3A_1643 = tpu.memref_slice %arg18[%add3A_1641, %dma_start3A_1642] : memref<10000x128xf32, #tpu.memory_space<vmem_shared>> -> memref<24x128xf32, #tpu.memory_space<vmem_shared>>
    %dma_start3A_1644 = arith.constant 0 : i32
    %dma_start3A_1645 = tpu.memref_slice %arg18[%add3A_1641, %dma_start3A_1644] : memref<10000x128xf32, #tpu.memory_space<vmem_shared>> -> memref<24x128xf32, #tpu.memory_space<vmem_shared>>
    tpu.enqueue_dma source(%arg17 : memref<24x128xf32, #tpu.memory_space<vmem>>) target(%dma_start3A_1645 : memref<24x128xf32, #tpu.memory_space<vmem_shared>>) target_semaphore(%arg21 : memref<!tpu.dma_semaphore, #tpu.memory_space<semaphore_mem>>)
    %add3A_1646 = arith.constant 384 : i32
    %add3A_1647 = arith.addi %mul3A_1549, %add3A_1646 : i32
    %dma_start3A_1648 = arith.constant 0 : i32
    %dma_start3A_1649 = tpu.memref_slice %arg18[%add3A_1647, %dma_start3A_1648] : memref<10000x128xf32, #tpu.memory_space<vmem_shared>> -> memref<24x128xf32, #tpu.memory_space<vmem_shared>>
    %dma_start3A_1650 = arith.constant 0 : i32
    %dma_start3A_1651 = tpu.memref_slice %arg18[%add3A_1647, %dma_start3A_1650] : memref<10000x128xf32, #tpu.memory_space<vmem_shared>> -> memref<24x128xf32, #tpu.memory_space<vmem_shared>>
    tpu.enqueue_dma source(%arg17 : memref<24x128xf32, #tpu.memory_space<vmem>>) target(%dma_start3A_1651 : memref<24x128xf32, #tpu.memory_space<vmem_shared>>) target_semaphore(%arg21 : memref<!tpu.dma_semaphore, #tpu.memory_space<semaphore_mem>>)
    %add3A_1652 = arith.constant 408 : i32
    %add3A_1653 = arith.addi %mul3A_1549, %add3A_1652 : i32
    %dma_start3A_1654 = arith.constant 0 : i32
    %dma_start3A_1655 = tpu.memref_slice %arg18[%add3A_1653, %dma_start3A_1654] : memref<10000x128xf32, #tpu.memory_space<vmem_shared>> -> memref<24x128xf32, #tpu.memory_space<vmem_shared>>
    %dma_start3A_1656 = arith.constant 0 : i32
    %dma_start3A_1657 = tpu.memref_slice %arg18[%add3A_1653, %dma_start3A_1656] : memref<10000x128xf32, #tpu.memory_space<vmem_shared>> -> memref<24x128xf32, #tpu.memory_space<vmem_shared>>
    tpu.enqueue_dma source(%arg17 : memref<24x128xf32, #tpu.memory_space<vmem>>) target(%dma_start3A_1657 : memref<24x128xf32, #tpu.memory_space<vmem_shared>>) target_semaphore(%arg21 : memref<!tpu.dma_semaphore, #tpu.memory_space<semaphore_mem>>)
    %add3A_1658 = arith.constant 432 : i32
    %add3A_1659 = arith.addi %mul3A_1549, %add3A_1658 : i32
    %dma_start3A_1660 = arith.constant 0 : i32
    %dma_start3A_1661 = tpu.memref_slice %arg18[%add3A_1659, %dma_start3A_1660] : memref<10000x128xf32, #tpu.memory_space<vmem_shared>> -> memref<24x128xf32, #tpu.memory_space<vmem_shared>>
    %dma_start3A_1662 = arith.constant 0 : i32
    %dma_start3A_1663 = tpu.memref_slice %arg18[%add3A_1659, %dma_start3A_1662] : memref<10000x128xf32, #tpu.memory_space<vmem_shared>> -> memref<24x128xf32, #tpu.memory_space<vmem_shared>>
    tpu.enqueue_dma source(%arg17 : memref<24x128xf32, #tpu.memory_space<vmem>>) target(%dma_start3A_1663 : memref<24x128xf32, #tpu.memory_space<vmem_shared>>) target_semaphore(%arg21 : memref<!tpu.dma_semaphore, #tpu.memory_space<semaphore_mem>>)
    %add3A_1664 = arith.constant 456 : i32
    %add3A_1665 = arith.addi %mul3A_1549, %add3A_1664 : i32
    %dma_start3A_1666 = arith.constant 0 : i32
    %dma_start3A_1667 = tpu.memref_slice %arg18[%add3A_1665, %dma_start3A_1666] : memref<10000x128xf32, #tpu.memory_space<vmem_shared>> -> memref<24x128xf32, #tpu.memory_space<vmem_shared>>
    %dma_start3A_1668 = arith.constant 0 : i32
    %dma_start3A_1669 = tpu.memref_slice %arg18[%add3A_1665, %dma_start3A_1668] : memref<10000x128xf32, #tpu.memory_space<vmem_shared>> -> memref<24x128xf32, #tpu.memory_space<vmem_shared>>
    tpu.enqueue_dma source(%arg17 : memref<24x128xf32, #tpu.memory_space<vmem>>) target(%dma_start3A_1669 : memref<24x128xf32, #tpu.memory_space<vmem_shared>>) target_semaphore(%arg21 : memref<!tpu.dma_semaphore, #tpu.memory_space<semaphore_mem>>)
    %add3A_1670 = arith.constant 480 : i32
    %add3A_1671 = arith.addi %mul3A_1549, %add3A_1670 : i32
    %dma_start3A_1672 = arith.constant 0 : i32
    %dma_start3A_1673 = tpu.memref_slice %arg18[%add3A_1671, %dma_start3A_1672] : memref<10000x128xf32, #tpu.memory_space<vmem_shared>> -> memref<24x128xf32, #tpu.memory_space<vmem_shared>>
    %dma_start3A_1674 = arith.constant 0 : i32
    %dma_start3A_1675 = tpu.memref_slice %arg18[%add3A_1671, %dma_start3A_1674] : memref<10000x128xf32, #tpu.memory_space<vmem_shared>> -> memref<24x128xf32, #tpu.memory_space<vmem_shared>>
    tpu.enqueue_dma source(%arg17 : memref<24x128xf32, #tpu.memory_space<vmem>>) target(%dma_start3A_1675 : memref<24x128xf32, #tpu.memory_space<vmem_shared>>) target_semaphore(%arg21 : memref<!tpu.dma_semaphore, #tpu.memory_space<semaphore_mem>>)
    %add3A_1676 = arith.constant 504 : i32
    %add3A_1677 = arith.addi %mul3A_1549, %add3A_1676 : i32
    %dma_start3A_1678 = arith.constant 0 : i32
    %dma_start3A_1679 = tpu.memref_slice %arg18[%add3A_1677, %dma_start3A_1678] : memref<10000x128xf32, #tpu.memory_space<vmem_shared>> -> memref<24x128xf32, #tpu.memory_space<vmem_shared>>
    %dma_start3A_1680 = arith.constant 0 : i32
    %dma_start3A_1681 = tpu.memref_slice %arg18[%add3A_1677, %dma_start3A_1680] : memref<10000x128xf32, #tpu.memory_space<vmem_shared>> -> memref<24x128xf32, #tpu.memory_space<vmem_shared>>
    tpu.enqueue_dma source(%arg17 : memref<24x128xf32, #tpu.memory_space<vmem>>) target(%dma_start3A_1681 : memref<24x128xf32, #tpu.memory_space<vmem_shared>>) target_semaphore(%arg21 : memref<!tpu.dma_semaphore, #tpu.memory_space<semaphore_mem>>)
    %add3A_1682 = arith.constant 528 : i32
    %add3A_1683 = arith.addi %mul3A_1549, %add3A_1682 : i32
    %dma_start3A_1684 = arith.constant 0 : i32
    %dma_start3A_1685 = tpu.memref_slice %arg18[%add3A_1683, %dma_start3A_1684] : memref<10000x128xf32, #tpu.memory_space<vmem_shared>> -> memref<24x128xf32, #tpu.memory_space<vmem_shared>>
    %dma_start3A_1686 = arith.constant 0 : i32
    %dma_start3A_1687 = tpu.memref_slice %arg18[%add3A_1683, %dma_start3A_1686] : memref<10000x128xf32, #tpu.memory_space<vmem_shared>> -> memref<24x128xf32, #tpu.memory_space<vmem_shared>>
    tpu.enqueue_dma source(%arg17 : memref<24x128xf32, #tpu.memory_space<vmem>>) target(%dma_start3A_1687 : memref<24x128xf32, #tpu.memory_space<vmem_shared>>) target_semaphore(%arg21 : memref<!tpu.dma_semaphore, #tpu.memory_space<semaphore_mem>>)
    %add3A_1688 = arith.constant 552 : i32
    %add3A_1689 = arith.addi %mul3A_1549, %add3A_1688 : i32
    %dma_start3A_1690 = arith.constant 0 : i32
    %dma_start3A_1691 = tpu.memref_slice %arg18[%add3A_1689, %dma_start3A_1690] : memref<10000x128xf32, #tpu.memory_space<vmem_shared>> -> memref<24x128xf32, #tpu.memory_space<vmem_shared>>
    %dma_start3A_1692 = arith.constant 0 : i32
    %dma_start3A_1693 = tpu.memref_slice %arg18[%add3A_1689, %dma_start3A_1692] : memref<10000x128xf32, #tpu.memory_space<vmem_shared>> -> memref<24x128xf32, #tpu.memory_space<vmem_shared>>
    tpu.enqueue_dma source(%arg17 : memref<24x128xf32, #tpu.memory_space<vmem>>) target(%dma_start3A_1693 : memref<24x128xf32, #tpu.memory_space<vmem_shared>>) target_semaphore(%arg21 : memref<!tpu.dma_semaphore, #tpu.memory_space<semaphore_mem>>)
    %add3A_1694 = arith.constant 576 : i32
    %add3A_1695 = arith.addi %mul3A_1549, %add3A_1694 : i32
    %dma_start3A_1696 = arith.constant 0 : i32
    %dma_start3A_1697 = tpu.memref_slice %arg18[%add3A_1695, %dma_start3A_1696] : memref<10000x128xf32, #tpu.memory_space<vmem_shared>> -> memref<24x128xf32, #tpu.memory_space<vmem_shared>>
    %dma_start3A_1698 = arith.constant 0 : i32
    %dma_start3A_1699 = tpu.memref_slice %arg18[%add3A_1695, %dma_start3A_1698] : memref<10000x128xf32, #tpu.memory_space<vmem_shared>> -> memref<24x128xf32, #tpu.memory_space<vmem_shared>>
    tpu.enqueue_dma source(%arg17 : memref<24x128xf32, #tpu.memory_space<vmem>>) target(%dma_start3A_1699 : memref<24x128xf32, #tpu.memory_space<vmem_shared>>) target_semaphore(%arg21 : memref<!tpu.dma_semaphore, #tpu.memory_space<semaphore_mem>>)
    %add3A_1700 = arith.constant 600 : i32
    %add3A_1701 = arith.addi %mul3A_1549, %add3A_1700 : i32
    %dma_start3A_1702 = arith.constant 0 : i32
    %dma_start3A_1703 = tpu.memref_slice %arg18[%add3A_1701, %dma_start3A_1702] : memref<10000x128xf32, #tpu.memory_space<vmem_shared>> -> memref<24x128xf32, #tpu.memory_space<vmem_shared>>
    %dma_start3A_1704 = arith.constant 0 : i32
    %dma_start3A_1705 = tpu.memref_slice %arg18[%add3A_1701, %dma_start3A_1704] : memref<10000x128xf32, #tpu.memory_space<vmem_shared>> -> memref<24x128xf32, #tpu.memory_space<vmem_shared>>
    tpu.enqueue_dma source(%arg17 : memref<24x128xf32, #tpu.memory_space<vmem>>) target(%dma_start3A_1705 : memref<24x128xf32, #tpu.memory_space<vmem_shared>>) target_semaphore(%arg21 : memref<!tpu.dma_semaphore, #tpu.memory_space<semaphore_mem>>)
    %eq3A = arith.constant 0 : i32
    %eq3A_1706 = arith.cmpi eq, %arg1, %eq3A : i32
    %convert_element_type3A = arith.extui %eq3A_1706 : i1 to i32
    %cond3A = arith.constant 0 : i32
    %cond3A_1707 = arith.cmpi ne, %convert_element_type3A, %cond3A : i32
    scf.if %cond3A_1707 {
      %dma_start3A_2199 = arith.constant 0 : i32
      %dma_start3A_2200 = arith.constant 0 : i32
      %dma_start3A_2201 = tpu.memref_slice %arg17[%dma_start3A_2199, %dma_start3A_2200] : memref<24x128xf32, #tpu.memory_space<vmem>> -> memref<16x128xf32, #tpu.memory_space<vmem>>
      %dma_start3A_2202 = arith.constant 9984 : i32
      %dma_start3A_2203 = arith.constant 0 : i32
      %dma_start3A_2204 = tpu.memref_slice %arg18[%dma_start3A_2202, %dma_start3A_2203] : memref<10000x128xf32, #tpu.memory_space<vmem_shared>> -> memref<16x128xf32, #tpu.memory_space<vmem_shared>>
      %dma_start3A_2205 = arith.constant 9984 : i32
      %dma_start3A_2206 = arith.constant 0 : i32
      %dma_start3A_2207 = tpu.memref_slice %arg18[%dma_start3A_2205, %dma_start3A_2206] : memref<10000x128xf32, #tpu.memory_space<vmem_shared>> -> memref<16x128xf32, #tpu.memory_space<vmem_shared>>
      %dma_start3A_2208 = arith.constant 0 : i32
      %dma_start3A_2209 = arith.constant 0 : i32
      %dma_start3A_2210 = tpu.memref_slice %arg17[%dma_start3A_2208, %dma_start3A_2209] : memref<24x128xf32, #tpu.memory_space<vmem>> -> memref<16x128xf32, #tpu.memory_space<vmem>>
      tpu.enqueue_dma source(%dma_start3A_2210 : memref<16x128xf32, #tpu.memory_space<vmem>>) target(%dma_start3A_2207 : memref<16x128xf32, #tpu.memory_space<vmem_shared>>) target_semaphore(%arg21 : memref<!tpu.dma_semaphore, #tpu.memory_space<semaphore_mem>>)
    } else {
    }
    %add3A_1708 = arith.constant 0 : i32
    %add3A_1709 = arith.addi %mul3A_1549, %add3A_1708 : i32
    %dma_wait3A = arith.constant 0 : i32
    %dma_wait3A_1710 = tpu.memref_slice %arg18[%add3A_1709, %dma_wait3A] : memref<10000x128xf32, #tpu.memory_space<vmem_shared>> -> memref<24x128xf32, #tpu.memory_space<vmem_shared>>
    %dma_wait3A_1711 = arith.constant 0 : i32
    %dma_wait3A_1712 = tpu.memref_slice %arg18[%add3A_1709, %dma_wait3A_1711] : memref<10000x128xf32, #tpu.memory_space<vmem_shared>> -> memref<24x128xf32, #tpu.memory_space<vmem_shared>>
    tpu.wait_dma2 semaphore(%arg21 : memref<!tpu.dma_semaphore, #tpu.memory_space<semaphore_mem>>) src(%arg17 : memref<24x128xf32, #tpu.memory_space<vmem>>) dst(%dma_wait3A_1712 : memref<24x128xf32, #tpu.memory_space<vmem_shared>>)
    %add3A_1713 = arith.constant 24 : i32
    %add3A_1714 = arith.addi %mul3A_1549, %add3A_1713 : i32
    %dma_wait3A_1715 = arith.constant 0 : i32
    %dma_wait3A_1716 = tpu.memref_slice %arg18[%add3A_1714, %dma_wait3A_1715] : memref<10000x128xf32, #tpu.memory_space<vmem_shared>> -> memref<24x128xf32, #tpu.memory_space<vmem_shared>>
    %dma_wait3A_1717 = arith.constant 0 : i32
    %dma_wait3A_1718 = tpu.memref_slice %arg18[%add3A_1714, %dma_wait3A_1717] : memref<10000x128xf32, #tpu.memory_space<vmem_shared>> -> memref<24x128xf32, #tpu.memory_space<vmem_shared>>
    tpu.wait_dma2 semaphore(%arg21 : memref<!tpu.dma_semaphore, #tpu.memory_space<semaphore_mem>>) src(%arg17 : memref<24x128xf32, #tpu.memory_space<vmem>>) dst(%dma_wait3A_1718 : memref<24x128xf32, #tpu.memory_space<vmem_shared>>)
    %add3A_1719 = arith.constant 48 : i32
    %add3A_1720 = arith.addi %mul3A_1549, %add3A_1719 : i32
    %dma_wait3A_1721 = arith.constant 0 : i32
    %dma_wait3A_1722 = tpu.memref_slice %arg18[%add3A_1720, %dma_wait3A_1721] : memref<10000x128xf32, #tpu.memory_space<vmem_shared>> -> memref<24x128xf32, #tpu.memory_space<vmem_shared>>
    %dma_wait3A_1723 = arith.constant 0 : i32
    %dma_wait3A_1724 = tpu.memref_slice %arg18[%add3A_1720, %dma_wait3A_1723] : memref<10000x128xf32, #tpu.memory_space<vmem_shared>> -> memref<24x128xf32, #tpu.memory_space<vmem_shared>>
    tpu.wait_dma2 semaphore(%arg21 : memref<!tpu.dma_semaphore, #tpu.memory_space<semaphore_mem>>) src(%arg17 : memref<24x128xf32, #tpu.memory_space<vmem>>) dst(%dma_wait3A_1724 : memref<24x128xf32, #tpu.memory_space<vmem_shared>>)
    %add3A_1725 = arith.constant 72 : i32
    %add3A_1726 = arith.addi %mul3A_1549, %add3A_1725 : i32
    %dma_wait3A_1727 = arith.constant 0 : i32
    %dma_wait3A_1728 = tpu.memref_slice %arg18[%add3A_1726, %dma_wait3A_1727] : memref<10000x128xf32, #tpu.memory_space<vmem_shared>> -> memref<24x128xf32, #tpu.memory_space<vmem_shared>>
    %dma_wait3A_1729 = arith.constant 0 : i32
    %dma_wait3A_1730 = tpu.memref_slice %arg18[%add3A_1726, %dma_wait3A_1729] : memref<10000x128xf32, #tpu.memory_space<vmem_shared>> -> memref<24x128xf32, #tpu.memory_space<vmem_shared>>
    tpu.wait_dma2 semaphore(%arg21 : memref<!tpu.dma_semaphore, #tpu.memory_space<semaphore_mem>>) src(%arg17 : memref<24x128xf32, #tpu.memory_space<vmem>>) dst(%dma_wait3A_1730 : memref<24x128xf32, #tpu.memory_space<vmem_shared>>)
    %add3A_1731 = arith.constant 96 : i32
    %add3A_1732 = arith.addi %mul3A_1549, %add3A_1731 : i32
    %dma_wait3A_1733 = arith.constant 0 : i32
    %dma_wait3A_1734 = tpu.memref_slice %arg18[%add3A_1732, %dma_wait3A_1733] : memref<10000x128xf32, #tpu.memory_space<vmem_shared>> -> memref<24x128xf32, #tpu.memory_space<vmem_shared>>
    %dma_wait3A_1735 = arith.constant 0 : i32
    %dma_wait3A_1736 = tpu.memref_slice %arg18[%add3A_1732, %dma_wait3A_1735] : memref<10000x128xf32, #tpu.memory_space<vmem_shared>> -> memref<24x128xf32, #tpu.memory_space<vmem_shared>>
    tpu.wait_dma2 semaphore(%arg21 : memref<!tpu.dma_semaphore, #tpu.memory_space<semaphore_mem>>) src(%arg17 : memref<24x128xf32, #tpu.memory_space<vmem>>) dst(%dma_wait3A_1736 : memref<24x128xf32, #tpu.memory_space<vmem_shared>>)
    %add3A_1737 = arith.constant 120 : i32
    %add3A_1738 = arith.addi %mul3A_1549, %add3A_1737 : i32
    %dma_wait3A_1739 = arith.constant 0 : i32
    %dma_wait3A_1740 = tpu.memref_slice %arg18[%add3A_1738, %dma_wait3A_1739] : memref<10000x128xf32, #tpu.memory_space<vmem_shared>> -> memref<24x128xf32, #tpu.memory_space<vmem_shared>>
    %dma_wait3A_1741 = arith.constant 0 : i32
    %dma_wait3A_1742 = tpu.memref_slice %arg18[%add3A_1738, %dma_wait3A_1741] : memref<10000x128xf32, #tpu.memory_space<vmem_shared>> -> memref<24x128xf32, #tpu.memory_space<vmem_shared>>
    tpu.wait_dma2 semaphore(%arg21 : memref<!tpu.dma_semaphore, #tpu.memory_space<semaphore_mem>>) src(%arg17 : memref<24x128xf32, #tpu.memory_space<vmem>>) dst(%dma_wait3A_1742 : memref<24x128xf32, #tpu.memory_space<vmem_shared>>)
    %add3A_1743 = arith.constant 144 : i32
    %add3A_1744 = arith.addi %mul3A_1549, %add3A_1743 : i32
    %dma_wait3A_1745 = arith.constant 0 : i32
    %dma_wait3A_1746 = tpu.memref_slice %arg18[%add3A_1744, %dma_wait3A_1745] : memref<10000x128xf32, #tpu.memory_space<vmem_shared>> -> memref<24x128xf32, #tpu.memory_space<vmem_shared>>
    %dma_wait3A_1747 = arith.constant 0 : i32
    %dma_wait3A_1748 = tpu.memref_slice %arg18[%add3A_1744, %dma_wait3A_1747] : memref<10000x128xf32, #tpu.memory_space<vmem_shared>> -> memref<24x128xf32, #tpu.memory_space<vmem_shared>>
    tpu.wait_dma2 semaphore(%arg21 : memref<!tpu.dma_semaphore, #tpu.memory_space<semaphore_mem>>) src(%arg17 : memref<24x128xf32, #tpu.memory_space<vmem>>) dst(%dma_wait3A_1748 : memref<24x128xf32, #tpu.memory_space<vmem_shared>>)
    %add3A_1749 = arith.constant 168 : i32
    %add3A_1750 = arith.addi %mul3A_1549, %add3A_1749 : i32
    %dma_wait3A_1751 = arith.constant 0 : i32
    %dma_wait3A_1752 = tpu.memref_slice %arg18[%add3A_1750, %dma_wait3A_1751] : memref<10000x128xf32, #tpu.memory_space<vmem_shared>> -> memref<24x128xf32, #tpu.memory_space<vmem_shared>>
    %dma_wait3A_1753 = arith.constant 0 : i32
    %dma_wait3A_1754 = tpu.memref_slice %arg18[%add3A_1750, %dma_wait3A_1753] : memref<10000x128xf32, #tpu.memory_space<vmem_shared>> -> memref<24x128xf32, #tpu.memory_space<vmem_shared>>
    tpu.wait_dma2 semaphore(%arg21 : memref<!tpu.dma_semaphore, #tpu.memory_space<semaphore_mem>>) src(%arg17 : memref<24x128xf32, #tpu.memory_space<vmem>>) dst(%dma_wait3A_1754 : memref<24x128xf32, #tpu.memory_space<vmem_shared>>)
    %add3A_1755 = arith.constant 192 : i32
    %add3A_1756 = arith.addi %mul3A_1549, %add3A_1755 : i32
    %dma_wait3A_1757 = arith.constant 0 : i32
    %dma_wait3A_1758 = tpu.memref_slice %arg18[%add3A_1756, %dma_wait3A_1757] : memref<10000x128xf32, #tpu.memory_space<vmem_shared>> -> memref<24x128xf32, #tpu.memory_space<vmem_shared>>
    %dma_wait3A_1759 = arith.constant 0 : i32
    %dma_wait3A_1760 = tpu.memref_slice %arg18[%add3A_1756, %dma_wait3A_1759] : memref<10000x128xf32, #tpu.memory_space<vmem_shared>> -> memref<24x128xf32, #tpu.memory_space<vmem_shared>>
    tpu.wait_dma2 semaphore(%arg21 : memref<!tpu.dma_semaphore, #tpu.memory_space<semaphore_mem>>) src(%arg17 : memref<24x128xf32, #tpu.memory_space<vmem>>) dst(%dma_wait3A_1760 : memref<24x128xf32, #tpu.memory_space<vmem_shared>>)
    %add3A_1761 = arith.constant 216 : i32
    %add3A_1762 = arith.addi %mul3A_1549, %add3A_1761 : i32
    %dma_wait3A_1763 = arith.constant 0 : i32
    %dma_wait3A_1764 = tpu.memref_slice %arg18[%add3A_1762, %dma_wait3A_1763] : memref<10000x128xf32, #tpu.memory_space<vmem_shared>> -> memref<24x128xf32, #tpu.memory_space<vmem_shared>>
    %dma_wait3A_1765 = arith.constant 0 : i32
    %dma_wait3A_1766 = tpu.memref_slice %arg18[%add3A_1762, %dma_wait3A_1765] : memref<10000x128xf32, #tpu.memory_space<vmem_shared>> -> memref<24x128xf32, #tpu.memory_space<vmem_shared>>
    tpu.wait_dma2 semaphore(%arg21 : memref<!tpu.dma_semaphore, #tpu.memory_space<semaphore_mem>>) src(%arg17 : memref<24x128xf32, #tpu.memory_space<vmem>>) dst(%dma_wait3A_1766 : memref<24x128xf32, #tpu.memory_space<vmem_shared>>)
    %add3A_1767 = arith.constant 240 : i32
    %add3A_1768 = arith.addi %mul3A_1549, %add3A_1767 : i32
    %dma_wait3A_1769 = arith.constant 0 : i32
    %dma_wait3A_1770 = tpu.memref_slice %arg18[%add3A_1768, %dma_wait3A_1769] : memref<10000x128xf32, #tpu.memory_space<vmem_shared>> -> memref<24x128xf32, #tpu.memory_space<vmem_shared>>
    %dma_wait3A_1771 = arith.constant 0 : i32
    %dma_wait3A_1772 = tpu.memref_slice %arg18[%add3A_1768, %dma_wait3A_1771] : memref<10000x128xf32, #tpu.memory_space<vmem_shared>> -> memref<24x128xf32, #tpu.memory_space<vmem_shared>>
    tpu.wait_dma2 semaphore(%arg21 : memref<!tpu.dma_semaphore, #tpu.memory_space<semaphore_mem>>) src(%arg17 : memref<24x128xf32, #tpu.memory_space<vmem>>) dst(%dma_wait3A_1772 : memref<24x128xf32, #tpu.memory_space<vmem_shared>>)
    %add3A_1773 = arith.constant 264 : i32
    %add3A_1774 = arith.addi %mul3A_1549, %add3A_1773 : i32
    %dma_wait3A_1775 = arith.constant 0 : i32
    %dma_wait3A_1776 = tpu.memref_slice %arg18[%add3A_1774, %dma_wait3A_1775] : memref<10000x128xf32, #tpu.memory_space<vmem_shared>> -> memref<24x128xf32, #tpu.memory_space<vmem_shared>>
    %dma_wait3A_1777 = arith.constant 0 : i32
    %dma_wait3A_1778 = tpu.memref_slice %arg18[%add3A_1774, %dma_wait3A_1777] : memref<10000x128xf32, #tpu.memory_space<vmem_shared>> -> memref<24x128xf32, #tpu.memory_space<vmem_shared>>
    tpu.wait_dma2 semaphore(%arg21 : memref<!tpu.dma_semaphore, #tpu.memory_space<semaphore_mem>>) src(%arg17 : memref<24x128xf32, #tpu.memory_space<vmem>>) dst(%dma_wait3A_1778 : memref<24x128xf32, #tpu.memory_space<vmem_shared>>)
    %add3A_1779 = arith.constant 288 : i32
    %add3A_1780 = arith.addi %mul3A_1549, %add3A_1779 : i32
    %dma_wait3A_1781 = arith.constant 0 : i32
    %dma_wait3A_1782 = tpu.memref_slice %arg18[%add3A_1780, %dma_wait3A_1781] : memref<10000x128xf32, #tpu.memory_space<vmem_shared>> -> memref<24x128xf32, #tpu.memory_space<vmem_shared>>
    %dma_wait3A_1783 = arith.constant 0 : i32
    %dma_wait3A_1784 = tpu.memref_slice %arg18[%add3A_1780, %dma_wait3A_1783] : memref<10000x128xf32, #tpu.memory_space<vmem_shared>> -> memref<24x128xf32, #tpu.memory_space<vmem_shared>>
    tpu.wait_dma2 semaphore(%arg21 : memref<!tpu.dma_semaphore, #tpu.memory_space<semaphore_mem>>) src(%arg17 : memref<24x128xf32, #tpu.memory_space<vmem>>) dst(%dma_wait3A_1784 : memref<24x128xf32, #tpu.memory_space<vmem_shared>>)
    %add3A_1785 = arith.constant 312 : i32
    %add3A_1786 = arith.addi %mul3A_1549, %add3A_1785 : i32
    %dma_wait3A_1787 = arith.constant 0 : i32
    %dma_wait3A_1788 = tpu.memref_slice %arg18[%add3A_1786, %dma_wait3A_1787] : memref<10000x128xf32, #tpu.memory_space<vmem_shared>> -> memref<24x128xf32, #tpu.memory_space<vmem_shared>>
    %dma_wait3A_1789 = arith.constant 0 : i32
    %dma_wait3A_1790 = tpu.memref_slice %arg18[%add3A_1786, %dma_wait3A_1789] : memref<10000x128xf32, #tpu.memory_space<vmem_shared>> -> memref<24x128xf32, #tpu.memory_space<vmem_shared>>
    tpu.wait_dma2 semaphore(%arg21 : memref<!tpu.dma_semaphore, #tpu.memory_space<semaphore_mem>>) src(%arg17 : memref<24x128xf32, #tpu.memory_space<vmem>>) dst(%dma_wait3A_1790 : memref<24x128xf32, #tpu.memory_space<vmem_shared>>)
    %add3A_1791 = arith.constant 336 : i32
    %add3A_1792 = arith.addi %mul3A_1549, %add3A_1791 : i32
    %dma_wait3A_1793 = arith.constant 0 : i32
    %dma_wait3A_1794 = tpu.memref_slice %arg18[%add3A_1792, %dma_wait3A_1793] : memref<10000x128xf32, #tpu.memory_space<vmem_shared>> -> memref<24x128xf32, #tpu.memory_space<vmem_shared>>
    %dma_wait3A_1795 = arith.constant 0 : i32
    %dma_wait3A_1796 = tpu.memref_slice %arg18[%add3A_1792, %dma_wait3A_1795] : memref<10000x128xf32, #tpu.memory_space<vmem_shared>> -> memref<24x128xf32, #tpu.memory_space<vmem_shared>>
    tpu.wait_dma2 semaphore(%arg21 : memref<!tpu.dma_semaphore, #tpu.memory_space<semaphore_mem>>) src(%arg17 : memref<24x128xf32, #tpu.memory_space<vmem>>) dst(%dma_wait3A_1796 : memref<24x128xf32, #tpu.memory_space<vmem_shared>>)
    %add3A_1797 = arith.constant 360 : i32
    %add3A_1798 = arith.addi %mul3A_1549, %add3A_1797 : i32
    %dma_wait3A_1799 = arith.constant 0 : i32
    %dma_wait3A_1800 = tpu.memref_slice %arg18[%add3A_1798, %dma_wait3A_1799] : memref<10000x128xf32, #tpu.memory_space<vmem_shared>> -> memref<24x128xf32, #tpu.memory_space<vmem_shared>>
    %dma_wait3A_1801 = arith.constant 0 : i32
    %dma_wait3A_1802 = tpu.memref_slice %arg18[%add3A_1798, %dma_wait3A_1801] : memref<10000x128xf32, #tpu.memory_space<vmem_shared>> -> memref<24x128xf32, #tpu.memory_space<vmem_shared>>
    tpu.wait_dma2 semaphore(%arg21 : memref<!tpu.dma_semaphore, #tpu.memory_space<semaphore_mem>>) src(%arg17 : memref<24x128xf32, #tpu.memory_space<vmem>>) dst(%dma_wait3A_1802 : memref<24x128xf32, #tpu.memory_space<vmem_shared>>)
    %add3A_1803 = arith.constant 384 : i32
    %add3A_1804 = arith.addi %mul3A_1549, %add3A_1803 : i32
    %dma_wait3A_1805 = arith.constant 0 : i32
    %dma_wait3A_1806 = tpu.memref_slice %arg18[%add3A_1804, %dma_wait3A_1805] : memref<10000x128xf32, #tpu.memory_space<vmem_shared>> -> memref<24x128xf32, #tpu.memory_space<vmem_shared>>
    %dma_wait3A_1807 = arith.constant 0 : i32
    %dma_wait3A_1808 = tpu.memref_slice %arg18[%add3A_1804, %dma_wait3A_1807] : memref<10000x128xf32, #tpu.memory_space<vmem_shared>> -> memref<24x128xf32, #tpu.memory_space<vmem_shared>>
    tpu.wait_dma2 semaphore(%arg21 : memref<!tpu.dma_semaphore, #tpu.memory_space<semaphore_mem>>) src(%arg17 : memref<24x128xf32, #tpu.memory_space<vmem>>) dst(%dma_wait3A_1808 : memref<24x128xf32, #tpu.memory_space<vmem_shared>>)
    %add3A_1809 = arith.constant 408 : i32
    %add3A_1810 = arith.addi %mul3A_1549, %add3A_1809 : i32
    %dma_wait3A_1811 = arith.constant 0 : i32
    %dma_wait3A_1812 = tpu.memref_slice %arg18[%add3A_1810, %dma_wait3A_1811] : memref<10000x128xf32, #tpu.memory_space<vmem_shared>> -> memref<24x128xf32, #tpu.memory_space<vmem_shared>>
    %dma_wait3A_1813 = arith.constant 0 : i32
    %dma_wait3A_1814 = tpu.memref_slice %arg18[%add3A_1810, %dma_wait3A_1813] : memref<10000x128xf32, #tpu.memory_space<vmem_shared>> -> memref<24x128xf32, #tpu.memory_space<vmem_shared>>
    tpu.wait_dma2 semaphore(%arg21 : memref<!tpu.dma_semaphore, #tpu.memory_space<semaphore_mem>>) src(%arg17 : memref<24x128xf32, #tpu.memory_space<vmem>>) dst(%dma_wait3A_1814 : memref<24x128xf32, #tpu.memory_space<vmem_shared>>)
    %add3A_1815 = arith.constant 432 : i32
    %add3A_1816 = arith.addi %mul3A_1549, %add3A_1815 : i32
    %dma_wait3A_1817 = arith.constant 0 : i32
    %dma_wait3A_1818 = tpu.memref_slice %arg18[%add3A_1816, %dma_wait3A_1817] : memref<10000x128xf32, #tpu.memory_space<vmem_shared>> -> memref<24x128xf32, #tpu.memory_space<vmem_shared>>
    %dma_wait3A_1819 = arith.constant 0 : i32
    %dma_wait3A_1820 = tpu.memref_slice %arg18[%add3A_1816, %dma_wait3A_1819] : memref<10000x128xf32, #tpu.memory_space<vmem_shared>> -> memref<24x128xf32, #tpu.memory_space<vmem_shared>>
    tpu.wait_dma2 semaphore(%arg21 : memref<!tpu.dma_semaphore, #tpu.memory_space<semaphore_mem>>) src(%arg17 : memref<24x128xf32, #tpu.memory_space<vmem>>) dst(%dma_wait3A_1820 : memref<24x128xf32, #tpu.memory_space<vmem_shared>>)
    %add3A_1821 = arith.constant 456 : i32
    %add3A_1822 = arith.addi %mul3A_1549, %add3A_1821 : i32
    %dma_wait3A_1823 = arith.constant 0 : i32
    %dma_wait3A_1824 = tpu.memref_slice %arg18[%add3A_1822, %dma_wait3A_1823] : memref<10000x128xf32, #tpu.memory_space<vmem_shared>> -> memref<24x128xf32, #tpu.memory_space<vmem_shared>>
    %dma_wait3A_1825 = arith.constant 0 : i32
    %dma_wait3A_1826 = tpu.memref_slice %arg18[%add3A_1822, %dma_wait3A_1825] : memref<10000x128xf32, #tpu.memory_space<vmem_shared>> -> memref<24x128xf32, #tpu.memory_space<vmem_shared>>
    tpu.wait_dma2 semaphore(%arg21 : memref<!tpu.dma_semaphore, #tpu.memory_space<semaphore_mem>>) src(%arg17 : memref<24x128xf32, #tpu.memory_space<vmem>>) dst(%dma_wait3A_1826 : memref<24x128xf32, #tpu.memory_space<vmem_shared>>)
    %add3A_1827 = arith.constant 480 : i32
    %add3A_1828 = arith.addi %mul3A_1549, %add3A_1827 : i32
    %dma_wait3A_1829 = arith.constant 0 : i32
    %dma_wait3A_1830 = tpu.memref_slice %arg18[%add3A_1828, %dma_wait3A_1829] : memref<10000x128xf32, #tpu.memory_space<vmem_shared>> -> memref<24x128xf32, #tpu.memory_space<vmem_shared>>
    %dma_wait3A_1831 = arith.constant 0 : i32
    %dma_wait3A_1832 = tpu.memref_slice %arg18[%add3A_1828, %dma_wait3A_1831] : memref<10000x128xf32, #tpu.memory_space<vmem_shared>> -> memref<24x128xf32, #tpu.memory_space<vmem_shared>>
    tpu.wait_dma2 semaphore(%arg21 : memref<!tpu.dma_semaphore, #tpu.memory_space<semaphore_mem>>) src(%arg17 : memref<24x128xf32, #tpu.memory_space<vmem>>) dst(%dma_wait3A_1832 : memref<24x128xf32, #tpu.memory_space<vmem_shared>>)
    %add3A_1833 = arith.constant 504 : i32
    %add3A_1834 = arith.addi %mul3A_1549, %add3A_1833 : i32
    %dma_wait3A_1835 = arith.constant 0 : i32
    %dma_wait3A_1836 = tpu.memref_slice %arg18[%add3A_1834, %dma_wait3A_1835] : memref<10000x128xf32, #tpu.memory_space<vmem_shared>> -> memref<24x128xf32, #tpu.memory_space<vmem_shared>>
    %dma_wait3A_1837 = arith.constant 0 : i32
    %dma_wait3A_1838 = tpu.memref_slice %arg18[%add3A_1834, %dma_wait3A_1837] : memref<10000x128xf32, #tpu.memory_space<vmem_shared>> -> memref<24x128xf32, #tpu.memory_space<vmem_shared>>
    tpu.wait_dma2 semaphore(%arg21 : memref<!tpu.dma_semaphore, #tpu.memory_space<semaphore_mem>>) src(%arg17 : memref<24x128xf32, #tpu.memory_space<vmem>>) dst(%dma_wait3A_1838 : memref<24x128xf32, #tpu.memory_space<vmem_shared>>)
    %add3A_1839 = arith.constant 528 : i32
    %add3A_1840 = arith.addi %mul3A_1549, %add3A_1839 : i32
    %dma_wait3A_1841 = arith.constant 0 : i32
    %dma_wait3A_1842 = tpu.memref_slice %arg18[%add3A_1840, %dma_wait3A_1841] : memref<10000x128xf32, #tpu.memory_space<vmem_shared>> -> memref<24x128xf32, #tpu.memory_space<vmem_shared>>
    %dma_wait3A_1843 = arith.constant 0 : i32
    %dma_wait3A_1844 = tpu.memref_slice %arg18[%add3A_1840, %dma_wait3A_1843] : memref<10000x128xf32, #tpu.memory_space<vmem_shared>> -> memref<24x128xf32, #tpu.memory_space<vmem_shared>>
    tpu.wait_dma2 semaphore(%arg21 : memref<!tpu.dma_semaphore, #tpu.memory_space<semaphore_mem>>) src(%arg17 : memref<24x128xf32, #tpu.memory_space<vmem>>) dst(%dma_wait3A_1844 : memref<24x128xf32, #tpu.memory_space<vmem_shared>>)
    %add3A_1845 = arith.constant 552 : i32
    %add3A_1846 = arith.addi %mul3A_1549, %add3A_1845 : i32
    %dma_wait3A_1847 = arith.constant 0 : i32
    %dma_wait3A_1848 = tpu.memref_slice %arg18[%add3A_1846, %dma_wait3A_1847] : memref<10000x128xf32, #tpu.memory_space<vmem_shared>> -> memref<24x128xf32, #tpu.memory_space<vmem_shared>>
    %dma_wait3A_1849 = arith.constant 0 : i32
    %dma_wait3A_1850 = tpu.memref_slice %arg18[%add3A_1846, %dma_wait3A_1849] : memref<10000x128xf32, #tpu.memory_space<vmem_shared>> -> memref<24x128xf32, #tpu.memory_space<vmem_shared>>
    tpu.wait_dma2 semaphore(%arg21 : memref<!tpu.dma_semaphore, #tpu.memory_space<semaphore_mem>>) src(%arg17 : memref<24x128xf32, #tpu.memory_space<vmem>>) dst(%dma_wait3A_1850 : memref<24x128xf32, #tpu.memory_space<vmem_shared>>)
    %add3A_1851 = arith.constant 576 : i32
    %add3A_1852 = arith.addi %mul3A_1549, %add3A_1851 : i32
    %dma_wait3A_1853 = arith.constant 0 : i32
    %dma_wait3A_1854 = tpu.memref_slice %arg18[%add3A_1852, %dma_wait3A_1853] : memref<10000x128xf32, #tpu.memory_space<vmem_shared>> -> memref<24x128xf32, #tpu.memory_space<vmem_shared>>
    %dma_wait3A_1855 = arith.constant 0 : i32
    %dma_wait3A_1856 = tpu.memref_slice %arg18[%add3A_1852, %dma_wait3A_1855] : memref<10000x128xf32, #tpu.memory_space<vmem_shared>> -> memref<24x128xf32, #tpu.memory_space<vmem_shared>>
    tpu.wait_dma2 semaphore(%arg21 : memref<!tpu.dma_semaphore, #tpu.memory_space<semaphore_mem>>) src(%arg17 : memref<24x128xf32, #tpu.memory_space<vmem>>) dst(%dma_wait3A_1856 : memref<24x128xf32, #tpu.memory_space<vmem_shared>>)
    %add3A_1857 = arith.constant 600 : i32
    %add3A_1858 = arith.addi %mul3A_1549, %add3A_1857 : i32
    %dma_wait3A_1859 = arith.constant 0 : i32
    %dma_wait3A_1860 = tpu.memref_slice %arg18[%add3A_1858, %dma_wait3A_1859] : memref<10000x128xf32, #tpu.memory_space<vmem_shared>> -> memref<24x128xf32, #tpu.memory_space<vmem_shared>>
    %dma_wait3A_1861 = arith.constant 0 : i32
    %dma_wait3A_1862 = tpu.memref_slice %arg18[%add3A_1858, %dma_wait3A_1861] : memref<10000x128xf32, #tpu.memory_space<vmem_shared>> -> memref<24x128xf32, #tpu.memory_space<vmem_shared>>
    tpu.wait_dma2 semaphore(%arg21 : memref<!tpu.dma_semaphore, #tpu.memory_space<semaphore_mem>>) src(%arg17 : memref<24x128xf32, #tpu.memory_space<vmem>>) dst(%dma_wait3A_1862 : memref<24x128xf32, #tpu.memory_space<vmem_shared>>)
    %eq3A_1863 = arith.constant 0 : i32
    %eq3A_1864 = arith.cmpi eq, %arg1, %eq3A_1863 : i32
    %convert_element_type3A_1865 = arith.extui %eq3A_1864 : i1 to i32
    %cond3A_1866 = arith.constant 0 : i32
    %cond3A_1867 = arith.cmpi ne, %convert_element_type3A_1865, %cond3A_1866 : i32
    scf.if %cond3A_1867 {
      %dma_wait3A_2199 = arith.constant 0 : i32
      %dma_wait3A_2200 = arith.constant 0 : i32
      %dma_wait3A_2201 = tpu.memref_slice %arg17[%dma_wait3A_2199, %dma_wait3A_2200] : memref<24x128xf32, #tpu.memory_space<vmem>> -> memref<16x128xf32, #tpu.memory_space<vmem>>
      %dma_wait3A_2202 = arith.constant 9984 : i32
      %dma_wait3A_2203 = arith.constant 0 : i32
      %dma_wait3A_2204 = tpu.memref_slice %arg18[%dma_wait3A_2202, %dma_wait3A_2203] : memref<10000x128xf32, #tpu.memory_space<vmem_shared>> -> memref<16x128xf32, #tpu.memory_space<vmem_shared>>
      %dma_wait3A_2205 = arith.constant 9984 : i32
      %dma_wait3A_2206 = arith.constant 0 : i32
      %dma_wait3A_2207 = tpu.memref_slice %arg18[%dma_wait3A_2205, %dma_wait3A_2206] : memref<10000x128xf32, #tpu.memory_space<vmem_shared>> -> memref<16x128xf32, #tpu.memory_space<vmem_shared>>
      %dma_wait3A_2208 = arith.constant 0 : i32
      %dma_wait3A_2209 = arith.constant 0 : i32
      %dma_wait3A_2210 = tpu.memref_slice %arg17[%dma_wait3A_2208, %dma_wait3A_2209] : memref<24x128xf32, #tpu.memory_space<vmem>> -> memref<16x128xf32, #tpu.memory_space<vmem>>
      tpu.wait_dma2 semaphore(%arg21 : memref<!tpu.dma_semaphore, #tpu.memory_space<semaphore_mem>>) src(%dma_wait3A_2210 : memref<16x128xf32, #tpu.memory_space<vmem>>) dst(%dma_wait3A_2207 : memref<16x128xf32, #tpu.memory_space<vmem_shared>>)
    } else {
    }
    %add3A_1868 = arith.constant 0 : i32
    %add3A_1869 = arith.addi %mul3A_2, %add3A_1868 : i32
    %dma_wait3A_1870 = tpu.memref_slice %arg3[%add3A_1869] : memref<320000xi32, #tpu.memory_space<hbm>> -> memref<128xi32, #tpu.memory_space<hbm>>
    %dma_wait3A_1871 = tpu.memref_slice %arg3[%add3A_1869] : memref<320000xi32, #tpu.memory_space<hbm>> -> memref<128xi32, #tpu.memory_space<hbm>>
    tpu.wait_dma2 semaphore(%arg19 : memref<!tpu.dma_semaphore, #tpu.memory_space<semaphore_mem>>) src(%dma_wait3A_1871 : memref<128xi32, #tpu.memory_space<hbm>>) dst(%arg5 : memref<128xi32, #tpu.memory_space<vmem>>)
    %get3A = arith.constant 0 : index
    %get3A_1872 = tpu.vector_load %arg5[%get3A] {strides = array<i32>} : memref<128xi32, #tpu.memory_space<vmem>>, vector<16xi32>,
    %get3A_1873 = vector.shape_cast %get3A_1872 : vector<16xi32> to vector<16xi32>
    %shift_right_arithmetic3A = arith.constant 14 : i32
    %shift_right_arithmetic3A_1874 = vector.broadcast %shift_right_arithmetic3A : i32 to vector<16xi32>
    %shift_right_arithmetic3A_1875 = arith.shrsi %get3A_1873, %shift_right_arithmetic3A_1874 : vector<16xi32>
    %swap3A_1876 = arith.constant 0 : index
    %swap3A_1877 = tpu.vector_load %arg7[%swap3A_1876] {strides = array<i32>} : memref<128xi32, #tpu.memory_space<vmem>>, vector<16xi32>,
    %swap3A_1878 = vector.shape_cast %swap3A_1877 : vector<16xi32> to vector<16xi32>
    %swap3A_1879 = vector.shape_cast %shift_right_arithmetic3A_1875 : vector<16xi32> to vector<16xi32>
    tpu.vector_store %arg7[%swap3A_1876], %swap3A_1879 {strides = array<i32>} : memref<128xi32, #tpu.memory_space<vmem>>, vector<16xi32>,
    %and3A = arith.constant 16383 : i32
    %and3A_1880 = vector.broadcast %and3A : i32 to vector<16xi32>
    %and3A_1881 = arith.andi %get3A_1873, %and3A_1880 : vector<16xi32>
    %swap3A_1882 = arith.constant 0 : index
    %swap3A_1883 = tpu.vector_load %arg9[%swap3A_1882] {strides = array<i32>} : memref<128xi32, #tpu.memory_space<vmem>>, vector<16xi32>,
    %swap3A_1884 = vector.shape_cast %swap3A_1883 : vector<16xi32> to vector<16xi32>
    %swap3A_1885 = vector.shape_cast %and3A_1881 : vector<16xi32> to vector<16xi32>
    tpu.vector_store %arg9[%swap3A_1882], %swap3A_1885 {strides = array<i32>} : memref<128xi32, #tpu.memory_space<vmem>>, vector<16xi32>,
    %get3A_1886 = arith.constant 16 : index
    %get3A_1887 = tpu.vector_load %arg5[%get3A_1886] {strides = array<i32>} : memref<128xi32, #tpu.memory_space<vmem>>, vector<16xi32>,
    %get3A_1888 = vector.shape_cast %get3A_1887 : vector<16xi32> to vector<16xi32>
    %shift_right_arithmetic3A_1889 = arith.constant 14 : i32
    %shift_right_arithmetic3A_1890 = vector.broadcast %shift_right_arithmetic3A_1889 : i32 to vector<16xi32>
    %shift_right_arithmetic3A_1891 = arith.shrsi %get3A_1888, %shift_right_arithmetic3A_1890 : vector<16xi32>
    %swap3A_1892 = arith.constant 16 : index
    %swap3A_1893 = tpu.vector_load %arg7[%swap3A_1892] {strides = array<i32>} : memref<128xi32, #tpu.memory_space<vmem>>, vector<16xi32>,
    %swap3A_1894 = vector.shape_cast %swap3A_1893 : vector<16xi32> to vector<16xi32>
    %swap3A_1895 = vector.shape_cast %shift_right_arithmetic3A_1891 : vector<16xi32> to vector<16xi32>
    tpu.vector_store %arg7[%swap3A_1892], %swap3A_1895 {strides = array<i32>} : memref<128xi32, #tpu.memory_space<vmem>>, vector<16xi32>,
    %and3A_1896 = arith.constant 16383 : i32
    %and3A_1897 = vector.broadcast %and3A_1896 : i32 to vector<16xi32>
    %and3A_1898 = arith.andi %get3A_1888, %and3A_1897 : vector<16xi32>
    %swap3A_1899 = arith.constant 16 : index
    %swap3A_1900 = tpu.vector_load %arg9[%swap3A_1899] {strides = array<i32>} : memref<128xi32, #tpu.memory_space<vmem>>, vector<16xi32>,
    %swap3A_1901 = vector.shape_cast %swap3A_1900 : vector<16xi32> to vector<16xi32>
    %swap3A_1902 = vector.shape_cast %and3A_1898 : vector<16xi32> to vector<16xi32>
    tpu.vector_store %arg9[%swap3A_1899], %swap3A_1902 {strides = array<i32>} : memref<128xi32, #tpu.memory_space<vmem>>, vector<16xi32>,
    %get3A_1903 = arith.constant 32 : index
    %get3A_1904 = tpu.vector_load %arg5[%get3A_1903] {strides = array<i32>} : memref<128xi32, #tpu.memory_space<vmem>>, vector<16xi32>,
    %get3A_1905 = vector.shape_cast %get3A_1904 : vector<16xi32> to vector<16xi32>
    %shift_right_arithmetic3A_1906 = arith.constant 14 : i32
    %shift_right_arithmetic3A_1907 = vector.broadcast %shift_right_arithmetic3A_1906 : i32 to vector<16xi32>
    %shift_right_arithmetic3A_1908 = arith.shrsi %get3A_1905, %shift_right_arithmetic3A_1907 : vector<16xi32>
    %swap3A_1909 = arith.constant 32 : index
    %swap3A_1910 = tpu.vector_load %arg7[%swap3A_1909] {strides = array<i32>} : memref<128xi32, #tpu.memory_space<vmem>>, vector<16xi32>,
    %swap3A_1911 = vector.shape_cast %swap3A_1910 : vector<16xi32> to vector<16xi32>
    %swap3A_1912 = vector.shape_cast %shift_right_arithmetic3A_1908 : vector<16xi32> to vector<16xi32>
    tpu.vector_store %arg7[%swap3A_1909], %swap3A_1912 {strides = array<i32>} : memref<128xi32, #tpu.memory_space<vmem>>, vector<16xi32>,
    %and3A_1913 = arith.constant 16383 : i32
    %and3A_1914 = vector.broadcast %and3A_1913 : i32 to vector<16xi32>
    %and3A_1915 = arith.andi %get3A_1905, %and3A_1914 : vector<16xi32>
    %swap3A_1916 = arith.constant 32 : index
    %swap3A_1917 = tpu.vector_load %arg9[%swap3A_1916] {strides = array<i32>} : memref<128xi32, #tpu.memory_space<vmem>>, vector<16xi32>,
    %swap3A_1918 = vector.shape_cast %swap3A_1917 : vector<16xi32> to vector<16xi32>
    %swap3A_1919 = vector.shape_cast %and3A_1915 : vector<16xi32> to vector<16xi32>
    tpu.vector_store %arg9[%swap3A_1916], %swap3A_1919 {strides = array<i32>} : memref<128xi32, #tpu.memory_space<vmem>>, vector<16xi32>,
    %get3A_1920 = arith.constant 48 : index
    %get3A_1921 = tpu.vector_load %arg5[%get3A_1920] {strides = array<i32>} : memref<128xi32, #tpu.memory_space<vmem>>, vector<16xi32>,
    %get3A_1922 = vector.shape_cast %get3A_1921 : vector<16xi32> to vector<16xi32>
    %shift_right_arithmetic3A_1923 = arith.constant 14 : i32
    %shift_right_arithmetic3A_1924 = vector.broadcast %shift_right_arithmetic3A_1923 : i32 to vector<16xi32>
    %shift_right_arithmetic3A_1925 = arith.shrsi %get3A_1922, %shift_right_arithmetic3A_1924 : vector<16xi32>
    %swap3A_1926 = arith.constant 48 : index
    %swap3A_1927 = tpu.vector_load %arg7[%swap3A_1926] {strides = array<i32>} : memref<128xi32, #tpu.memory_space<vmem>>, vector<16xi32>,
    %swap3A_1928 = vector.shape_cast %swap3A_1927 : vector<16xi32> to vector<16xi32>
    %swap3A_1929 = vector.shape_cast %shift_right_arithmetic3A_1925 : vector<16xi32> to vector<16xi32>
    tpu.vector_store %arg7[%swap3A_1926], %swap3A_1929 {strides = array<i32>} : memref<128xi32, #tpu.memory_space<vmem>>, vector<16xi32>,
    %and3A_1930 = arith.constant 16383 : i32
    %and3A_1931 = vector.broadcast %and3A_1930 : i32 to vector<16xi32>
    %and3A_1932 = arith.andi %get3A_1922, %and3A_1931 : vector<16xi32>
    %swap3A_1933 = arith.constant 48 : index
    %swap3A_1934 = tpu.vector_load %arg9[%swap3A_1933] {strides = array<i32>} : memref<128xi32, #tpu.memory_space<vmem>>, vector<16xi32>,
    %swap3A_1935 = vector.shape_cast %swap3A_1934 : vector<16xi32> to vector<16xi32>
    %swap3A_1936 = vector.shape_cast %and3A_1932 : vector<16xi32> to vector<16xi32>
    tpu.vector_store %arg9[%swap3A_1933], %swap3A_1936 {strides = array<i32>} : memref<128xi32, #tpu.memory_space<vmem>>, vector<16xi32>,
    %get3A_1937 = arith.constant 64 : index
    %get3A_1938 = tpu.vector_load %arg5[%get3A_1937] {strides = array<i32>} : memref<128xi32, #tpu.memory_space<vmem>>, vector<16xi32>,
    %get3A_1939 = vector.shape_cast %get3A_1938 : vector<16xi32> to vector<16xi32>
    %shift_right_arithmetic3A_1940 = arith.constant 14 : i32
    %shift_right_arithmetic3A_1941 = vector.broadcast %shift_right_arithmetic3A_1940 : i32 to vector<16xi32>
    %shift_right_arithmetic3A_1942 = arith.shrsi %get3A_1939, %shift_right_arithmetic3A_1941 : vector<16xi32>
    %swap3A_1943 = arith.constant 64 : index
    %swap3A_1944 = tpu.vector_load %arg7[%swap3A_1943] {strides = array<i32>} : memref<128xi32, #tpu.memory_space<vmem>>, vector<16xi32>,
    %swap3A_1945 = vector.shape_cast %swap3A_1944 : vector<16xi32> to vector<16xi32>
    %swap3A_1946 = vector.shape_cast %shift_right_arithmetic3A_1942 : vector<16xi32> to vector<16xi32>
    tpu.vector_store %arg7[%swap3A_1943], %swap3A_1946 {strides = array<i32>} : memref<128xi32, #tpu.memory_space<vmem>>, vector<16xi32>,
    %and3A_1947 = arith.constant 16383 : i32
    %and3A_1948 = vector.broadcast %and3A_1947 : i32 to vector<16xi32>
    %and3A_1949 = arith.andi %get3A_1939, %and3A_1948 : vector<16xi32>
    %swap3A_1950 = arith.constant 64 : index
    %swap3A_1951 = tpu.vector_load %arg9[%swap3A_1950] {strides = array<i32>} : memref<128xi32, #tpu.memory_space<vmem>>, vector<16xi32>,
    %swap3A_1952 = vector.shape_cast %swap3A_1951 : vector<16xi32> to vector<16xi32>
    %swap3A_1953 = vector.shape_cast %and3A_1949 : vector<16xi32> to vector<16xi32>
    tpu.vector_store %arg9[%swap3A_1950], %swap3A_1953 {strides = array<i32>} : memref<128xi32, #tpu.memory_space<vmem>>, vector<16xi32>,
    %get3A_1954 = arith.constant 80 : index
    %get3A_1955 = tpu.vector_load %arg5[%get3A_1954] {strides = array<i32>} : memref<128xi32, #tpu.memory_space<vmem>>, vector<16xi32>,
    %get3A_1956 = vector.shape_cast %get3A_1955 : vector<16xi32> to vector<16xi32>
    %shift_right_arithmetic3A_1957 = arith.constant 14 : i32
    %shift_right_arithmetic3A_1958 = vector.broadcast %shift_right_arithmetic3A_1957 : i32 to vector<16xi32>
    %shift_right_arithmetic3A_1959 = arith.shrsi %get3A_1956, %shift_right_arithmetic3A_1958 : vector<16xi32>
    %swap3A_1960 = arith.constant 80 : index
    %swap3A_1961 = tpu.vector_load %arg7[%swap3A_1960] {strides = array<i32>} : memref<128xi32, #tpu.memory_space<vmem>>, vector<16xi32>,
    %swap3A_1962 = vector.shape_cast %swap3A_1961 : vector<16xi32> to vector<16xi32>
    %swap3A_1963 = vector.shape_cast %shift_right_arithmetic3A_1959 : vector<16xi32> to vector<16xi32>
    tpu.vector_store %arg7[%swap3A_1960], %swap3A_1963 {strides = array<i32>} : memref<128xi32, #tpu.memory_space<vmem>>, vector<16xi32>,
    %and3A_1964 = arith.constant 16383 : i32
    %and3A_1965 = vector.broadcast %and3A_1964 : i32 to vector<16xi32>
    %and3A_1966 = arith.andi %get3A_1956, %and3A_1965 : vector<16xi32>
    %swap3A_1967 = arith.constant 80 : index
    %swap3A_1968 = tpu.vector_load %arg9[%swap3A_1967] {strides = array<i32>} : memref<128xi32, #tpu.memory_space<vmem>>, vector<16xi32>,
    %swap3A_1969 = vector.shape_cast %swap3A_1968 : vector<16xi32> to vector<16xi32>
    %swap3A_1970 = vector.shape_cast %and3A_1966 : vector<16xi32> to vector<16xi32>
    tpu.vector_store %arg9[%swap3A_1967], %swap3A_1970 {strides = array<i32>} : memref<128xi32, #tpu.memory_space<vmem>>, vector<16xi32>,
    %get3A_1971 = arith.constant 96 : index
    %get3A_1972 = tpu.vector_load %arg5[%get3A_1971] {strides = array<i32>} : memref<128xi32, #tpu.memory_space<vmem>>, vector<16xi32>,
    %get3A_1973 = vector.shape_cast %get3A_1972 : vector<16xi32> to vector<16xi32>
    %shift_right_arithmetic3A_1974 = arith.constant 14 : i32
    %shift_right_arithmetic3A_1975 = vector.broadcast %shift_right_arithmetic3A_1974 : i32 to vector<16xi32>
    %shift_right_arithmetic3A_1976 = arith.shrsi %get3A_1973, %shift_right_arithmetic3A_1975 : vector<16xi32>
    %swap3A_1977 = arith.constant 96 : index
    %swap3A_1978 = tpu.vector_load %arg7[%swap3A_1977] {strides = array<i32>} : memref<128xi32, #tpu.memory_space<vmem>>, vector<16xi32>,
    %swap3A_1979 = vector.shape_cast %swap3A_1978 : vector<16xi32> to vector<16xi32>
    %swap3A_1980 = vector.shape_cast %shift_right_arithmetic3A_1976 : vector<16xi32> to vector<16xi32>
    tpu.vector_store %arg7[%swap3A_1977], %swap3A_1980 {strides = array<i32>} : memref<128xi32, #tpu.memory_space<vmem>>, vector<16xi32>,
    %and3A_1981 = arith.constant 16383 : i32
    %and3A_1982 = vector.broadcast %and3A_1981 : i32 to vector<16xi32>
    %and3A_1983 = arith.andi %get3A_1973, %and3A_1982 : vector<16xi32>
    %swap3A_1984 = arith.constant 96 : index
    %swap3A_1985 = tpu.vector_load %arg9[%swap3A_1984] {strides = array<i32>} : memref<128xi32, #tpu.memory_space<vmem>>, vector<16xi32>,
    %swap3A_1986 = vector.shape_cast %swap3A_1985 : vector<16xi32> to vector<16xi32>
    %swap3A_1987 = vector.shape_cast %and3A_1983 : vector<16xi32> to vector<16xi32>
    tpu.vector_store %arg9[%swap3A_1984], %swap3A_1987 {strides = array<i32>} : memref<128xi32, #tpu.memory_space<vmem>>, vector<16xi32>,
    %get3A_1988 = arith.constant 112 : index
    %get3A_1989 = tpu.vector_load %arg5[%get3A_1988] {strides = array<i32>} : memref<128xi32, #tpu.memory_space<vmem>>, vector<16xi32>,
    %get3A_1990 = vector.shape_cast %get3A_1989 : vector<16xi32> to vector<16xi32>
    %shift_right_arithmetic3A_1991 = arith.constant 14 : i32
    %shift_right_arithmetic3A_1992 = vector.broadcast %shift_right_arithmetic3A_1991 : i32 to vector<16xi32>
    %shift_right_arithmetic3A_1993 = arith.shrsi %get3A_1990, %shift_right_arithmetic3A_1992 : vector<16xi32>
    %swap3A_1994 = arith.constant 112 : index
    %swap3A_1995 = tpu.vector_load %arg7[%swap3A_1994] {strides = array<i32>} : memref<128xi32, #tpu.memory_space<vmem>>, vector<16xi32>,
    %swap3A_1996 = vector.shape_cast %swap3A_1995 : vector<16xi32> to vector<16xi32>
    %swap3A_1997 = vector.shape_cast %shift_right_arithmetic3A_1993 : vector<16xi32> to vector<16xi32>
    tpu.vector_store %arg7[%swap3A_1994], %swap3A_1997 {strides = array<i32>} : memref<128xi32, #tpu.memory_space<vmem>>, vector<16xi32>,
    %and3A_1998 = arith.constant 16383 : i32
    %and3A_1999 = vector.broadcast %and3A_1998 : i32 to vector<16xi32>
    %and3A_2000 = arith.andi %get3A_1990, %and3A_1999 : vector<16xi32>
    %swap3A_2001 = arith.constant 112 : index
    %swap3A_2002 = tpu.vector_load %arg9[%swap3A_2001] {strides = array<i32>} : memref<128xi32, #tpu.memory_space<vmem>>, vector<16xi32>,
    %swap3A_2003 = vector.shape_cast %swap3A_2002 : vector<16xi32> to vector<16xi32>
    %swap3A_2004 = vector.shape_cast %and3A_2000 : vector<16xi32> to vector<16xi32>
    tpu.vector_store %arg9[%swap3A_2001], %swap3A_2004 {strides = array<i32>} : memref<128xi32, #tpu.memory_space<vmem>>, vector<16xi32>,
    %dma_start3A_2005 = arith.constant 0 : i32
    %dma_start3A_2006 = arith.constant 0 : i32
    %dma_start3A_2007 = tpu.memref_slice %arg2[%dma_start3A_2005, %dma_start3A_2006] : memref<10000x128xf32, #tpu.memory_space<hbm>> -> memref<10000x128xf32, #tpu.memory_space<hbm>>
    tpu.enqueue_indirect_dma source(%dma_start3A_2007 : memref<10000x128xf32, #tpu.memory_space<hbm>>) target(%arg11 : memref<128x128xf32, #tpu.memory_space<vmem>>) offsets(%arg7 : memref<128xi32, #tpu.memory_space<vmem>>) semaphore(%arg21 : memref<!tpu.dma_semaphore, #tpu.memory_space<semaphore_mem>>)
    %add3A_2008 = arith.constant 256 : i32
    %add3A_2009 = arith.addi %mul3A_2, %add3A_2008 : i32
    %dma_start3A_2010 = tpu.memref_slice %arg3[%add3A_2009] : memref<320000xi32, #tpu.memory_space<hbm>> -> memref<128xi32, #tpu.memory_space<hbm>>
    %dma_start3A_2011 = tpu.memref_slice %arg3[%add3A_2009] : memref<320000xi32, #tpu.memory_space<hbm>> -> memref<128xi32, #tpu.memory_space<hbm>>
    tpu.enqueue_dma source(%dma_start3A_2011 : memref<128xi32, #tpu.memory_space<hbm>>) target(%arg5 : memref<128xi32, #tpu.memory_space<vmem>>) target_semaphore(%arg19 : memref<!tpu.dma_semaphore, #tpu.memory_space<semaphore_mem>>)
    %add3A_2012 = arith.constant 9984 : i32
    %add3A_2013 = arith.addi %mul3A_2, %add3A_2012 : i32
    %dma_wait3A_2014 = tpu.memref_slice %arg3[%add3A_2013] : memref<320000xi32, #tpu.memory_space<hbm>> -> memref<16xi32, #tpu.memory_space<hbm>>
    %dma_wait3A_2015 = tpu.memref_slice %arg3[%add3A_2013] : memref<320000xi32, #tpu.memory_space<hbm>> -> memref<16xi32, #tpu.memory_space<hbm>>
    tpu.wait_dma2 semaphore(%arg23 : memref<!tpu.dma_semaphore, #tpu.memory_space<semaphore_mem>>) src(%dma_wait3A_2015 : memref<16xi32, #tpu.memory_space<hbm>>) dst(%arg13 : memref<16xi32, #tpu.memory_space<vmem>>)
    %get3A_2016 = arith.constant 0 : index
    %get3A_2017 = tpu.vector_load %arg13[%get3A_2016] {strides = array<i32>} : memref<16xi32, #tpu.memory_space<vmem>>, vector<16xi32>,
    %get3A_2018 = vector.shape_cast %get3A_2017 : vector<16xi32> to vector<16xi32>
    %shift_right_arithmetic3A_2019 = arith.constant 14 : i32
    %shift_right_arithmetic3A_2020 = vector.broadcast %shift_right_arithmetic3A_2019 : i32 to vector<16xi32>
    %shift_right_arithmetic3A_2021 = arith.shrsi %get3A_2018, %shift_right_arithmetic3A_2020 : vector<16xi32>
    %swap3A_2022 = arith.constant 0 : index
    %swap3A_2023 = tpu.vector_load %arg14[%swap3A_2022] {strides = array<i32>} : memref<16xi32, #tpu.memory_space<vmem>>, vector<16xi32>,
    %swap3A_2024 = vector.shape_cast %swap3A_2023 : vector<16xi32> to vector<16xi32>
    %swap3A_2025 = vector.shape_cast %shift_right_arithmetic3A_2021 : vector<16xi32> to vector<16xi32>
    tpu.vector_store %arg14[%swap3A_2022], %swap3A_2025 {strides = array<i32>} : memref<16xi32, #tpu.memory_space<vmem>>, vector<16xi32>,
    %and3A_2026 = arith.constant 16383 : i32
    %and3A_2027 = vector.broadcast %and3A_2026 : i32 to vector<16xi32>
    %and3A_2028 = arith.andi %get3A_2018, %and3A_2027 : vector<16xi32>
    %swap3A_2029 = arith.constant 0 : index
    %swap3A_2030 = tpu.vector_load %arg15[%swap3A_2029] {strides = array<i32>} : memref<16xi32, #tpu.memory_space<vmem>>, vector<16xi32>,
    %swap3A_2031 = vector.shape_cast %swap3A_2030 : vector<16xi32> to vector<16xi32>
    %swap3A_2032 = vector.shape_cast %and3A_2028 : vector<16xi32> to vector<16xi32>
    tpu.vector_store %arg15[%swap3A_2029], %swap3A_2032 {strides = array<i32>} : memref<16xi32, #tpu.memory_space<vmem>>, vector<16xi32>,
    %dma_start3A_2033 = arith.constant 0 : i32
    %dma_start3A_2034 = arith.constant 0 : i32
    %dma_start3A_2035 = tpu.memref_slice %arg2[%dma_start3A_2033, %dma_start3A_2034] : memref<10000x128xf32, #tpu.memory_space<hbm>> -> memref<10000x128xf32, #tpu.memory_space<hbm>>
    tpu.enqueue_indirect_dma source(%dma_start3A_2035 : memref<10000x128xf32, #tpu.memory_space<hbm>>) target(%arg16 : memref<16x128xf32, #tpu.memory_space<vmem>>) offsets(%arg14 : memref<16xi32, #tpu.memory_space<vmem>>) semaphore(%arg23 : memref<!tpu.dma_semaphore, #tpu.memory_space<semaphore_mem>>)
    %barrier3A = arith.constant 0 : index
    tpu.barrier barrier_id(%barrier3A)
    %scan3A = arith.constant 0 : i32
    %scan3A_2036 = arith.constant 0 : i32
    %scan3A_2037 = arith.constant 38 : i32
    %scan3A_2038 = arith.addi %scan3A_2036, %scan3A_2037 : i32
    %scan3A_2039 = arith.constant 1 : i32
    scf.for %scan3A_2199 = %scan3A_2036 to %scan3A_2038 step %scan3A_2039  : i32 {
      %mul3A_2200 = arith.constant 2 : i32
      %mul3A_2201 = arith.muli %mul3A_2200, %scan3A_2199 : i32
      %add3A_2202 = arith.constant 1 : i32
      %add3A_2203 = arith.addi %mul3A_2201, %add3A_2202 : i32
      %mul3A_2204 = arith.constant 128 : i32
      %mul3A_2205 = arith.muli %add3A_2203, %mul3A_2204 : i32
      %add3A_2206 = arith.addi %mul3A_2, %mul3A_2205 : i32
      %dma_wait3A_2207 = tpu.memref_slice %arg3[%add3A_2206] : memref<320000xi32, #tpu.memory_space<hbm>> -> memref<128xi32, #tpu.memory_space<hbm>>
      %dma_wait3A_2208 = tpu.memref_slice %arg3[%add3A_2206] : memref<320000xi32, #tpu.memory_space<hbm>> -> memref<128xi32, #tpu.memory_space<hbm>>
      tpu.wait_dma2 semaphore(%arg20 : memref<!tpu.dma_semaphore, #tpu.memory_space<semaphore_mem>>) src(%dma_wait3A_2208 : memref<128xi32, #tpu.memory_space<hbm>>) dst(%arg6 : memref<128xi32, #tpu.memory_space<vmem>>)
      %get3A_2209 = arith.constant 0 : index
      %get3A_2210 = tpu.vector_load %arg6[%get3A_2209] {strides = array<i32>} : memref<128xi32, #tpu.memory_space<vmem>>, vector<16xi32>,
      %get3A_2211 = vector.shape_cast %get3A_2210 : vector<16xi32> to vector<16xi32>
      %shift_right_arithmetic3A_2212 = arith.constant 14 : i32
      %shift_right_arithmetic3A_2213 = vector.broadcast %shift_right_arithmetic3A_2212 : i32 to vector<16xi32>
      %shift_right_arithmetic3A_2214 = arith.shrsi %get3A_2211, %shift_right_arithmetic3A_2213 : vector<16xi32>
      %swap3A_2215 = arith.constant 0 : index
      %swap3A_2216 = tpu.vector_load %arg8[%swap3A_2215] {strides = array<i32>} : memref<128xi32, #tpu.memory_space<vmem>>, vector<16xi32>,
      %swap3A_2217 = vector.shape_cast %swap3A_2216 : vector<16xi32> to vector<16xi32>
      %swap3A_2218 = vector.shape_cast %shift_right_arithmetic3A_2214 : vector<16xi32> to vector<16xi32>
      tpu.vector_store %arg8[%swap3A_2215], %swap3A_2218 {strides = array<i32>} : memref<128xi32, #tpu.memory_space<vmem>>, vector<16xi32>,
      %and3A_2219 = arith.constant 16383 : i32
      %and3A_2220 = vector.broadcast %and3A_2219 : i32 to vector<16xi32>
      %and3A_2221 = arith.andi %get3A_2211, %and3A_2220 : vector<16xi32>
      %swap3A_2222 = arith.constant 0 : index
      %swap3A_2223 = tpu.vector_load %arg10[%swap3A_2222] {strides = array<i32>} : memref<128xi32, #tpu.memory_space<vmem>>, vector<16xi32>,
      %swap3A_2224 = vector.shape_cast %swap3A_2223 : vector<16xi32> to vector<16xi32>
      %swap3A_2225 = vector.shape_cast %and3A_2221 : vector<16xi32> to vector<16xi32>
      tpu.vector_store %arg10[%swap3A_2222], %swap3A_2225 {strides = array<i32>} : memref<128xi32, #tpu.memory_space<vmem>>, vector<16xi32>,
      %get3A_2226 = arith.constant 16 : index
      %get3A_2227 = tpu.vector_load %arg6[%get3A_2226] {strides = array<i32>} : memref<128xi32, #tpu.memory_space<vmem>>, vector<16xi32>,
      %get3A_2228 = vector.shape_cast %get3A_2227 : vector<16xi32> to vector<16xi32>
      %shift_right_arithmetic3A_2229 = arith.constant 14 : i32
      %shift_right_arithmetic3A_2230 = vector.broadcast %shift_right_arithmetic3A_2229 : i32 to vector<16xi32>
      %shift_right_arithmetic3A_2231 = arith.shrsi %get3A_2228, %shift_right_arithmetic3A_2230 : vector<16xi32>
      %swap3A_2232 = arith.constant 16 : index
      %swap3A_2233 = tpu.vector_load %arg8[%swap3A_2232] {strides = array<i32>} : memref<128xi32, #tpu.memory_space<vmem>>, vector<16xi32>,
      %swap3A_2234 = vector.shape_cast %swap3A_2233 : vector<16xi32> to vector<16xi32>
      %swap3A_2235 = vector.shape_cast %shift_right_arithmetic3A_2231 : vector<16xi32> to vector<16xi32>
      tpu.vector_store %arg8[%swap3A_2232], %swap3A_2235 {strides = array<i32>} : memref<128xi32, #tpu.memory_space<vmem>>, vector<16xi32>,
      %and3A_2236 = arith.constant 16383 : i32
      %and3A_2237 = vector.broadcast %and3A_2236 : i32 to vector<16xi32>
      %and3A_2238 = arith.andi %get3A_2228, %and3A_2237 : vector<16xi32>
      %swap3A_2239 = arith.constant 16 : index
      %swap3A_2240 = tpu.vector_load %arg10[%swap3A_2239] {strides = array<i32>} : memref<128xi32, #tpu.memory_space<vmem>>, vector<16xi32>,
      %swap3A_2241 = vector.shape_cast %swap3A_2240 : vector<16xi32> to vector<16xi32>
      %swap3A_2242 = vector.shape_cast %and3A_2238 : vector<16xi32> to vector<16xi32>
      tpu.vector_store %arg10[%swap3A_2239], %swap3A_2242 {strides = array<i32>} : memref<128xi32, #tpu.memory_space<vmem>>, vector<16xi32>,
      %get3A_2243 = arith.constant 32 : index
      %get3A_2244 = tpu.vector_load %arg6[%get3A_2243] {strides = array<i32>} : memref<128xi32, #tpu.memory_space<vmem>>, vector<16xi32>,
      %get3A_2245 = vector.shape_cast %get3A_2244 : vector<16xi32> to vector<16xi32>
      %shift_right_arithmetic3A_2246 = arith.constant 14 : i32
      %shift_right_arithmetic3A_2247 = vector.broadcast %shift_right_arithmetic3A_2246 : i32 to vector<16xi32>
      %shift_right_arithmetic3A_2248 = arith.shrsi %get3A_2245, %shift_right_arithmetic3A_2247 : vector<16xi32>
      %swap3A_2249 = arith.constant 32 : index
      %swap3A_2250 = tpu.vector_load %arg8[%swap3A_2249] {strides = array<i32>} : memref<128xi32, #tpu.memory_space<vmem>>, vector<16xi32>,
      %swap3A_2251 = vector.shape_cast %swap3A_2250 : vector<16xi32> to vector<16xi32>
      %swap3A_2252 = vector.shape_cast %shift_right_arithmetic3A_2248 : vector<16xi32> to vector<16xi32>
      tpu.vector_store %arg8[%swap3A_2249], %swap3A_2252 {strides = array<i32>} : memref<128xi32, #tpu.memory_space<vmem>>, vector<16xi32>,
      %and3A_2253 = arith.constant 16383 : i32
      %and3A_2254 = vector.broadcast %and3A_2253 : i32 to vector<16xi32>
      %and3A_2255 = arith.andi %get3A_2245, %and3A_2254 : vector<16xi32>
      %swap3A_2256 = arith.constant 32 : index
      %swap3A_2257 = tpu.vector_load %arg10[%swap3A_2256] {strides = array<i32>} : memref<128xi32, #tpu.memory_space<vmem>>, vector<16xi32>,
      %swap3A_2258 = vector.shape_cast %swap3A_2257 : vector<16xi32> to vector<16xi32>
      %swap3A_2259 = vector.shape_cast %and3A_2255 : vector<16xi32> to vector<16xi32>
      tpu.vector_store %arg10[%swap3A_2256], %swap3A_2259 {strides = array<i32>} : memref<128xi32, #tpu.memory_space<vmem>>, vector<16xi32>,
      %get3A_2260 = arith.constant 48 : index
      %get3A_2261 = tpu.vector_load %arg6[%get3A_2260] {strides = array<i32>} : memref<128xi32, #tpu.memory_space<vmem>>, vector<16xi32>,
      %get3A_2262 = vector.shape_cast %get3A_2261 : vector<16xi32> to vector<16xi32>
      %shift_right_arithmetic3A_2263 = arith.constant 14 : i32
      %shift_right_arithmetic3A_2264 = vector.broadcast %shift_right_arithmetic3A_2263 : i32 to vector<16xi32>
      %shift_right_arithmetic3A_2265 = arith.shrsi %get3A_2262, %shift_right_arithmetic3A_2264 : vector<16xi32>
      %swap3A_2266 = arith.constant 48 : index
      %swap3A_2267 = tpu.vector_load %arg8[%swap3A_2266] {strides = array<i32>} : memref<128xi32, #tpu.memory_space<vmem>>, vector<16xi32>,
      %swap3A_2268 = vector.shape_cast %swap3A_2267 : vector<16xi32> to vector<16xi32>
      %swap3A_2269 = vector.shape_cast %shift_right_arithmetic3A_2265 : vector<16xi32> to vector<16xi32>
      tpu.vector_store %arg8[%swap3A_2266], %swap3A_2269 {strides = array<i32>} : memref<128xi32, #tpu.memory_space<vmem>>, vector<16xi32>,
      %and3A_2270 = arith.constant 16383 : i32
      %and3A_2271 = vector.broadcast %and3A_2270 : i32 to vector<16xi32>
      %and3A_2272 = arith.andi %get3A_2262, %and3A_2271 : vector<16xi32>
      %swap3A_2273 = arith.constant 48 : index
      %swap3A_2274 = tpu.vector_load %arg10[%swap3A_2273] {strides = array<i32>} : memref<128xi32, #tpu.memory_space<vmem>>, vector<16xi32>,
      %swap3A_2275 = vector.shape_cast %swap3A_2274 : vector<16xi32> to vector<16xi32>
      %swap3A_2276 = vector.shape_cast %and3A_2272 : vector<16xi32> to vector<16xi32>
      tpu.vector_store %arg10[%swap3A_2273], %swap3A_2276 {strides = array<i32>} : memref<128xi32, #tpu.memory_space<vmem>>, vector<16xi32>,
      %get3A_2277 = arith.constant 64 : index
      %get3A_2278 = tpu.vector_load %arg6[%get3A_2277] {strides = array<i32>} : memref<128xi32, #tpu.memory_space<vmem>>, vector<16xi32>,
      %get3A_2279 = vector.shape_cast %get3A_2278 : vector<16xi32> to vector<16xi32>
      %shift_right_arithmetic3A_2280 = arith.constant 14 : i32
      %shift_right_arithmetic3A_2281 = vector.broadcast %shift_right_arithmetic3A_2280 : i32 to vector<16xi32>
      %shift_right_arithmetic3A_2282 = arith.shrsi %get3A_2279, %shift_right_arithmetic3A_2281 : vector<16xi32>
      %swap3A_2283 = arith.constant 64 : index
      %swap3A_2284 = tpu.vector_load %arg8[%swap3A_2283] {strides = array<i32>} : memref<128xi32, #tpu.memory_space<vmem>>, vector<16xi32>,
      %swap3A_2285 = vector.shape_cast %swap3A_2284 : vector<16xi32> to vector<16xi32>
      %swap3A_2286 = vector.shape_cast %shift_right_arithmetic3A_2282 : vector<16xi32> to vector<16xi32>
      tpu.vector_store %arg8[%swap3A_2283], %swap3A_2286 {strides = array<i32>} : memref<128xi32, #tpu.memory_space<vmem>>, vector<16xi32>,
      %and3A_2287 = arith.constant 16383 : i32
      %and3A_2288 = vector.broadcast %and3A_2287 : i32 to vector<16xi32>
      %and3A_2289 = arith.andi %get3A_2279, %and3A_2288 : vector<16xi32>
      %swap3A_2290 = arith.constant 64 : index
      %swap3A_2291 = tpu.vector_load %arg10[%swap3A_2290] {strides = array<i32>} : memref<128xi32, #tpu.memory_space<vmem>>, vector<16xi32>,
      %swap3A_2292 = vector.shape_cast %swap3A_2291 : vector<16xi32> to vector<16xi32>
      %swap3A_2293 = vector.shape_cast %and3A_2289 : vector<16xi32> to vector<16xi32>
      tpu.vector_store %arg10[%swap3A_2290], %swap3A_2293 {strides = array<i32>} : memref<128xi32, #tpu.memory_space<vmem>>, vector<16xi32>,
      %get3A_2294 = arith.constant 80 : index
      %get3A_2295 = tpu.vector_load %arg6[%get3A_2294] {strides = array<i32>} : memref<128xi32, #tpu.memory_space<vmem>>, vector<16xi32>,
      %get3A_2296 = vector.shape_cast %get3A_2295 : vector<16xi32> to vector<16xi32>
      %shift_right_arithmetic3A_2297 = arith.constant 14 : i32
      %shift_right_arithmetic3A_2298 = vector.broadcast %shift_right_arithmetic3A_2297 : i32 to vector<16xi32>
      %shift_right_arithmetic3A_2299 = arith.shrsi %get3A_2296, %shift_right_arithmetic3A_2298 : vector<16xi32>
      %swap3A_2300 = arith.constant 80 : index
      %swap3A_2301 = tpu.vector_load %arg8[%swap3A_2300] {strides = array<i32>} : memref<128xi32, #tpu.memory_space<vmem>>, vector<16xi32>,
      %swap3A_2302 = vector.shape_cast %swap3A_2301 : vector<16xi32> to vector<16xi32>
      %swap3A_2303 = vector.shape_cast %shift_right_arithmetic3A_2299 : vector<16xi32> to vector<16xi32>
      tpu.vector_store %arg8[%swap3A_2300], %swap3A_2303 {strides = array<i32>} : memref<128xi32, #tpu.memory_space<vmem>>, vector<16xi32>,
      %and3A_2304 = arith.constant 16383 : i32
      %and3A_2305 = vector.broadcast %and3A_2304 : i32 to vector<16xi32>
      %and3A_2306 = arith.andi %get3A_2296, %and3A_2305 : vector<16xi32>
      %swap3A_2307 = arith.constant 80 : index
      %swap3A_2308 = tpu.vector_load %arg10[%swap3A_2307] {strides = array<i32>} : memref<128xi32, #tpu.memory_space<vmem>>, vector<16xi32>,
      %swap3A_2309 = vector.shape_cast %swap3A_2308 : vector<16xi32> to vector<16xi32>
      %swap3A_2310 = vector.shape_cast %and3A_2306 : vector<16xi32> to vector<16xi32>
      tpu.vector_store %arg10[%swap3A_2307], %swap3A_2310 {strides = array<i32>} : memref<128xi32, #tpu.memory_space<vmem>>, vector<16xi32>,
      %get3A_2311 = arith.constant 96 : index
      %get3A_2312 = tpu.vector_load %arg6[%get3A_2311] {strides = array<i32>} : memref<128xi32, #tpu.memory_space<vmem>>, vector<16xi32>,
      %get3A_2313 = vector.shape_cast %get3A_2312 : vector<16xi32> to vector<16xi32>
      %shift_right_arithmetic3A_2314 = arith.constant 14 : i32
      %shift_right_arithmetic3A_2315 = vector.broadcast %shift_right_arithmetic3A_2314 : i32 to vector<16xi32>
      %shift_right_arithmetic3A_2316 = arith.shrsi %get3A_2313, %shift_right_arithmetic3A_2315 : vector<16xi32>
      %swap3A_2317 = arith.constant 96 : index
      %swap3A_2318 = tpu.vector_load %arg8[%swap3A_2317] {strides = array<i32>} : memref<128xi32, #tpu.memory_space<vmem>>, vector<16xi32>,
      %swap3A_2319 = vector.shape_cast %swap3A_2318 : vector<16xi32> to vector<16xi32>
      %swap3A_2320 = vector.shape_cast %shift_right_arithmetic3A_2316 : vector<16xi32> to vector<16xi32>
      tpu.vector_store %arg8[%swap3A_2317], %swap3A_2320 {strides = array<i32>} : memref<128xi32, #tpu.memory_space<vmem>>, vector<16xi32>,
      %and3A_2321 = arith.constant 16383 : i32
      %and3A_2322 = vector.broadcast %and3A_2321 : i32 to vector<16xi32>
      %and3A_2323 = arith.andi %get3A_2313, %and3A_2322 : vector<16xi32>
      %swap3A_2324 = arith.constant 96 : index
      %swap3A_2325 = tpu.vector_load %arg10[%swap3A_2324] {strides = array<i32>} : memref<128xi32, #tpu.memory_space<vmem>>, vector<16xi32>,
      %swap3A_2326 = vector.shape_cast %swap3A_2325 : vector<16xi32> to vector<16xi32>
      %swap3A_2327 = vector.shape_cast %and3A_2323 : vector<16xi32> to vector<16xi32>
      tpu.vector_store %arg10[%swap3A_2324], %swap3A_2327 {strides = array<i32>} : memref<128xi32, #tpu.memory_space<vmem>>, vector<16xi32>,
      %get3A_2328 = arith.constant 112 : index
      %get3A_2329 = tpu.vector_load %arg6[%get3A_2328] {strides = array<i32>} : memref<128xi32, #tpu.memory_space<vmem>>, vector<16xi32>,
      %get3A_2330 = vector.shape_cast %get3A_2329 : vector<16xi32> to vector<16xi32>
      %shift_right_arithmetic3A_2331 = arith.constant 14 : i32
      %shift_right_arithmetic3A_2332 = vector.broadcast %shift_right_arithmetic3A_2331 : i32 to vector<16xi32>
      %shift_right_arithmetic3A_2333 = arith.shrsi %get3A_2330, %shift_right_arithmetic3A_2332 : vector<16xi32>
      %swap3A_2334 = arith.constant 112 : index
      %swap3A_2335 = tpu.vector_load %arg8[%swap3A_2334] {strides = array<i32>} : memref<128xi32, #tpu.memory_space<vmem>>, vector<16xi32>,
      %swap3A_2336 = vector.shape_cast %swap3A_2335 : vector<16xi32> to vector<16xi32>
      %swap3A_2337 = vector.shape_cast %shift_right_arithmetic3A_2333 : vector<16xi32> to vector<16xi32>
      tpu.vector_store %arg8[%swap3A_2334], %swap3A_2337 {strides = array<i32>} : memref<128xi32, #tpu.memory_space<vmem>>, vector<16xi32>,
      %and3A_2338 = arith.constant 16383 : i32
      %and3A_2339 = vector.broadcast %and3A_2338 : i32 to vector<16xi32>
      %and3A_2340 = arith.andi %get3A_2330, %and3A_2339 : vector<16xi32>
      %swap3A_2341 = arith.constant 112 : index
      %swap3A_2342 = tpu.vector_load %arg10[%swap3A_2341] {strides = array<i32>} : memref<128xi32, #tpu.memory_space<vmem>>, vector<16xi32>,
      %swap3A_2343 = vector.shape_cast %swap3A_2342 : vector<16xi32> to vector<16xi32>
      %swap3A_2344 = vector.shape_cast %and3A_2340 : vector<16xi32> to vector<16xi32>
      tpu.vector_store %arg10[%swap3A_2341], %swap3A_2344 {strides = array<i32>} : memref<128xi32, #tpu.memory_space<vmem>>, vector<16xi32>,
      %dma_start3A_2345 = arith.constant 0 : i32
      %dma_start3A_2346 = arith.constant 0 : i32
      %dma_start3A_2347 = tpu.memref_slice %arg2[%dma_start3A_2345, %dma_start3A_2346] : memref<10000x128xf32, #tpu.memory_space<hbm>> -> memref<10000x128xf32, #tpu.memory_space<hbm>>
      tpu.enqueue_indirect_dma source(%dma_start3A_2347 : memref<10000x128xf32, #tpu.memory_space<hbm>>) target(%arg12 : memref<128x128xf32, #tpu.memory_space<vmem>>) offsets(%arg8 : memref<128xi32, #tpu.memory_space<vmem>>) semaphore(%arg22 : memref<!tpu.dma_semaphore, #tpu.memory_space<semaphore_mem>>)
      %add3A_2348 = arith.constant 3 : i32
      %add3A_2349 = arith.addi %mul3A_2201, %add3A_2348 : i32
      %lt3A = arith.constant 78 : i32
      %lt3A_2350 = arith.cmpi slt, %add3A_2349, %lt3A : i32
      %convert_element_type3A_2351 = arith.extui %lt3A_2350 : i1 to i32
      %cond3A_2352 = arith.constant 0 : i32
      %cond3A_2353 = arith.cmpi ne, %convert_element_type3A_2351, %cond3A_2352 : i32
      scf.if %cond3A_2353 {
        %add3A_2513 = arith.constant 3 : i32
        %add3A_2514 = arith.addi %mul3A_2201, %add3A_2513 : i32
        %mul3A_2515 = arith.constant 128 : i32
        %mul3A_2516 = arith.muli %add3A_2514, %mul3A_2515 : i32
        %add3A_2517 = arith.addi %mul3A_2, %mul3A_2516 : i32
        %dma_start3A_2518 = tpu.memref_slice %arg3[%add3A_2517] : memref<320000xi32, #tpu.memory_space<hbm>> -> memref<128xi32, #tpu.memory_space<hbm>>
        %dma_start3A_2519 = tpu.memref_slice %arg3[%add3A_2517] : memref<320000xi32, #tpu.memory_space<hbm>> -> memref<128xi32, #tpu.memory_space<hbm>>
        tpu.enqueue_dma source(%dma_start3A_2519 : memref<128xi32, #tpu.memory_space<hbm>>) target(%arg6 : memref<128xi32, #tpu.memory_space<vmem>>) target_semaphore(%arg20 : memref<!tpu.dma_semaphore, #tpu.memory_space<semaphore_mem>>)
      } else {
      }
      %dma_wait3A_2354 = arith.constant 0 : i32
      %dma_wait3A_2355 = arith.constant 0 : i32
      %dma_wait3A_2356 = tpu.memref_slice %arg2[%dma_wait3A_2354, %dma_wait3A_2355] : memref<10000x128xf32, #tpu.memory_space<hbm>> -> memref<10000x128xf32, #tpu.memory_space<hbm>>
      tpu.wait_indirect_dma semaphore(%arg21 : memref<!tpu.dma_semaphore, #tpu.memory_space<semaphore_mem>>) src(%dma_wait3A_2356 : memref<10000x128xf32, #tpu.memory_space<hbm>>) dst(%arg11 : memref<128x128xf32, #tpu.memory_space<vmem>>)
      "tpu.region"() ({
        %run_scoped3A = tpu.sem_alloc : memref<!tpu.dma_semaphore, #tpu.memory_space<semaphore_mem>>
        %dma_start3A_2513 = arith.constant 0 : i32
        %dma_start3A_2514 = arith.constant 0 : i32
        %dma_start3A_2515 = tpu.memref_slice %arg18[%dma_start3A_2513, %dma_start3A_2514] : memref<10000x128xf32, #tpu.memory_space<vmem_shared>> -> memref<10000x128xf32, #tpu.memory_space<vmem_shared>>
        tpu.enqueue_indirect_dma source(%arg11 : memref<128x128xf32, #tpu.memory_space<vmem>>) target(%dma_start3A_2515 : memref<10000x128xf32, #tpu.memory_space<vmem_shared>>) offsets(%arg9 : memref<128xi32, #tpu.memory_space<vmem>>) semaphore(%run_scoped3A : memref<!tpu.dma_semaphore, #tpu.memory_space<semaphore_mem>>) {add = true}
        %dma_wait3A_2516 = arith.constant 0 : i32
        %dma_wait3A_2517 = arith.constant 0 : i32
        %dma_wait3A_2518 = tpu.memref_slice %arg18[%dma_wait3A_2516, %dma_wait3A_2517] : memref<10000x128xf32, #tpu.memory_space<vmem_shared>> -> memref<10000x128xf32, #tpu.memory_space<vmem_shared>>
        tpu.wait_indirect_dma semaphore(%run_scoped3A : memref<!tpu.dma_semaphore, #tpu.memory_space<semaphore_mem>>) src(%arg11 : memref<128x128xf32, #tpu.memory_space<vmem>>) dst(%dma_wait3A_2518 : memref<10000x128xf32, #tpu.memory_space<vmem_shared>>)
        tpu.yield
      }) : () -> ()
      %add3A_2357 = arith.constant 2 : i32
      %add3A_2358 = arith.addi %mul3A_2201, %add3A_2357 : i32
      %mul3A_2359 = arith.constant 128 : i32
      %mul3A_2360 = arith.muli %add3A_2358, %mul3A_2359 : i32
      %add3A_2361 = arith.addi %mul3A_2, %mul3A_2360 : i32
      %dma_wait3A_2362 = tpu.memref_slice %arg3[%add3A_2361] : memref<320000xi32, #tpu.memory_space<hbm>> -> memref<128xi32, #tpu.memory_space<hbm>>
      %dma_wait3A_2363 = tpu.memref_slice %arg3[%add3A_2361] : memref<320000xi32, #tpu.memory_space<hbm>> -> memref<128xi32, #tpu.memory_space<hbm>>
      tpu.wait_dma2 semaphore(%arg19 : memref<!tpu.dma_semaphore, #tpu.memory_space<semaphore_mem>>) src(%dma_wait3A_2363 : memref<128xi32, #tpu.memory_space<hbm>>) dst(%arg5 : memref<128xi32, #tpu.memory_space<vmem>>)
      %get3A_2364 = arith.constant 0 : index
      %get3A_2365 = tpu.vector_load %arg5[%get3A_2364] {strides = array<i32>} : memref<128xi32, #tpu.memory_space<vmem>>, vector<16xi32>,
      %get3A_2366 = vector.shape_cast %get3A_2365 : vector<16xi32> to vector<16xi32>
      %shift_right_arithmetic3A_2367 = arith.constant 14 : i32
      %shift_right_arithmetic3A_2368 = vector.broadcast %shift_right_arithmetic3A_2367 : i32 to vector<16xi32>
      %shift_right_arithmetic3A_2369 = arith.shrsi %get3A_2366, %shift_right_arithmetic3A_2368 : vector<16xi32>
      %swap3A_2370 = arith.constant 0 : index
      %swap3A_2371 = tpu.vector_load %arg7[%swap3A_2370] {strides = array<i32>} : memref<128xi32, #tpu.memory_space<vmem>>, vector<16xi32>,
      %swap3A_2372 = vector.shape_cast %swap3A_2371 : vector<16xi32> to vector<16xi32>
      %swap3A_2373 = vector.shape_cast %shift_right_arithmetic3A_2369 : vector<16xi32> to vector<16xi32>
      tpu.vector_store %arg7[%swap3A_2370], %swap3A_2373 {strides = array<i32>} : memref<128xi32, #tpu.memory_space<vmem>>, vector<16xi32>,
      %and3A_2374 = arith.constant 16383 : i32
      %and3A_2375 = vector.broadcast %and3A_2374 : i32 to vector<16xi32>
      %and3A_2376 = arith.andi %get3A_2366, %and3A_2375 : vector<16xi32>
      %swap3A_2377 = arith.constant 0 : index
      %swap3A_2378 = tpu.vector_load %arg9[%swap3A_2377] {strides = array<i32>} : memref<128xi32, #tpu.memory_space<vmem>>, vector<16xi32>,
      %swap3A_2379 = vector.shape_cast %swap3A_2378 : vector<16xi32> to vector<16xi32>
      %swap3A_2380 = vector.shape_cast %and3A_2376 : vector<16xi32> to vector<16xi32>
      tpu.vector_store %arg9[%swap3A_2377], %swap3A_2380 {strides = array<i32>} : memref<128xi32, #tpu.memory_space<vmem>>, vector<16xi32>,
      %get3A_2381 = arith.constant 16 : index
      %get3A_2382 = tpu.vector_load %arg5[%get3A_2381] {strides = array<i32>} : memref<128xi32, #tpu.memory_space<vmem>>, vector<16xi32>,
      %get3A_2383 = vector.shape_cast %get3A_2382 : vector<16xi32> to vector<16xi32>
      %shift_right_arithmetic3A_2384 = arith.constant 14 : i32
      %shift_right_arithmetic3A_2385 = vector.broadcast %shift_right_arithmetic3A_2384 : i32 to vector<16xi32>
      %shift_right_arithmetic3A_2386 = arith.shrsi %get3A_2383, %shift_right_arithmetic3A_2385 : vector<16xi32>
      %swap3A_2387 = arith.constant 16 : index
      %swap3A_2388 = tpu.vector_load %arg7[%swap3A_2387] {strides = array<i32>} : memref<128xi32, #tpu.memory_space<vmem>>, vector<16xi32>,
      %swap3A_2389 = vector.shape_cast %swap3A_2388 : vector<16xi32> to vector<16xi32>
      %swap3A_2390 = vector.shape_cast %shift_right_arithmetic3A_2386 : vector<16xi32> to vector<16xi32>
      tpu.vector_store %arg7[%swap3A_2387], %swap3A_2390 {strides = array<i32>} : memref<128xi32, #tpu.memory_space<vmem>>, vector<16xi32>,
      %and3A_2391 = arith.constant 16383 : i32
      %and3A_2392 = vector.broadcast %and3A_2391 : i32 to vector<16xi32>
      %and3A_2393 = arith.andi %get3A_2383, %and3A_2392 : vector<16xi32>
      %swap3A_2394 = arith.constant 16 : index
      %swap3A_2395 = tpu.vector_load %arg9[%swap3A_2394] {strides = array<i32>} : memref<128xi32, #tpu.memory_space<vmem>>, vector<16xi32>,
      %swap3A_2396 = vector.shape_cast %swap3A_2395 : vector<16xi32> to vector<16xi32>
      %swap3A_2397 = vector.shape_cast %and3A_2393 : vector<16xi32> to vector<16xi32>
      tpu.vector_store %arg9[%swap3A_2394], %swap3A_2397 {strides = array<i32>} : memref<128xi32, #tpu.memory_space<vmem>>, vector<16xi32>,
      %get3A_2398 = arith.constant 32 : index
      %get3A_2399 = tpu.vector_load %arg5[%get3A_2398] {strides = array<i32>} : memref<128xi32, #tpu.memory_space<vmem>>, vector<16xi32>,
      %get3A_2400 = vector.shape_cast %get3A_2399 : vector<16xi32> to vector<16xi32>
      %shift_right_arithmetic3A_2401 = arith.constant 14 : i32
      %shift_right_arithmetic3A_2402 = vector.broadcast %shift_right_arithmetic3A_2401 : i32 to vector<16xi32>
      %shift_right_arithmetic3A_2403 = arith.shrsi %get3A_2400, %shift_right_arithmetic3A_2402 : vector<16xi32>
      %swap3A_2404 = arith.constant 32 : index
      %swap3A_2405 = tpu.vector_load %arg7[%swap3A_2404] {strides = array<i32>} : memref<128xi32, #tpu.memory_space<vmem>>, vector<16xi32>,
      %swap3A_2406 = vector.shape_cast %swap3A_2405 : vector<16xi32> to vector<16xi32>
      %swap3A_2407 = vector.shape_cast %shift_right_arithmetic3A_2403 : vector<16xi32> to vector<16xi32>
      tpu.vector_store %arg7[%swap3A_2404], %swap3A_2407 {strides = array<i32>} : memref<128xi32, #tpu.memory_space<vmem>>, vector<16xi32>,
      %and3A_2408 = arith.constant 16383 : i32
      %and3A_2409 = vector.broadcast %and3A_2408 : i32 to vector<16xi32>
      %and3A_2410 = arith.andi %get3A_2400, %and3A_2409 : vector<16xi32>
      %swap3A_2411 = arith.constant 32 : index
      %swap3A_2412 = tpu.vector_load %arg9[%swap3A_2411] {strides = array<i32>} : memref<128xi32, #tpu.memory_space<vmem>>, vector<16xi32>,
      %swap3A_2413 = vector.shape_cast %swap3A_2412 : vector<16xi32> to vector<16xi32>
      %swap3A_2414 = vector.shape_cast %and3A_2410 : vector<16xi32> to vector<16xi32>
      tpu.vector_store %arg9[%swap3A_2411], %swap3A_2414 {strides = array<i32>} : memref<128xi32, #tpu.memory_space<vmem>>, vector<16xi32>,
      %get3A_2415 = arith.constant 48 : index
      %get3A_2416 = tpu.vector_load %arg5[%get3A_2415] {strides = array<i32>} : memref<128xi32, #tpu.memory_space<vmem>>, vector<16xi32>,
      %get3A_2417 = vector.shape_cast %get3A_2416 : vector<16xi32> to vector<16xi32>
      %shift_right_arithmetic3A_2418 = arith.constant 14 : i32
      %shift_right_arithmetic3A_2419 = vector.broadcast %shift_right_arithmetic3A_2418 : i32 to vector<16xi32>
      %shift_right_arithmetic3A_2420 = arith.shrsi %get3A_2417, %shift_right_arithmetic3A_2419 : vector<16xi32>
      %swap3A_2421 = arith.constant 48 : index
      %swap3A_2422 = tpu.vector_load %arg7[%swap3A_2421] {strides = array<i32>} : memref<128xi32, #tpu.memory_space<vmem>>, vector<16xi32>,
      %swap3A_2423 = vector.shape_cast %swap3A_2422 : vector<16xi32> to vector<16xi32>
      %swap3A_2424 = vector.shape_cast %shift_right_arithmetic3A_2420 : vector<16xi32> to vector<16xi32>
      tpu.vector_store %arg7[%swap3A_2421], %swap3A_2424 {strides = array<i32>} : memref<128xi32, #tpu.memory_space<vmem>>, vector<16xi32>,
      %and3A_2425 = arith.constant 16383 : i32
      %and3A_2426 = vector.broadcast %and3A_2425 : i32 to vector<16xi32>
      %and3A_2427 = arith.andi %get3A_2417, %and3A_2426 : vector<16xi32>
      %swap3A_2428 = arith.constant 48 : index
      %swap3A_2429 = tpu.vector_load %arg9[%swap3A_2428] {strides = array<i32>} : memref<128xi32, #tpu.memory_space<vmem>>, vector<16xi32>,
      %swap3A_2430 = vector.shape_cast %swap3A_2429 : vector<16xi32> to vector<16xi32>
      %swap3A_2431 = vector.shape_cast %and3A_2427 : vector<16xi32> to vector<16xi32>
      tpu.vector_store %arg9[%swap3A_2428], %swap3A_2431 {strides = array<i32>} : memref<128xi32, #tpu.memory_space<vmem>>, vector<16xi32>,
      %get3A_2432 = arith.constant 64 : index
      %get3A_2433 = tpu.vector_load %arg5[%get3A_2432] {strides = array<i32>} : memref<128xi32, #tpu.memory_space<vmem>>, vector<16xi32>,
      %get3A_2434 = vector.shape_cast %get3A_2433 : vector<16xi32> to vector<16xi32>
      %shift_right_arithmetic3A_2435 = arith.constant 14 : i32
      %shift_right_arithmetic3A_2436 = vector.broadcast %shift_right_arithmetic3A_2435 : i32 to vector<16xi32>
      %shift_right_arithmetic3A_2437 = arith.shrsi %get3A_2434, %shift_right_arithmetic3A_2436 : vector<16xi32>
      %swap3A_2438 = arith.constant 64 : index
      %swap3A_2439 = tpu.vector_load %arg7[%swap3A_2438] {strides = array<i32>} : memref<128xi32, #tpu.memory_space<vmem>>, vector<16xi32>,
      %swap3A_2440 = vector.shape_cast %swap3A_2439 : vector<16xi32> to vector<16xi32>
      %swap3A_2441 = vector.shape_cast %shift_right_arithmetic3A_2437 : vector<16xi32> to vector<16xi32>
      tpu.vector_store %arg7[%swap3A_2438], %swap3A_2441 {strides = array<i32>} : memref<128xi32, #tpu.memory_space<vmem>>, vector<16xi32>,
      %and3A_2442 = arith.constant 16383 : i32
      %and3A_2443 = vector.broadcast %and3A_2442 : i32 to vector<16xi32>
      %and3A_2444 = arith.andi %get3A_2434, %and3A_2443 : vector<16xi32>
      %swap3A_2445 = arith.constant 64 : index
      %swap3A_2446 = tpu.vector_load %arg9[%swap3A_2445] {strides = array<i32>} : memref<128xi32, #tpu.memory_space<vmem>>, vector<16xi32>,
      %swap3A_2447 = vector.shape_cast %swap3A_2446 : vector<16xi32> to vector<16xi32>
      %swap3A_2448 = vector.shape_cast %and3A_2444 : vector<16xi32> to vector<16xi32>
      tpu.vector_store %arg9[%swap3A_2445], %swap3A_2448 {strides = array<i32>} : memref<128xi32, #tpu.memory_space<vmem>>, vector<16xi32>,
      %get3A_2449 = arith.constant 80 : index
      %get3A_2450 = tpu.vector_load %arg5[%get3A_2449] {strides = array<i32>} : memref<128xi32, #tpu.memory_space<vmem>>, vector<16xi32>,
      %get3A_2451 = vector.shape_cast %get3A_2450 : vector<16xi32> to vector<16xi32>
      %shift_right_arithmetic3A_2452 = arith.constant 14 : i32
      %shift_right_arithmetic3A_2453 = vector.broadcast %shift_right_arithmetic3A_2452 : i32 to vector<16xi32>
      %shift_right_arithmetic3A_2454 = arith.shrsi %get3A_2451, %shift_right_arithmetic3A_2453 : vector<16xi32>
      %swap3A_2455 = arith.constant 80 : index
      %swap3A_2456 = tpu.vector_load %arg7[%swap3A_2455] {strides = array<i32>} : memref<128xi32, #tpu.memory_space<vmem>>, vector<16xi32>,
      %swap3A_2457 = vector.shape_cast %swap3A_2456 : vector<16xi32> to vector<16xi32>
      %swap3A_2458 = vector.shape_cast %shift_right_arithmetic3A_2454 : vector<16xi32> to vector<16xi32>
      tpu.vector_store %arg7[%swap3A_2455], %swap3A_2458 {strides = array<i32>} : memref<128xi32, #tpu.memory_space<vmem>>, vector<16xi32>,
      %and3A_2459 = arith.constant 16383 : i32
      %and3A_2460 = vector.broadcast %and3A_2459 : i32 to vector<16xi32>
      %and3A_2461 = arith.andi %get3A_2451, %and3A_2460 : vector<16xi32>
      %swap3A_2462 = arith.constant 80 : index
      %swap3A_2463 = tpu.vector_load %arg9[%swap3A_2462] {strides = array<i32>} : memref<128xi32, #tpu.memory_space<vmem>>, vector<16xi32>,
      %swap3A_2464 = vector.shape_cast %swap3A_2463 : vector<16xi32> to vector<16xi32>
      %swap3A_2465 = vector.shape_cast %and3A_2461 : vector<16xi32> to vector<16xi32>
      tpu.vector_store %arg9[%swap3A_2462], %swap3A_2465 {strides = array<i32>} : memref<128xi32, #tpu.memory_space<vmem>>, vector<16xi32>,
      %get3A_2466 = arith.constant 96 : index
      %get3A_2467 = tpu.vector_load %arg5[%get3A_2466] {strides = array<i32>} : memref<128xi32, #tpu.memory_space<vmem>>, vector<16xi32>,
      %get3A_2468 = vector.shape_cast %get3A_2467 : vector<16xi32> to vector<16xi32>
      %shift_right_arithmetic3A_2469 = arith.constant 14 : i32
      %shift_right_arithmetic3A_2470 = vector.broadcast %shift_right_arithmetic3A_2469 : i32 to vector<16xi32>
      %shift_right_arithmetic3A_2471 = arith.shrsi %get3A_2468, %shift_right_arithmetic3A_2470 : vector<16xi32>
      %swap3A_2472 = arith.constant 96 : index
      %swap3A_2473 = tpu.vector_load %arg7[%swap3A_2472] {strides = array<i32>} : memref<128xi32, #tpu.memory_space<vmem>>, vector<16xi32>,
      %swap3A_2474 = vector.shape_cast %swap3A_2473 : vector<16xi32> to vector<16xi32>
      %swap3A_2475 = vector.shape_cast %shift_right_arithmetic3A_2471 : vector<16xi32> to vector<16xi32>
      tpu.vector_store %arg7[%swap3A_2472], %swap3A_2475 {strides = array<i32>} : memref<128xi32, #tpu.memory_space<vmem>>, vector<16xi32>,
      %and3A_2476 = arith.constant 16383 : i32
      %and3A_2477 = vector.broadcast %and3A_2476 : i32 to vector<16xi32>
      %and3A_2478 = arith.andi %get3A_2468, %and3A_2477 : vector<16xi32>
      %swap3A_2479 = arith.constant 96 : index
      %swap3A_2480 = tpu.vector_load %arg9[%swap3A_2479] {strides = array<i32>} : memref<128xi32, #tpu.memory_space<vmem>>, vector<16xi32>,
      %swap3A_2481 = vector.shape_cast %swap3A_2480 : vector<16xi32> to vector<16xi32>
      %swap3A_2482 = vector.shape_cast %and3A_2478 : vector<16xi32> to vector<16xi32>
      tpu.vector_store %arg9[%swap3A_2479], %swap3A_2482 {strides = array<i32>} : memref<128xi32, #tpu.memory_space<vmem>>, vector<16xi32>,
      %get3A_2483 = arith.constant 112 : index
      %get3A_2484 = tpu.vector_load %arg5[%get3A_2483] {strides = array<i32>} : memref<128xi32, #tpu.memory_space<vmem>>, vector<16xi32>,
      %get3A_2485 = vector.shape_cast %get3A_2484 : vector<16xi32> to vector<16xi32>
      %shift_right_arithmetic3A_2486 = arith.constant 14 : i32
      %shift_right_arithmetic3A_2487 = vector.broadcast %shift_right_arithmetic3A_2486 : i32 to vector<16xi32>
      %shift_right_arithmetic3A_2488 = arith.shrsi %get3A_2485, %shift_right_arithmetic3A_2487 : vector<16xi32>
      %swap3A_2489 = arith.constant 112 : index
      %swap3A_2490 = tpu.vector_load %arg7[%swap3A_2489] {strides = array<i32>} : memref<128xi32, #tpu.memory_space<vmem>>, vector<16xi32>,
      %swap3A_2491 = vector.shape_cast %swap3A_2490 : vector<16xi32> to vector<16xi32>
      %swap3A_2492 = vector.shape_cast %shift_right_arithmetic3A_2488 : vector<16xi32> to vector<16xi32>
      tpu.vector_store %arg7[%swap3A_2489], %swap3A_2492 {strides = array<i32>} : memref<128xi32, #tpu.memory_space<vmem>>, vector<16xi32>,
      %and3A_2493 = arith.constant 16383 : i32
      %and3A_2494 = vector.broadcast %and3A_2493 : i32 to vector<16xi32>
      %and3A_2495 = arith.andi %get3A_2485, %and3A_2494 : vector<16xi32>
      %swap3A_2496 = arith.constant 112 : index
      %swap3A_2497 = tpu.vector_load %arg9[%swap3A_2496] {strides = array<i32>} : memref<128xi32, #tpu.memory_space<vmem>>, vector<16xi32>,
      %swap3A_2498 = vector.shape_cast %swap3A_2497 : vector<16xi32> to vector<16xi32>
      %swap3A_2499 = vector.shape_cast %and3A_2495 : vector<16xi32> to vector<16xi32>
      tpu.vector_store %arg9[%swap3A_2496], %swap3A_2499 {strides = array<i32>} : memref<128xi32, #tpu.memory_space<vmem>>, vector<16xi32>,
      %dma_start3A_2500 = arith.constant 0 : i32
      %dma_start3A_2501 = arith.constant 0 : i32
      %dma_start3A_2502 = tpu.memref_slice %arg2[%dma_start3A_2500, %dma_start3A_2501] : memref<10000x128xf32, #tpu.memory_space<hbm>> -> memref<10000x128xf32, #tpu.memory_space<hbm>>
      tpu.enqueue_indirect_dma source(%dma_start3A_2502 : memref<10000x128xf32, #tpu.memory_space<hbm>>) target(%arg11 : memref<128x128xf32, #tpu.memory_space<vmem>>) offsets(%arg7 : memref<128xi32, #tpu.memory_space<vmem>>) semaphore(%arg21 : memref<!tpu.dma_semaphore, #tpu.memory_space<semaphore_mem>>)
      %add3A_2503 = arith.constant 4 : i32
      %add3A_2504 = arith.addi %mul3A_2201, %add3A_2503 : i32
      %lt3A_2505 = arith.constant 78 : i32
      %lt3A_2506 = arith.cmpi slt, %add3A_2504, %lt3A_2505 : i32
      %convert_element_type3A_2507 = arith.extui %lt3A_2506 : i1 to i32
      %cond3A_2508 = arith.constant 0 : i32
      %cond3A_2509 = arith.cmpi ne, %convert_element_type3A_2507, %cond3A_2508 : i32
      scf.if %cond3A_2509 {
        %add3A_2513 = arith.constant 4 : i32
        %add3A_2514 = arith.addi %mul3A_2201, %add3A_2513 : i32
        %mul3A_2515 = arith.constant 128 : i32
        %mul3A_2516 = arith.muli %add3A_2514, %mul3A_2515 : i32
        %add3A_2517 = arith.addi %mul3A_2, %mul3A_2516 : i32
        %dma_start3A_2518 = tpu.memref_slice %arg3[%add3A_2517] : memref<320000xi32, #tpu.memory_space<hbm>> -> memref<128xi32, #tpu.memory_space<hbm>>
        %dma_start3A_2519 = tpu.memref_slice %arg3[%add3A_2517] : memref<320000xi32, #tpu.memory_space<hbm>> -> memref<128xi32, #tpu.memory_space<hbm>>
        tpu.enqueue_dma source(%dma_start3A_2519 : memref<128xi32, #tpu.memory_space<hbm>>) target(%arg5 : memref<128xi32, #tpu.memory_space<vmem>>) target_semaphore(%arg19 : memref<!tpu.dma_semaphore, #tpu.memory_space<semaphore_mem>>)
      } else {
      }
      %dma_wait3A_2510 = arith.constant 0 : i32
      %dma_wait3A_2511 = arith.constant 0 : i32
      %dma_wait3A_2512 = tpu.memref_slice %arg2[%dma_wait3A_2510, %dma_wait3A_2511] : memref<10000x128xf32, #tpu.memory_space<hbm>> -> memref<10000x128xf32, #tpu.memory_space<hbm>>
      tpu.wait_indirect_dma semaphore(%arg22 : memref<!tpu.dma_semaphore, #tpu.memory_space<semaphore_mem>>) src(%dma_wait3A_2512 : memref<10000x128xf32, #tpu.memory_space<hbm>>) dst(%arg12 : memref<128x128xf32, #tpu.memory_space<vmem>>)
      "tpu.region"() ({
        %run_scoped3A = tpu.sem_alloc : memref<!tpu.dma_semaphore, #tpu.memory_space<semaphore_mem>>
        %dma_start3A_2513 = arith.constant 0 : i32
        %dma_start3A_2514 = arith.constant 0 : i32
        %dma_start3A_2515 = tpu.memref_slice %arg18[%dma_start3A_2513, %dma_start3A_2514] : memref<10000x128xf32, #tpu.memory_space<vmem_shared>> -> memref<10000x128xf32, #tpu.memory_space<vmem_shared>>
        tpu.enqueue_indirect_dma source(%arg12 : memref<128x128xf32, #tpu.memory_space<vmem>>) target(%dma_start3A_2515 : memref<10000x128xf32, #tpu.memory_space<vmem_shared>>) offsets(%arg10 : memref<128xi32, #tpu.memory_space<vmem>>) semaphore(%run_scoped3A : memref<!tpu.dma_semaphore, #tpu.memory_space<semaphore_mem>>) {add = true}
        %dma_wait3A_2516 = arith.constant 0 : i32
        %dma_wait3A_2517 = arith.constant 0 : i32
        %dma_wait3A_2518 = tpu.memref_slice %arg18[%dma_wait3A_2516, %dma_wait3A_2517] : memref<10000x128xf32, #tpu.memory_space<vmem_shared>> -> memref<10000x128xf32, #tpu.memory_space<vmem_shared>>
        tpu.wait_indirect_dma semaphore(%run_scoped3A : memref<!tpu.dma_semaphore, #tpu.memory_space<semaphore_mem>>) src(%arg12 : memref<128x128xf32, #tpu.memory_space<vmem>>) dst(%dma_wait3A_2518 : memref<10000x128xf32, #tpu.memory_space<vmem_shared>>)
        tpu.yield
      }) : () -> ()
    }
    %scan3A_2040 = arith.constant 38 : i32
    %add3A_2041 = arith.constant 9856 : i32
    %add3A_2042 = arith.addi %mul3A_2, %add3A_2041 : i32
    %dma_wait3A_2043 = tpu.memref_slice %arg3[%add3A_2042] : memref<320000xi32, #tpu.memory_space<hbm>> -> memref<128xi32, #tpu.memory_space<hbm>>
    %dma_wait3A_2044 = tpu.memref_slice %arg3[%add3A_2042] : memref<320000xi32, #tpu.memory_space<hbm>> -> memref<128xi32, #tpu.memory_space<hbm>>
    tpu.wait_dma2 semaphore(%arg20 : memref<!tpu.dma_semaphore, #tpu.memory_space<semaphore_mem>>) src(%dma_wait3A_2044 : memref<128xi32, #tpu.memory_space<hbm>>) dst(%arg6 : memref<128xi32, #tpu.memory_space<vmem>>)
    %get3A_2045 = arith.constant 0 : index
    %get3A_2046 = tpu.vector_load %arg6[%get3A_2045] {strides = array<i32>} : memref<128xi32, #tpu.memory_space<vmem>>, vector<16xi32>,
    %get3A_2047 = vector.shape_cast %get3A_2046 : vector<16xi32> to vector<16xi32>
    %shift_right_arithmetic3A_2048 = arith.constant 14 : i32
    %shift_right_arithmetic3A_2049 = vector.broadcast %shift_right_arithmetic3A_2048 : i32 to vector<16xi32>
    %shift_right_arithmetic3A_2050 = arith.shrsi %get3A_2047, %shift_right_arithmetic3A_2049 : vector<16xi32>
    %swap3A_2051 = arith.constant 0 : index
    %swap3A_2052 = tpu.vector_load %arg8[%swap3A_2051] {strides = array<i32>} : memref<128xi32, #tpu.memory_space<vmem>>, vector<16xi32>,
    %swap3A_2053 = vector.shape_cast %swap3A_2052 : vector<16xi32> to vector<16xi32>
    %swap3A_2054 = vector.shape_cast %shift_right_arithmetic3A_2050 : vector<16xi32> to vector<16xi32>
    tpu.vector_store %arg8[%swap3A_2051], %swap3A_2054 {strides = array<i32>} : memref<128xi32, #tpu.memory_space<vmem>>, vector<16xi32>,
    %and3A_2055 = arith.constant 16383 : i32
    %and3A_2056 = vector.broadcast %and3A_2055 : i32 to vector<16xi32>
    %and3A_2057 = arith.andi %get3A_2047, %and3A_2056 : vector<16xi32>
    %swap3A_2058 = arith.constant 0 : index
    %swap3A_2059 = tpu.vector_load %arg10[%swap3A_2058] {strides = array<i32>} : memref<128xi32, #tpu.memory_space<vmem>>, vector<16xi32>,
    %swap3A_2060 = vector.shape_cast %swap3A_2059 : vector<16xi32> to vector<16xi32>
    %swap3A_2061 = vector.shape_cast %and3A_2057 : vector<16xi32> to vector<16xi32>
    tpu.vector_store %arg10[%swap3A_2058], %swap3A_2061 {strides = array<i32>} : memref<128xi32, #tpu.memory_space<vmem>>, vector<16xi32>,
    %get3A_2062 = arith.constant 16 : index
    %get3A_2063 = tpu.vector_load %arg6[%get3A_2062] {strides = array<i32>} : memref<128xi32, #tpu.memory_space<vmem>>, vector<16xi32>,
    %get3A_2064 = vector.shape_cast %get3A_2063 : vector<16xi32> to vector<16xi32>
    %shift_right_arithmetic3A_2065 = arith.constant 14 : i32
    %shift_right_arithmetic3A_2066 = vector.broadcast %shift_right_arithmetic3A_2065 : i32 to vector<16xi32>
    %shift_right_arithmetic3A_2067 = arith.shrsi %get3A_2064, %shift_right_arithmetic3A_2066 : vector<16xi32>
    %swap3A_2068 = arith.constant 16 : index
    %swap3A_2069 = tpu.vector_load %arg8[%swap3A_2068] {strides = array<i32>} : memref<128xi32, #tpu.memory_space<vmem>>, vector<16xi32>,
    %swap3A_2070 = vector.shape_cast %swap3A_2069 : vector<16xi32> to vector<16xi32>
    %swap3A_2071 = vector.shape_cast %shift_right_arithmetic3A_2067 : vector<16xi32> to vector<16xi32>
    tpu.vector_store %arg8[%swap3A_2068], %swap3A_2071 {strides = array<i32>} : memref<128xi32, #tpu.memory_space<vmem>>, vector<16xi32>,
    %and3A_2072 = arith.constant 16383 : i32
    %and3A_2073 = vector.broadcast %and3A_2072 : i32 to vector<16xi32>
    %and3A_2074 = arith.andi %get3A_2064, %and3A_2073 : vector<16xi32>
    %swap3A_2075 = arith.constant 16 : index
    %swap3A_2076 = tpu.vector_load %arg10[%swap3A_2075] {strides = array<i32>} : memref<128xi32, #tpu.memory_space<vmem>>, vector<16xi32>,
    %swap3A_2077 = vector.shape_cast %swap3A_2076 : vector<16xi32> to vector<16xi32>
    %swap3A_2078 = vector.shape_cast %and3A_2074 : vector<16xi32> to vector<16xi32>
    tpu.vector_store %arg10[%swap3A_2075], %swap3A_2078 {strides = array<i32>} : memref<128xi32, #tpu.memory_space<vmem>>, vector<16xi32>,
    %get3A_2079 = arith.constant 32 : index
    %get3A_2080 = tpu.vector_load %arg6[%get3A_2079] {strides = array<i32>} : memref<128xi32, #tpu.memory_space<vmem>>, vector<16xi32>,
    %get3A_2081 = vector.shape_cast %get3A_2080 : vector<16xi32> to vector<16xi32>
    %shift_right_arithmetic3A_2082 = arith.constant 14 : i32
    %shift_right_arithmetic3A_2083 = vector.broadcast %shift_right_arithmetic3A_2082 : i32 to vector<16xi32>
    %shift_right_arithmetic3A_2084 = arith.shrsi %get3A_2081, %shift_right_arithmetic3A_2083 : vector<16xi32>
    %swap3A_2085 = arith.constant 32 : index
    %swap3A_2086 = tpu.vector_load %arg8[%swap3A_2085] {strides = array<i32>} : memref<128xi32, #tpu.memory_space<vmem>>, vector<16xi32>,
    %swap3A_2087 = vector.shape_cast %swap3A_2086 : vector<16xi32> to vector<16xi32>
    %swap3A_2088 = vector.shape_cast %shift_right_arithmetic3A_2084 : vector<16xi32> to vector<16xi32>
    tpu.vector_store %arg8[%swap3A_2085], %swap3A_2088 {strides = array<i32>} : memref<128xi32, #tpu.memory_space<vmem>>, vector<16xi32>,
    %and3A_2089 = arith.constant 16383 : i32
    %and3A_2090 = vector.broadcast %and3A_2089 : i32 to vector<16xi32>
    %and3A_2091 = arith.andi %get3A_2081, %and3A_2090 : vector<16xi32>
    %swap3A_2092 = arith.constant 32 : index
    %swap3A_2093 = tpu.vector_load %arg10[%swap3A_2092] {strides = array<i32>} : memref<128xi32, #tpu.memory_space<vmem>>, vector<16xi32>,
    %swap3A_2094 = vector.shape_cast %swap3A_2093 : vector<16xi32> to vector<16xi32>
    %swap3A_2095 = vector.shape_cast %and3A_2091 : vector<16xi32> to vector<16xi32>
    tpu.vector_store %arg10[%swap3A_2092], %swap3A_2095 {strides = array<i32>} : memref<128xi32, #tpu.memory_space<vmem>>, vector<16xi32>,
    %get3A_2096 = arith.constant 48 : index
    %get3A_2097 = tpu.vector_load %arg6[%get3A_2096] {strides = array<i32>} : memref<128xi32, #tpu.memory_space<vmem>>, vector<16xi32>,
    %get3A_2098 = vector.shape_cast %get3A_2097 : vector<16xi32> to vector<16xi32>
    %shift_right_arithmetic3A_2099 = arith.constant 14 : i32
    %shift_right_arithmetic3A_2100 = vector.broadcast %shift_right_arithmetic3A_2099 : i32 to vector<16xi32>
    %shift_right_arithmetic3A_2101 = arith.shrsi %get3A_2098, %shift_right_arithmetic3A_2100 : vector<16xi32>
    %swap3A_2102 = arith.constant 48 : index
    %swap3A_2103 = tpu.vector_load %arg8[%swap3A_2102] {strides = array<i32>} : memref<128xi32, #tpu.memory_space<vmem>>, vector<16xi32>,
    %swap3A_2104 = vector.shape_cast %swap3A_2103 : vector<16xi32> to vector<16xi32>
    %swap3A_2105 = vector.shape_cast %shift_right_arithmetic3A_2101 : vector<16xi32> to vector<16xi32>
    tpu.vector_store %arg8[%swap3A_2102], %swap3A_2105 {strides = array<i32>} : memref<128xi32, #tpu.memory_space<vmem>>, vector<16xi32>,
    %and3A_2106 = arith.constant 16383 : i32
    %and3A_2107 = vector.broadcast %and3A_2106 : i32 to vector<16xi32>
    %and3A_2108 = arith.andi %get3A_2098, %and3A_2107 : vector<16xi32>
    %swap3A_2109 = arith.constant 48 : index
    %swap3A_2110 = tpu.vector_load %arg10[%swap3A_2109] {strides = array<i32>} : memref<128xi32, #tpu.memory_space<vmem>>, vector<16xi32>,
    %swap3A_2111 = vector.shape_cast %swap3A_2110 : vector<16xi32> to vector<16xi32>
    %swap3A_2112 = vector.shape_cast %and3A_2108 : vector<16xi32> to vector<16xi32>
    tpu.vector_store %arg10[%swap3A_2109], %swap3A_2112 {strides = array<i32>} : memref<128xi32, #tpu.memory_space<vmem>>, vector<16xi32>,
    %get3A_2113 = arith.constant 64 : index
    %get3A_2114 = tpu.vector_load %arg6[%get3A_2113] {strides = array<i32>} : memref<128xi32, #tpu.memory_space<vmem>>, vector<16xi32>,
    %get3A_2115 = vector.shape_cast %get3A_2114 : vector<16xi32> to vector<16xi32>
    %shift_right_arithmetic3A_2116 = arith.constant 14 : i32
    %shift_right_arithmetic3A_2117 = vector.broadcast %shift_right_arithmetic3A_2116 : i32 to vector<16xi32>
    %shift_right_arithmetic3A_2118 = arith.shrsi %get3A_2115, %shift_right_arithmetic3A_2117 : vector<16xi32>
    %swap3A_2119 = arith.constant 64 : index
    %swap3A_2120 = tpu.vector_load %arg8[%swap3A_2119] {strides = array<i32>} : memref<128xi32, #tpu.memory_space<vmem>>, vector<16xi32>,
    %swap3A_2121 = vector.shape_cast %swap3A_2120 : vector<16xi32> to vector<16xi32>
    %swap3A_2122 = vector.shape_cast %shift_right_arithmetic3A_2118 : vector<16xi32> to vector<16xi32>
    tpu.vector_store %arg8[%swap3A_2119], %swap3A_2122 {strides = array<i32>} : memref<128xi32, #tpu.memory_space<vmem>>, vector<16xi32>,
    %and3A_2123 = arith.constant 16383 : i32
    %and3A_2124 = vector.broadcast %and3A_2123 : i32 to vector<16xi32>
    %and3A_2125 = arith.andi %get3A_2115, %and3A_2124 : vector<16xi32>
    %swap3A_2126 = arith.constant 64 : index
    %swap3A_2127 = tpu.vector_load %arg10[%swap3A_2126] {strides = array<i32>} : memref<128xi32, #tpu.memory_space<vmem>>, vector<16xi32>,
    %swap3A_2128 = vector.shape_cast %swap3A_2127 : vector<16xi32> to vector<16xi32>
    %swap3A_2129 = vector.shape_cast %and3A_2125 : vector<16xi32> to vector<16xi32>
    tpu.vector_store %arg10[%swap3A_2126], %swap3A_2129 {strides = array<i32>} : memref<128xi32, #tpu.memory_space<vmem>>, vector<16xi32>,
    %get3A_2130 = arith.constant 80 : index
    %get3A_2131 = tpu.vector_load %arg6[%get3A_2130] {strides = array<i32>} : memref<128xi32, #tpu.memory_space<vmem>>, vector<16xi32>,
    %get3A_2132 = vector.shape_cast %get3A_2131 : vector<16xi32> to vector<16xi32>
    %shift_right_arithmetic3A_2133 = arith.constant 14 : i32
    %shift_right_arithmetic3A_2134 = vector.broadcast %shift_right_arithmetic3A_2133 : i32 to vector<16xi32>
    %shift_right_arithmetic3A_2135 = arith.shrsi %get3A_2132, %shift_right_arithmetic3A_2134 : vector<16xi32>
    %swap3A_2136 = arith.constant 80 : index
    %swap3A_2137 = tpu.vector_load %arg8[%swap3A_2136] {strides = array<i32>} : memref<128xi32, #tpu.memory_space<vmem>>, vector<16xi32>,
    %swap3A_2138 = vector.shape_cast %swap3A_2137 : vector<16xi32> to vector<16xi32>
    %swap3A_2139 = vector.shape_cast %shift_right_arithmetic3A_2135 : vector<16xi32> to vector<16xi32>
    tpu.vector_store %arg8[%swap3A_2136], %swap3A_2139 {strides = array<i32>} : memref<128xi32, #tpu.memory_space<vmem>>, vector<16xi32>,
    %and3A_2140 = arith.constant 16383 : i32
    %and3A_2141 = vector.broadcast %and3A_2140 : i32 to vector<16xi32>
    %and3A_2142 = arith.andi %get3A_2132, %and3A_2141 : vector<16xi32>
    %swap3A_2143 = arith.constant 80 : index
    %swap3A_2144 = tpu.vector_load %arg10[%swap3A_2143] {strides = array<i32>} : memref<128xi32, #tpu.memory_space<vmem>>, vector<16xi32>,
    %swap3A_2145 = vector.shape_cast %swap3A_2144 : vector<16xi32> to vector<16xi32>
    %swap3A_2146 = vector.shape_cast %and3A_2142 : vector<16xi32> to vector<16xi32>
    tpu.vector_store %arg10[%swap3A_2143], %swap3A_2146 {strides = array<i32>} : memref<128xi32, #tpu.memory_space<vmem>>, vector<16xi32>,
    %get3A_2147 = arith.constant 96 : index
    %get3A_2148 = tpu.vector_load %arg6[%get3A_2147] {strides = array<i32>} : memref<128xi32, #tpu.memory_space<vmem>>, vector<16xi32>,
    %get3A_2149 = vector.shape_cast %get3A_2148 : vector<16xi32> to vector<16xi32>
    %shift_right_arithmetic3A_2150 = arith.constant 14 : i32
    %shift_right_arithmetic3A_2151 = vector.broadcast %shift_right_arithmetic3A_2150 : i32 to vector<16xi32>
    %shift_right_arithmetic3A_2152 = arith.shrsi %get3A_2149, %shift_right_arithmetic3A_2151 : vector<16xi32>
    %swap3A_2153 = arith.constant 96 : index
    %swap3A_2154 = tpu.vector_load %arg8[%swap3A_2153] {strides = array<i32>} : memref<128xi32, #tpu.memory_space<vmem>>, vector<16xi32>,
    %swap3A_2155 = vector.shape_cast %swap3A_2154 : vector<16xi32> to vector<16xi32>
    %swap3A_2156 = vector.shape_cast %shift_right_arithmetic3A_2152 : vector<16xi32> to vector<16xi32>
    tpu.vector_store %arg8[%swap3A_2153], %swap3A_2156 {strides = array<i32>} : memref<128xi32, #tpu.memory_space<vmem>>, vector<16xi32>,
    %and3A_2157 = arith.constant 16383 : i32
    %and3A_2158 = vector.broadcast %and3A_2157 : i32 to vector<16xi32>
    %and3A_2159 = arith.andi %get3A_2149, %and3A_2158 : vector<16xi32>
    %swap3A_2160 = arith.constant 96 : index
    %swap3A_2161 = tpu.vector_load %arg10[%swap3A_2160] {strides = array<i32>} : memref<128xi32, #tpu.memory_space<vmem>>, vector<16xi32>,
    %swap3A_2162 = vector.shape_cast %swap3A_2161 : vector<16xi32> to vector<16xi32>
    %swap3A_2163 = vector.shape_cast %and3A_2159 : vector<16xi32> to vector<16xi32>
    tpu.vector_store %arg10[%swap3A_2160], %swap3A_2163 {strides = array<i32>} : memref<128xi32, #tpu.memory_space<vmem>>, vector<16xi32>,
    %get3A_2164 = arith.constant 112 : index
    %get3A_2165 = tpu.vector_load %arg6[%get3A_2164] {strides = array<i32>} : memref<128xi32, #tpu.memory_space<vmem>>, vector<16xi32>,
    %get3A_2166 = vector.shape_cast %get3A_2165 : vector<16xi32> to vector<16xi32>
    %shift_right_arithmetic3A_2167 = arith.constant 14 : i32
    %shift_right_arithmetic3A_2168 = vector.broadcast %shift_right_arithmetic3A_2167 : i32 to vector<16xi32>
    %shift_right_arithmetic3A_2169 = arith.shrsi %get3A_2166, %shift_right_arithmetic3A_2168 : vector<16xi32>
    %swap3A_2170 = arith.constant 112 : index
    %swap3A_2171 = tpu.vector_load %arg8[%swap3A_2170] {strides = array<i32>} : memref<128xi32, #tpu.memory_space<vmem>>, vector<16xi32>,
    %swap3A_2172 = vector.shape_cast %swap3A_2171 : vector<16xi32> to vector<16xi32>
    %swap3A_2173 = vector.shape_cast %shift_right_arithmetic3A_2169 : vector<16xi32> to vector<16xi32>
    tpu.vector_store %arg8[%swap3A_2170], %swap3A_2173 {strides = array<i32>} : memref<128xi32, #tpu.memory_space<vmem>>, vector<16xi32>,
    %and3A_2174 = arith.constant 16383 : i32
    %and3A_2175 = vector.broadcast %and3A_2174 : i32 to vector<16xi32>
    %and3A_2176 = arith.andi %get3A_2166, %and3A_2175 : vector<16xi32>
    %swap3A_2177 = arith.constant 112 : index
    %swap3A_2178 = tpu.vector_load %arg10[%swap3A_2177] {strides = array<i32>} : memref<128xi32, #tpu.memory_space<vmem>>, vector<16xi32>,
    %swap3A_2179 = vector.shape_cast %swap3A_2178 : vector<16xi32> to vector<16xi32>
    %swap3A_2180 = vector.shape_cast %and3A_2176 : vector<16xi32> to vector<16xi32>
    tpu.vector_store %arg10[%swap3A_2177], %swap3A_2180 {strides = array<i32>} : memref<128xi32, #tpu.memory_space<vmem>>, vector<16xi32>,
    %dma_start3A_2181 = arith.constant 0 : i32
    %dma_start3A_2182 = arith.constant 0 : i32
    %dma_start3A_2183 = tpu.memref_slice %arg2[%dma_start3A_2181, %dma_start3A_2182] : memref<10000x128xf32, #tpu.memory_space<hbm>> -> memref<10000x128xf32, #tpu.memory_space<hbm>>
    tpu.enqueue_indirect_dma source(%dma_start3A_2183 : memref<10000x128xf32, #tpu.memory_space<hbm>>) target(%arg12 : memref<128x128xf32, #tpu.memory_space<vmem>>) offsets(%arg8 : memref<128xi32, #tpu.memory_space<vmem>>) semaphore(%arg22 : memref<!tpu.dma_semaphore, #tpu.memory_space<semaphore_mem>>)
    %dma_wait3A_2184 = arith.constant 0 : i32
    %dma_wait3A_2185 = arith.constant 0 : i32
    %dma_wait3A_2186 = tpu.memref_slice %arg2[%dma_wait3A_2184, %dma_wait3A_2185] : memref<10000x128xf32, #tpu.memory_space<hbm>> -> memref<10000x128xf32, #tpu.memory_space<hbm>>
    tpu.wait_indirect_dma semaphore(%arg21 : memref<!tpu.dma_semaphore, #tpu.memory_space<semaphore_mem>>) src(%dma_wait3A_2186 : memref<10000x128xf32, #tpu.memory_space<hbm>>) dst(%arg11 : memref<128x128xf32, #tpu.memory_space<vmem>>)
    "tpu.region"() ({
      %run_scoped3A = tpu.sem_alloc : memref<!tpu.dma_semaphore, #tpu.memory_space<semaphore_mem>>
      %dma_start3A_2199 = arith.constant 0 : i32
      %dma_start3A_2200 = arith.constant 0 : i32
      %dma_start3A_2201 = tpu.memref_slice %arg18[%dma_start3A_2199, %dma_start3A_2200] : memref<10000x128xf32, #tpu.memory_space<vmem_shared>> -> memref<10000x128xf32, #tpu.memory_space<vmem_shared>>
      tpu.enqueue_indirect_dma source(%arg11 : memref<128x128xf32, #tpu.memory_space<vmem>>) target(%dma_start3A_2201 : memref<10000x128xf32, #tpu.memory_space<vmem_shared>>) offsets(%arg9 : memref<128xi32, #tpu.memory_space<vmem>>) semaphore(%run_scoped3A : memref<!tpu.dma_semaphore, #tpu.memory_space<semaphore_mem>>) {add = true}
      %dma_wait3A_2202 = arith.constant 0 : i32
      %dma_wait3A_2203 = arith.constant 0 : i32
      %dma_wait3A_2204 = tpu.memref_slice %arg18[%dma_wait3A_2202, %dma_wait3A_2203] : memref<10000x128xf32, #tpu.memory_space<vmem_shared>> -> memref<10000x128xf32, #tpu.memory_space<vmem_shared>>
      tpu.wait_indirect_dma semaphore(%run_scoped3A : memref<!tpu.dma_semaphore, #tpu.memory_space<semaphore_mem>>) src(%arg11 : memref<128x128xf32, #tpu.memory_space<vmem>>) dst(%dma_wait3A_2204 : memref<10000x128xf32, #tpu.memory_space<vmem_shared>>)
      tpu.yield
    }) : () -> ()
    %dma_wait3A_2187 = arith.constant 0 : i32
    %dma_wait3A_2188 = arith.constant 0 : i32
    %dma_wait3A_2189 = tpu.memref_slice %arg2[%dma_wait3A_2187, %dma_wait3A_2188] : memref<10000x128xf32, #tpu.memory_space<hbm>> -> memref<10000x128xf32, #tpu.memory_space<hbm>>
    tpu.wait_indirect_dma semaphore(%arg22 : memref<!tpu.dma_semaphore, #tpu.memory_space<semaphore_mem>>) src(%dma_wait3A_2189 : memref<10000x128xf32, #tpu.memory_space<hbm>>) dst(%arg12 : memref<128x128xf32, #tpu.memory_space<vmem>>)
    "tpu.region"() ({
      %run_scoped3A = tpu.sem_alloc : memref<!tpu.dma_semaphore, #tpu.memory_space<semaphore_mem>>
      %dma_start3A_2199 = arith.constant 0 : i32
      %dma_start3A_2200 = arith.constant 0 : i32
      %dma_start3A_2201 = tpu.memref_slice %arg18[%dma_start3A_2199, %dma_start3A_2200] : memref<10000x128xf32, #tpu.memory_space<vmem_shared>> -> memref<10000x128xf32, #tpu.memory_space<vmem_shared>>
      tpu.enqueue_indirect_dma source(%arg12 : memref<128x128xf32, #tpu.memory_space<vmem>>) target(%dma_start3A_2201 : memref<10000x128xf32, #tpu.memory_space<vmem_shared>>) offsets(%arg10 : memref<128xi32, #tpu.memory_space<vmem>>) semaphore(%run_scoped3A : memref<!tpu.dma_semaphore, #tpu.memory_space<semaphore_mem>>) {add = true}
      %dma_wait3A_2202 = arith.constant 0 : i32
      %dma_wait3A_2203 = arith.constant 0 : i32
      %dma_wait3A_2204 = tpu.memref_slice %arg18[%dma_wait3A_2202, %dma_wait3A_2203] : memref<10000x128xf32, #tpu.memory_space<vmem_shared>> -> memref<10000x128xf32, #tpu.memory_space<vmem_shared>>
      tpu.wait_indirect_dma semaphore(%run_scoped3A : memref<!tpu.dma_semaphore, #tpu.memory_space<semaphore_mem>>) src(%arg12 : memref<128x128xf32, #tpu.memory_space<vmem>>) dst(%dma_wait3A_2204 : memref<10000x128xf32, #tpu.memory_space<vmem_shared>>)
      tpu.yield
    }) : () -> ()
    %dma_wait3A_2190 = arith.constant 0 : i32
    %dma_wait3A_2191 = arith.constant 0 : i32
    %dma_wait3A_2192 = tpu.memref_slice %arg2[%dma_wait3A_2190, %dma_wait3A_2191] : memref<10000x128xf32, #tpu.memory_space<hbm>> -> memref<10000x128xf32, #tpu.memory_space<hbm>>
    tpu.wait_indirect_dma semaphore(%arg23 : memref<!tpu.dma_semaphore, #tpu.memory_space<semaphore_mem>>) src(%dma_wait3A_2192 : memref<10000x128xf32, #tpu.memory_space<hbm>>) dst(%arg16 : memref<16x128xf32, #tpu.memory_space<vmem>>)
    "tpu.region"() ({
      %run_scoped3A = tpu.sem_alloc : memref<!tpu.dma_semaphore, #tpu.memory_space<semaphore_mem>>
      %dma_start3A_2199 = arith.constant 0 : i32
      %dma_start3A_2200 = arith.constant 0 : i32
      %dma_start3A_2201 = tpu.memref_slice %arg18[%dma_start3A_2199, %dma_start3A_2200] : memref<10000x128xf32, #tpu.memory_space<vmem_shared>> -> memref<10000x128xf32, #tpu.memory_space<vmem_shared>>
      tpu.enqueue_indirect_dma source(%arg16 : memref<16x128xf32, #tpu.memory_space<vmem>>) target(%dma_start3A_2201 : memref<10000x128xf32, #tpu.memory_space<vmem_shared>>) offsets(%arg15 : memref<16xi32, #tpu.memory_space<vmem>>) semaphore(%run_scoped3A : memref<!tpu.dma_semaphore, #tpu.memory_space<semaphore_mem>>) {add = true}
      %dma_wait3A_2202 = arith.constant 0 : i32
      %dma_wait3A_2203 = arith.constant 0 : i32
      %dma_wait3A_2204 = tpu.memref_slice %arg18[%dma_wait3A_2202, %dma_wait3A_2203] : memref<10000x128xf32, #tpu.memory_space<vmem_shared>> -> memref<10000x128xf32, #tpu.memory_space<vmem_shared>>
      tpu.wait_indirect_dma semaphore(%run_scoped3A : memref<!tpu.dma_semaphore, #tpu.memory_space<semaphore_mem>>) src(%arg16 : memref<16x128xf32, #tpu.memory_space<vmem>>) dst(%dma_wait3A_2204 : memref<10000x128xf32, #tpu.memory_space<vmem_shared>>)
      tpu.yield
    }) : () -> ()
    %barrier3A_2193 = arith.constant 0 : index
    tpu.barrier barrier_id(%barrier3A_2193)
    "tpu.region"() ({
      %run_scoped3A = tpu.sem_alloc : memref<!tpu.dma_semaphore, #tpu.memory_space<semaphore_mem>>
      %dma_start3A_2199 = arith.constant 0 : i32
      %dma_start3A_2200 = tpu.memref_slice %arg4[%arg0, %mul3A_1549, %dma_start3A_2199] : memref<2x10000x128xf32, #tpu.memory_space<hbm>> -> memref<1x624x128xf32, #tpu.memory_space<hbm>>
      %dma_start3A_2201 = tpu.memref_squeeze %dma_start3A_2200 : memref<1x624x128xf32, #tpu.memory_space<hbm>> -> memref<624x128xf32, #tpu.memory_space<hbm>>
      %dma_start3A_2202 = arith.constant 0 : i32
      %dma_start3A_2203 = tpu.memref_slice %arg18[%mul3A_1549, %dma_start3A_2202] : memref<10000x128xf32, #tpu.memory_space<vmem_shared>> -> memref<624x128xf32, #tpu.memory_space<vmem_shared>>
      tpu.enqueue_dma source(%dma_start3A_2203 : memref<624x128xf32, #tpu.memory_space<vmem_shared>>) target(%dma_start3A_2201 : memref<624x128xf32, #tpu.memory_space<hbm>>) target_semaphore(%run_scoped3A : memref<!tpu.dma_semaphore, #tpu.memory_space<semaphore_mem>>)
      %dma_wait3A_2204 = arith.constant 0 : i32
      %dma_wait3A_2205 = tpu.memref_slice %arg4[%arg0, %mul3A_1549, %dma_wait3A_2204] : memref<2x10000x128xf32, #tpu.memory_space<hbm>> -> memref<1x624x128xf32, #tpu.memory_space<hbm>>
      %dma_wait3A_2206 = tpu.memref_squeeze %dma_wait3A_2205 : memref<1x624x128xf32, #tpu.memory_space<hbm>> -> memref<624x128xf32, #tpu.memory_space<hbm>>
      %dma_wait3A_2207 = arith.constant 0 : i32
      %dma_wait3A_2208 = tpu.memref_slice %arg18[%mul3A_1549, %dma_wait3A_2207] : memref<10000x128xf32, #tpu.memory_space<vmem_shared>> -> memref<624x128xf32, #tpu.memory_space<vmem_shared>>
      tpu.wait_dma2 semaphore(%run_scoped3A : memref<!tpu.dma_semaphore, #tpu.memory_space<semaphore_mem>>) src(%dma_wait3A_2208 : memref<624x128xf32, #tpu.memory_space<vmem_shared>>) dst(%dma_wait3A_2206 : memref<624x128xf32, #tpu.memory_space<hbm>>)
      tpu.yield
    }) : () -> ()
    %eq3A_2194 = arith.constant 0 : i32
    %eq3A_2195 = arith.cmpi eq, %arg1, %eq3A_2194 : i32
    %convert_element_type3A_2196 = arith.extui %eq3A_2195 : i1 to i32
    %cond3A_2197 = arith.constant 0 : i32
    %cond3A_2198 = arith.cmpi ne, %convert_element_type3A_2196, %cond3A_2197 : i32
    scf.if %cond3A_2198 {
      "tpu.region"() ({
        %run_scoped3A = tpu.sem_alloc : memref<!tpu.dma_semaphore, #tpu.memory_space<semaphore_mem>>
        %dma_start3A_2199 = arith.constant 9984 : i32
        %dma_start3A_2200 = arith.constant 0 : i32
        %dma_start3A_2201 = tpu.memref_slice %arg4[%arg0, %dma_start3A_2199, %dma_start3A_2200] : memref<2x10000x128xf32, #tpu.memory_space<hbm>> -> memref<1x16x128xf32, #tpu.memory_space<hbm>>
        %dma_start3A_2202 = tpu.memref_squeeze %dma_start3A_2201 : memref<1x16x128xf32, #tpu.memory_space<hbm>> -> memref<16x128xf32, #tpu.memory_space<hbm>>
        %dma_start3A_2203 = arith.constant 9984 : i32
        %dma_start3A_2204 = arith.constant 0 : i32
        %dma_start3A_2205 = tpu.memref_slice %arg18[%dma_start3A_2203, %dma_start3A_2204] : memref<10000x128xf32, #tpu.memory_space<vmem_shared>> -> memref<16x128xf32, #tpu.memory_space<vmem_shared>>
        tpu.enqueue_dma source(%dma_start3A_2205 : memref<16x128xf32, #tpu.memory_space<vmem_shared>>) target(%dma_start3A_2202 : memref<16x128xf32, #tpu.memory_space<hbm>>) target_semaphore(%run_scoped3A : memref<!tpu.dma_semaphore, #tpu.memory_space<semaphore_mem>>)
        %dma_wait3A_2206 = arith.constant 9984 : i32
        %dma_wait3A_2207 = arith.constant 0 : i32
        %dma_wait3A_2208 = tpu.memref_slice %arg4[%arg0, %dma_wait3A_2206, %dma_wait3A_2207] : memref<2x10000x128xf32, #tpu.memory_space<hbm>> -> memref<1x16x128xf32, #tpu.memory_space<hbm>>
        %dma_wait3A_2209 = tpu.memref_squeeze %dma_wait3A_2208 : memref<1x16x128xf32, #tpu.memory_space<hbm>> -> memref<16x128xf32, #tpu.memory_space<hbm>>
        %dma_wait3A_2210 = arith.constant 9984 : i32
        %dma_wait3A_2211 = arith.constant 0 : i32
        %dma_wait3A_2212 = tpu.memref_slice %arg18[%dma_wait3A_2210, %dma_wait3A_2211] : memref<10000x128xf32, #tpu.memory_space<vmem_shared>> -> memref<16x128xf32, #tpu.memory_space<vmem_shared>>
        tpu.wait_dma2 semaphore(%run_scoped3A : memref<!tpu.dma_semaphore, #tpu.memory_space<semaphore_mem>>) src(%dma_wait3A_2212 : memref<16x128xf32, #tpu.memory_space<vmem_shared>>) dst(%dma_wait3A_2209 : memref<16x128xf32, #tpu.memory_space<hbm>>)
        tpu.yield
      }) : () -> ()
    } else {
    }
    return
  }
}

</mosaic_0001>

<sc_bundles>
// kernel: _scatter_partials.3.cloned.1.call-start
scs
__scs_entry_jumppad:
0x0: {  	(pc) =	sbr.rel $0x88, $3  }
0x1: {  	(tag) =	ssettag $0x0;
	lr =	simm.s32 $0x1  }
0x2: {  	[smem:$0x3F9F] =	sst lr;
	_ =	strace $0xD0000000  }
0x3: {  	_ = 	snop  }
0x4: {  	_ = 	snop  }
0x5: {  	_ = 	snop  }
0x6: {  	_ = 	snop  }
0x7: {  	_ = 	snop  }
__scs_overlays_trampoline_lowered:
0x8: {  	[smem:$0x3FAE] =	sst s0  }
0x9: {  	[smem:$0x3FAF] =	sst s1  }
0xa: {  	[smem:$0x3FB0] =	sst s2  }
0xb: {  	[smem:$0x3FB1] =	sst s3  }
0xc: {  	[smem:$0x3FB2] =	sst s4  }
0xd: {  	[smem:$0x3FB3] =	sst s5  }
0xe: {  	[smem:$0x3FB4] =	sst s6  }
0xf: {  	[smem:$0x3FB5] =	sst s7  }
0x10: {  	[smem:$0x3FB6] =	sst s8  }
0x11: {  	[smem:$0x3FB7] =	sst s9;
	s0 =	simm.s32 @!p0 $0x0  }
0x12: {  	s1 =	sld [smem:$0x3F9D];
	s0 =	simm.s32 @p0 $0x1  }
0x13: {  	[smem:$0x3FB8] =	sst s0;
	s0 =	simm.s32 @!p1 $0x0  }
0x14: {  	s2 =	sld [smem:$0x3F9C];
	s0 =	simm.s32 @p1 $0x1  }
0x15: {  	[smem:$0x3FB9] =	sst s0;
	s0 =	simm.s32 @!p2 $0x0  }
0x16: {  	s3 =	sld [smem:$0x3FDB];
	s0 =	simm.s32 @p2 $0x1  }
0x17: {  	s4 =	simm.s32 $0x1BF5;
	[smem:$0x3FBB] =	sst s0  }
0x18: {  	s0 =	sld [smem:$0x3F9E];
	_ =	swait.ge [sflag:s4], $0x0  }
0x19: {  	s7 =	sld [smem:$0x3F9F]  }
0x1a: {  	s8 =	sadd.s32 $0xFFFFE003, lr  }
0x1b: {  	s9 =	sadd.s32 $0xFFFFFEF7, lr;
	s5 =	simm.s32 $0xFFFFFFFF;
	p2 =	slt.u32 s8, $0xFFFFF086  }
0x1c: {  	p1 =	slt.u32 s9, $0xF7A;
	s5 =	simm.s32 @!p2 $0x0  }
0x1d: {  	s5 =	simm.s32 @p1 $0x1;
	p0 =	seq.s32 s7, s2  }
0x1e: {  	s7 =	smul.u32 @!p0 $0xF7A, s2;
	p2 =	seq.s32 @!p0 s5, $0x0  }
0x1f: {  	s9 =	smul.u32 $0xF7A, s1;
	s8 =	simm.s32 @!p0 $0x1BF5;
	p2 =	por !p2, p0  }
0x20: {  	[sflag:s8] =	ssyncset.s32 @!p0 $0xFFFFF086;
	s6 =	sadd.s32 @!p0 s3, s7;
	s7 =	simm.s32 @!p0 $0x108  }
0x21: {  	s3 =	sadd.s32 s3, s9;
	s6 =	sadd.s32 @!p0 $0x88, s6;
	s7 =	simm.s32 @p2 $0x1082  }
0x22: {  	[simem:s7], [sflag:s8] =	dma.local @!p0 [hbm:s6], $0xF7A  }
0x23: {  	s9 =	sor.u32 $0xD0000000, s2;
	s6 =	simm.s32 $0x108;
	_ =	swait.ge @!p0 [sflag:s8], $0x0  }
0x24: {  	s3 =	sadd.s32 $0x88, s3;
	s6 =	simm.s32 @!p1 $0x1082;
	[sflag:s4] =	ssyncset.s32 $0xFFFFF086  }
0x25: {  	[simem:s6], [sflag:s4] =	dma.local [hbm:s3], $0xF7A  }
0x26: {  	[smem:$0x3F9F] =	sst s1;
	(tag) =	ssettag s2;
	_ =	strace s9  }
0x27: {  	s1 =	sld [smem:$0x3FAF]  }
0x28: {  	s2 =	sld [smem:$0x3FB0]  }
0x29: {  	s4 =	sld [smem:$0x3FB2]  }
0x2a: {  	p0 =	seq.s32 s5, $0x0;
	s5 =	sld [smem:$0x3FB3]  }
0x2b: {  	s6 =	sld [smem:$0x3FB4]  }
0x2c: {  	s7 =	sld [smem:$0x3FB5]  }
0x2d: {  	s3 =	simm.s32 $0x108;
	s8 =	sld [smem:$0x3FB6]  }
0x2e: {  	s3 =	simm.s32 @!p0 $0x1082;
	s9 =	sld [smem:$0x3FB7]  }
0x2f: {  	lr =	sadd.s32 s0, s3;
	s0 =	sld [smem:$0x3FAE]  }
0x30: {  	s3 =	sld [smem:$0x3FB1]  }
0x31: {  	[smem:$0x3FBA] =	sst s10  }
0x32: {  	s10 =	sld [smem:$0x3FB8];
	_ =	sdelay $0x3  }
0x33: {  	p0 =	seq.s32 s10, $0x1;
	s10 =	sld [smem:$0x3FBA];
	_ =	sdelay $0x3  }
0x34: {  	[smem:$0x3FBA] =	sst s10  }
0x35: {  	s10 =	sld [smem:$0x3FB9];
	_ =	sdelay $0x3  }
0x36: {  	p1 =	seq.s32 s10, $0x1;
	s10 =	sld [smem:$0x3FBA];
	_ =	sdelay $0x3  }
0x37: {  	[smem:$0x3FBA] =	sst s10  }
0x38: {  	s10 =	sld [smem:$0x3FBB]  }
0x39: {  	_ = 	snop;
	(pc) =	sbr.ind lr, $3  }
0x3a: {  	_ = 	snop  }
0x3b: {  	_ = 	snop  }
0x3c: {  	p2 =	seq.s32 s10, $0x1;
	s10 =	sld [smem:$0x3FBA]  }
0x3d: {  	_ =	shalt  }
0x3e: {  	_ =	shalt  }
0x3f: {  	_ =	shalt  }
0x40: {  	_ =	shalt  }
0x41: {  	_ =	shalt  }
0x42: {  	_ =	shalt  }
0x43: {  	_ =	shalt  }
0x44: {  	_ =	shalt  }
0x45: {  	_ =	shalt  }
0x46: {  	_ =	shalt  }
0x47: {  	_ =	shalt  }
0x48: {  	_ =	shalt  }
0x49: {  	_ =	shalt  }
0x4a: {  	_ =	shalt  }
0x4b: {  	_ =	shalt  }
0x4c: {  	_ =	shalt  }
0x4d: {  	_ =	shalt  }
0x4e: {  	_ =	shalt  }
0x4f: {  	_ =	shalt  }
0x50: {  	_ =	shalt  }
0x51: {  	_ =	shalt  }
0x52: {  	_ =	shalt  }
0x53: {  	_ =	shalt  }
0x54: {  	_ =	shalt  }
0x55: {  	_ =	shalt  }
0x56: {  	_ =	shalt  }
0x57: {  	_ =	shalt  }
0x58: {  	_ =	shalt  }
0x59: {  	_ =	shalt  }
0x5a: {  	_ =	shalt  }
0x5b: {  	_ =	shalt  }
0x5c: {  	_ =	shalt  }
0x5d: {  	_ =	shalt  }
0x5e: {  	_ =	shalt  }
0x5f: {  	_ =	shalt  }
0x60: {  	_ =	shalt  }
0x61: {  	_ =	shalt  }
0x62: {  	_ =	shalt  }
0x63: {  	_ =	shalt  }
0x64: {  	_ =	shalt  }
0x65: {  	_ =	shalt  }
0x66: {  	_ =	shalt  }
0x67: {  	_ =	shalt  }
0x68: {  	_ =	shalt  }
0x69: {  	_ =	shalt  }
0x6a: {  	_ =	shalt  }
0x6b: {  	_ =	shalt  }
0x6c: {  	_ =	shalt  }
0x6d: {  	_ =	shalt  }
0x6e: {  	_ =	shalt  }
0x6f: {  	_ =	shalt  }
0x70: {  	_ =	shalt  }
0x71: {  	_ =	shalt  }
0x72: {  	_ =	shalt  }
0x73: {  	_ =	shalt  }
0x74: {  	_ =	shalt  }
0x75: {  	_ =	shalt  }
0x76: {  	_ =	shalt  }
0x77: {  	_ =	shalt  }
0x78: {  	_ =	shalt  }
0x79: {  	_ =	shalt  }
0x7a: {  	_ =	shalt  }
0x7b: {  	_ =	shalt  }
0x7c: {  	_ =	shalt  }
0x7d: {  	_ =	shalt  }
0x7e: {  	_ =	shalt  }
0x7f: {  	_ =	shalt  }
0x80: {  	_ =	shalt  }
0x81: {  	_ =	shalt  }
0x82: {  	_ =	shalt  }
0x83: {  	_ =	shalt  }
0x84: {  	_ =	shalt  }
0x85: {  	_ =	shalt  }
0x86: {  	_ =	shalt  }
0x87: {  	_ =	shalt  }
.Lfunc_end0:
.L_simem_size_0:
called_computation_lowered:
.L_overlay_start_0:
0x88: {  	s2 =	sld [smem:$0x3FD9]  }
0x89: {  	s3 =	sld [smem:$0x3FFE];
	_ =	sdelay $0x1  }
0x8a: {  	s1 =	srdreg.scid  }
0x8b: {  	s0 =	sand.u32 $0x1, s1  }
0x8c: {  	s18 =	sshll.u32 s0, $0xA;
	s2 =	sadd.s32 s3, s2  }
0x8d: {  	s2 =	sadd.s32 s2, s18  }
0x8e: {  	[smem:$0x3FC6] =	sst s2  }
0x8f: {  	_ = 	snop  }
0x90: {  	s2 =	sld [smem:$0x3FC9]  }
0x91: {  	s19 =	sld [smem:$0x3FC8]  }
0x92: {  	s4 =	sld [smem:$0x3FD0];
	(tm) =	ssettm $0x1  }
0x93: {  	s5 =	sld [smem:$0x3FFB];
	_ =	sdelay $0x3  }
0x94: {  	_ =	strace s5  }
0x95: {  	s5 =	sld [smem:$0x3FFC];
	_ =	sdelay $0x3  }
0x96: {  	_ =	strace s5  }
0x97: {  	s5 =	sld [smem:$0x3FFD];
	_ =	sdelay $0x3  }
0x98: {  	_ =	strace s5  }
0x99: {  	_ =	strace $0x8FFFFFFF  }
0x9a: {  	s20 =	sld [smem:$0x3FDB];
	_ =	sdelay $0x1  }
0x9b: {  	s6 =	simm.s32 $_scs_section_size  }
0x9c: {  	s7 =	simm.s32 $_size__tile_overlayer_lowered;
	s8 =	simm.s32 $_tile_overlayer_lowered  }
0x9d: {  	s23 =	simm.s32 $0x1BFF;
	s22 =	sshll.u32 s8, $0x1;
	s5 =	sadd.s32 s6, s20  }
0x9e: {  	s9 =	simm.s32 $0x0;
	s21 =	sshll.u32 s7, $0x1;
	s7 =	sadd.s32 s22, s5  }
0x9f: {  	[timem:s9], [sflag:s23] =	dma.local [hbm:s7], s21  }
0xa0: {  	_ =	swait.ge [sflag:s23], s21  }
0xa1: {  	s6 =	ssub.s32 $0x0, s21;
	[sflag:s23] =	ssyncset.done $0x0  }
0xa2: {  	[sflag:s23] =	ssyncadd.s32 s6;
	_ =	sdelay $0x1  }
0xa3: {  	s24 =	simm.s32 $0x1B8B  }
0xa4: {  	_ =	swait.ge [sflag:s24], $0x1  }
0xa5: {  	[sflag:s24] =	ssyncset.done $0x0  }
0xa6: {  	s25 =	simm.s32 $0x1B8E;
	[sflag:s24] =	ssyncadd.s32 $0xFFFFFFFF  }
0xa7: {  	s26 =	simm.s32 $execute0_lowered;
	[smem:$0x3FD2] =	sst s25  }
0xa8: {  	s6 =	sshll.u32 s26, $0x1;
	_ =	strace $0x80000046;
	[dreg:$0x1] =	wrdreg $0xFFFFFFFF  }
0xa9: {  	s28 =	simm.s32 $_size_execute0_lowered;
	s5 =	sadd.s32 s5, s6;
	[dreg:$0x0] =	wrdreg $0x0  }
0xaa: {  	s6 =	sshll.u32 s28, $0x1;
	[dreg:$0x2] =	wrdreg s5  }
0xab: {  	[dreg:$0x3] =	wrdreg s6  }
0xac: {  	[dreg:$0x4] =	wrdreg $0xC0  }
0xad: {  	_ =	task [dreg:s9], $0x5FFFF  }
0xae: {  	[dreg:$0x1] =	wrdreg $0xFFFFFFFF  }
0xaf: {  	[dreg:$0x0] =	wrdreg $0x60  }
0xb0: {  	[dreg:$0x2] =	wrdreg s2  }
0xb1: {  	[dreg:$0x3] =	wrdreg s19  }
0xb2: {  	[dreg:$0x4] =	wrdreg s4  }
0xb3: {  	[dreg:$0x5] =	wrdreg $0x98800  }
0xb4: {  	[dreg:$0x6] =	wrdreg $0x9  }
0xb5: {  	_ =	task.clear_ibuf [dreg:s9], $0x7FFFF;
	_ =	strace $0x90000046  }
0xb6: {  	s29 =	simm.s32 $0x9;
	_ =	strace $0x80000048  }
0xb7: {  	_ =	swait.ge [sflag:s29], $0x1  }
0xb8: {  	[sflag:s29] =	ssyncadd.s32 $0xFFFFFFFF  }
0xb9: {  	_ =	strace $0x90000048  }
0xba: {  	_ =	sfence  }
0xbb: {  	s30 =	sld [smem:$0x0];
	_ =	sdelay $0x2  }
0xbc: {  	s31 =	sshll.u32 s1, $0xD;
	s1 =	sshrl.u32 s1, $0x2  }
0xbd: {  	s3 =	sand.u32 $0x4000, s31;
	s1 =	sadd.s32 s1, s30  }
0xbe: {  	s0 =	sor.u32 s3, s0;
	s1 =	sshll.u32 s1, $0x11  }
0xbf: {  	s0 =	sor.u32 s1, s0  }
0xc0: {  	s0 =	sadd.s32 $0x8F2B, s0  }
0xc1: {  	[sflag:s0] =	ssyncadd.remote.s32 $0x1  }
0xc2: {  	_ =	sfence.sel $0xFFFF  }
0xc3: {  	[dreg:$0x0] =	wrdreg $0xFFFFFFFF;
	(pc) =	sbr.abs _section_cstart, $3  }
0xc4: {  	[dreg:$0x1] =	wrdreg $0xFFFFFFFF  }
0xc5: {  	_ =	task.clear_ibuf [dreg:s9], $0x2FFFF;
	_ =	strace $0x9FFFFFFF  }
0xc6: {  	(tm) =	ssettm $0x7FFFFFFF  }
0xc7: {  	_ =	shalt  }
tec
execute0_lowered:
.L_overlay_start_1:
0x0: {  	(tag) =	ssettag $0x1  }
0x1: {  	s0 =	rddreg [dreg:$0x0]  }
0x2: {  	s2 =	rddreg [dreg:$0x1]  }
0x3: {  	s1 =	srdreg.scid;
	s6 =	rddreg [dreg:$0x2]  }
0x4: {  	s12 =	stileid.u32;
	s3 =	rddreg [dreg:$0x3];
	s28 =	simm.s32 $0x180  }
0x5: {  	s29 =	simm.s32 $0x4300;
	s30 =	simm.s32 $0x200;
	s8 =	smul.u32 $0x4E000, s12  }
0x6: {  	s31 =	simm.s32 $0x6;
	s1 =	sand.u32 $0x1, s1;
	s18 =	smul.u32 $0x13800, s12  }
0x7: {  	s21 =	smul.u32 $0x2710, s12;
	p0 =	sne.s32 s12, $0x0;
	s4 =	sshll.u32 s1, $0x4  }
0x8: {  	s7 =	ssub.s32 $0x2, s1;
	s16 =	smul.u32 $0x138800, s1;
	s8 =	sshrl.u32 s8, $0x2  }
0x9: {  	s5 =	sor.u32 s12, s4;
	s4 =	simm.s32 $0x0;
	s8 =	sadd.s32 s8, s3  }
0xa: {  	s1 =	smul.u32 $0x27100, s1;
	[smem:$0x7FF] =	sst s4;
	s14 =	sadd.s32 $0xC00, s8  }
0xb: {  	_ =	strace $0x80000047;
	s15 =	sadd.s32 $0x1800, s8;
	[dreg:$0x7] =	wrdreg s14  }
0xc: {  	s9 =	sshrl.u32 s7, $0x1;
	s10 =	sadd.s32 $0x2400, s8;
	[dreg:$0x8] =	wrdreg s15  }
0xd: {  	s5 =	smul.u32 $0x2710, s5;
	s17 =	sadd.s32 $0x3000, s8;
	[dreg:$0x9] =	wrdreg s10  }
0xe: {  	s7 =	ssub.s32 s7, s9;
	s19 =	sadd.s32 $0x4800, s8;
	[dreg:$0xa] =	wrdreg s17  }
0xf: {  	s1 =	sadd.s32 s21, s1;
	s20 =	sadd.s32 $0x5400, s8;
	[dreg:$0xc] =	wrdreg s19  }
0x10: {  	s9 =	sshrl.u32 s16, $0x3;
	s22 =	sadd.s32 $0x6C00, s8;
	[dreg:$0xd] =	wrdreg s20  }
0x11: {  	s23 =	sadd.s32 $0x7800, s8;
	s24 =	sadd.s32 $0x200, s1;
	[dreg:$0xf] =	wrdreg s22  }
0x12: {  	s1 =	sadd.s32 $0x180, s1;
	s26 =	sadd.s32 $0x8400, s8;
	[dreg:$0x10] =	wrdreg s23  }
0x13: {  	s12 =	sadd.s32 $0x12C00, s8;
	[dreg:$0x12] =	wrdreg s26;
	s14 =	sadd.s32 $0xA800, s8  }
0x14: {  	s5 =	sshrl.u32 s5, $0x3;
	s15 =	sadd.s32 $0xB400, s8;
	[dreg:$0x17] =	wrdreg s14  }
0x15: {  	s10 =	sadd.s32 s18, s16;
	s16 =	sadd.s32 $0xC000, s8;
	[dreg:$0x18] =	wrdreg s15  }
0x16: {  	s25 =	sshrl.u32 s24, $0x3;
	s17 =	sadd.s32 $0xCC00, s8;
	[dreg:$0x19] =	wrdreg s16  }
0x17: {  	s1 =	sshrl.u32 s1, $0x3;
	s18 =	sadd.s32 $0xD800, s8;
	[dreg:$0x1a] =	wrdreg s17  }
0x18: {  	s19 =	sadd.s32 $0xE400, s8;
	s20 =	sadd.s32 $0xF000, s8;
	[dreg:$0x1b] =	wrdreg s18  }
0x19: {  	s23 =	sadd.s32 $0xFC00, s8;
	s24 =	sadd.s32 $0x10800, s8;
	[dreg:$0x1c] =	wrdreg s19  }
0x1a: {  	s26 =	sadd.s32 $0x12000, s8;
	s5 =	sadd.s32 s2, s5;
	[dreg:$0x1d] =	wrdreg s20  }
0x1b: {  	s10 =	sshrl.u32 s10, $0x3;
	s21 =	sadd.s32 s25, s2;
	[dreg:$0x1e] =	wrdreg s23  }
0x1c: {  	s22 =	sadd.s32 s1, s2;
	[dreg:$0x1f] =	wrdreg s24;
	s25 =	sadd.s32 $0x11400, s8  }
0x1d: {  	[smem:$0x7FD] =	sst s26;
	s15 =	simm.s32 $0x80;
	s16 =	simm.s32 $0x8C80  }
0x1e: {  	s17 =	simm.s32 $0x3;
	s18 =	simm.s32 $0x1;
	s19 =	simm.s32 $0x100  }
0x1f: {  	s20 =	simm.s32 $0x300;
	s11 =	sadd.s32 $0x10, s5;
	[smem:$0x7FC] =	sst s25  }
0x20: {  	s23 =	simm.s32 $0x5;
	s13 =	sadd.s32 $0x4E0, s5;
	[dreg:$0x5] =	wrdreg s11  }
0x21: {  	s26 =	simm.s32 $0x2;
	s10 =	sadd.s32 s6, s10;
	[dreg:$0x6] =	wrdreg s13  }
0x22: {  	s6 =	sadd.s32 s6, s9;
	s9 =	sadd.s32 $0x9000, s8;
	[dreg:$0x11] =	wrdreg s10  }
0x23: {  	s1 =	simm.s32 $0x4;
	s11 =	sadd.s32 $0x3C00, s8;
	[dreg:$0x13] =	wrdreg s9  }
0x24: {  	s2 =	simm.s32 $0x280;
	s13 =	sadd.s32 $0x6000, s8;
	[dreg:$0xb] =	wrdreg s11  }
0x25: {  	s14 =	sadd.s32 $0x20, s5;
	s10 =	sadd.s32 $0x27000, s6;
	[dreg:$0xe] =	wrdreg s13  }
0x26: {  	s25 =	simm.s32 $0x8480;
	[dreg:$0x14] =	wrdreg s10;
	s11 =	smax.u32 s7, $0x1  }
0x27: {  	s6 =	simm.s32 $0x0;
	s13 =	sadd.s32 $0x9C00, s8;
	[dreg:$0x15] =	wrdreg s11  }
0x28: {  	v0 =	vimm.f32 $0.0e+00;
	[dreg:$0x16] =	wrdreg s13;
	s13 =	sadd.s32 $0x138000, s3;
	s11 =	simm.s32 $0x10  }
.LBB2_1:
0x29: {  	[tilespmem:s4], [sflag:$0x1] =	stream.linear.gather [hbm4b:s5+s4], $0x80, $0x38;
	[tilespmem:$0x1D100] =	vst v63  }
0x2a: {  	s7 =	rddreg [dreg:$0x5]  }
0x2b: {  	[tilespmem:s15], [sflag:$0x2] =	stream.linear.gather [hbm4b:s7+s4], $0x80, $0x38;
	[tilespmem:$0x1D100] =	vst v63  }
0x2c: {  	s10 =	rddreg [dreg:$0x6];
	s9 =	simm.s32 $0x8300  }
0x2d: {  	[tilespmem:s9], [sflag:$0x5] =	stream.linear.gather [hbm4b:s10+s4], $0x10, $0x38;
	[tilespmem:$0x1D100] =	vst v63  }
0x2e: {  	[tilespmem:$0x8C80] =	vst v0  }
0x2f: {  	[tilespmem:$0x8C90] =	vst v0  }
0x30: {  	[tilespmem:$0x8CA0] =	vst v0  }
0x31: {  	[tilespmem:$0x8CB0] =	vst v0  }
0x32: {  	[tilespmem:$0x8CC0] =	vst v0  }
0x33: {  	[tilespmem:$0x8CD0] =	vst v0  }
0x34: {  	[tilespmem:$0x8CE0] =	vst v0  }
0x35: {  	[tilespmem:$0x8CF0] =	vst v0  }
0x36: {  	[tilespmem:$0x8D00] =	vst v0  }
0x37: {  	[tilespmem:$0x8D10] =	vst v0  }
0x38: {  	[tilespmem:$0x8D20] =	vst v0  }
0x39: {  	[tilespmem:$0x8D30] =	vst v0  }
0x3a: {  	[tilespmem:$0x8D40] =	vst v0  }
0x3b: {  	[tilespmem:$0x8D50] =	vst v0  }
0x3c: {  	[tilespmem:$0x8D60] =	vst v0  }
0x3d: {  	[tilespmem:$0x8D70] =	vst v0  }
0x3e: {  	[tilespmem:$0x8D80] =	vst v0  }
0x3f: {  	[tilespmem:$0x8D90] =	vst v0  }
0x40: {  	[tilespmem:$0x8DA0] =	vst v0  }
0x41: {  	[tilespmem:$0x8DB0] =	vst v0  }
0x42: {  	[tilespmem:$0x8DC0] =	vst v0  }
0x43: {  	[tilespmem:$0x8DD0] =	vst v0  }
0x44: {  	[tilespmem:$0x8DE0] =	vst v0  }
0x45: {  	[tilespmem:$0x8DF0] =	vst v0  }
0x46: {  	[tilespmem:$0x8E00] =	vst v0  }
0x47: {  	[tilespmem:$0x8E10] =	vst v0  }
0x48: {  	[tilespmem:$0x8E20] =	vst v0  }
0x49: {  	[tilespmem:$0x8E30] =	vst v0  }
0x4a: {  	[tilespmem:$0x8E40] =	vst v0  }
0x4b: {  	[tilespmem:$0x8E50] =	vst v0  }
0x4c: {  	[tilespmem:$0x8E60] =	vst v0  }
0x4d: {  	[tilespmem:$0x8E70] =	vst v0  }
0x4e: {  	[tilespmem:$0x8E80] =	vst v0  }
0x4f: {  	[tilespmem:$0x8E90] =	vst v0  }
0x50: {  	[tilespmem:$0x8EA0] =	vst v0  }
0x51: {  	[tilespmem:$0x8EB0] =	vst v0  }
0x52: {  	[tilespmem:$0x8EC0] =	vst v0  }
0x53: {  	[tilespmem:$0x8ED0] =	vst v0  }
0x54: {  	[tilespmem:$0x8EE0] =	vst v0  }
0x55: {  	[tilespmem:$0x8EF0] =	vst v0  }
0x56: {  	[tilespmem:$0x8F00] =	vst v0  }
0x57: {  	[tilespmem:$0x8F10] =	vst v0  }
0x58: {  	[tilespmem:$0x8F20] =	vst v0  }
0x59: {  	[tilespmem:$0x8F30] =	vst v0  }
0x5a: {  	[tilespmem:$0x8F40] =	vst v0  }
0x5b: {  	[tilespmem:$0x8F50] =	vst v0  }
0x5c: {  	[tilespmem:$0x8F60] =	vst v0  }
0x5d: {  	[tilespmem:$0x8F70] =	vst v0  }
0x5e: {  	[tilespmem:$0x8F80] =	vst v0  }
0x5f: {  	[tilespmem:$0x8F90] =	vst v0  }
0x60: {  	[tilespmem:$0x8FA0] =	vst v0  }
0x61: {  	[tilespmem:$0x8FB0] =	vst v0  }
0x62: {  	[tilespmem:$0x8FC0] =	vst v0  }
0x63: {  	[tilespmem:$0x8FD0] =	vst v0  }
0x64: {  	[tilespmem:$0x8FE0] =	vst v0  }
0x65: {  	[tilespmem:$0x8FF0] =	vst v0  }
0x66: {  	[tilespmem:$0x9000] =	vst v0  }
0x67: {  	[tilespmem:$0x9010] =	vst v0  }
0x68: {  	[tilespmem:$0x9020] =	vst v0  }
0x69: {  	[tilespmem:$0x9030] =	vst v0  }
0x6a: {  	[tilespmem:$0x9040] =	vst v0  }
0x6b: {  	[tilespmem:$0x9050] =	vst v0  }
0x6c: {  	[tilespmem:$0x9060] =	vst v0  }
0x6d: {  	[tilespmem:$0x9070] =	vst v0  }
0x6e: {  	[tilespmem:$0x9080] =	vst v0  }
0x6f: {  	[tilespmem:$0x9090] =	vst v0  }
0x70: {  	[tilespmem:$0x90A0] =	vst v0  }
0x71: {  	[tilespmem:$0x90B0] =	vst v0  }
0x72: {  	[tilespmem:$0x90C0] =	vst v0  }
0x73: {  	[tilespmem:$0x90D0] =	vst v0  }
0x74: {  	[tilespmem:$0x90E0] =	vst v0  }
0x75: {  	[tilespmem:$0x90F0] =	vst v0  }
0x76: {  	[tilespmem:$0x9100] =	vst v0  }
0x77: {  	[tilespmem:$0x9110] =	vst v0  }
0x78: {  	[tilespmem:$0x9120] =	vst v0  }
0x79: {  	[tilespmem:$0x9130] =	vst v0  }
0x7a: {  	[tilespmem:$0x9140] =	vst v0  }
0x7b: {  	[tilespmem:$0x9150] =	vst v0  }
0x7c: {  	[tilespmem:$0x9160] =	vst v0  }
0x7d: {  	[tilespmem:$0x9170] =	vst v0  }
0x7e: {  	[tilespmem:$0x9180] =	vst v0  }
0x7f: {  	[tilespmem:$0x9190] =	vst v0  }
0x80: {  	[tilespmem:$0x91A0] =	vst v0  }
0x81: {  	[tilespmem:$0x91B0] =	vst v0  }
0x82: {  	[tilespmem:$0x91C0] =	vst v0  }
0x83: {  	[tilespmem:$0x91D0] =	vst v0  }
0x84: {  	[tilespmem:$0x91E0] =	vst v0  }
0x85: {  	[tilespmem:$0x91F0] =	vst v0  }
0x86: {  	[tilespmem:$0x9200] =	vst v0  }
0x87: {  	[tilespmem:$0x9210] =	vst v0  }
0x88: {  	[tilespmem:$0x9220] =	vst v0  }
0x89: {  	[tilespmem:$0x9230] =	vst v0  }
0x8a: {  	[tilespmem:$0x9240] =	vst v0  }
0x8b: {  	[tilespmem:$0x9250] =	vst v0  }
0x8c: {  	[tilespmem:$0x9260] =	vst v0  }
0x8d: {  	[tilespmem:$0x9270] =	vst v0  }
0x8e: {  	[tilespmem:$0x9280] =	vst v0  }
0x8f: {  	[tilespmem:$0x9290] =	vst v0  }
0x90: {  	[tilespmem:$0x92A0] =	vst v0  }
0x91: {  	[tilespmem:$0x92B0] =	vst v0  }
0x92: {  	[tilespmem:$0x92C0] =	vst v0  }
0x93: {  	[tilespmem:$0x92D0] =	vst v0  }
0x94: {  	[tilespmem:$0x92E0] =	vst v0  }
0x95: {  	[tilespmem:$0x92F0] =	vst v0  }
0x96: {  	[tilespmem:$0x9300] =	vst v0  }
0x97: {  	[tilespmem:$0x9310] =	vst v0  }
0x98: {  	[tilespmem:$0x9320] =	vst v0  }
0x99: {  	[tilespmem:$0x9330] =	vst v0  }
0x9a: {  	[tilespmem:$0x9340] =	vst v0  }
0x9b: {  	[tilespmem:$0x9350] =	vst v0  }
0x9c: {  	[tilespmem:$0x9360] =	vst v0  }
0x9d: {  	[tilespmem:$0x9370] =	vst v0  }
0x9e: {  	[tilespmem:$0x9380] =	vst v0  }
0x9f: {  	[tilespmem:$0x9390] =	vst v0  }
0xa0: {  	[tilespmem:$0x93A0] =	vst v0  }
0xa1: {  	[tilespmem:$0x93B0] =	vst v0  }
0xa2: {  	[tilespmem:$0x93C0] =	vst v0  }
0xa3: {  	[tilespmem:$0x93D0] =	vst v0  }
0xa4: {  	[tilespmem:$0x93E0] =	vst v0  }
0xa5: {  	[tilespmem:$0x93F0] =	vst v0  }
0xa6: {  	[tilespmem:$0x9400] =	vst v0  }
0xa7: {  	[tilespmem:$0x9410] =	vst v0  }
0xa8: {  	[tilespmem:$0x9420] =	vst v0  }
0xa9: {  	[tilespmem:$0x9430] =	vst v0  }
0xaa: {  	[tilespmem:$0x9440] =	vst v0  }
0xab: {  	[tilespmem:$0x9450] =	vst v0  }
0xac: {  	[tilespmem:$0x9460] =	vst v0  }
0xad: {  	[tilespmem:$0x9470] =	vst v0  }
0xae: {  	[tilespmem:$0x9480] =	vst v0  }
0xaf: {  	[tilespmem:$0x9490] =	vst v0  }
0xb0: {  	[tilespmem:$0x94A0] =	vst v0  }
0xb1: {  	[tilespmem:$0x94B0] =	vst v0  }
0xb2: {  	[tilespmem:$0x94C0] =	vst v0  }
0xb3: {  	[tilespmem:$0x94D0] =	vst v0  }
0xb4: {  	[tilespmem:$0x94E0] =	vst v0  }
0xb5: {  	[tilespmem:$0x94F0] =	vst v0  }
0xb6: {  	[tilespmem:$0x9500] =	vst v0  }
0xb7: {  	[tilespmem:$0x9510] =	vst v0  }
0xb8: {  	[tilespmem:$0x9520] =	vst v0  }
0xb9: {  	[tilespmem:$0x9530] =	vst v0  }
0xba: {  	[tilespmem:$0x9540] =	vst v0  }
0xbb: {  	[tilespmem:$0x9550] =	vst v0  }
0xbc: {  	[tilespmem:$0x9560] =	vst v0  }
0xbd: {  	[tilespmem:$0x9570] =	vst v0  }
0xbe: {  	[tilespmem:$0x9580] =	vst v0  }
0xbf: {  	[tilespmem:$0x9590] =	vst v0  }
0xc0: {  	[tilespmem:$0x95A0] =	vst v0  }
0xc1: {  	[tilespmem:$0x95B0] =	vst v0  }
0xc2: {  	[tilespmem:$0x95C0] =	vst v0  }
0xc3: {  	[tilespmem:$0x95D0] =	vst v0  }
0xc4: {  	[tilespmem:$0x95E0] =	vst v0  }
0xc5: {  	[tilespmem:$0x95F0] =	vst v0  }
0xc6: {  	[tilespmem:$0x9600] =	vst v0  }
0xc7: {  	[tilespmem:$0x9610] =	vst v0  }
0xc8: {  	[tilespmem:$0x9620] =	vst v0  }
0xc9: {  	[tilespmem:$0x9630] =	vst v0  }
0xca: {  	[tilespmem:$0x9640] =	vst v0  }
0xcb: {  	[tilespmem:$0x9650] =	vst v0  }
0xcc: {  	[tilespmem:$0x9660] =	vst v0  }
0xcd: {  	[tilespmem:$0x9670] =	vst v0  }
0xce: {  	[tilespmem:$0x9680] =	vst v0  }
0xcf: {  	[tilespmem:$0x9690] =	vst v0  }
0xd0: {  	[tilespmem:$0x96A0] =	vst v0  }
0xd1: {  	[tilespmem:$0x96B0] =	vst v0  }
0xd2: {  	[tilespmem:$0x96C0] =	vst v0  }
0xd3: {  	[tilespmem:$0x96D0] =	vst v0  }
0xd4: {  	[tilespmem:$0x96E0] =	vst v0  }
0xd5: {  	[tilespmem:$0x96F0] =	vst v0  }
0xd6: {  	[tilespmem:$0x9700] =	vst v0  }
0xd7: {  	[tilespmem:$0x9710] =	vst v0  }
0xd8: {  	[tilespmem:$0x9720] =	vst v0  }
0xd9: {  	[tilespmem:$0x9730] =	vst v0  }
0xda: {  	[tilespmem:$0x9740] =	vst v0  }
0xdb: {  	[tilespmem:$0x9750] =	vst v0  }
0xdc: {  	[tilespmem:$0x9760] =	vst v0  }
0xdd: {  	[tilespmem:$0x9770] =	vst v0  }
0xde: {  	[tilespmem:$0x9780] =	vst v0  }
0xdf: {  	[tilespmem:$0x9790] =	vst v0  }
0xe0: {  	[tilespmem:$0x97A0] =	vst v0  }
0xe1: {  	[tilespmem:$0x97B0] =	vst v0  }
0xe2: {  	[tilespmem:$0x97C0] =	vst v0  }
0xe3: {  	[tilespmem:$0x97D0] =	vst v0  }
0xe4: {  	[tilespmem:$0x97E0] =	vst v0  }
0xe5: {  	[tilespmem:$0x97F0] =	vst v0  }
0xe6: {  	[tilespmem:$0x9800] =	vst v0  }
0xe7: {  	[tilespmem:$0x9810] =	vst v0  }
0xe8: {  	[tilespmem:$0x9820] =	vst v0  }
0xe9: {  	[tilespmem:$0x9830] =	vst v0  }
0xea: {  	[tilespmem:$0x9840] =	vst v0  }
0xeb: {  	[tilespmem:$0x9850] =	vst v0  }
0xec: {  	[tilespmem:$0x9860] =	vst v0  }
0xed: {  	s24 =	rddreg [dreg:$0x7];
	[tilespmem:$0x9870] =	vst v0  }
0xee: {  	[spmem:s8] =	stream.linear.scatter [tilespmem:s16], [sflag:$0x3], $0xC00, $0x38;
	[tilespmem:$0x1D100] =	vst v63  }
0xef: {  	s9 =	rddreg [dreg:$0x8]  }
0xf0: {  	[spmem:s24] =	stream.linear.scatter [tilespmem:s16], [sflag:$0x3], $0xC00, $0x38;
	[tilespmem:$0x1D100] =	vst v63  }
0xf1: {  	s10 =	rddreg [dreg:$0x9]  }
0xf2: {  	[spmem:s9] =	stream.linear.scatter [tilespmem:s16], [sflag:$0x3], $0xC00, $0x38;
	[tilespmem:$0x1D100] =	vst v63  }
0xf3: {  	s24 =	rddreg [dreg:$0xa]  }
0xf4: {  	[spmem:s10] =	stream.linear.scatter [tilespmem:s16], [sflag:$0x3], $0xC00, $0x38;
	[tilespmem:$0x1D100] =	vst v63  }
0xf5: {  	s9 =	rddreg [dreg:$0xb]  }
0xf6: {  	[spmem:s24] =	stream.linear.scatter [tilespmem:s16], [sflag:$0x3], $0xC00, $0x38;
	[tilespmem:$0x1D100] =	vst v63  }
0xf7: {  	s10 =	rddreg [dreg:$0xc]  }
0xf8: {  	[spmem:s9] =	stream.linear.scatter [tilespmem:s16], [sflag:$0x3], $0xC00, $0x38;
	[tilespmem:$0x1D100] =	vst v63  }
0xf9: {  	s24 =	rddreg [dreg:$0xd]  }
0xfa: {  	[spmem:s10] =	stream.linear.scatter [tilespmem:s16], [sflag:$0x3], $0xC00, $0x38;
	[tilespmem:$0x1D100] =	vst v63  }
0xfb: {  	s9 =	rddreg [dreg:$0xe]  }
0xfc: {  	[spmem:s24] =	stream.linear.scatter [tilespmem:s16], [sflag:$0x3], $0xC00, $0x38;
	[tilespmem:$0x1D100] =	vst v63  }
0xfd: {  	s10 =	rddreg [dreg:$0xf]  }
0xfe: {  	[spmem:s9] =	stream.linear.scatter [tilespmem:s16], [sflag:$0x3], $0xC00, $0x38;
	[tilespmem:$0x1D100] =	vst v63  }
0xff: {  	s24 =	rddreg [dreg:$0x10]  }
0x100: {  	[spmem:s10] =	stream.linear.scatter [tilespmem:s16], [sflag:$0x3], $0xC00, $0x38;
	[tilespmem:$0x1D100] =	vst v63  }
0x101: {  	s9 =	rddreg [dreg:$0x12]  }
0x102: {  	[spmem:s24] =	stream.linear.scatter [tilespmem:s16], [sflag:$0x3], $0xC00, $0x38;
	[tilespmem:$0x1D100] =	vst v63  }
0x103: {  	s10 =	rddreg [dreg:$0x13]  }
0x104: {  	[spmem:s9] =	stream.linear.scatter [tilespmem:s16], [sflag:$0x3], $0xC00, $0x38;
	[tilespmem:$0x1D100] =	vst v63  }
0x105: {  	s24 =	rddreg [dreg:$0x16]  }
0x106: {  	[spmem:s10] =	stream.linear.scatter [tilespmem:s16], [sflag:$0x3], $0xC00, $0x38;
	[tilespmem:$0x1D100] =	vst v63  }
0x107: {  	s9 =	rddreg [dreg:$0x17]  }
0x108: {  	[spmem:s24] =	stream.linear.scatter [tilespmem:s16], [sflag:$0x3], $0xC00, $0x38;
	[tilespmem:$0x1D100] =	vst v63  }
0x109: {  	s10 =	rddreg [dreg:$0x18]  }
0x10a: {  	[spmem:s9] =	stream.linear.scatter [tilespmem:s16], [sflag:$0x3], $0xC00, $0x38;
	[tilespmem:$0x1D100] =	vst v63  }
0x10b: {  	s24 =	rddreg [dreg:$0x19]  }
0x10c: {  	[spmem:s10] =	stream.linear.scatter [tilespmem:s16], [sflag:$0x3], $0xC00, $0x38;
	[tilespmem:$0x1D100] =	vst v63  }
0x10d: {  	s9 =	rddreg [dreg:$0x1a]  }
0x10e: {  	[spmem:s24] =	stream.linear.scatter [tilespmem:s16], [sflag:$0x3], $0xC00, $0x38;
	[tilespmem:$0x1D100] =	vst v63  }
0x10f: {  	s10 =	rddreg [dreg:$0x1b]  }
0x110: {  	[spmem:s9] =	stream.linear.scatter [tilespmem:s16], [sflag:$0x3], $0xC00, $0x38;
	[tilespmem:$0x1D100] =	vst v63  }
0x111: {  	s24 =	rddreg [dreg:$0x1c]  }
0x112: {  	[spmem:s10] =	stream.linear.scatter [tilespmem:s16], [sflag:$0x3], $0xC00, $0x38;
	[tilespmem:$0x1D100] =	vst v63  }
0x113: {  	s9 =	rddreg [dreg:$0x1d]  }
0x114: {  	[spmem:s24] =	stream.linear.scatter [tilespmem:s16], [sflag:$0x3], $0xC00, $0x38;
	[tilespmem:$0x1D100] =	vst v63  }
0x115: {  	s10 =	rddreg [dreg:$0x1e]  }
0x116: {  	[spmem:s9] =	stream.linear.scatter [tilespmem:s16], [sflag:$0x3], $0xC00, $0x38;
	[tilespmem:$0x1D100] =	vst v63  }
0x117: {  	s24 =	rddreg [dreg:$0x1f]  }
0x118: {  	[spmem:s10] =	stream.linear.scatter [tilespmem:s16], [sflag:$0x3], $0xC00, $0x38;
	[tilespmem:$0x1D100] =	vst v63  }
0x119: {  	s9 =	sld [smem:$0x7FC]  }
0x11a: {  	[spmem:s24] =	stream.linear.scatter [tilespmem:s16], [sflag:$0x3], $0xC00, $0x38;
	[tilespmem:$0x1D100] =	vst v63  }
0x11b: {  	s10 =	sld [smem:$0x7FD]  }
0x11c: {  	[spmem:s9] =	stream.linear.scatter [tilespmem:s16], [sflag:$0x3], $0xC00, $0x38;
	[tilespmem:$0x1D100] =	vst v63  }
0x11d: {  	_ = 	snop  }
0x11e: {  	[spmem:s10] =	stream.linear.scatter [tilespmem:s16], [sflag:$0x3], $0xC00, $0x38;
	[tilespmem:$0x1D100] =	vst v63  }
0x11f: {  	_ = 	snop  }
0x120: {  	[spmem:s12] =	stream.linear.scatter [tilespmem:s16], [sflag:$0x3], $0xC00, $0x38;
	[tilespmem:$0x1D100] =	vst v63  }
0x121: {  	s7 =	simm.s32 @!p0 $0x8C80  }
0x122: {  	[spmem:s13] =	stream.linear.scatter @!p0 [tilespmem:s7], [sflag:$0x3], $0x800, $0x38;
	[tilespmem:$0x1D100] =	vst v63  }
0x123: {  	_ =	swait.ge [sflag:s17], $0xC00  }
0x124: {  	[sflag:s17] =	ssyncset.done $0x0  }
0x125: {  	[sflag:s17] =	ssyncadd.s32 $0xFFFFF400  }
0x126: {  	_ =	swait.ge [sflag:s17], $0xC00  }
0x127: {  	[sflag:s17] =	ssyncset.done $0x0  }
0x128: {  	[sflag:s17] =	ssyncadd.s32 $0xFFFFF400  }
0x129: {  	_ =	swait.ge [sflag:s17], $0xC00  }
0x12a: {  	[sflag:s17] =	ssyncset.done $0x0  }
0x12b: {  	[sflag:s17] =	ssyncadd.s32 $0xFFFFF400  }
0x12c: {  	_ =	swait.ge [sflag:s17], $0xC00  }
0x12d: {  	[sflag:s17] =	ssyncset.done $0x0  }
0x12e: {  	[sflag:s17] =	ssyncadd.s32 $0xFFFFF400  }
0x12f: {  	_ =	swait.ge [sflag:s17], $0xC00  }
0x130: {  	[sflag:s17] =	ssyncset.done $0x0  }
0x131: {  	[sflag:s17] =	ssyncadd.s32 $0xFFFFF400  }
0x132: {  	_ =	swait.ge [sflag:s17], $0xC00  }
0x133: {  	[sflag:s17] =	ssyncset.done $0x0  }
0x134: {  	[sflag:s17] =	ssyncadd.s32 $0xFFFFF400  }
0x135: {  	_ =	swait.ge [sflag:s17], $0xC00  }
0x136: {  	[sflag:s17] =	ssyncset.done $0x0  }
0x137: {  	[sflag:s17] =	ssyncadd.s32 $0xFFFFF400  }
0x138: {  	_ =	swait.ge [sflag:s17], $0xC00  }
0x139: {  	[sflag:s17] =	ssyncset.done $0x0  }
0x13a: {  	[sflag:s17] =	ssyncadd.s32 $0xFFFFF400  }
0x13b: {  	_ =	swait.ge [sflag:s17], $0xC00  }
0x13c: {  	[sflag:s17] =	ssyncset.done $0x0  }
0x13d: {  	[sflag:s17] =	ssyncadd.s32 $0xFFFFF400  }
0x13e: {  	_ =	swait.ge [sflag:s17], $0xC00  }
0x13f: {  	[sflag:s17] =	ssyncset.done $0x0  }
0x140: {  	[sflag:s17] =	ssyncadd.s32 $0xFFFFF400  }
0x141: {  	_ =	swait.ge [sflag:s17], $0xC00  }
0x142: {  	[sflag:s17] =	ssyncset.done $0x0  }
0x143: {  	[sflag:s17] =	ssyncadd.s32 $0xFFFFF400  }
0x144: {  	_ =	swait.ge [sflag:s17], $0xC00  }
0x145: {  	[sflag:s17] =	ssyncset.done $0x0  }
0x146: {  	[sflag:s17] =	ssyncadd.s32 $0xFFFFF400  }
0x147: {  	_ =	swait.ge [sflag:s17], $0xC00  }
0x148: {  	[sflag:s17] =	ssyncset.done $0x0  }
0x149: {  	[sflag:s17] =	ssyncadd.s32 $0xFFFFF400  }
0x14a: {  	_ =	swait.ge [sflag:s17], $0xC00  }
0x14b: {  	[sflag:s17] =	ssyncset.done $0x0  }
0x14c: {  	[sflag:s17] =	ssyncadd.s32 $0xFFFFF400  }
0x14d: {  	_ =	swait.ge [sflag:s17], $0xC00  }
0x14e: {  	[sflag:s17] =	ssyncset.done $0x0  }
0x14f: {  	[sflag:s17] =	ssyncadd.s32 $0xFFFFF400  }
0x150: {  	_ =	swait.ge [sflag:s17], $0xC00  }
0x151: {  	[sflag:s17] =	ssyncset.done $0x0  }
0x152: {  	[sflag:s17] =	ssyncadd.s32 $0xFFFFF400  }
0x153: {  	_ =	swait.ge [sflag:s17], $0xC00  }
0x154: {  	[sflag:s17] =	ssyncset.done $0x0  }
0x155: {  	[sflag:s17] =	ssyncadd.s32 $0xFFFFF400  }
0x156: {  	_ =	swait.ge [sflag:s17], $0xC00  }
0x157: {  	[sflag:s17] =	ssyncset.done $0x0  }
0x158: {  	[sflag:s17] =	ssyncadd.s32 $0xFFFFF400  }
0x159: {  	_ =	swait.ge [sflag:s17], $0xC00  }
0x15a: {  	[sflag:s17] =	ssyncset.done $0x0  }
0x15b: {  	[sflag:s17] =	ssyncadd.s32 $0xFFFFF400  }
0x15c: {  	_ =	swait.ge [sflag:s17], $0xC00  }
0x15d: {  	[sflag:s17] =	ssyncset.done $0x0  }
0x15e: {  	[sflag:s17] =	ssyncadd.s32 $0xFFFFF400  }
0x15f: {  	_ =	swait.ge [sflag:s17], $0xC00  }
0x160: {  	[sflag:s17] =	ssyncset.done $0x0  }
0x161: {  	[sflag:s17] =	ssyncadd.s32 $0xFFFFF400  }
0x162: {  	_ =	swait.ge [sflag:s17], $0xC00  }
0x163: {  	[sflag:s17] =	ssyncset.done $0x0  }
0x164: {  	[sflag:s17] =	ssyncadd.s32 $0xFFFFF400  }
0x165: {  	_ =	swait.ge [sflag:s17], $0xC00  }
0x166: {  	[sflag:s17] =	ssyncset.done $0x0  }
0x167: {  	[sflag:s17] =	ssyncadd.s32 $0xFFFFF400  }
0x168: {  	_ =	swait.ge [sflag:s17], $0xC00  }
0x169: {  	[sflag:s17] =	ssyncset.done $0x0  }
0x16a: {  	[sflag:s17] =	ssyncadd.s32 $0xFFFFF400  }
0x16b: {  	_ =	swait.ge [sflag:s17], $0xC00  }
0x16c: {  	[sflag:s17] =	ssyncset.done $0x0  }
0x16d: {  	[sflag:s17] =	ssyncadd.s32 $0xFFFFF400  }
0x16e: {  	_ =	swait.ge [sflag:s17], $0xC00  }
0x16f: {  	[sflag:s17] =	ssyncset.done $0x0  }
0x170: {  	s7 =	simm.s32 @!p0 $0x3;
	[sflag:s17] =	ssyncadd.s32 $0xFFFFF400  }
0x171: {  	_ =	swait.ge @!p0 [sflag:s7], $0x800  }
0x172: {  	[sflag:s7] =	ssyncset.done @!p0 $0x0  }
0x173: {  	[sflag:s7] =	ssyncadd.s32 @!p0 $0xFFFFF800  }
0x174: {  	_ =	swait.ge [sflag:s18], $0x80  }
0x175: {  	[sflag:s18] =	ssyncset.done $0x0  }
0x176: {  	[sflag:s18] =	ssyncadd.s32 $0xFFFFFF80  }
0x177: {  	v1 =	vld [tilespmem:$0x0];
	_ =	sdelay $0x1  }
0x178: {  	v2 =	vld [tilespmem:$0x10];
	_ =	sdelay $0x1  }
0x179: {  	v3 =	vld [tilespmem:$0x20]  }
0x17a: {  	v4 =	vshra.s32 v1, $0xE  }
0x17b: {  	v57 =	vld [tilespmem:$0x30];
	v1 =	vand.u32 $0x3FFF, v1;
	[tilespmem:$0x100] =	vst v4  }
0x17c: {  	[tilespmem:$0x200] =	vst v1;
	v1 =	vshra.s32 v2, $0xE  }
0x17d: {  	[tilespmem:$0x110] =	vst v1;
	v1 =	vand.u32 $0x3FFF, v2;
	v2 =	vld [tilespmem:$0x40]  }
0x17e: {  	[tilespmem:$0x210] =	vst v1;
	v1 =	vshra.s32 v3, $0xE  }
0x17f: {  	[tilespmem:$0x120] =	vst v1;
	v1 =	vand.u32 $0x3FFF, v3;
	v3 =	vld [tilespmem:$0x50]  }
0x180: {  	[tilespmem:$0x220] =	vst v1;
	v1 =	vshra.s32 v57, $0xE  }
0x181: {  	v58 =	vld [tilespmem:$0x60];
	[tilespmem:$0x130] =	vst v1;
	v1 =	vand.u32 $0x3FFF, v57  }
0x182: {  	[tilespmem:$0x230] =	vst v1;
	v1 =	vshra.s32 v2, $0xE  }
0x183: {  	[tilespmem:$0x140] =	vst v1;
	v1 =	vand.u32 $0x3FFF, v2;
	v2 =	vld [tilespmem:$0x70]  }
0x184: {  	[tilespmem:$0x240] =	vst v1;
	v1 =	vshra.s32 v3, $0xE  }
0x185: {  	[tilespmem:$0x150] =	vst v1;
	v1 =	vand.u32 $0x3FFF, v3  }
0x186: {  	[tilespmem:$0x250] =	vst v1;
	v1 =	vshra.s32 v58, $0xE  }
0x187: {  	[tilespmem:$0x160] =	vst v1;
	v1 =	vand.u32 $0x3FFF, v58  }
0x188: {  	[tilespmem:$0x260] =	vst v1;
	v1 =	vshra.s32 v2, $0xE  }
0x189: {  	[tilespmem:$0x170] =	vst v1;
	v1 =	vand.u32 $0x3FFF, v2  }
0x18a: {  	[tilespmem:$0x270] =	vst v1  }
0x18b: {  	[tilespmem:s20], [sflag:$0x3] =	stream.indirect.gather [hbm4b:s0+s15], $0x80, s19, s15, $0xb8;
	[tilespmem:$0x1D100] =	vst v63  }
0x18c: {  	_ = 	snop  }
0x18d: {  	[tilespmem:s4], [sflag:$0x1] =	stream.linear.gather [hbm4b:s14+s4], $0x80, $0x38;
	[tilespmem:$0x1D100] =	vst v63  }
0x18e: {  	_ =	swait.ge [sflag:s23], $0x10  }
0x18f: {  	[sflag:s23] =	ssyncset.done $0x0  }
0x190: {  	[sflag:s23] =	ssyncadd.s32 $0xFFFFFFF0  }
0x191: {  	v1 =	vld [tilespmem:$0x8300];
	_ =	sdelay $0x4  }
0x192: {  	v2 =	vshra.s32 v1, $0xE  }
0x193: {  	v1 =	vand.u32 $0x3FFF, v1;
	[tilespmem:$0x8380] =	vst v2  }
0x194: {  	s24 =	simm.s32 $0x8380;
	[tilespmem:$0x8400] =	vst v1  }
0x195: {  	[tilespmem:s25], [sflag:$0x5] =	stream.indirect.gather [hbm4b:s0+s11], $0x80, s24, s11, $0xb8;
	[tilespmem:$0x1D100] =	vst v63  }
0x196: {  	[bflag:$0x0] =	sbarrier.arrive $0xFFFF  }
0x197: {  	_ =	swait.ge [sflag:s26], $0x80  }
0x198: {  	[sflag:s26] =	ssyncset.done $0x0  }
0x199: {  	[sflag:s26] =	ssyncadd.s32 $0xFFFFFF80  }
0x19a: {  	v1 =	vld [tilespmem:$0x80]  }
0x19b: {  	v2 =	vld [tilespmem:$0xC0];
	_ =	sdelay $0x1  }
0x19c: {  	v3 =	vld [tilespmem:$0xE0]  }
0x19d: {  	v59 =	vld [tilespmem:$0x90]  }
0x19e: {  	v5 =	vand.u32 $0x3FFF, v1  }
0x19f: {  	v60 =	vand.u32 $0x3FFF, v2;
	[tilespmem:$0x280] =	vst v5  }
0x1a0: {  	v2 =	vshra.s32 v2, $0xE;
	[tilespmem:$0x2C0] =	vst v60  }
0x1a1: {  	v7 =	vld [tilespmem:$0xD0];
	v61 =	vshra.s32 v3, $0xE;
	[tilespmem:$0x1C0] =	vst v2  }
0x1a2: {  	v6 =	vld [tilespmem:$0xB0];
	v62 =	vshra.s32 v59, $0xE;
	[tilespmem:$0x1E0] =	vst v61  }
0x1a3: {  	v63 =	vld [tilespmem:$0xF0];
	v4 =	vand.u32 $0x3FFF, v59;
	[tilespmem:$0x190] =	vst v62  }
0x1a4: {  	v1 =	vshra.s32 v1, $0xE;
	[tilespmem:$0x290] =	vst v4  }
0x1a5: {  	v2 =	vand.u32 $0x3FFF, v3;
	v3 =	vld [tilespmem:$0xA0];
	[tilespmem:$0x180] =	vst v1  }
0x1a6: {  	v1 =	vand.u32 $0x3FFF, v7;
	[tilespmem:$0x2E0] =	vst v2  }
0x1a7: {  	v2 =	vand.u32 $0x3FFF, v6;
	[tilespmem:$0x2D0] =	vst v1  }
0x1a8: {  	v1 =	vand.u32 $0x3FFF, v63;
	[tilespmem:$0x2B0] =	vst v2  }
0x1a9: {  	v2 =	vshra.s32 v6, $0xE;
	[tilespmem:$0x2F0] =	vst v1  }
0x1aa: {  	[tilespmem:$0x1B0] =	vst v2;
	v2 =	vand.u32 $0x3FFF, v3  }
0x1ab: {  	[tilespmem:$0x2A0] =	vst v2;
	v2 =	vshra.s32 v3, $0xE  }
0x1ac: {  	[tilespmem:$0x1A0] =	vst v2;
	v2 =	vshra.s32 v7, $0xE  }
0x1ad: {  	s9 =	simm.s32 $0x20;
	s10 =	sadd.s32 $0x0, s22;
	s7 =	simm.s32 $0x0;
	v1 =	vshra.s32 v63, $0xE;
	[tilespmem:$0x1D0] =	vst v2  }
.LBB2_2:
0x1ae: {  	[tilespmem:$0x1F0] =	vst v1;
	s11 =	smov.u32 s9;
	s9 =	sadd.s32 $0x20, s9  }
0x1af: {  	[tilespmem:s29], [sflag:$0x4] =	stream.indirect.gather [hbm4b:s0+s15], $0x80, s28, s15, $0xb8;
	[tilespmem:$0x1D100] =	vst v63  }
0x1b0: {  	p1 =	sne.s32 s9, $0x4C0  }
0x1b1: {  	[tilespmem:s15], [sflag:$0x2] =	stream.linear.gather [hbm4b:s10+s4], $0x80, $0x38;
	[tilespmem:$0x1D100] =	vst v63  }
0x1b2: {  	_ =	swait.ge [sflag:s17], $0x4000  }
0x1b3: {  	[sflag:s17] =	ssyncset.done $0x0  }
0x1b4: {  	[sflag:s17] =	ssyncadd.s32 $0xFFFFC000  }
0x1b5: {  	[spmem:s3] =	stream.indirect.scatter.add.f32 [tilespmem:s20], [sflag:$0x6], $0x80, s30, s15, $0xb8;
	[tilespmem:$0x1D100] =	vst v63  }
0x1b6: {  	_ =	swait.ge [sflag:s31], $0x4000  }
0x1b7: {  	[sflag:s31] =	ssyncset.done $0x0  }
0x1b8: {  	[sflag:s31] =	ssyncadd.s32 $0xFFFFC000  }
0x1b9: {  	_ =	swait.ge [sflag:s18], $0x80  }
0x1ba: {  	[sflag:s18] =	ssyncset.done $0x0  }
0x1bb: {  	[sflag:s18] =	ssyncadd.s32 $0xFFFFFF80  }
0x1bc: {  	v1 =	vld [tilespmem:$0x0]  }
0x1bd: {  	v2 =	vld [tilespmem:$0x10]  }
0x1be: {  	v3 =	vld [tilespmem:$0x60]  }
0x1bf: {  	v4 =	vld [tilespmem:$0x30]  }
0x1c0: {  	v5 =	vld [tilespmem:$0x40]  }
0x1c1: {  	v6 =	vshra.s32 v1, $0xE;
	v1 =	vand.u32 $0x3FFF, v1;
	v7 =	vld [tilespmem:$0x50]  }
0x1c2: {  	[tilespmem:$0x100] =	vst v6;
	v6 =	vshra.s32 v2, $0xE;
	v2 =	vand.u32 $0x3FFF, v2;
	v8 =	vld [tilespmem:$0x70]  }
0x1c3: {  	p2 =	seq.s32 s7, $0x4A0;
	[tilespmem:$0x110] =	vst v6;
	v6 =	vshra.s32 v3, $0xE;
	v3 =	vand.u32 $0x3FFF, v3  }
0x1c4: {  	s24 =	simm.s32 @!p2 $0x0;
	s10 =	sadd.s32 @!p2 s7, s21;
	s7 =	smov.u32 s11;
	v9 =	vshra.s32 v4, $0xE;
	v4 =	vand.u32 $0x3FFF, v4;
	[tilespmem:$0x160] =	vst v6  }
0x1c5: {  	[tilespmem:$0x130] =	vst v9;
	v6 =	vshra.s32 v5, $0xE;
	v5 =	vand.u32 $0x3FFF, v5  }
0x1c6: {  	[tilespmem:$0x140] =	vst v6;
	v6 =	vshra.s32 v7, $0xE;
	v7 =	vand.u32 $0x3FFF, v7  }
0x1c7: {  	[tilespmem:$0x150] =	vst v6;
	v6 =	vshra.s32 v8, $0xE;
	v8 =	vand.u32 $0x3FFF, v8  }
0x1c8: {  	[tilespmem:$0x250] =	vst v7  }
0x1c9: {  	[tilespmem:$0x170] =	vst v6  }
0x1ca: {  	v6 =	vld [tilespmem:$0x20];
	[tilespmem:$0x240] =	vst v5  }
0x1cb: {  	[tilespmem:$0x230] =	vst v4  }
0x1cc: {  	[tilespmem:$0x260] =	vst v3  }
0x1cd: {  	[tilespmem:$0x210] =	vst v2  }
0x1ce: {  	[tilespmem:$0x270] =	vst v8  }
0x1cf: {  	[tilespmem:$0x200] =	vst v1;
	v1 =	vshra.s32 v6, $0xE;
	v2 =	vand.u32 $0x3FFF, v6  }
0x1d0: {  	[tilespmem:$0x220] =	vst v2  }
0x1d1: {  	[tilespmem:$0x120] =	vst v1  }
0x1d2: {  	[tilespmem:s20], [sflag:$0x3] =	stream.indirect.gather [hbm4b:s0+s15], $0x80, s19, s15, $0xb8;
	[tilespmem:$0x1D100] =	vst v63  }
0x1d3: {  	_ = 	snop  }
0x1d4: {  	[tilespmem:s24], [sflag:$0x1] =	stream.linear.gather @!p2 [hbm4b:s10+s24], $0x80, $0x38;
	[tilespmem:$0x1D100] =	vst v63  }
0x1d5: {  	_ =	swait.ge [sflag:s1], $0x4000  }
0x1d6: {  	[sflag:s1] =	ssyncset.done $0x0  }
0x1d7: {  	[sflag:s1] =	ssyncadd.s32 $0xFFFFC000  }
0x1d8: {  	[spmem:s3] =	stream.indirect.scatter.add.f32 [tilespmem:s29], [sflag:$0x6], $0x80, s2, s15, $0xb8;
	[tilespmem:$0x1D100] =	vst v63  }
0x1d9: {  	_ =	swait.ge [sflag:s31], $0x4000  }
0x1da: {  	[sflag:s31] =	ssyncset.done $0x0  }
0x1db: {  	[sflag:s31] =	ssyncadd.s32 $0xFFFFC000;
	_ =	sdelay $0x1  }
0x1dc: {  	_ =	swait.ge [sflag:s26], $0x80  }
0x1dd: {  	[sflag:s26] =	ssyncset.done $0x0  }
0x1de: {  	[sflag:s26] =	ssyncadd.s32 $0xFFFFFF80  }
0x1df: {  	v1 =	vld [tilespmem:$0x80]  }
0x1e0: {  	v2 =	vld [tilespmem:$0xC0]  }
0x1e1: {  	v3 =	vld [tilespmem:$0xE0]  }
0x1e2: {  	v4 =	vld [tilespmem:$0x90]  }
0x1e3: {  	v5 =	vld [tilespmem:$0xB0]  }
0x1e4: {  	v6 =	vshra.s32 v1, $0xE;
	v1 =	vand.u32 $0x3FFF, v1;
	v7 =	vld [tilespmem:$0xA0]  }
0x1e5: {  	[tilespmem:$0x280] =	vst v1;
	v1 =	vshra.s32 v2, $0xE;
	v2 =	vand.u32 $0x3FFF, v2  }
0x1e6: {  	[tilespmem:$0x2C0] =	vst v2;
	v2 =	vshra.s32 v3, $0xE;
	v3 =	vand.u32 $0x3FFF, v3  }
0x1e7: {  	s10 =	sadd.s32 s7, s22;
	v8 =	vshra.s32 v4, $0xE;
	v4 =	vand.u32 $0x3FFF, v4;
	[tilespmem:$0x1C0] =	vst v1  }
0x1e8: {  	v1 =	vshra.s32 v5, $0xE;
	v5 =	vand.u32 $0x3FFF, v5;
	v9 =	vld [tilespmem:$0xD0];
	[tilespmem:$0x1E0] =	vst v2  }
0x1e9: {  	v2 =	vshra.s32 v7, $0xE;
	v7 =	vand.u32 $0x3FFF, v7;
	[tilespmem:$0x2E0] =	vst v3  }
0x1ea: {  	[tilespmem:$0x190] =	vst v8  }
0x1eb: {  	[tilespmem:$0x2B0] =	vst v5;
	v3 =	vld [tilespmem:$0xF0]  }
0x1ec: {  	[tilespmem:$0x290] =	vst v4  }
0x1ed: {  	[tilespmem:$0x1B0] =	vst v1;
	v4 =	vshra.s32 v9, $0xE;
	v1 =	vand.u32 $0x3FFF, v9  }
0x1ee: {  	[tilespmem:$0x180] =	vst v6  }
.Ltmp0:
0x1ef: {  	[tilespmem:$0x2A0] =	vst v7;
	(pc) =	sbr.rel @p1 .LBB2_2-.Ltmp0, $4  }
0x1f0: {  	[tilespmem:$0x2D0] =	vst v1;
	v1 =	vshra.s32 v3, $0xE;
	v3 =	vand.u32 $0x3FFF, v3  }
0x1f1: {  	[tilespmem:$0x1A0] =	vst v2  }
0x1f2: {  	[tilespmem:$0x2F0] =	vst v3  }
0x1f3: {  	[tilespmem:$0x1D0] =	vst v4  }
0x1f4: {  	[tilespmem:$0x1F0] =	vst v1  }
0x1f5: {  	[tilespmem:s29], [sflag:$0x4] =	stream.indirect.gather [hbm4b:s0+s15], $0x80, s28, s15, $0xb8;
	[tilespmem:$0x1D100] =	vst v63  }
0x1f6: {  	_ = 	snop  }
0x1f7: {  	[tilespmem:s15], [sflag:$0x2] =	stream.linear.gather [hbm4b:s10+s4], $0x80, $0x38;
	[tilespmem:$0x1D100] =	vst v63  }
0x1f8: {  	_ =	swait.ge [sflag:s17], $0x4000  }
0x1f9: {  	[sflag:s17] =	ssyncset.done $0x0  }
0x1fa: {  	[sflag:s17] =	ssyncadd.s32 $0xFFFFC000  }
0x1fb: {  	[spmem:s3] =	stream.indirect.scatter.add.f32 [tilespmem:s20], [sflag:$0x6], $0x80, s30, s15, $0xb8;
	[tilespmem:$0x1D100] =	vst v63  }
0x1fc: {  	_ =	swait.ge [sflag:s31], $0x4000  }
0x1fd: {  	[sflag:s31] =	ssyncset.done $0x0  }
0x1fe: {  	[sflag:s31] =	ssyncadd.s32 $0xFFFFC000  }
0x1ff: {  	_ =	swait.ge [sflag:s18], $0x80  }
0x200: {  	[sflag:s18] =	ssyncset.done $0x0  }
0x201: {  	[sflag:s18] =	ssyncadd.s32 $0xFFFFFF80  }
0x202: {  	v1 =	vld [tilespmem:$0x0]  }
0x203: {  	v2 =	vld [tilespmem:$0x10]  }
0x204: {  	v3 =	vld [tilespmem:$0x60]  }
0x205: {  	v4 =	vld [tilespmem:$0x30]  }
0x206: {  	v5 =	vld [tilespmem:$0x40]  }
0x207: {  	v7 =	vld [tilespmem:$0x50];
	v6 =	vshra.s32 v1, $0xE  }
0x208: {  	v55 =	vshra.s32 v2, $0xE;
	[tilespmem:$0x100] =	vst v6  }
0x209: {  	v8 =	vld [tilespmem:$0x70];
	v56 =	vshra.s32 v3, $0xE;
	[tilespmem:$0x110] =	vst v55  }
0x20a: {  	v9 =	vshra.s32 v4, $0xE;
	[tilespmem:$0x160] =	vst v56  }
0x20b: {  	v57 =	vshra.s32 v5, $0xE;
	[tilespmem:$0x130] =	vst v9  }
0x20c: {  	v58 =	vshra.s32 v7, $0xE;
	[tilespmem:$0x140] =	vst v57  }
0x20d: {  	v7 =	vand.u32 $0x3FFF, v7;
	[tilespmem:$0x150] =	vst v58  }
0x20e: {  	v59 =	vshra.s32 v8, $0xE;
	[tilespmem:$0x250] =	vst v7  }
0x20f: {  	v5 =	vand.u32 $0x3FFF, v5;
	[tilespmem:$0x170] =	vst v59  }
0x210: {  	v60 =	vld [tilespmem:$0x20];
	v4 =	vand.u32 $0x3FFF, v4;
	[tilespmem:$0x240] =	vst v5  }
0x211: {  	v3 =	vand.u32 $0x3FFF, v3;
	[tilespmem:$0x230] =	vst v4  }
0x212: {  	v2 =	vand.u32 $0x3FFF, v2;
	[tilespmem:$0x260] =	vst v3  }
0x213: {  	v1 =	vand.u32 $0x3FFF, v1;
	[tilespmem:$0x210] =	vst v2  }
0x214: {  	v3 =	vand.u32 $0x3FFF, v8;
	[tilespmem:$0x200] =	vst v1  }
0x215: {  	v1 =	vand.u32 $0x3FFF, v60;
	[tilespmem:$0x270] =	vst v3  }
0x216: {  	v2 =	vshra.s32 v60, $0xE;
	[tilespmem:$0x220] =	vst v1  }
0x217: {  	p1 =	seq.s32 s7, $0x4A0;
	[tilespmem:$0x120] =	vst v2  }
0x218: {  	[tilespmem:s20], [sflag:$0x3] =	stream.indirect.gather [hbm4b:s0+s15], $0x80, s19, s15, $0xb8;
	[tilespmem:$0x1D100] =	vst v63  }
0x219: {  	s7 =	sadd.s32 @!p1 s7, s21;
	s9 =	simm.s32 @!p1 $0x0  }
0x21a: {  	[tilespmem:s9], [sflag:$0x1] =	stream.linear.gather @!p1 [hbm4b:s7+s9], $0x80, $0x38;
	[tilespmem:$0x1D100] =	vst v63  }
0x21b: {  	_ =	swait.ge [sflag:s1], $0x4000  }
0x21c: {  	[sflag:s1] =	ssyncset.done $0x0  }
0x21d: {  	[sflag:s1] =	ssyncadd.s32 $0xFFFFC000  }
0x21e: {  	[spmem:s3] =	stream.indirect.scatter.add.f32 [tilespmem:s29], [sflag:$0x6], $0x80, s2, s15, $0xb8;
	[tilespmem:$0x1D100] =	vst v63  }
0x21f: {  	_ =	swait.ge [sflag:s31], $0x4000  }
0x220: {  	[sflag:s31] =	ssyncset.done $0x0  }
0x221: {  	[sflag:s31] =	ssyncadd.s32 $0xFFFFC000  }
0x222: {  	_ =	swait.ge [sflag:s26], $0x80  }
0x223: {  	[sflag:s26] =	ssyncset.done $0x0  }
0x224: {  	[sflag:s26] =	ssyncadd.s32 $0xFFFFFF80  }
0x225: {  	v1 =	vld [tilespmem:$0x80];
	_ =	sdelay $0x1  }
0x226: {  	v2 =	vld [tilespmem:$0x90];
	_ =	sdelay $0x1  }
0x227: {  	v3 =	vld [tilespmem:$0xA0]  }
0x228: {  	v61 =	vshra.s32 v1, $0xE  }
0x229: {  	v62 =	vld [tilespmem:$0xB0];
	v1 =	vand.u32 $0x3FFF, v1;
	[tilespmem:$0x180] =	vst v61  }
0x22a: {  	[tilespmem:$0x280] =	vst v1;
	v1 =	vshra.s32 v2, $0xE  }
0x22b: {  	[tilespmem:$0x190] =	vst v1;
	v1 =	vand.u32 $0x3FFF, v2;
	v2 =	vld [tilespmem:$0xC0]  }
0x22c: {  	[tilespmem:$0x290] =	vst v1;
	v1 =	vshra.s32 v3, $0xE  }
0x22d: {  	[tilespmem:$0x1A0] =	vst v1;
	v1 =	vand.u32 $0x3FFF, v3;
	v3 =	vld [tilespmem:$0xD0]  }
0x22e: {  	[tilespmem:$0x2A0] =	vst v1;
	v1 =	vshra.s32 v62, $0xE  }
0x22f: {  	v63 =	vld [tilespmem:$0xE0];
	[tilespmem:$0x1B0] =	vst v1;
	v1 =	vand.u32 $0x3FFF, v62  }
0x230: {  	[tilespmem:$0x2B0] =	vst v1;
	v1 =	vshra.s32 v2, $0xE  }
0x231: {  	[tilespmem:$0x1C0] =	vst v1;
	v1 =	vand.u32 $0x3FFF, v2;
	v2 =	vld [tilespmem:$0xF0]  }
0x232: {  	[tilespmem:$0x2C0] =	vst v1;
	v1 =	vshra.s32 v3, $0xE  }
0x233: {  	[tilespmem:$0x1D0] =	vst v1;
	v1 =	vand.u32 $0x3FFF, v3  }
0x234: {  	[tilespmem:$0x2D0] =	vst v1;
	v1 =	vshra.s32 v63, $0xE  }
0x235: {  	[tilespmem:$0x1E0] =	vst v1;
	v1 =	vand.u32 $0x3FFF, v63  }
0x236: {  	[tilespmem:$0x2E0] =	vst v1;
	v1 =	vshra.s32 v2, $0xE  }
0x237: {  	[tilespmem:$0x1F0] =	vst v1;
	v1 =	vand.u32 $0x3FFF, v2  }
0x238: {  	[tilespmem:$0x2F0] =	vst v1  }
0x239: {  	[tilespmem:s29], [sflag:$0x4] =	stream.indirect.gather [hbm4b:s0+s15], $0x80, s28, s15, $0xb8;
	[tilespmem:$0x1D100] =	vst v63  }
0x23a: {  	_ =	swait.ge [sflag:s17], $0x4000  }
0x23b: {  	[sflag:s17] =	ssyncset.done $0x0  }
0x23c: {  	[sflag:s17] =	ssyncadd.s32 $0xFFFFC000  }
0x23d: {  	[spmem:s3] =	stream.indirect.scatter.add.f32 [tilespmem:s20], [sflag:$0x6], $0x80, s30, s15, $0xb8;
	[tilespmem:$0x1D100] =	vst v63  }
0x23e: {  	_ =	swait.ge [sflag:s31], $0x4000  }
0x23f: {  	[sflag:s31] =	ssyncset.done $0x0  }
0x240: {  	[sflag:s31] =	ssyncadd.s32 $0xFFFFC000  }
0x241: {  	_ =	swait.ge [sflag:s1], $0x4000  }
0x242: {  	[sflag:s1] =	ssyncset.done $0x0  }
0x243: {  	[sflag:s1] =	ssyncadd.s32 $0xFFFFC000  }
0x244: {  	[spmem:s3] =	stream.indirect.scatter.add.f32 [tilespmem:s29], [sflag:$0x6], $0x80, s2, s15, $0xb8;
	[tilespmem:$0x1D100] =	vst v63  }
0x245: {  	_ =	swait.ge [sflag:s31], $0x4000  }
0x246: {  	[sflag:s31] =	ssyncset.done $0x0  }
0x247: {  	[sflag:s31] =	ssyncadd.s32 $0xFFFFC000  }
0x248: {  	_ =	swait.ge [sflag:s23], $0x800  }
0x249: {  	[sflag:s23] =	ssyncset.done $0x0  }
0x24a: {  	s11 =	simm.s32 $0x10;
	s24 =	simm.s32 $0x8400;
	[sflag:s23] =	ssyncadd.s32 $0xFFFFF800  }
0x24b: {  	[spmem:s3] =	stream.indirect.scatter.add.f32 [tilespmem:s25], [sflag:$0x6], $0x80, s24, s11, $0xb8;
	[tilespmem:$0x1D100] =	vst v63  }
0x24c: {  	_ =	swait.ge [sflag:s31], $0x800  }
0x24d: {  	[sflag:s31] =	ssyncset.done $0x0  }
0x24e: {  	s9 =	stileid.u32;
	[sflag:s31] =	ssyncadd.s32 $0xFFFFF800  }
0x24f: {  	s7 =	sshll.u32 s9, $0x6;
	[bflag:$0x0] =	sbarrier.arrive $0xFFFF  }
0x250: {  	s10 =	sshrl.u32 s8, $0x3;
	s7 =	sor.u32 $0x1C06, s7;
	s24 =	rddreg [dreg:$0x11]  }
0x251: {  	[hbm:s24], [sflag:s7] =	dma.local [spmem:s10], $0x2700  }
0x252: {  	_ =	swait.ge [sflag:s31], $0x2700  }
0x253: {  	[sflag:s31] =	ssyncset.done $0x0  }
0x254: {  	s9 =	sshrl.u32 @!p0 s13, $0x3;
	s10 =	rddreg [dreg:$0x14];
	[sflag:s31] =	ssyncadd.s32 $0xFFFFD900  }
0x255: {  	[hbm:s10], [sflag:s7] =	dma.local @!p0 [spmem:s9], $0x100  }
0x256: {  	s7 =	simm.s32 @!p0 $0x6  }
0x257: {  	_ =	swait.ge @!p0 [sflag:s7], $0x100  }
0x258: {  	s6 =	sadd.s32 $0x1, s6;
	s24 =	rddreg [dreg:$0x15]  }
0x259: {  	p1 =	sne.s32 s6, s24  }
.Ltmp1:
0x25a: {  	_ = 	snop;
	(pc) =	sbr.rel @p1 .LBB2_1-.Ltmp1, $3  }
0x25b: {  	_ =	sdelay $0x1  }
0x25c: {  	[sflag:s7] =	ssyncset.done @!p0 $0x0  }
0x25d: {  	[sflag:s7] =	ssyncadd.s32 @!p0 $0xFFFFFF00  }
0x25e: {  	_ =	sfence.sel $0x180000  }
0x25f: {  	[bflag:$0x0] =	sbarrier.arrive $0xFFFF  }
0x260: {  	_ =	strace $0x90000047  }
0x261: {  	[bflag:$0x2] =	sbarrier.arrive $0xFFFF  }
0x262: {  	s0 =	rddreg [dreg:$0x4]  }
0x263: {  	s0 =	sadd.s32 @!p0 $0x100000, s0  }
0x264: {  	[sflag:s0] =	ssyncadd.tile.s32 @!p0 $0x1;
	_ =	shalt  }
.Lfunc_end2:
_tile_overlayer_lowered:
.L_overlay_start_2:
0x265: {  	(tag) =	ssettag $0x2  }
0x266: {  	s0 =	rddreg [dreg:$0x0];
	s2 =	stileid.u32  }
0x267: {  	s1 =	rddreg [dreg:$0x1];
	p0 =	sne.s32 s2, $0x0  }
0x268: {  	s3 =	rddreg [dreg:$0x2];
	[bflag:$0x3] =	sbarrier.arrive $0xFFFF;
	s2 =	simm.s32 @!p0 $0x1C06  }
0x269: {  	[timem:s3], [sflag:s2] =	dma.local @!p0 [hbm:s0], s1  }
0x26a: {  	s0 =	simm.s32 @!p0 $0x6  }
0x26b: {  	_ =	swait.ge @!p0 [sflag:s0], s1  }
0x26c: {  	s1 =	ssub.s32 @!p0 $0x0, s1;
	[sflag:s0] =	ssyncset.done @!p0 $0x0  }
0x26d: {  	[sflag:s0] =	ssyncadd.s32 @!p0 s1  }
0x26e: {  	[bflag:$0x3] =	sbarrier.arrive $0xFFFF  }
0x26f: {  	_ =	shalt  }

</sc_bundles>
